<compile_context>
chip_gen: v7x
topology: tpu7x:2x2x1
jax: 0.10.2.dev20260603
libtpu: 0.0.44.dev20260713+nightly
codegen_flags: <defaults>
</compile_context>

<pallas_src>
import functools

import jax
import jax.numpy as jnp
from jax import lax
from jax.experimental import pallas as pl
from jax.experimental.pallas import tpu as pltpu
from jax.experimental.pallas import tpu_sc as plsc

VOCAB = 1000
BATCH = 16384
SEQ = 200
DIM = 64

NC = 2
NS = 16
NW = NC * NS
LANES = 16
ROWS_PER_TILE = BATCH // NW
BLOCKS_PER_TILE = ROWS_PER_TILE // 128
VROWS = 64


def _sc_body(tf_hbm, wb_hbm, xt_hbm, out_hbm,
             v_v, xb0_v, xb1_v, out_v, tloc_v, wb_v, vloc_v, vsh_v,
             sem0, sem1):
    cid = lax.axis_index("c")
    sid = lax.axis_index("s")
    wid = sid * NC + cid
    ib0 = wid * BLOCKS_PER_TILE

    xbufs = (xb0_v, xb1_v)
    sems = (sem0, sem1)

    def start(ibloc):
        return pltpu.async_copy(
            xt_hbm.at[:, pl.ds((ib0 + ibloc) * 128, 128)],
            xbufs[ibloc % 2],
            sems[ibloc % 2],
        )

    pending = start(0)

    pltpu.sync_copy(wb_hbm, wb_v)
    row_start = jnp.minimum(sid * VROWS, VOCAB - VROWS)
    pltpu.sync_copy(tf_hbm.at[pl.ds(row_start * DIM, VROWS * DIM)], tloc_v)
    w0 = wb_v[pl.ds(0, 16)]
    w1 = wb_v[pl.ds(16, 16)]
    w2 = wb_v[pl.ds(32, 16)]
    w3 = wb_v[pl.ds(48, 16)]
    bval = wb_v[pl.ds(64, 16)][0]
    lane = lax.iota(jnp.int32, 16)
    vec = jnp.zeros((16,), jnp.float32)
    for r in range(VROWS):
        base = r * DIM
        acc = (tloc_v[pl.ds(base, 16)] * w0
               + tloc_v[pl.ds(base + 16, 16)] * w1
               + tloc_v[pl.ds(base + 32, 16)] * w2
               + tloc_v[pl.ds(base + 48, 16)] * w3)
        s = jnp.sum(acc)
        vec = jnp.where(lane == (r % 16), s, vec)
        if r % 16 == 15:
            vloc_v[pl.ds((r // 16) * 16, 16)] = vec
            vec = jnp.zeros((16,), jnp.float32)
    pltpu.sync_copy(vloc_v, vsh_v.at[pl.ds(row_start, VROWS)])
    plsc.subcore_barrier()
    pltpu.sync_copy(vsh_v, v_v)

    for ibloc in range(BLOCKS_PER_TILE):
        pending.wait()
        if ibloc + 1 < BLOCKS_PER_TILE:
            pending = start(ibloc + 1)
        xb_v = xbufs[ibloc % 2]

        def jhi_body(jhi, accs):
            accs = list(accs)
            for q in range(8):
                row = jhi * 8 + q
                for gl in range(8):
                    idx = xb_v[row, pl.ds(gl * 16, 16)]
                    vals = plsc.load_gather(v_v, [idx])
                    accs[gl] = accs[gl] + vals
            return tuple(accs)

        zero = jnp.zeros((16,), jnp.float32)
        accs = lax.fori_loop(0, SEQ // 8, jhi_body, (zero,) * 8)
        for gl in range(8):
            z = accs[gl] * (1.0 / SEQ) + bval
            y = 1.0 / (1.0 + jnp.exp(-z))
            out_v[pl.ds(ibloc * 128 + gl * 16, 16)] = y

    pltpu.sync_copy(out_v, out_hbm.at[pl.ds(wid * ROWS_PER_TILE, ROWS_PER_TILE)])


_sc_call = functools.partial(
    pl.kernel,
    out_type=jax.ShapeDtypeStruct((BATCH,), jnp.float32),
    mesh=plsc.VectorSubcoreMesh(core_axis_name="c", subcore_axis_name="s"),
    scratch_types=[
        pltpu.VMEM((VOCAB,), jnp.float32),
        pltpu.VMEM((SEQ, 128), jnp.int32),
        pltpu.VMEM((SEQ, 128), jnp.int32),
        pltpu.VMEM((ROWS_PER_TILE,), jnp.float32),
        pltpu.VMEM((VROWS * DIM,), jnp.float32),
        pltpu.VMEM((80,), jnp.float32),
        pltpu.VMEM((VROWS,), jnp.float32),
        pltpu.VMEM_SHARED((VOCAB,), jnp.float32),
        pltpu.SemaphoreType.DMA,
        pltpu.SemaphoreType.DMA,
    ],
    compiler_params=pltpu.CompilerParams(
        needs_layout_passes=False, use_tc_tiling_on_sc=True
    ),
)(_sc_body)


def kernel(x, emb_table, W, b):
    tflat = emb_table.reshape(VOCAB * DIM)
    wb = jnp.concatenate(
        [W.reshape(DIM), b, jnp.zeros(15, jnp.float32)]
    )
    out = _sc_call(tflat, wb, x.T)
    return out.reshape(BATCH, 1)

# --- scband reference (transcript-rebuilt; emitter-appended) ---
"""Pipeline reference for scband-neural-net-72215580115379 (READ-ONLY COPY).

The authoritative reference and input builder live on the scoring server;
editing this copy changes nothing except your own understanding.
"""

import jax, jax.numpy as jnp
import numpy as np

VOCAB = 1000
BATCH = 16384
SEQ = 200
DIM = 64

def setup_inputs(seed: int = 0) -> dict:
    key = jax.random.key(seed)
    k1, k2, k3, k4 = jax.random.split(key, 4)
    x = jax.random.randint(k1, (BATCH, SEQ), 0, VOCAB, dtype=jnp.int32).astype(jnp.int64) if jax.config.read('jax_enable_x64') else jax.random.randint(k1, (BATCH, SEQ), 0, VOCAB, dtype=jnp.int32)
    emb_table = jax.random.normal(k2, (VOCAB, DIM), dtype=jnp.float32)
    W = jax.random.normal(k3, (1, DIM), dtype=jnp.float32) * 0.1
    b = jnp.zeros((1,), dtype=jnp.float32)
    return {"x": x, "emb_table": emb_table, "W": W, "b": b}

def reference(x, emb_table, W, b):
    # nn.Embedding: gather rows of the table
    e = jnp.take(emb_table, x, axis=0)            # [B, L, D]
    # AvgPool1d over sequence dim after transpose(1,2), then squeeze -> mean over L
    pooled = jnp.mean(e, axis=1)                   # [B, D]
    # nn.Linear(D, 1)
    logits = pooled @ W.T + b                      # [B, 1]
    # torch.sigmoid
    return jax.nn.sigmoid(logits)                  # [B, 1]

if __name__ == "__main__":
    import jax
    _d = setup_inputs()
    print(jax.jit(kernel)(*tuple(_d.values())))

</pallas_src>

<mosaic_0001>
#map = affine_map<(d0, d1) -> (0)>
#map1 = affine_map<(d0, d1) -> (0, 0)>
module attributes {stable_mosaic.version = 14 : i64} {
  func.func @_sc_body(%arg0: i32, %arg1: i32, %arg2: memref<64000xf32, #tpu.memory_space<hbm>>, %arg3: memref<80xf32, #tpu.memory_space<hbm>>, %arg4: memref<200x16384xi32, #tpu.memory_space<hbm>>, %arg5: memref<16384xf32, #tpu.memory_space<hbm>>, %arg6: memref<1000xf32, #tpu.memory_space<vmem>>, %arg7: memref<200x128xi32, #tpu.memory_space<vmem>>, %arg8: memref<200x128xi32, #tpu.memory_space<vmem>>, %arg9: memref<512xf32, #tpu.memory_space<vmem>>, %arg10: memref<4096xf32, #tpu.memory_space<vmem>>, %arg11: memref<80xf32, #tpu.memory_space<vmem>>, %arg12: memref<64xf32, #tpu.memory_space<vmem>>, %arg13: memref<1000xf32, #tpu.memory_space<vmem_shared>>, %arg14: memref<!tpu.dma_semaphore, #tpu.memory_space<semaphore_mem>>, %arg15: memref<!tpu.dma_semaphore, #tpu.memory_space<semaphore_mem>>) attributes {dimension_semantics = [#tpu.dimension_semantics<core_parallel>, #tpu.dimension_semantics<subcore_parallel>], iteration_bounds = array<i64: 2, 16>, scalar_prefetch = 0 : i64, scratch_operands = 10 : i64, tpu.core_type = #tpu.core_type<sc_vector_subcore>, window_params = [{transform_indices = #map}, {transform_indices = #map}, {transform_indices = #map1}, {transform_indices = #map}]} {
    %mul3A = arith.constant 2 : i32
    %mul3A_0 = arith.muli %arg1, %mul3A : i32
    %add3A = arith.addi %mul3A_0, %arg0 : i32
    %mul3A_1 = arith.constant 4 : i32
    %mul3A_2 = arith.muli %add3A, %mul3A_1 : i32
    %add3A_3 = arith.constant 0 : i32
    %add3A_4 = arith.addi %mul3A_2, %add3A_3 : i32
    %mul3A_5 = arith.constant 128 : i32
    %mul3A_6 = arith.muli %add3A_4, %mul3A_5 : i32
    %dma_start3A = arith.constant 0 : i32
    %dma_start3A_7 = tpu.memref_slice %arg4[%dma_start3A, %mul3A_6] : memref<200x16384xi32, #tpu.memory_space<hbm>> -> memref<200x128xi32, #tpu.memory_space<hbm>>
    %dma_start3A_8 = arith.constant 0 : i32
    %dma_start3A_9 = tpu.memref_slice %arg4[%dma_start3A_8, %mul3A_6] : memref<200x16384xi32, #tpu.memory_space<hbm>> -> memref<200x128xi32, #tpu.memory_space<hbm>>
    tpu.enqueue_dma source(%dma_start3A_9 : memref<200x128xi32, #tpu.memory_space<hbm>>) target(%arg7 : memref<200x128xi32, #tpu.memory_space<vmem>>) target_semaphore(%arg14 : memref<!tpu.dma_semaphore, #tpu.memory_space<semaphore_mem>>)
    "tpu.region"() ({
      %run_scoped3A = tpu.sem_alloc : memref<!tpu.dma_semaphore, #tpu.memory_space<semaphore_mem>>
      tpu.enqueue_dma source(%arg3 : memref<80xf32, #tpu.memory_space<hbm>>) target(%arg11 : memref<80xf32, #tpu.memory_space<vmem>>) target_semaphore(%run_scoped3A : memref<!tpu.dma_semaphore, #tpu.memory_space<semaphore_mem>>)
      tpu.wait_dma2 semaphore(%run_scoped3A : memref<!tpu.dma_semaphore, #tpu.memory_space<semaphore_mem>>) src(%arg3 : memref<80xf32, #tpu.memory_space<hbm>>) dst(%arg11 : memref<80xf32, #tpu.memory_space<vmem>>)
      tpu.yield
    }) : () -> ()
    %mul3A_10 = arith.constant 64 : i32
    %mul3A_11 = arith.muli %arg1, %mul3A_10 : i32
    %min3A = arith.constant 936 : i32
    %min3A_12 = arith.minsi %mul3A_11, %min3A : i32
    %mul3A_13 = arith.constant 64 : i32
    %mul3A_14 = arith.muli %min3A_12, %mul3A_13 : i32
    "tpu.region"() ({
      %run_scoped3A = tpu.sem_alloc : memref<!tpu.dma_semaphore, #tpu.memory_space<semaphore_mem>>
      %dma_start3A_2186 = tpu.memref_slice %arg2[%mul3A_14] : memref<64000xf32, #tpu.memory_space<hbm>> -> memref<4096xf32, #tpu.memory_space<hbm>>
      %dma_start3A_2187 = tpu.memref_slice %arg2[%mul3A_14] : memref<64000xf32, #tpu.memory_space<hbm>> -> memref<4096xf32, #tpu.memory_space<hbm>>
      tpu.enqueue_dma source(%dma_start3A_2187 : memref<4096xf32, #tpu.memory_space<hbm>>) target(%arg10 : memref<4096xf32, #tpu.memory_space<vmem>>) target_semaphore(%run_scoped3A : memref<!tpu.dma_semaphore, #tpu.memory_space<semaphore_mem>>)
      %dma_wait3A_2188 = tpu.memref_slice %arg2[%mul3A_14] : memref<64000xf32, #tpu.memory_space<hbm>> -> memref<4096xf32, #tpu.memory_space<hbm>>
      %dma_wait3A_2189 = tpu.memref_slice %arg2[%mul3A_14] : memref<64000xf32, #tpu.memory_space<hbm>> -> memref<4096xf32, #tpu.memory_space<hbm>>
      tpu.wait_dma2 semaphore(%run_scoped3A : memref<!tpu.dma_semaphore, #tpu.memory_space<semaphore_mem>>) src(%dma_wait3A_2189 : memref<4096xf32, #tpu.memory_space<hbm>>) dst(%arg10 : memref<4096xf32, #tpu.memory_space<vmem>>)
      tpu.yield
    }) : () -> ()
    %get3A = arith.constant 0 : index
    %get3A_15 = tpu.vector_load %arg11[%get3A] {strides = array<i32>} : memref<80xf32, #tpu.memory_space<vmem>>, vector<16xf32>,
    %get3A_16 = arith.constant 16 : index
    %get3A_17 = tpu.vector_load %arg11[%get3A_16] {strides = array<i32>} : memref<80xf32, #tpu.memory_space<vmem>>, vector<16xf32>,
    %get3A_18 = arith.constant 32 : index
    %get3A_19 = tpu.vector_load %arg11[%get3A_18] {strides = array<i32>} : memref<80xf32, #tpu.memory_space<vmem>>, vector<16xf32>,
    %get3A_20 = arith.constant 48 : index
    %get3A_21 = tpu.vector_load %arg11[%get3A_20] {strides = array<i32>} : memref<80xf32, #tpu.memory_space<vmem>>, vector<16xf32>,
    %get3A_22 = arith.constant 64 : index
    %get3A_23 = tpu.vector_load %arg11[%get3A_22] {strides = array<i32>} : memref<80xf32, #tpu.memory_space<vmem>>, vector<16xf32>,
    %slice3A = vector.extract_strided_slice %get3A_23 {offsets = [0], sizes = [1], strides = [1]} : vector<16xf32> to vector<1xf32>
    %squeeze3A = vector.extract %slice3A[0] : f32 from vector<1xf32>
    %iota3A = tpu.iota {dimensions = array<i32: 0>} : vector<16xi32>
    %broadcast_in_dim3A = arith.constant 0.000000e+00 : f32
    %broadcast_in_dim3A_24 = vector.broadcast %broadcast_in_dim3A : f32 to vector<16xf32>
    %get3A_25 = arith.constant 0 : index
    %get3A_26 = tpu.vector_load %arg10[%get3A_25] {strides = array<i32>} : memref<4096xf32, #tpu.memory_space<vmem>>, vector<16xf32>,
    %mul3A_27 = arith.mulf %get3A_26, %get3A_15 : vector<16xf32>
    %get3A_28 = arith.constant 16 : index
    %get3A_29 = tpu.vector_load %arg10[%get3A_28] {strides = array<i32>} : memref<4096xf32, #tpu.memory_space<vmem>>, vector<16xf32>,
    %mul3A_30 = arith.mulf %get3A_29, %get3A_17 : vector<16xf32>
    %add3A_31 = arith.addf %mul3A_27, %mul3A_30 : vector<16xf32>
    %get3A_32 = arith.constant 32 : index
    %get3A_33 = tpu.vector_load %arg10[%get3A_32] {strides = array<i32>} : memref<4096xf32, #tpu.memory_space<vmem>>, vector<16xf32>,
    %mul3A_34 = arith.mulf %get3A_33, %get3A_19 : vector<16xf32>
    %add3A_35 = arith.addf %add3A_31, %mul3A_34 : vector<16xf32>
    %get3A_36 = arith.constant 48 : index
    %get3A_37 = tpu.vector_load %arg10[%get3A_36] {strides = array<i32>} : memref<4096xf32, #tpu.memory_space<vmem>>, vector<16xf32>,
    %mul3A_38 = arith.mulf %get3A_37, %get3A_21 : vector<16xf32>
    %add3A_39 = arith.addf %add3A_35, %mul3A_38 : vector<16xf32>
    %reduce_sum3A = arith.constant true
    %reduce_sum3A_40 = vector.broadcast %reduce_sum3A : i1 to vector<16xi1>
    %reduce_sum3A_41 = tpu.scan <sum>, %add3A_39 masked %reduce_sum3A_40 : vector<16xf32>, vector<16xi1> -> vector<16xf32>
    %reduce_sum3A_42 = vector.extract %reduce_sum3A_41[15] : f32 from vector<16xf32>
    %eq3A = arith.constant 0 : i32
    %eq3A_43 = vector.broadcast %eq3A : i32 to vector<16xi32>
    %eq3A_44 = arith.cmpi eq, %iota3A, %eq3A_43 : vector<16xi32>
    %broadcast_in_dim3A_45 = vector.broadcast %reduce_sum3A_42 : f32 to vector<16xf32>
    %select_n3A = arith.select %eq3A_44, %broadcast_in_dim3A_45, %broadcast_in_dim3A_24 : vector<16xi1>, vector<16xf32>
    %get3A_46 = arith.constant 64 : index
    %get3A_47 = tpu.vector_load %arg10[%get3A_46] {strides = array<i32>} : memref<4096xf32, #tpu.memory_space<vmem>>, vector<16xf32>,
    %mul3A_48 = arith.mulf %get3A_47, %get3A_15 : vector<16xf32>
    %get3A_49 = arith.constant 80 : index
    %get3A_50 = tpu.vector_load %arg10[%get3A_49] {strides = array<i32>} : memref<4096xf32, #tpu.memory_space<vmem>>, vector<16xf32>,
    %mul3A_51 = arith.mulf %get3A_50, %get3A_17 : vector<16xf32>
    %add3A_52 = arith.addf %mul3A_48, %mul3A_51 : vector<16xf32>
    %get3A_53 = arith.constant 96 : index
    %get3A_54 = tpu.vector_load %arg10[%get3A_53] {strides = array<i32>} : memref<4096xf32, #tpu.memory_space<vmem>>, vector<16xf32>,
    %mul3A_55 = arith.mulf %get3A_54, %get3A_19 : vector<16xf32>
    %add3A_56 = arith.addf %add3A_52, %mul3A_55 : vector<16xf32>
    %get3A_57 = arith.constant 112 : index
    %get3A_58 = tpu.vector_load %arg10[%get3A_57] {strides = array<i32>} : memref<4096xf32, #tpu.memory_space<vmem>>, vector<16xf32>,
    %mul3A_59 = arith.mulf %get3A_58, %get3A_21 : vector<16xf32>
    %add3A_60 = arith.addf %add3A_56, %mul3A_59 : vector<16xf32>
    %reduce_sum3A_61 = arith.constant true
    %reduce_sum3A_62 = vector.broadcast %reduce_sum3A_61 : i1 to vector<16xi1>
    %reduce_sum3A_63 = tpu.scan <sum>, %add3A_60 masked %reduce_sum3A_62 : vector<16xf32>, vector<16xi1> -> vector<16xf32>
    %reduce_sum3A_64 = vector.extract %reduce_sum3A_63[15] : f32 from vector<16xf32>
    %eq3A_65 = arith.constant 1 : i32
    %eq3A_66 = vector.broadcast %eq3A_65 : i32 to vector<16xi32>
    %eq3A_67 = arith.cmpi eq, %iota3A, %eq3A_66 : vector<16xi32>
    %broadcast_in_dim3A_68 = vector.broadcast %reduce_sum3A_64 : f32 to vector<16xf32>
    %select_n3A_69 = arith.select %eq3A_67, %broadcast_in_dim3A_68, %select_n3A : vector<16xi1>, vector<16xf32>
    %get3A_70 = arith.constant 128 : index
    %get3A_71 = tpu.vector_load %arg10[%get3A_70] {strides = array<i32>} : memref<4096xf32, #tpu.memory_space<vmem>>, vector<16xf32>,
    %mul3A_72 = arith.mulf %get3A_71, %get3A_15 : vector<16xf32>
    %get3A_73 = arith.constant 144 : index
    %get3A_74 = tpu.vector_load %arg10[%get3A_73] {strides = array<i32>} : memref<4096xf32, #tpu.memory_space<vmem>>, vector<16xf32>,
    %mul3A_75 = arith.mulf %get3A_74, %get3A_17 : vector<16xf32>
    %add3A_76 = arith.addf %mul3A_72, %mul3A_75 : vector<16xf32>
    %get3A_77 = arith.constant 160 : index
    %get3A_78 = tpu.vector_load %arg10[%get3A_77] {strides = array<i32>} : memref<4096xf32, #tpu.memory_space<vmem>>, vector<16xf32>,
    %mul3A_79 = arith.mulf %get3A_78, %get3A_19 : vector<16xf32>
    %add3A_80 = arith.addf %add3A_76, %mul3A_79 : vector<16xf32>
    %get3A_81 = arith.constant 176 : index
    %get3A_82 = tpu.vector_load %arg10[%get3A_81] {strides = array<i32>} : memref<4096xf32, #tpu.memory_space<vmem>>, vector<16xf32>,
    %mul3A_83 = arith.mulf %get3A_82, %get3A_21 : vector<16xf32>
    %add3A_84 = arith.addf %add3A_80, %mul3A_83 : vector<16xf32>
    %reduce_sum3A_85 = arith.constant true
    %reduce_sum3A_86 = vector.broadcast %reduce_sum3A_85 : i1 to vector<16xi1>
    %reduce_sum3A_87 = tpu.scan <sum>, %add3A_84 masked %reduce_sum3A_86 : vector<16xf32>, vector<16xi1> -> vector<16xf32>
    %reduce_sum3A_88 = vector.extract %reduce_sum3A_87[15] : f32 from vector<16xf32>
    %eq3A_89 = arith.constant 2 : i32
    %eq3A_90 = vector.broadcast %eq3A_89 : i32 to vector<16xi32>
    %eq3A_91 = arith.cmpi eq, %iota3A, %eq3A_90 : vector<16xi32>
    %broadcast_in_dim3A_92 = vector.broadcast %reduce_sum3A_88 : f32 to vector<16xf32>
    %select_n3A_93 = arith.select %eq3A_91, %broadcast_in_dim3A_92, %select_n3A_69 : vector<16xi1>, vector<16xf32>
    %get3A_94 = arith.constant 192 : index
    %get3A_95 = tpu.vector_load %arg10[%get3A_94] {strides = array<i32>} : memref<4096xf32, #tpu.memory_space<vmem>>, vector<16xf32>,
    %mul3A_96 = arith.mulf %get3A_95, %get3A_15 : vector<16xf32>
    %get3A_97 = arith.constant 208 : index
    %get3A_98 = tpu.vector_load %arg10[%get3A_97] {strides = array<i32>} : memref<4096xf32, #tpu.memory_space<vmem>>, vector<16xf32>,
    %mul3A_99 = arith.mulf %get3A_98, %get3A_17 : vector<16xf32>
    %add3A_100 = arith.addf %mul3A_96, %mul3A_99 : vector<16xf32>
    %get3A_101 = arith.constant 224 : index
    %get3A_102 = tpu.vector_load %arg10[%get3A_101] {strides = array<i32>} : memref<4096xf32, #tpu.memory_space<vmem>>, vector<16xf32>,
    %mul3A_103 = arith.mulf %get3A_102, %get3A_19 : vector<16xf32>
    %add3A_104 = arith.addf %add3A_100, %mul3A_103 : vector<16xf32>
    %get3A_105 = arith.constant 240 : index
    %get3A_106 = tpu.vector_load %arg10[%get3A_105] {strides = array<i32>} : memref<4096xf32, #tpu.memory_space<vmem>>, vector<16xf32>,
    %mul3A_107 = arith.mulf %get3A_106, %get3A_21 : vector<16xf32>
    %add3A_108 = arith.addf %add3A_104, %mul3A_107 : vector<16xf32>
    %reduce_sum3A_109 = arith.constant true
    %reduce_sum3A_110 = vector.broadcast %reduce_sum3A_109 : i1 to vector<16xi1>
    %reduce_sum3A_111 = tpu.scan <sum>, %add3A_108 masked %reduce_sum3A_110 : vector<16xf32>, vector<16xi1> -> vector<16xf32>
    %reduce_sum3A_112 = vector.extract %reduce_sum3A_111[15] : f32 from vector<16xf32>
    %eq3A_113 = arith.constant 3 : i32
    %eq3A_114 = vector.broadcast %eq3A_113 : i32 to vector<16xi32>
    %eq3A_115 = arith.cmpi eq, %iota3A, %eq3A_114 : vector<16xi32>
    %broadcast_in_dim3A_116 = vector.broadcast %reduce_sum3A_112 : f32 to vector<16xf32>
    %select_n3A_117 = arith.select %eq3A_115, %broadcast_in_dim3A_116, %select_n3A_93 : vector<16xi1>, vector<16xf32>
    %get3A_118 = arith.constant 256 : index
    %get3A_119 = tpu.vector_load %arg10[%get3A_118] {strides = array<i32>} : memref<4096xf32, #tpu.memory_space<vmem>>, vector<16xf32>,
    %mul3A_120 = arith.mulf %get3A_119, %get3A_15 : vector<16xf32>
    %get3A_121 = arith.constant 272 : index
    %get3A_122 = tpu.vector_load %arg10[%get3A_121] {strides = array<i32>} : memref<4096xf32, #tpu.memory_space<vmem>>, vector<16xf32>,
    %mul3A_123 = arith.mulf %get3A_122, %get3A_17 : vector<16xf32>
    %add3A_124 = arith.addf %mul3A_120, %mul3A_123 : vector<16xf32>
    %get3A_125 = arith.constant 288 : index
    %get3A_126 = tpu.vector_load %arg10[%get3A_125] {strides = array<i32>} : memref<4096xf32, #tpu.memory_space<vmem>>, vector<16xf32>,
    %mul3A_127 = arith.mulf %get3A_126, %get3A_19 : vector<16xf32>
    %add3A_128 = arith.addf %add3A_124, %mul3A_127 : vector<16xf32>
    %get3A_129 = arith.constant 304 : index
    %get3A_130 = tpu.vector_load %arg10[%get3A_129] {strides = array<i32>} : memref<4096xf32, #tpu.memory_space<vmem>>, vector<16xf32>,
    %mul3A_131 = arith.mulf %get3A_130, %get3A_21 : vector<16xf32>
    %add3A_132 = arith.addf %add3A_128, %mul3A_131 : vector<16xf32>
    %reduce_sum3A_133 = arith.constant true
    %reduce_sum3A_134 = vector.broadcast %reduce_sum3A_133 : i1 to vector<16xi1>
    %reduce_sum3A_135 = tpu.scan <sum>, %add3A_132 masked %reduce_sum3A_134 : vector<16xf32>, vector<16xi1> -> vector<16xf32>
    %reduce_sum3A_136 = vector.extract %reduce_sum3A_135[15] : f32 from vector<16xf32>
    %eq3A_137 = arith.constant 4 : i32
    %eq3A_138 = vector.broadcast %eq3A_137 : i32 to vector<16xi32>
    %eq3A_139 = arith.cmpi eq, %iota3A, %eq3A_138 : vector<16xi32>
    %broadcast_in_dim3A_140 = vector.broadcast %reduce_sum3A_136 : f32 to vector<16xf32>
    %select_n3A_141 = arith.select %eq3A_139, %broadcast_in_dim3A_140, %select_n3A_117 : vector<16xi1>, vector<16xf32>
    %get3A_142 = arith.constant 320 : index
    %get3A_143 = tpu.vector_load %arg10[%get3A_142] {strides = array<i32>} : memref<4096xf32, #tpu.memory_space<vmem>>, vector<16xf32>,
    %mul3A_144 = arith.mulf %get3A_143, %get3A_15 : vector<16xf32>
    %get3A_145 = arith.constant 336 : index
    %get3A_146 = tpu.vector_load %arg10[%get3A_145] {strides = array<i32>} : memref<4096xf32, #tpu.memory_space<vmem>>, vector<16xf32>,
    %mul3A_147 = arith.mulf %get3A_146, %get3A_17 : vector<16xf32>
    %add3A_148 = arith.addf %mul3A_144, %mul3A_147 : vector<16xf32>
    %get3A_149 = arith.constant 352 : index
    %get3A_150 = tpu.vector_load %arg10[%get3A_149] {strides = array<i32>} : memref<4096xf32, #tpu.memory_space<vmem>>, vector<16xf32>,
    %mul3A_151 = arith.mulf %get3A_150, %get3A_19 : vector<16xf32>
    %add3A_152 = arith.addf %add3A_148, %mul3A_151 : vector<16xf32>
    %get3A_153 = arith.constant 368 : index
    %get3A_154 = tpu.vector_load %arg10[%get3A_153] {strides = array<i32>} : memref<4096xf32, #tpu.memory_space<vmem>>, vector<16xf32>,
    %mul3A_155 = arith.mulf %get3A_154, %get3A_21 : vector<16xf32>
    %add3A_156 = arith.addf %add3A_152, %mul3A_155 : vector<16xf32>
    %reduce_sum3A_157 = arith.constant true
    %reduce_sum3A_158 = vector.broadcast %reduce_sum3A_157 : i1 to vector<16xi1>
    %reduce_sum3A_159 = tpu.scan <sum>, %add3A_156 masked %reduce_sum3A_158 : vector<16xf32>, vector<16xi1> -> vector<16xf32>
    %reduce_sum3A_160 = vector.extract %reduce_sum3A_159[15] : f32 from vector<16xf32>
    %eq3A_161 = arith.constant 5 : i32
    %eq3A_162 = vector.broadcast %eq3A_161 : i32 to vector<16xi32>
    %eq3A_163 = arith.cmpi eq, %iota3A, %eq3A_162 : vector<16xi32>
    %broadcast_in_dim3A_164 = vector.broadcast %reduce_sum3A_160 : f32 to vector<16xf32>
    %select_n3A_165 = arith.select %eq3A_163, %broadcast_in_dim3A_164, %select_n3A_141 : vector<16xi1>, vector<16xf32>
    %get3A_166 = arith.constant 384 : index
    %get3A_167 = tpu.vector_load %arg10[%get3A_166] {strides = array<i32>} : memref<4096xf32, #tpu.memory_space<vmem>>, vector<16xf32>,
    %mul3A_168 = arith.mulf %get3A_167, %get3A_15 : vector<16xf32>
    %get3A_169 = arith.constant 400 : index
    %get3A_170 = tpu.vector_load %arg10[%get3A_169] {strides = array<i32>} : memref<4096xf32, #tpu.memory_space<vmem>>, vector<16xf32>,
    %mul3A_171 = arith.mulf %get3A_170, %get3A_17 : vector<16xf32>
    %add3A_172 = arith.addf %mul3A_168, %mul3A_171 : vector<16xf32>
    %get3A_173 = arith.constant 416 : index
    %get3A_174 = tpu.vector_load %arg10[%get3A_173] {strides = array<i32>} : memref<4096xf32, #tpu.memory_space<vmem>>, vector<16xf32>,
    %mul3A_175 = arith.mulf %get3A_174, %get3A_19 : vector<16xf32>
    %add3A_176 = arith.addf %add3A_172, %mul3A_175 : vector<16xf32>
    %get3A_177 = arith.constant 432 : index
    %get3A_178 = tpu.vector_load %arg10[%get3A_177] {strides = array<i32>} : memref<4096xf32, #tpu.memory_space<vmem>>, vector<16xf32>,
    %mul3A_179 = arith.mulf %get3A_178, %get3A_21 : vector<16xf32>
    %add3A_180 = arith.addf %add3A_176, %mul3A_179 : vector<16xf32>
    %reduce_sum3A_181 = arith.constant true
    %reduce_sum3A_182 = vector.broadcast %reduce_sum3A_181 : i1 to vector<16xi1>
    %reduce_sum3A_183 = tpu.scan <sum>, %add3A_180 masked %reduce_sum3A_182 : vector<16xf32>, vector<16xi1> -> vector<16xf32>
    %reduce_sum3A_184 = vector.extract %reduce_sum3A_183[15] : f32 from vector<16xf32>
    %eq3A_185 = arith.constant 6 : i32
    %eq3A_186 = vector.broadcast %eq3A_185 : i32 to vector<16xi32>
    %eq3A_187 = arith.cmpi eq, %iota3A, %eq3A_186 : vector<16xi32>
    %broadcast_in_dim3A_188 = vector.broadcast %reduce_sum3A_184 : f32 to vector<16xf32>
    %select_n3A_189 = arith.select %eq3A_187, %broadcast_in_dim3A_188, %select_n3A_165 : vector<16xi1>, vector<16xf32>
    %get3A_190 = arith.constant 448 : index
    %get3A_191 = tpu.vector_load %arg10[%get3A_190] {strides = array<i32>} : memref<4096xf32, #tpu.memory_space<vmem>>, vector<16xf32>,
    %mul3A_192 = arith.mulf %get3A_191, %get3A_15 : vector<16xf32>
    %get3A_193 = arith.constant 464 : index
    %get3A_194 = tpu.vector_load %arg10[%get3A_193] {strides = array<i32>} : memref<4096xf32, #tpu.memory_space<vmem>>, vector<16xf32>,
    %mul3A_195 = arith.mulf %get3A_194, %get3A_17 : vector<16xf32>
    %add3A_196 = arith.addf %mul3A_192, %mul3A_195 : vector<16xf32>
    %get3A_197 = arith.constant 480 : index
    %get3A_198 = tpu.vector_load %arg10[%get3A_197] {strides = array<i32>} : memref<4096xf32, #tpu.memory_space<vmem>>, vector<16xf32>,
    %mul3A_199 = arith.mulf %get3A_198, %get3A_19 : vector<16xf32>
    %add3A_200 = arith.addf %add3A_196, %mul3A_199 : vector<16xf32>
    %get3A_201 = arith.constant 496 : index
    %get3A_202 = tpu.vector_load %arg10[%get3A_201] {strides = array<i32>} : memref<4096xf32, #tpu.memory_space<vmem>>, vector<16xf32>,
    %mul3A_203 = arith.mulf %get3A_202, %get3A_21 : vector<16xf32>
    %add3A_204 = arith.addf %add3A_200, %mul3A_203 : vector<16xf32>
    %reduce_sum3A_205 = arith.constant true
    %reduce_sum3A_206 = vector.broadcast %reduce_sum3A_205 : i1 to vector<16xi1>
    %reduce_sum3A_207 = tpu.scan <sum>, %add3A_204 masked %reduce_sum3A_206 : vector<16xf32>, vector<16xi1> -> vector<16xf32>
    %reduce_sum3A_208 = vector.extract %reduce_sum3A_207[15] : f32 from vector<16xf32>
    %eq3A_209 = arith.constant 7 : i32
    %eq3A_210 = vector.broadcast %eq3A_209 : i32 to vector<16xi32>
    %eq3A_211 = arith.cmpi eq, %iota3A, %eq3A_210 : vector<16xi32>
    %broadcast_in_dim3A_212 = vector.broadcast %reduce_sum3A_208 : f32 to vector<16xf32>
    %select_n3A_213 = arith.select %eq3A_211, %broadcast_in_dim3A_212, %select_n3A_189 : vector<16xi1>, vector<16xf32>
    %get3A_214 = arith.constant 512 : index
    %get3A_215 = tpu.vector_load %arg10[%get3A_214] {strides = array<i32>} : memref<4096xf32, #tpu.memory_space<vmem>>, vector<16xf32>,
    %mul3A_216 = arith.mulf %get3A_215, %get3A_15 : vector<16xf32>
    %get3A_217 = arith.constant 528 : index
    %get3A_218 = tpu.vector_load %arg10[%get3A_217] {strides = array<i32>} : memref<4096xf32, #tpu.memory_space<vmem>>, vector<16xf32>,
    %mul3A_219 = arith.mulf %get3A_218, %get3A_17 : vector<16xf32>
    %add3A_220 = arith.addf %mul3A_216, %mul3A_219 : vector<16xf32>
    %get3A_221 = arith.constant 544 : index
    %get3A_222 = tpu.vector_load %arg10[%get3A_221] {strides = array<i32>} : memref<4096xf32, #tpu.memory_space<vmem>>, vector<16xf32>,
    %mul3A_223 = arith.mulf %get3A_222, %get3A_19 : vector<16xf32>
    %add3A_224 = arith.addf %add3A_220, %mul3A_223 : vector<16xf32>
    %get3A_225 = arith.constant 560 : index
    %get3A_226 = tpu.vector_load %arg10[%get3A_225] {strides = array<i32>} : memref<4096xf32, #tpu.memory_space<vmem>>, vector<16xf32>,
    %mul3A_227 = arith.mulf %get3A_226, %get3A_21 : vector<16xf32>
    %add3A_228 = arith.addf %add3A_224, %mul3A_227 : vector<16xf32>
    %reduce_sum3A_229 = arith.constant true
    %reduce_sum3A_230 = vector.broadcast %reduce_sum3A_229 : i1 to vector<16xi1>
    %reduce_sum3A_231 = tpu.scan <sum>, %add3A_228 masked %reduce_sum3A_230 : vector<16xf32>, vector<16xi1> -> vector<16xf32>
    %reduce_sum3A_232 = vector.extract %reduce_sum3A_231[15] : f32 from vector<16xf32>
    %eq3A_233 = arith.constant 8 : i32
    %eq3A_234 = vector.broadcast %eq3A_233 : i32 to vector<16xi32>
    %eq3A_235 = arith.cmpi eq, %iota3A, %eq3A_234 : vector<16xi32>
    %broadcast_in_dim3A_236 = vector.broadcast %reduce_sum3A_232 : f32 to vector<16xf32>
    %select_n3A_237 = arith.select %eq3A_235, %broadcast_in_dim3A_236, %select_n3A_213 : vector<16xi1>, vector<16xf32>
    %get3A_238 = arith.constant 576 : index
    %get3A_239 = tpu.vector_load %arg10[%get3A_238] {strides = array<i32>} : memref<4096xf32, #tpu.memory_space<vmem>>, vector<16xf32>,
    %mul3A_240 = arith.mulf %get3A_239, %get3A_15 : vector<16xf32>
    %get3A_241 = arith.constant 592 : index
    %get3A_242 = tpu.vector_load %arg10[%get3A_241] {strides = array<i32>} : memref<4096xf32, #tpu.memory_space<vmem>>, vector<16xf32>,
    %mul3A_243 = arith.mulf %get3A_242, %get3A_17 : vector<16xf32>
    %add3A_244 = arith.addf %mul3A_240, %mul3A_243 : vector<16xf32>
    %get3A_245 = arith.constant 608 : index
    %get3A_246 = tpu.vector_load %arg10[%get3A_245] {strides = array<i32>} : memref<4096xf32, #tpu.memory_space<vmem>>, vector<16xf32>,
    %mul3A_247 = arith.mulf %get3A_246, %get3A_19 : vector<16xf32>
    %add3A_248 = arith.addf %add3A_244, %mul3A_247 : vector<16xf32>
    %get3A_249 = arith.constant 624 : index
    %get3A_250 = tpu.vector_load %arg10[%get3A_249] {strides = array<i32>} : memref<4096xf32, #tpu.memory_space<vmem>>, vector<16xf32>,
    %mul3A_251 = arith.mulf %get3A_250, %get3A_21 : vector<16xf32>
    %add3A_252 = arith.addf %add3A_248, %mul3A_251 : vector<16xf32>
    %reduce_sum3A_253 = arith.constant true
    %reduce_sum3A_254 = vector.broadcast %reduce_sum3A_253 : i1 to vector<16xi1>
    %reduce_sum3A_255 = tpu.scan <sum>, %add3A_252 masked %reduce_sum3A_254 : vector<16xf32>, vector<16xi1> -> vector<16xf32>
    %reduce_sum3A_256 = vector.extract %reduce_sum3A_255[15] : f32 from vector<16xf32>
    %eq3A_257 = arith.constant 9 : i32
    %eq3A_258 = vector.broadcast %eq3A_257 : i32 to vector<16xi32>
    %eq3A_259 = arith.cmpi eq, %iota3A, %eq3A_258 : vector<16xi32>
    %broadcast_in_dim3A_260 = vector.broadcast %reduce_sum3A_256 : f32 to vector<16xf32>
    %select_n3A_261 = arith.select %eq3A_259, %broadcast_in_dim3A_260, %select_n3A_237 : vector<16xi1>, vector<16xf32>
    %get3A_262 = arith.constant 640 : index
    %get3A_263 = tpu.vector_load %arg10[%get3A_262] {strides = array<i32>} : memref<4096xf32, #tpu.memory_space<vmem>>, vector<16xf32>,
    %mul3A_264 = arith.mulf %get3A_263, %get3A_15 : vector<16xf32>
    %get3A_265 = arith.constant 656 : index
    %get3A_266 = tpu.vector_load %arg10[%get3A_265] {strides = array<i32>} : memref<4096xf32, #tpu.memory_space<vmem>>, vector<16xf32>,
    %mul3A_267 = arith.mulf %get3A_266, %get3A_17 : vector<16xf32>
    %add3A_268 = arith.addf %mul3A_264, %mul3A_267 : vector<16xf32>
    %get3A_269 = arith.constant 672 : index
    %get3A_270 = tpu.vector_load %arg10[%get3A_269] {strides = array<i32>} : memref<4096xf32, #tpu.memory_space<vmem>>, vector<16xf32>,
    %mul3A_271 = arith.mulf %get3A_270, %get3A_19 : vector<16xf32>
    %add3A_272 = arith.addf %add3A_268, %mul3A_271 : vector<16xf32>
    %get3A_273 = arith.constant 688 : index
    %get3A_274 = tpu.vector_load %arg10[%get3A_273] {strides = array<i32>} : memref<4096xf32, #tpu.memory_space<vmem>>, vector<16xf32>,
    %mul3A_275 = arith.mulf %get3A_274, %get3A_21 : vector<16xf32>
    %add3A_276 = arith.addf %add3A_272, %mul3A_275 : vector<16xf32>
    %reduce_sum3A_277 = arith.constant true
    %reduce_sum3A_278 = vector.broadcast %reduce_sum3A_277 : i1 to vector<16xi1>
    %reduce_sum3A_279 = tpu.scan <sum>, %add3A_276 masked %reduce_sum3A_278 : vector<16xf32>, vector<16xi1> -> vector<16xf32>
    %reduce_sum3A_280 = vector.extract %reduce_sum3A_279[15] : f32 from vector<16xf32>
    %eq3A_281 = arith.constant 10 : i32
    %eq3A_282 = vector.broadcast %eq3A_281 : i32 to vector<16xi32>
    %eq3A_283 = arith.cmpi eq, %iota3A, %eq3A_282 : vector<16xi32>
    %broadcast_in_dim3A_284 = vector.broadcast %reduce_sum3A_280 : f32 to vector<16xf32>
    %select_n3A_285 = arith.select %eq3A_283, %broadcast_in_dim3A_284, %select_n3A_261 : vector<16xi1>, vector<16xf32>
    %get3A_286 = arith.constant 704 : index
    %get3A_287 = tpu.vector_load %arg10[%get3A_286] {strides = array<i32>} : memref<4096xf32, #tpu.memory_space<vmem>>, vector<16xf32>,
    %mul3A_288 = arith.mulf %get3A_287, %get3A_15 : vector<16xf32>
    %get3A_289 = arith.constant 720 : index
    %get3A_290 = tpu.vector_load %arg10[%get3A_289] {strides = array<i32>} : memref<4096xf32, #tpu.memory_space<vmem>>, vector<16xf32>,
    %mul3A_291 = arith.mulf %get3A_290, %get3A_17 : vector<16xf32>
    %add3A_292 = arith.addf %mul3A_288, %mul3A_291 : vector<16xf32>
    %get3A_293 = arith.constant 736 : index
    %get3A_294 = tpu.vector_load %arg10[%get3A_293] {strides = array<i32>} : memref<4096xf32, #tpu.memory_space<vmem>>, vector<16xf32>,
    %mul3A_295 = arith.mulf %get3A_294, %get3A_19 : vector<16xf32>
    %add3A_296 = arith.addf %add3A_292, %mul3A_295 : vector<16xf32>
    %get3A_297 = arith.constant 752 : index
    %get3A_298 = tpu.vector_load %arg10[%get3A_297] {strides = array<i32>} : memref<4096xf32, #tpu.memory_space<vmem>>, vector<16xf32>,
    %mul3A_299 = arith.mulf %get3A_298, %get3A_21 : vector<16xf32>
    %add3A_300 = arith.addf %add3A_296, %mul3A_299 : vector<16xf32>
    %reduce_sum3A_301 = arith.constant true
    %reduce_sum3A_302 = vector.broadcast %reduce_sum3A_301 : i1 to vector<16xi1>
    %reduce_sum3A_303 = tpu.scan <sum>, %add3A_300 masked %reduce_sum3A_302 : vector<16xf32>, vector<16xi1> -> vector<16xf32>
    %reduce_sum3A_304 = vector.extract %reduce_sum3A_303[15] : f32 from vector<16xf32>
    %eq3A_305 = arith.constant 11 : i32
    %eq3A_306 = vector.broadcast %eq3A_305 : i32 to vector<16xi32>
    %eq3A_307 = arith.cmpi eq, %iota3A, %eq3A_306 : vector<16xi32>
    %broadcast_in_dim3A_308 = vector.broadcast %reduce_sum3A_304 : f32 to vector<16xf32>
    %select_n3A_309 = arith.select %eq3A_307, %broadcast_in_dim3A_308, %select_n3A_285 : vector<16xi1>, vector<16xf32>
    %get3A_310 = arith.constant 768 : index
    %get3A_311 = tpu.vector_load %arg10[%get3A_310] {strides = array<i32>} : memref<4096xf32, #tpu.memory_space<vmem>>, vector<16xf32>,
    %mul3A_312 = arith.mulf %get3A_311, %get3A_15 : vector<16xf32>
    %get3A_313 = arith.constant 784 : index
    %get3A_314 = tpu.vector_load %arg10[%get3A_313] {strides = array<i32>} : memref<4096xf32, #tpu.memory_space<vmem>>, vector<16xf32>,
    %mul3A_315 = arith.mulf %get3A_314, %get3A_17 : vector<16xf32>
    %add3A_316 = arith.addf %mul3A_312, %mul3A_315 : vector<16xf32>
    %get3A_317 = arith.constant 800 : index
    %get3A_318 = tpu.vector_load %arg10[%get3A_317] {strides = array<i32>} : memref<4096xf32, #tpu.memory_space<vmem>>, vector<16xf32>,
    %mul3A_319 = arith.mulf %get3A_318, %get3A_19 : vector<16xf32>
    %add3A_320 = arith.addf %add3A_316, %mul3A_319 : vector<16xf32>
    %get3A_321 = arith.constant 816 : index
    %get3A_322 = tpu.vector_load %arg10[%get3A_321] {strides = array<i32>} : memref<4096xf32, #tpu.memory_space<vmem>>, vector<16xf32>,
    %mul3A_323 = arith.mulf %get3A_322, %get3A_21 : vector<16xf32>
    %add3A_324 = arith.addf %add3A_320, %mul3A_323 : vector<16xf32>
    %reduce_sum3A_325 = arith.constant true
    %reduce_sum3A_326 = vector.broadcast %reduce_sum3A_325 : i1 to vector<16xi1>
    %reduce_sum3A_327 = tpu.scan <sum>, %add3A_324 masked %reduce_sum3A_326 : vector<16xf32>, vector<16xi1> -> vector<16xf32>
    %reduce_sum3A_328 = vector.extract %reduce_sum3A_327[15] : f32 from vector<16xf32>
    %eq3A_329 = arith.constant 12 : i32
    %eq3A_330 = vector.broadcast %eq3A_329 : i32 to vector<16xi32>
    %eq3A_331 = arith.cmpi eq, %iota3A, %eq3A_330 : vector<16xi32>
    %broadcast_in_dim3A_332 = vector.broadcast %reduce_sum3A_328 : f32 to vector<16xf32>
    %select_n3A_333 = arith.select %eq3A_331, %broadcast_in_dim3A_332, %select_n3A_309 : vector<16xi1>, vector<16xf32>
    %get3A_334 = arith.constant 832 : index
    %get3A_335 = tpu.vector_load %arg10[%get3A_334] {strides = array<i32>} : memref<4096xf32, #tpu.memory_space<vmem>>, vector<16xf32>,
    %mul3A_336 = arith.mulf %get3A_335, %get3A_15 : vector<16xf32>
    %get3A_337 = arith.constant 848 : index
    %get3A_338 = tpu.vector_load %arg10[%get3A_337] {strides = array<i32>} : memref<4096xf32, #tpu.memory_space<vmem>>, vector<16xf32>,
    %mul3A_339 = arith.mulf %get3A_338, %get3A_17 : vector<16xf32>
    %add3A_340 = arith.addf %mul3A_336, %mul3A_339 : vector<16xf32>
    %get3A_341 = arith.constant 864 : index
    %get3A_342 = tpu.vector_load %arg10[%get3A_341] {strides = array<i32>} : memref<4096xf32, #tpu.memory_space<vmem>>, vector<16xf32>,
    %mul3A_343 = arith.mulf %get3A_342, %get3A_19 : vector<16xf32>
    %add3A_344 = arith.addf %add3A_340, %mul3A_343 : vector<16xf32>
    %get3A_345 = arith.constant 880 : index
    %get3A_346 = tpu.vector_load %arg10[%get3A_345] {strides = array<i32>} : memref<4096xf32, #tpu.memory_space<vmem>>, vector<16xf32>,
    %mul3A_347 = arith.mulf %get3A_346, %get3A_21 : vector<16xf32>
    %add3A_348 = arith.addf %add3A_344, %mul3A_347 : vector<16xf32>
    %reduce_sum3A_349 = arith.constant true
    %reduce_sum3A_350 = vector.broadcast %reduce_sum3A_349 : i1 to vector<16xi1>
    %reduce_sum3A_351 = tpu.scan <sum>, %add3A_348 masked %reduce_sum3A_350 : vector<16xf32>, vector<16xi1> -> vector<16xf32>
    %reduce_sum3A_352 = vector.extract %reduce_sum3A_351[15] : f32 from vector<16xf32>
    %eq3A_353 = arith.constant 13 : i32
    %eq3A_354 = vector.broadcast %eq3A_353 : i32 to vector<16xi32>
    %eq3A_355 = arith.cmpi eq, %iota3A, %eq3A_354 : vector<16xi32>
    %broadcast_in_dim3A_356 = vector.broadcast %reduce_sum3A_352 : f32 to vector<16xf32>
    %select_n3A_357 = arith.select %eq3A_355, %broadcast_in_dim3A_356, %select_n3A_333 : vector<16xi1>, vector<16xf32>
    %get3A_358 = arith.constant 896 : index
    %get3A_359 = tpu.vector_load %arg10[%get3A_358] {strides = array<i32>} : memref<4096xf32, #tpu.memory_space<vmem>>, vector<16xf32>,
    %mul3A_360 = arith.mulf %get3A_359, %get3A_15 : vector<16xf32>
    %get3A_361 = arith.constant 912 : index
    %get3A_362 = tpu.vector_load %arg10[%get3A_361] {strides = array<i32>} : memref<4096xf32, #tpu.memory_space<vmem>>, vector<16xf32>,
    %mul3A_363 = arith.mulf %get3A_362, %get3A_17 : vector<16xf32>
    %add3A_364 = arith.addf %mul3A_360, %mul3A_363 : vector<16xf32>
    %get3A_365 = arith.constant 928 : index
    %get3A_366 = tpu.vector_load %arg10[%get3A_365] {strides = array<i32>} : memref<4096xf32, #tpu.memory_space<vmem>>, vector<16xf32>,
    %mul3A_367 = arith.mulf %get3A_366, %get3A_19 : vector<16xf32>
    %add3A_368 = arith.addf %add3A_364, %mul3A_367 : vector<16xf32>
    %get3A_369 = arith.constant 944 : index
    %get3A_370 = tpu.vector_load %arg10[%get3A_369] {strides = array<i32>} : memref<4096xf32, #tpu.memory_space<vmem>>, vector<16xf32>,
    %mul3A_371 = arith.mulf %get3A_370, %get3A_21 : vector<16xf32>
    %add3A_372 = arith.addf %add3A_368, %mul3A_371 : vector<16xf32>
    %reduce_sum3A_373 = arith.constant true
    %reduce_sum3A_374 = vector.broadcast %reduce_sum3A_373 : i1 to vector<16xi1>
    %reduce_sum3A_375 = tpu.scan <sum>, %add3A_372 masked %reduce_sum3A_374 : vector<16xf32>, vector<16xi1> -> vector<16xf32>
    %reduce_sum3A_376 = vector.extract %reduce_sum3A_375[15] : f32 from vector<16xf32>
    %eq3A_377 = arith.constant 14 : i32
    %eq3A_378 = vector.broadcast %eq3A_377 : i32 to vector<16xi32>
    %eq3A_379 = arith.cmpi eq, %iota3A, %eq3A_378 : vector<16xi32>
    %broadcast_in_dim3A_380 = vector.broadcast %reduce_sum3A_376 : f32 to vector<16xf32>
    %select_n3A_381 = arith.select %eq3A_379, %broadcast_in_dim3A_380, %select_n3A_357 : vector<16xi1>, vector<16xf32>
    %get3A_382 = arith.constant 960 : index
    %get3A_383 = tpu.vector_load %arg10[%get3A_382] {strides = array<i32>} : memref<4096xf32, #tpu.memory_space<vmem>>, vector<16xf32>,
    %mul3A_384 = arith.mulf %get3A_383, %get3A_15 : vector<16xf32>
    %get3A_385 = arith.constant 976 : index
    %get3A_386 = tpu.vector_load %arg10[%get3A_385] {strides = array<i32>} : memref<4096xf32, #tpu.memory_space<vmem>>, vector<16xf32>,
    %mul3A_387 = arith.mulf %get3A_386, %get3A_17 : vector<16xf32>
    %add3A_388 = arith.addf %mul3A_384, %mul3A_387 : vector<16xf32>
    %get3A_389 = arith.constant 992 : index
    %get3A_390 = tpu.vector_load %arg10[%get3A_389] {strides = array<i32>} : memref<4096xf32, #tpu.memory_space<vmem>>, vector<16xf32>,
    %mul3A_391 = arith.mulf %get3A_390, %get3A_19 : vector<16xf32>
    %add3A_392 = arith.addf %add3A_388, %mul3A_391 : vector<16xf32>
    %get3A_393 = arith.constant 1008 : index
    %get3A_394 = tpu.vector_load %arg10[%get3A_393] {strides = array<i32>} : memref<4096xf32, #tpu.memory_space<vmem>>, vector<16xf32>,
    %mul3A_395 = arith.mulf %get3A_394, %get3A_21 : vector<16xf32>
    %add3A_396 = arith.addf %add3A_392, %mul3A_395 : vector<16xf32>
    %reduce_sum3A_397 = arith.constant true
    %reduce_sum3A_398 = vector.broadcast %reduce_sum3A_397 : i1 to vector<16xi1>
    %reduce_sum3A_399 = tpu.scan <sum>, %add3A_396 masked %reduce_sum3A_398 : vector<16xf32>, vector<16xi1> -> vector<16xf32>
    %reduce_sum3A_400 = vector.extract %reduce_sum3A_399[15] : f32 from vector<16xf32>
    %eq3A_401 = arith.constant 15 : i32
    %eq3A_402 = vector.broadcast %eq3A_401 : i32 to vector<16xi32>
    %eq3A_403 = arith.cmpi eq, %iota3A, %eq3A_402 : vector<16xi32>
    %broadcast_in_dim3A_404 = vector.broadcast %reduce_sum3A_400 : f32 to vector<16xf32>
    %select_n3A_405 = arith.select %eq3A_403, %broadcast_in_dim3A_404, %select_n3A_381 : vector<16xi1>, vector<16xf32>
    %swap3A = arith.constant 0 : index
    %swap3A_406 = tpu.vector_load %arg12[%swap3A] {strides = array<i32>} : memref<64xf32, #tpu.memory_space<vmem>>, vector<16xf32>,
    tpu.vector_store %arg12[%swap3A], %select_n3A_405 {strides = array<i32>} : memref<64xf32, #tpu.memory_space<vmem>>, vector<16xf32>,
    %broadcast_in_dim3A_407 = arith.constant 0.000000e+00 : f32
    %broadcast_in_dim3A_408 = vector.broadcast %broadcast_in_dim3A_407 : f32 to vector<16xf32>
    %get3A_409 = arith.constant 1024 : index
    %get3A_410 = tpu.vector_load %arg10[%get3A_409] {strides = array<i32>} : memref<4096xf32, #tpu.memory_space<vmem>>, vector<16xf32>,
    %mul3A_411 = arith.mulf %get3A_410, %get3A_15 : vector<16xf32>
    %get3A_412 = arith.constant 1040 : index
    %get3A_413 = tpu.vector_load %arg10[%get3A_412] {strides = array<i32>} : memref<4096xf32, #tpu.memory_space<vmem>>, vector<16xf32>,
    %mul3A_414 = arith.mulf %get3A_413, %get3A_17 : vector<16xf32>
    %add3A_415 = arith.addf %mul3A_411, %mul3A_414 : vector<16xf32>
    %get3A_416 = arith.constant 1056 : index
    %get3A_417 = tpu.vector_load %arg10[%get3A_416] {strides = array<i32>} : memref<4096xf32, #tpu.memory_space<vmem>>, vector<16xf32>,
    %mul3A_418 = arith.mulf %get3A_417, %get3A_19 : vector<16xf32>
    %add3A_419 = arith.addf %add3A_415, %mul3A_418 : vector<16xf32>
    %get3A_420 = arith.constant 1072 : index
    %get3A_421 = tpu.vector_load %arg10[%get3A_420] {strides = array<i32>} : memref<4096xf32, #tpu.memory_space<vmem>>, vector<16xf32>,
    %mul3A_422 = arith.mulf %get3A_421, %get3A_21 : vector<16xf32>
    %add3A_423 = arith.addf %add3A_419, %mul3A_422 : vector<16xf32>
    %reduce_sum3A_424 = arith.constant true
    %reduce_sum3A_425 = vector.broadcast %reduce_sum3A_424 : i1 to vector<16xi1>
    %reduce_sum3A_426 = tpu.scan <sum>, %add3A_423 masked %reduce_sum3A_425 : vector<16xf32>, vector<16xi1> -> vector<16xf32>
    %reduce_sum3A_427 = vector.extract %reduce_sum3A_426[15] : f32 from vector<16xf32>
    %eq3A_428 = arith.constant 0 : i32
    %eq3A_429 = vector.broadcast %eq3A_428 : i32 to vector<16xi32>
    %eq3A_430 = arith.cmpi eq, %iota3A, %eq3A_429 : vector<16xi32>
    %broadcast_in_dim3A_431 = vector.broadcast %reduce_sum3A_427 : f32 to vector<16xf32>
    %select_n3A_432 = arith.select %eq3A_430, %broadcast_in_dim3A_431, %broadcast_in_dim3A_408 : vector<16xi1>, vector<16xf32>
    %get3A_433 = arith.constant 1088 : index
    %get3A_434 = tpu.vector_load %arg10[%get3A_433] {strides = array<i32>} : memref<4096xf32, #tpu.memory_space<vmem>>, vector<16xf32>,
    %mul3A_435 = arith.mulf %get3A_434, %get3A_15 : vector<16xf32>
    %get3A_436 = arith.constant 1104 : index
    %get3A_437 = tpu.vector_load %arg10[%get3A_436] {strides = array<i32>} : memref<4096xf32, #tpu.memory_space<vmem>>, vector<16xf32>,
    %mul3A_438 = arith.mulf %get3A_437, %get3A_17 : vector<16xf32>
    %add3A_439 = arith.addf %mul3A_435, %mul3A_438 : vector<16xf32>
    %get3A_440 = arith.constant 1120 : index
    %get3A_441 = tpu.vector_load %arg10[%get3A_440] {strides = array<i32>} : memref<4096xf32, #tpu.memory_space<vmem>>, vector<16xf32>,
    %mul3A_442 = arith.mulf %get3A_441, %get3A_19 : vector<16xf32>
    %add3A_443 = arith.addf %add3A_439, %mul3A_442 : vector<16xf32>
    %get3A_444 = arith.constant 1136 : index
    %get3A_445 = tpu.vector_load %arg10[%get3A_444] {strides = array<i32>} : memref<4096xf32, #tpu.memory_space<vmem>>, vector<16xf32>,
    %mul3A_446 = arith.mulf %get3A_445, %get3A_21 : vector<16xf32>
    %add3A_447 = arith.addf %add3A_443, %mul3A_446 : vector<16xf32>
    %reduce_sum3A_448 = arith.constant true
    %reduce_sum3A_449 = vector.broadcast %reduce_sum3A_448 : i1 to vector<16xi1>
    %reduce_sum3A_450 = tpu.scan <sum>, %add3A_447 masked %reduce_sum3A_449 : vector<16xf32>, vector<16xi1> -> vector<16xf32>
    %reduce_sum3A_451 = vector.extract %reduce_sum3A_450[15] : f32 from vector<16xf32>
    %eq3A_452 = arith.constant 1 : i32
    %eq3A_453 = vector.broadcast %eq3A_452 : i32 to vector<16xi32>
    %eq3A_454 = arith.cmpi eq, %iota3A, %eq3A_453 : vector<16xi32>
    %broadcast_in_dim3A_455 = vector.broadcast %reduce_sum3A_451 : f32 to vector<16xf32>
    %select_n3A_456 = arith.select %eq3A_454, %broadcast_in_dim3A_455, %select_n3A_432 : vector<16xi1>, vector<16xf32>
    %get3A_457 = arith.constant 1152 : index
    %get3A_458 = tpu.vector_load %arg10[%get3A_457] {strides = array<i32>} : memref<4096xf32, #tpu.memory_space<vmem>>, vector<16xf32>,
    %mul3A_459 = arith.mulf %get3A_458, %get3A_15 : vector<16xf32>
    %get3A_460 = arith.constant 1168 : index
    %get3A_461 = tpu.vector_load %arg10[%get3A_460] {strides = array<i32>} : memref<4096xf32, #tpu.memory_space<vmem>>, vector<16xf32>,
    %mul3A_462 = arith.mulf %get3A_461, %get3A_17 : vector<16xf32>
    %add3A_463 = arith.addf %mul3A_459, %mul3A_462 : vector<16xf32>
    %get3A_464 = arith.constant 1184 : index
    %get3A_465 = tpu.vector_load %arg10[%get3A_464] {strides = array<i32>} : memref<4096xf32, #tpu.memory_space<vmem>>, vector<16xf32>,
    %mul3A_466 = arith.mulf %get3A_465, %get3A_19 : vector<16xf32>
    %add3A_467 = arith.addf %add3A_463, %mul3A_466 : vector<16xf32>
    %get3A_468 = arith.constant 1200 : index
    %get3A_469 = tpu.vector_load %arg10[%get3A_468] {strides = array<i32>} : memref<4096xf32, #tpu.memory_space<vmem>>, vector<16xf32>,
    %mul3A_470 = arith.mulf %get3A_469, %get3A_21 : vector<16xf32>
    %add3A_471 = arith.addf %add3A_467, %mul3A_470 : vector<16xf32>
    %reduce_sum3A_472 = arith.constant true
    %reduce_sum3A_473 = vector.broadcast %reduce_sum3A_472 : i1 to vector<16xi1>
    %reduce_sum3A_474 = tpu.scan <sum>, %add3A_471 masked %reduce_sum3A_473 : vector<16xf32>, vector<16xi1> -> vector<16xf32>
    %reduce_sum3A_475 = vector.extract %reduce_sum3A_474[15] : f32 from vector<16xf32>
    %eq3A_476 = arith.constant 2 : i32
    %eq3A_477 = vector.broadcast %eq3A_476 : i32 to vector<16xi32>
    %eq3A_478 = arith.cmpi eq, %iota3A, %eq3A_477 : vector<16xi32>
    %broadcast_in_dim3A_479 = vector.broadcast %reduce_sum3A_475 : f32 to vector<16xf32>
    %select_n3A_480 = arith.select %eq3A_478, %broadcast_in_dim3A_479, %select_n3A_456 : vector<16xi1>, vector<16xf32>
    %get3A_481 = arith.constant 1216 : index
    %get3A_482 = tpu.vector_load %arg10[%get3A_481] {strides = array<i32>} : memref<4096xf32, #tpu.memory_space<vmem>>, vector<16xf32>,
    %mul3A_483 = arith.mulf %get3A_482, %get3A_15 : vector<16xf32>
    %get3A_484 = arith.constant 1232 : index
    %get3A_485 = tpu.vector_load %arg10[%get3A_484] {strides = array<i32>} : memref<4096xf32, #tpu.memory_space<vmem>>, vector<16xf32>,
    %mul3A_486 = arith.mulf %get3A_485, %get3A_17 : vector<16xf32>
    %add3A_487 = arith.addf %mul3A_483, %mul3A_486 : vector<16xf32>
    %get3A_488 = arith.constant 1248 : index
    %get3A_489 = tpu.vector_load %arg10[%get3A_488] {strides = array<i32>} : memref<4096xf32, #tpu.memory_space<vmem>>, vector<16xf32>,
    %mul3A_490 = arith.mulf %get3A_489, %get3A_19 : vector<16xf32>
    %add3A_491 = arith.addf %add3A_487, %mul3A_490 : vector<16xf32>
    %get3A_492 = arith.constant 1264 : index
    %get3A_493 = tpu.vector_load %arg10[%get3A_492] {strides = array<i32>} : memref<4096xf32, #tpu.memory_space<vmem>>, vector<16xf32>,
    %mul3A_494 = arith.mulf %get3A_493, %get3A_21 : vector<16xf32>
    %add3A_495 = arith.addf %add3A_491, %mul3A_494 : vector<16xf32>
    %reduce_sum3A_496 = arith.constant true
    %reduce_sum3A_497 = vector.broadcast %reduce_sum3A_496 : i1 to vector<16xi1>
    %reduce_sum3A_498 = tpu.scan <sum>, %add3A_495 masked %reduce_sum3A_497 : vector<16xf32>, vector<16xi1> -> vector<16xf32>
    %reduce_sum3A_499 = vector.extract %reduce_sum3A_498[15] : f32 from vector<16xf32>
    %eq3A_500 = arith.constant 3 : i32
    %eq3A_501 = vector.broadcast %eq3A_500 : i32 to vector<16xi32>
    %eq3A_502 = arith.cmpi eq, %iota3A, %eq3A_501 : vector<16xi32>
    %broadcast_in_dim3A_503 = vector.broadcast %reduce_sum3A_499 : f32 to vector<16xf32>
    %select_n3A_504 = arith.select %eq3A_502, %broadcast_in_dim3A_503, %select_n3A_480 : vector<16xi1>, vector<16xf32>
    %get3A_505 = arith.constant 1280 : index
    %get3A_506 = tpu.vector_load %arg10[%get3A_505] {strides = array<i32>} : memref<4096xf32, #tpu.memory_space<vmem>>, vector<16xf32>,
    %mul3A_507 = arith.mulf %get3A_506, %get3A_15 : vector<16xf32>
    %get3A_508 = arith.constant 1296 : index
    %get3A_509 = tpu.vector_load %arg10[%get3A_508] {strides = array<i32>} : memref<4096xf32, #tpu.memory_space<vmem>>, vector<16xf32>,
    %mul3A_510 = arith.mulf %get3A_509, %get3A_17 : vector<16xf32>
    %add3A_511 = arith.addf %mul3A_507, %mul3A_510 : vector<16xf32>
    %get3A_512 = arith.constant 1312 : index
    %get3A_513 = tpu.vector_load %arg10[%get3A_512] {strides = array<i32>} : memref<4096xf32, #tpu.memory_space<vmem>>, vector<16xf32>,
    %mul3A_514 = arith.mulf %get3A_513, %get3A_19 : vector<16xf32>
    %add3A_515 = arith.addf %add3A_511, %mul3A_514 : vector<16xf32>
    %get3A_516 = arith.constant 1328 : index
    %get3A_517 = tpu.vector_load %arg10[%get3A_516] {strides = array<i32>} : memref<4096xf32, #tpu.memory_space<vmem>>, vector<16xf32>,
    %mul3A_518 = arith.mulf %get3A_517, %get3A_21 : vector<16xf32>
    %add3A_519 = arith.addf %add3A_515, %mul3A_518 : vector<16xf32>
    %reduce_sum3A_520 = arith.constant true
    %reduce_sum3A_521 = vector.broadcast %reduce_sum3A_520 : i1 to vector<16xi1>
    %reduce_sum3A_522 = tpu.scan <sum>, %add3A_519 masked %reduce_sum3A_521 : vector<16xf32>, vector<16xi1> -> vector<16xf32>
    %reduce_sum3A_523 = vector.extract %reduce_sum3A_522[15] : f32 from vector<16xf32>
    %eq3A_524 = arith.constant 4 : i32
    %eq3A_525 = vector.broadcast %eq3A_524 : i32 to vector<16xi32>
    %eq3A_526 = arith.cmpi eq, %iota3A, %eq3A_525 : vector<16xi32>
    %broadcast_in_dim3A_527 = vector.broadcast %reduce_sum3A_523 : f32 to vector<16xf32>
    %select_n3A_528 = arith.select %eq3A_526, %broadcast_in_dim3A_527, %select_n3A_504 : vector<16xi1>, vector<16xf32>
    %get3A_529 = arith.constant 1344 : index
    %get3A_530 = tpu.vector_load %arg10[%get3A_529] {strides = array<i32>} : memref<4096xf32, #tpu.memory_space<vmem>>, vector<16xf32>,
    %mul3A_531 = arith.mulf %get3A_530, %get3A_15 : vector<16xf32>
    %get3A_532 = arith.constant 1360 : index
    %get3A_533 = tpu.vector_load %arg10[%get3A_532] {strides = array<i32>} : memref<4096xf32, #tpu.memory_space<vmem>>, vector<16xf32>,
    %mul3A_534 = arith.mulf %get3A_533, %get3A_17 : vector<16xf32>
    %add3A_535 = arith.addf %mul3A_531, %mul3A_534 : vector<16xf32>
    %get3A_536 = arith.constant 1376 : index
    %get3A_537 = tpu.vector_load %arg10[%get3A_536] {strides = array<i32>} : memref<4096xf32, #tpu.memory_space<vmem>>, vector<16xf32>,
    %mul3A_538 = arith.mulf %get3A_537, %get3A_19 : vector<16xf32>
    %add3A_539 = arith.addf %add3A_535, %mul3A_538 : vector<16xf32>
    %get3A_540 = arith.constant 1392 : index
    %get3A_541 = tpu.vector_load %arg10[%get3A_540] {strides = array<i32>} : memref<4096xf32, #tpu.memory_space<vmem>>, vector<16xf32>,
    %mul3A_542 = arith.mulf %get3A_541, %get3A_21 : vector<16xf32>
    %add3A_543 = arith.addf %add3A_539, %mul3A_542 : vector<16xf32>
    %reduce_sum3A_544 = arith.constant true
    %reduce_sum3A_545 = vector.broadcast %reduce_sum3A_544 : i1 to vector<16xi1>
    %reduce_sum3A_546 = tpu.scan <sum>, %add3A_543 masked %reduce_sum3A_545 : vector<16xf32>, vector<16xi1> -> vector<16xf32>
    %reduce_sum3A_547 = vector.extract %reduce_sum3A_546[15] : f32 from vector<16xf32>
    %eq3A_548 = arith.constant 5 : i32
    %eq3A_549 = vector.broadcast %eq3A_548 : i32 to vector<16xi32>
    %eq3A_550 = arith.cmpi eq, %iota3A, %eq3A_549 : vector<16xi32>
    %broadcast_in_dim3A_551 = vector.broadcast %reduce_sum3A_547 : f32 to vector<16xf32>
    %select_n3A_552 = arith.select %eq3A_550, %broadcast_in_dim3A_551, %select_n3A_528 : vector<16xi1>, vector<16xf32>
    %get3A_553 = arith.constant 1408 : index
    %get3A_554 = tpu.vector_load %arg10[%get3A_553] {strides = array<i32>} : memref<4096xf32, #tpu.memory_space<vmem>>, vector<16xf32>,
    %mul3A_555 = arith.mulf %get3A_554, %get3A_15 : vector<16xf32>
    %get3A_556 = arith.constant 1424 : index
    %get3A_557 = tpu.vector_load %arg10[%get3A_556] {strides = array<i32>} : memref<4096xf32, #tpu.memory_space<vmem>>, vector<16xf32>,
    %mul3A_558 = arith.mulf %get3A_557, %get3A_17 : vector<16xf32>
    %add3A_559 = arith.addf %mul3A_555, %mul3A_558 : vector<16xf32>
    %get3A_560 = arith.constant 1440 : index
    %get3A_561 = tpu.vector_load %arg10[%get3A_560] {strides = array<i32>} : memref<4096xf32, #tpu.memory_space<vmem>>, vector<16xf32>,
    %mul3A_562 = arith.mulf %get3A_561, %get3A_19 : vector<16xf32>
    %add3A_563 = arith.addf %add3A_559, %mul3A_562 : vector<16xf32>
    %get3A_564 = arith.constant 1456 : index
    %get3A_565 = tpu.vector_load %arg10[%get3A_564] {strides = array<i32>} : memref<4096xf32, #tpu.memory_space<vmem>>, vector<16xf32>,
    %mul3A_566 = arith.mulf %get3A_565, %get3A_21 : vector<16xf32>
    %add3A_567 = arith.addf %add3A_563, %mul3A_566 : vector<16xf32>
    %reduce_sum3A_568 = arith.constant true
    %reduce_sum3A_569 = vector.broadcast %reduce_sum3A_568 : i1 to vector<16xi1>
    %reduce_sum3A_570 = tpu.scan <sum>, %add3A_567 masked %reduce_sum3A_569 : vector<16xf32>, vector<16xi1> -> vector<16xf32>
    %reduce_sum3A_571 = vector.extract %reduce_sum3A_570[15] : f32 from vector<16xf32>
    %eq3A_572 = arith.constant 6 : i32
    %eq3A_573 = vector.broadcast %eq3A_572 : i32 to vector<16xi32>
    %eq3A_574 = arith.cmpi eq, %iota3A, %eq3A_573 : vector<16xi32>
    %broadcast_in_dim3A_575 = vector.broadcast %reduce_sum3A_571 : f32 to vector<16xf32>
    %select_n3A_576 = arith.select %eq3A_574, %broadcast_in_dim3A_575, %select_n3A_552 : vector<16xi1>, vector<16xf32>
    %get3A_577 = arith.constant 1472 : index
    %get3A_578 = tpu.vector_load %arg10[%get3A_577] {strides = array<i32>} : memref<4096xf32, #tpu.memory_space<vmem>>, vector<16xf32>,
    %mul3A_579 = arith.mulf %get3A_578, %get3A_15 : vector<16xf32>
    %get3A_580 = arith.constant 1488 : index
    %get3A_581 = tpu.vector_load %arg10[%get3A_580] {strides = array<i32>} : memref<4096xf32, #tpu.memory_space<vmem>>, vector<16xf32>,
    %mul3A_582 = arith.mulf %get3A_581, %get3A_17 : vector<16xf32>
    %add3A_583 = arith.addf %mul3A_579, %mul3A_582 : vector<16xf32>
    %get3A_584 = arith.constant 1504 : index
    %get3A_585 = tpu.vector_load %arg10[%get3A_584] {strides = array<i32>} : memref<4096xf32, #tpu.memory_space<vmem>>, vector<16xf32>,
    %mul3A_586 = arith.mulf %get3A_585, %get3A_19 : vector<16xf32>
    %add3A_587 = arith.addf %add3A_583, %mul3A_586 : vector<16xf32>
    %get3A_588 = arith.constant 1520 : index
    %get3A_589 = tpu.vector_load %arg10[%get3A_588] {strides = array<i32>} : memref<4096xf32, #tpu.memory_space<vmem>>, vector<16xf32>,
    %mul3A_590 = arith.mulf %get3A_589, %get3A_21 : vector<16xf32>
    %add3A_591 = arith.addf %add3A_587, %mul3A_590 : vector<16xf32>
    %reduce_sum3A_592 = arith.constant true
    %reduce_sum3A_593 = vector.broadcast %reduce_sum3A_592 : i1 to vector<16xi1>
    %reduce_sum3A_594 = tpu.scan <sum>, %add3A_591 masked %reduce_sum3A_593 : vector<16xf32>, vector<16xi1> -> vector<16xf32>
    %reduce_sum3A_595 = vector.extract %reduce_sum3A_594[15] : f32 from vector<16xf32>
    %eq3A_596 = arith.constant 7 : i32
    %eq3A_597 = vector.broadcast %eq3A_596 : i32 to vector<16xi32>
    %eq3A_598 = arith.cmpi eq, %iota3A, %eq3A_597 : vector<16xi32>
    %broadcast_in_dim3A_599 = vector.broadcast %reduce_sum3A_595 : f32 to vector<16xf32>
    %select_n3A_600 = arith.select %eq3A_598, %broadcast_in_dim3A_599, %select_n3A_576 : vector<16xi1>, vector<16xf32>
    %get3A_601 = arith.constant 1536 : index
    %get3A_602 = tpu.vector_load %arg10[%get3A_601] {strides = array<i32>} : memref<4096xf32, #tpu.memory_space<vmem>>, vector<16xf32>,
    %mul3A_603 = arith.mulf %get3A_602, %get3A_15 : vector<16xf32>
    %get3A_604 = arith.constant 1552 : index
    %get3A_605 = tpu.vector_load %arg10[%get3A_604] {strides = array<i32>} : memref<4096xf32, #tpu.memory_space<vmem>>, vector<16xf32>,
    %mul3A_606 = arith.mulf %get3A_605, %get3A_17 : vector<16xf32>
    %add3A_607 = arith.addf %mul3A_603, %mul3A_606 : vector<16xf32>
    %get3A_608 = arith.constant 1568 : index
    %get3A_609 = tpu.vector_load %arg10[%get3A_608] {strides = array<i32>} : memref<4096xf32, #tpu.memory_space<vmem>>, vector<16xf32>,
    %mul3A_610 = arith.mulf %get3A_609, %get3A_19 : vector<16xf32>
    %add3A_611 = arith.addf %add3A_607, %mul3A_610 : vector<16xf32>
    %get3A_612 = arith.constant 1584 : index
    %get3A_613 = tpu.vector_load %arg10[%get3A_612] {strides = array<i32>} : memref<4096xf32, #tpu.memory_space<vmem>>, vector<16xf32>,
    %mul3A_614 = arith.mulf %get3A_613, %get3A_21 : vector<16xf32>
    %add3A_615 = arith.addf %add3A_611, %mul3A_614 : vector<16xf32>
    %reduce_sum3A_616 = arith.constant true
    %reduce_sum3A_617 = vector.broadcast %reduce_sum3A_616 : i1 to vector<16xi1>
    %reduce_sum3A_618 = tpu.scan <sum>, %add3A_615 masked %reduce_sum3A_617 : vector<16xf32>, vector<16xi1> -> vector<16xf32>
    %reduce_sum3A_619 = vector.extract %reduce_sum3A_618[15] : f32 from vector<16xf32>
    %eq3A_620 = arith.constant 8 : i32
    %eq3A_621 = vector.broadcast %eq3A_620 : i32 to vector<16xi32>
    %eq3A_622 = arith.cmpi eq, %iota3A, %eq3A_621 : vector<16xi32>
    %broadcast_in_dim3A_623 = vector.broadcast %reduce_sum3A_619 : f32 to vector<16xf32>
    %select_n3A_624 = arith.select %eq3A_622, %broadcast_in_dim3A_623, %select_n3A_600 : vector<16xi1>, vector<16xf32>
    %get3A_625 = arith.constant 1600 : index
    %get3A_626 = tpu.vector_load %arg10[%get3A_625] {strides = array<i32>} : memref<4096xf32, #tpu.memory_space<vmem>>, vector<16xf32>,
    %mul3A_627 = arith.mulf %get3A_626, %get3A_15 : vector<16xf32>
    %get3A_628 = arith.constant 1616 : index
    %get3A_629 = tpu.vector_load %arg10[%get3A_628] {strides = array<i32>} : memref<4096xf32, #tpu.memory_space<vmem>>, vector<16xf32>,
    %mul3A_630 = arith.mulf %get3A_629, %get3A_17 : vector<16xf32>
    %add3A_631 = arith.addf %mul3A_627, %mul3A_630 : vector<16xf32>
    %get3A_632 = arith.constant 1632 : index
    %get3A_633 = tpu.vector_load %arg10[%get3A_632] {strides = array<i32>} : memref<4096xf32, #tpu.memory_space<vmem>>, vector<16xf32>,
    %mul3A_634 = arith.mulf %get3A_633, %get3A_19 : vector<16xf32>
    %add3A_635 = arith.addf %add3A_631, %mul3A_634 : vector<16xf32>
    %get3A_636 = arith.constant 1648 : index
    %get3A_637 = tpu.vector_load %arg10[%get3A_636] {strides = array<i32>} : memref<4096xf32, #tpu.memory_space<vmem>>, vector<16xf32>,
    %mul3A_638 = arith.mulf %get3A_637, %get3A_21 : vector<16xf32>
    %add3A_639 = arith.addf %add3A_635, %mul3A_638 : vector<16xf32>
    %reduce_sum3A_640 = arith.constant true
    %reduce_sum3A_641 = vector.broadcast %reduce_sum3A_640 : i1 to vector<16xi1>
    %reduce_sum3A_642 = tpu.scan <sum>, %add3A_639 masked %reduce_sum3A_641 : vector<16xf32>, vector<16xi1> -> vector<16xf32>
    %reduce_sum3A_643 = vector.extract %reduce_sum3A_642[15] : f32 from vector<16xf32>
    %eq3A_644 = arith.constant 9 : i32
    %eq3A_645 = vector.broadcast %eq3A_644 : i32 to vector<16xi32>
    %eq3A_646 = arith.cmpi eq, %iota3A, %eq3A_645 : vector<16xi32>
    %broadcast_in_dim3A_647 = vector.broadcast %reduce_sum3A_643 : f32 to vector<16xf32>
    %select_n3A_648 = arith.select %eq3A_646, %broadcast_in_dim3A_647, %select_n3A_624 : vector<16xi1>, vector<16xf32>
    %get3A_649 = arith.constant 1664 : index
    %get3A_650 = tpu.vector_load %arg10[%get3A_649] {strides = array<i32>} : memref<4096xf32, #tpu.memory_space<vmem>>, vector<16xf32>,
    %mul3A_651 = arith.mulf %get3A_650, %get3A_15 : vector<16xf32>
    %get3A_652 = arith.constant 1680 : index
    %get3A_653 = tpu.vector_load %arg10[%get3A_652] {strides = array<i32>} : memref<4096xf32, #tpu.memory_space<vmem>>, vector<16xf32>,
    %mul3A_654 = arith.mulf %get3A_653, %get3A_17 : vector<16xf32>
    %add3A_655 = arith.addf %mul3A_651, %mul3A_654 : vector<16xf32>
    %get3A_656 = arith.constant 1696 : index
    %get3A_657 = tpu.vector_load %arg10[%get3A_656] {strides = array<i32>} : memref<4096xf32, #tpu.memory_space<vmem>>, vector<16xf32>,
    %mul3A_658 = arith.mulf %get3A_657, %get3A_19 : vector<16xf32>
    %add3A_659 = arith.addf %add3A_655, %mul3A_658 : vector<16xf32>
    %get3A_660 = arith.constant 1712 : index
    %get3A_661 = tpu.vector_load %arg10[%get3A_660] {strides = array<i32>} : memref<4096xf32, #tpu.memory_space<vmem>>, vector<16xf32>,
    %mul3A_662 = arith.mulf %get3A_661, %get3A_21 : vector<16xf32>
    %add3A_663 = arith.addf %add3A_659, %mul3A_662 : vector<16xf32>
    %reduce_sum3A_664 = arith.constant true
    %reduce_sum3A_665 = vector.broadcast %reduce_sum3A_664 : i1 to vector<16xi1>
    %reduce_sum3A_666 = tpu.scan <sum>, %add3A_663 masked %reduce_sum3A_665 : vector<16xf32>, vector<16xi1> -> vector<16xf32>
    %reduce_sum3A_667 = vector.extract %reduce_sum3A_666[15] : f32 from vector<16xf32>
    %eq3A_668 = arith.constant 10 : i32
    %eq3A_669 = vector.broadcast %eq3A_668 : i32 to vector<16xi32>
    %eq3A_670 = arith.cmpi eq, %iota3A, %eq3A_669 : vector<16xi32>
    %broadcast_in_dim3A_671 = vector.broadcast %reduce_sum3A_667 : f32 to vector<16xf32>
    %select_n3A_672 = arith.select %eq3A_670, %broadcast_in_dim3A_671, %select_n3A_648 : vector<16xi1>, vector<16xf32>
    %get3A_673 = arith.constant 1728 : index
    %get3A_674 = tpu.vector_load %arg10[%get3A_673] {strides = array<i32>} : memref<4096xf32, #tpu.memory_space<vmem>>, vector<16xf32>,
    %mul3A_675 = arith.mulf %get3A_674, %get3A_15 : vector<16xf32>
    %get3A_676 = arith.constant 1744 : index
    %get3A_677 = tpu.vector_load %arg10[%get3A_676] {strides = array<i32>} : memref<4096xf32, #tpu.memory_space<vmem>>, vector<16xf32>,
    %mul3A_678 = arith.mulf %get3A_677, %get3A_17 : vector<16xf32>
    %add3A_679 = arith.addf %mul3A_675, %mul3A_678 : vector<16xf32>
    %get3A_680 = arith.constant 1760 : index
    %get3A_681 = tpu.vector_load %arg10[%get3A_680] {strides = array<i32>} : memref<4096xf32, #tpu.memory_space<vmem>>, vector<16xf32>,
    %mul3A_682 = arith.mulf %get3A_681, %get3A_19 : vector<16xf32>
    %add3A_683 = arith.addf %add3A_679, %mul3A_682 : vector<16xf32>
    %get3A_684 = arith.constant 1776 : index
    %get3A_685 = tpu.vector_load %arg10[%get3A_684] {strides = array<i32>} : memref<4096xf32, #tpu.memory_space<vmem>>, vector<16xf32>,
    %mul3A_686 = arith.mulf %get3A_685, %get3A_21 : vector<16xf32>
    %add3A_687 = arith.addf %add3A_683, %mul3A_686 : vector<16xf32>
    %reduce_sum3A_688 = arith.constant true
    %reduce_sum3A_689 = vector.broadcast %reduce_sum3A_688 : i1 to vector<16xi1>
    %reduce_sum3A_690 = tpu.scan <sum>, %add3A_687 masked %reduce_sum3A_689 : vector<16xf32>, vector<16xi1> -> vector<16xf32>
    %reduce_sum3A_691 = vector.extract %reduce_sum3A_690[15] : f32 from vector<16xf32>
    %eq3A_692 = arith.constant 11 : i32
    %eq3A_693 = vector.broadcast %eq3A_692 : i32 to vector<16xi32>
    %eq3A_694 = arith.cmpi eq, %iota3A, %eq3A_693 : vector<16xi32>
    %broadcast_in_dim3A_695 = vector.broadcast %reduce_sum3A_691 : f32 to vector<16xf32>
    %select_n3A_696 = arith.select %eq3A_694, %broadcast_in_dim3A_695, %select_n3A_672 : vector<16xi1>, vector<16xf32>
    %get3A_697 = arith.constant 1792 : index
    %get3A_698 = tpu.vector_load %arg10[%get3A_697] {strides = array<i32>} : memref<4096xf32, #tpu.memory_space<vmem>>, vector<16xf32>,
    %mul3A_699 = arith.mulf %get3A_698, %get3A_15 : vector<16xf32>
    %get3A_700 = arith.constant 1808 : index
    %get3A_701 = tpu.vector_load %arg10[%get3A_700] {strides = array<i32>} : memref<4096xf32, #tpu.memory_space<vmem>>, vector<16xf32>,
    %mul3A_702 = arith.mulf %get3A_701, %get3A_17 : vector<16xf32>
    %add3A_703 = arith.addf %mul3A_699, %mul3A_702 : vector<16xf32>
    %get3A_704 = arith.constant 1824 : index
    %get3A_705 = tpu.vector_load %arg10[%get3A_704] {strides = array<i32>} : memref<4096xf32, #tpu.memory_space<vmem>>, vector<16xf32>,
    %mul3A_706 = arith.mulf %get3A_705, %get3A_19 : vector<16xf32>
    %add3A_707 = arith.addf %add3A_703, %mul3A_706 : vector<16xf32>
    %get3A_708 = arith.constant 1840 : index
    %get3A_709 = tpu.vector_load %arg10[%get3A_708] {strides = array<i32>} : memref<4096xf32, #tpu.memory_space<vmem>>, vector<16xf32>,
    %mul3A_710 = arith.mulf %get3A_709, %get3A_21 : vector<16xf32>
    %add3A_711 = arith.addf %add3A_707, %mul3A_710 : vector<16xf32>
    %reduce_sum3A_712 = arith.constant true
    %reduce_sum3A_713 = vector.broadcast %reduce_sum3A_712 : i1 to vector<16xi1>
    %reduce_sum3A_714 = tpu.scan <sum>, %add3A_711 masked %reduce_sum3A_713 : vector<16xf32>, vector<16xi1> -> vector<16xf32>
    %reduce_sum3A_715 = vector.extract %reduce_sum3A_714[15] : f32 from vector<16xf32>
    %eq3A_716 = arith.constant 12 : i32
    %eq3A_717 = vector.broadcast %eq3A_716 : i32 to vector<16xi32>
    %eq3A_718 = arith.cmpi eq, %iota3A, %eq3A_717 : vector<16xi32>
    %broadcast_in_dim3A_719 = vector.broadcast %reduce_sum3A_715 : f32 to vector<16xf32>
    %select_n3A_720 = arith.select %eq3A_718, %broadcast_in_dim3A_719, %select_n3A_696 : vector<16xi1>, vector<16xf32>
    %get3A_721 = arith.constant 1856 : index
    %get3A_722 = tpu.vector_load %arg10[%get3A_721] {strides = array<i32>} : memref<4096xf32, #tpu.memory_space<vmem>>, vector<16xf32>,
    %mul3A_723 = arith.mulf %get3A_722, %get3A_15 : vector<16xf32>
    %get3A_724 = arith.constant 1872 : index
    %get3A_725 = tpu.vector_load %arg10[%get3A_724] {strides = array<i32>} : memref<4096xf32, #tpu.memory_space<vmem>>, vector<16xf32>,
    %mul3A_726 = arith.mulf %get3A_725, %get3A_17 : vector<16xf32>
    %add3A_727 = arith.addf %mul3A_723, %mul3A_726 : vector<16xf32>
    %get3A_728 = arith.constant 1888 : index
    %get3A_729 = tpu.vector_load %arg10[%get3A_728] {strides = array<i32>} : memref<4096xf32, #tpu.memory_space<vmem>>, vector<16xf32>,
    %mul3A_730 = arith.mulf %get3A_729, %get3A_19 : vector<16xf32>
    %add3A_731 = arith.addf %add3A_727, %mul3A_730 : vector<16xf32>
    %get3A_732 = arith.constant 1904 : index
    %get3A_733 = tpu.vector_load %arg10[%get3A_732] {strides = array<i32>} : memref<4096xf32, #tpu.memory_space<vmem>>, vector<16xf32>,
    %mul3A_734 = arith.mulf %get3A_733, %get3A_21 : vector<16xf32>
    %add3A_735 = arith.addf %add3A_731, %mul3A_734 : vector<16xf32>
    %reduce_sum3A_736 = arith.constant true
    %reduce_sum3A_737 = vector.broadcast %reduce_sum3A_736 : i1 to vector<16xi1>
    %reduce_sum3A_738 = tpu.scan <sum>, %add3A_735 masked %reduce_sum3A_737 : vector<16xf32>, vector<16xi1> -> vector<16xf32>
    %reduce_sum3A_739 = vector.extract %reduce_sum3A_738[15] : f32 from vector<16xf32>
    %eq3A_740 = arith.constant 13 : i32
    %eq3A_741 = vector.broadcast %eq3A_740 : i32 to vector<16xi32>
    %eq3A_742 = arith.cmpi eq, %iota3A, %eq3A_741 : vector<16xi32>
    %broadcast_in_dim3A_743 = vector.broadcast %reduce_sum3A_739 : f32 to vector<16xf32>
    %select_n3A_744 = arith.select %eq3A_742, %broadcast_in_dim3A_743, %select_n3A_720 : vector<16xi1>, vector<16xf32>
    %get3A_745 = arith.constant 1920 : index
    %get3A_746 = tpu.vector_load %arg10[%get3A_745] {strides = array<i32>} : memref<4096xf32, #tpu.memory_space<vmem>>, vector<16xf32>,
    %mul3A_747 = arith.mulf %get3A_746, %get3A_15 : vector<16xf32>
    %get3A_748 = arith.constant 1936 : index
    %get3A_749 = tpu.vector_load %arg10[%get3A_748] {strides = array<i32>} : memref<4096xf32, #tpu.memory_space<vmem>>, vector<16xf32>,
    %mul3A_750 = arith.mulf %get3A_749, %get3A_17 : vector<16xf32>
    %add3A_751 = arith.addf %mul3A_747, %mul3A_750 : vector<16xf32>
    %get3A_752 = arith.constant 1952 : index
    %get3A_753 = tpu.vector_load %arg10[%get3A_752] {strides = array<i32>} : memref<4096xf32, #tpu.memory_space<vmem>>, vector<16xf32>,
    %mul3A_754 = arith.mulf %get3A_753, %get3A_19 : vector<16xf32>
    %add3A_755 = arith.addf %add3A_751, %mul3A_754 : vector<16xf32>
    %get3A_756 = arith.constant 1968 : index
    %get3A_757 = tpu.vector_load %arg10[%get3A_756] {strides = array<i32>} : memref<4096xf32, #tpu.memory_space<vmem>>, vector<16xf32>,
    %mul3A_758 = arith.mulf %get3A_757, %get3A_21 : vector<16xf32>
    %add3A_759 = arith.addf %add3A_755, %mul3A_758 : vector<16xf32>
    %reduce_sum3A_760 = arith.constant true
    %reduce_sum3A_761 = vector.broadcast %reduce_sum3A_760 : i1 to vector<16xi1>
    %reduce_sum3A_762 = tpu.scan <sum>, %add3A_759 masked %reduce_sum3A_761 : vector<16xf32>, vector<16xi1> -> vector<16xf32>
    %reduce_sum3A_763 = vector.extract %reduce_sum3A_762[15] : f32 from vector<16xf32>
    %eq3A_764 = arith.constant 14 : i32
    %eq3A_765 = vector.broadcast %eq3A_764 : i32 to vector<16xi32>
    %eq3A_766 = arith.cmpi eq, %iota3A, %eq3A_765 : vector<16xi32>
    %broadcast_in_dim3A_767 = vector.broadcast %reduce_sum3A_763 : f32 to vector<16xf32>
    %select_n3A_768 = arith.select %eq3A_766, %broadcast_in_dim3A_767, %select_n3A_744 : vector<16xi1>, vector<16xf32>
    %get3A_769 = arith.constant 1984 : index
    %get3A_770 = tpu.vector_load %arg10[%get3A_769] {strides = array<i32>} : memref<4096xf32, #tpu.memory_space<vmem>>, vector<16xf32>,
    %mul3A_771 = arith.mulf %get3A_770, %get3A_15 : vector<16xf32>
    %get3A_772 = arith.constant 2000 : index
    %get3A_773 = tpu.vector_load %arg10[%get3A_772] {strides = array<i32>} : memref<4096xf32, #tpu.memory_space<vmem>>, vector<16xf32>,
    %mul3A_774 = arith.mulf %get3A_773, %get3A_17 : vector<16xf32>
    %add3A_775 = arith.addf %mul3A_771, %mul3A_774 : vector<16xf32>
    %get3A_776 = arith.constant 2016 : index
    %get3A_777 = tpu.vector_load %arg10[%get3A_776] {strides = array<i32>} : memref<4096xf32, #tpu.memory_space<vmem>>, vector<16xf32>,
    %mul3A_778 = arith.mulf %get3A_777, %get3A_19 : vector<16xf32>
    %add3A_779 = arith.addf %add3A_775, %mul3A_778 : vector<16xf32>
    %get3A_780 = arith.constant 2032 : index
    %get3A_781 = tpu.vector_load %arg10[%get3A_780] {strides = array<i32>} : memref<4096xf32, #tpu.memory_space<vmem>>, vector<16xf32>,
    %mul3A_782 = arith.mulf %get3A_781, %get3A_21 : vector<16xf32>
    %add3A_783 = arith.addf %add3A_779, %mul3A_782 : vector<16xf32>
    %reduce_sum3A_784 = arith.constant true
    %reduce_sum3A_785 = vector.broadcast %reduce_sum3A_784 : i1 to vector<16xi1>
    %reduce_sum3A_786 = tpu.scan <sum>, %add3A_783 masked %reduce_sum3A_785 : vector<16xf32>, vector<16xi1> -> vector<16xf32>
    %reduce_sum3A_787 = vector.extract %reduce_sum3A_786[15] : f32 from vector<16xf32>
    %eq3A_788 = arith.constant 15 : i32
    %eq3A_789 = vector.broadcast %eq3A_788 : i32 to vector<16xi32>
    %eq3A_790 = arith.cmpi eq, %iota3A, %eq3A_789 : vector<16xi32>
    %broadcast_in_dim3A_791 = vector.broadcast %reduce_sum3A_787 : f32 to vector<16xf32>
    %select_n3A_792 = arith.select %eq3A_790, %broadcast_in_dim3A_791, %select_n3A_768 : vector<16xi1>, vector<16xf32>
    %swap3A_793 = arith.constant 16 : index
    %swap3A_794 = tpu.vector_load %arg12[%swap3A_793] {strides = array<i32>} : memref<64xf32, #tpu.memory_space<vmem>>, vector<16xf32>,
    tpu.vector_store %arg12[%swap3A_793], %select_n3A_792 {strides = array<i32>} : memref<64xf32, #tpu.memory_space<vmem>>, vector<16xf32>,
    %broadcast_in_dim3A_795 = arith.constant 0.000000e+00 : f32
    %broadcast_in_dim3A_796 = vector.broadcast %broadcast_in_dim3A_795 : f32 to vector<16xf32>
    %get3A_797 = arith.constant 2048 : index
    %get3A_798 = tpu.vector_load %arg10[%get3A_797] {strides = array<i32>} : memref<4096xf32, #tpu.memory_space<vmem>>, vector<16xf32>,
    %mul3A_799 = arith.mulf %get3A_798, %get3A_15 : vector<16xf32>
    %get3A_800 = arith.constant 2064 : index
    %get3A_801 = tpu.vector_load %arg10[%get3A_800] {strides = array<i32>} : memref<4096xf32, #tpu.memory_space<vmem>>, vector<16xf32>,
    %mul3A_802 = arith.mulf %get3A_801, %get3A_17 : vector<16xf32>
    %add3A_803 = arith.addf %mul3A_799, %mul3A_802 : vector<16xf32>
    %get3A_804 = arith.constant 2080 : index
    %get3A_805 = tpu.vector_load %arg10[%get3A_804] {strides = array<i32>} : memref<4096xf32, #tpu.memory_space<vmem>>, vector<16xf32>,
    %mul3A_806 = arith.mulf %get3A_805, %get3A_19 : vector<16xf32>
    %add3A_807 = arith.addf %add3A_803, %mul3A_806 : vector<16xf32>
    %get3A_808 = arith.constant 2096 : index
    %get3A_809 = tpu.vector_load %arg10[%get3A_808] {strides = array<i32>} : memref<4096xf32, #tpu.memory_space<vmem>>, vector<16xf32>,
    %mul3A_810 = arith.mulf %get3A_809, %get3A_21 : vector<16xf32>
    %add3A_811 = arith.addf %add3A_807, %mul3A_810 : vector<16xf32>
    %reduce_sum3A_812 = arith.constant true
    %reduce_sum3A_813 = vector.broadcast %reduce_sum3A_812 : i1 to vector<16xi1>
    %reduce_sum3A_814 = tpu.scan <sum>, %add3A_811 masked %reduce_sum3A_813 : vector<16xf32>, vector<16xi1> -> vector<16xf32>
    %reduce_sum3A_815 = vector.extract %reduce_sum3A_814[15] : f32 from vector<16xf32>
    %eq3A_816 = arith.constant 0 : i32
    %eq3A_817 = vector.broadcast %eq3A_816 : i32 to vector<16xi32>
    %eq3A_818 = arith.cmpi eq, %iota3A, %eq3A_817 : vector<16xi32>
    %broadcast_in_dim3A_819 = vector.broadcast %reduce_sum3A_815 : f32 to vector<16xf32>
    %select_n3A_820 = arith.select %eq3A_818, %broadcast_in_dim3A_819, %broadcast_in_dim3A_796 : vector<16xi1>, vector<16xf32>
    %get3A_821 = arith.constant 2112 : index
    %get3A_822 = tpu.vector_load %arg10[%get3A_821] {strides = array<i32>} : memref<4096xf32, #tpu.memory_space<vmem>>, vector<16xf32>,
    %mul3A_823 = arith.mulf %get3A_822, %get3A_15 : vector<16xf32>
    %get3A_824 = arith.constant 2128 : index
    %get3A_825 = tpu.vector_load %arg10[%get3A_824] {strides = array<i32>} : memref<4096xf32, #tpu.memory_space<vmem>>, vector<16xf32>,
    %mul3A_826 = arith.mulf %get3A_825, %get3A_17 : vector<16xf32>
    %add3A_827 = arith.addf %mul3A_823, %mul3A_826 : vector<16xf32>
    %get3A_828 = arith.constant 2144 : index
    %get3A_829 = tpu.vector_load %arg10[%get3A_828] {strides = array<i32>} : memref<4096xf32, #tpu.memory_space<vmem>>, vector<16xf32>,
    %mul3A_830 = arith.mulf %get3A_829, %get3A_19 : vector<16xf32>
    %add3A_831 = arith.addf %add3A_827, %mul3A_830 : vector<16xf32>
    %get3A_832 = arith.constant 2160 : index
    %get3A_833 = tpu.vector_load %arg10[%get3A_832] {strides = array<i32>} : memref<4096xf32, #tpu.memory_space<vmem>>, vector<16xf32>,
    %mul3A_834 = arith.mulf %get3A_833, %get3A_21 : vector<16xf32>
    %add3A_835 = arith.addf %add3A_831, %mul3A_834 : vector<16xf32>
    %reduce_sum3A_836 = arith.constant true
    %reduce_sum3A_837 = vector.broadcast %reduce_sum3A_836 : i1 to vector<16xi1>
    %reduce_sum3A_838 = tpu.scan <sum>, %add3A_835 masked %reduce_sum3A_837 : vector<16xf32>, vector<16xi1> -> vector<16xf32>
    %reduce_sum3A_839 = vector.extract %reduce_sum3A_838[15] : f32 from vector<16xf32>
    %eq3A_840 = arith.constant 1 : i32
    %eq3A_841 = vector.broadcast %eq3A_840 : i32 to vector<16xi32>
    %eq3A_842 = arith.cmpi eq, %iota3A, %eq3A_841 : vector<16xi32>
    %broadcast_in_dim3A_843 = vector.broadcast %reduce_sum3A_839 : f32 to vector<16xf32>
    %select_n3A_844 = arith.select %eq3A_842, %broadcast_in_dim3A_843, %select_n3A_820 : vector<16xi1>, vector<16xf32>
    %get3A_845 = arith.constant 2176 : index
    %get3A_846 = tpu.vector_load %arg10[%get3A_845] {strides = array<i32>} : memref<4096xf32, #tpu.memory_space<vmem>>, vector<16xf32>,
    %mul3A_847 = arith.mulf %get3A_846, %get3A_15 : vector<16xf32>
    %get3A_848 = arith.constant 2192 : index
    %get3A_849 = tpu.vector_load %arg10[%get3A_848] {strides = array<i32>} : memref<4096xf32, #tpu.memory_space<vmem>>, vector<16xf32>,
    %mul3A_850 = arith.mulf %get3A_849, %get3A_17 : vector<16xf32>
    %add3A_851 = arith.addf %mul3A_847, %mul3A_850 : vector<16xf32>
    %get3A_852 = arith.constant 2208 : index
    %get3A_853 = tpu.vector_load %arg10[%get3A_852] {strides = array<i32>} : memref<4096xf32, #tpu.memory_space<vmem>>, vector<16xf32>,
    %mul3A_854 = arith.mulf %get3A_853, %get3A_19 : vector<16xf32>
    %add3A_855 = arith.addf %add3A_851, %mul3A_854 : vector<16xf32>
    %get3A_856 = arith.constant 2224 : index
    %get3A_857 = tpu.vector_load %arg10[%get3A_856] {strides = array<i32>} : memref<4096xf32, #tpu.memory_space<vmem>>, vector<16xf32>,
    %mul3A_858 = arith.mulf %get3A_857, %get3A_21 : vector<16xf32>
    %add3A_859 = arith.addf %add3A_855, %mul3A_858 : vector<16xf32>
    %reduce_sum3A_860 = arith.constant true
    %reduce_sum3A_861 = vector.broadcast %reduce_sum3A_860 : i1 to vector<16xi1>
    %reduce_sum3A_862 = tpu.scan <sum>, %add3A_859 masked %reduce_sum3A_861 : vector<16xf32>, vector<16xi1> -> vector<16xf32>
    %reduce_sum3A_863 = vector.extract %reduce_sum3A_862[15] : f32 from vector<16xf32>
    %eq3A_864 = arith.constant 2 : i32
    %eq3A_865 = vector.broadcast %eq3A_864 : i32 to vector<16xi32>
    %eq3A_866 = arith.cmpi eq, %iota3A, %eq3A_865 : vector<16xi32>
    %broadcast_in_dim3A_867 = vector.broadcast %reduce_sum3A_863 : f32 to vector<16xf32>
    %select_n3A_868 = arith.select %eq3A_866, %broadcast_in_dim3A_867, %select_n3A_844 : vector<16xi1>, vector<16xf32>
    %get3A_869 = arith.constant 2240 : index
    %get3A_870 = tpu.vector_load %arg10[%get3A_869] {strides = array<i32>} : memref<4096xf32, #tpu.memory_space<vmem>>, vector<16xf32>,
    %mul3A_871 = arith.mulf %get3A_870, %get3A_15 : vector<16xf32>
    %get3A_872 = arith.constant 2256 : index
    %get3A_873 = tpu.vector_load %arg10[%get3A_872] {strides = array<i32>} : memref<4096xf32, #tpu.memory_space<vmem>>, vector<16xf32>,
    %mul3A_874 = arith.mulf %get3A_873, %get3A_17 : vector<16xf32>
    %add3A_875 = arith.addf %mul3A_871, %mul3A_874 : vector<16xf32>
    %get3A_876 = arith.constant 2272 : index
    %get3A_877 = tpu.vector_load %arg10[%get3A_876] {strides = array<i32>} : memref<4096xf32, #tpu.memory_space<vmem>>, vector<16xf32>,
    %mul3A_878 = arith.mulf %get3A_877, %get3A_19 : vector<16xf32>
    %add3A_879 = arith.addf %add3A_875, %mul3A_878 : vector<16xf32>
    %get3A_880 = arith.constant 2288 : index
    %get3A_881 = tpu.vector_load %arg10[%get3A_880] {strides = array<i32>} : memref<4096xf32, #tpu.memory_space<vmem>>, vector<16xf32>,
    %mul3A_882 = arith.mulf %get3A_881, %get3A_21 : vector<16xf32>
    %add3A_883 = arith.addf %add3A_879, %mul3A_882 : vector<16xf32>
    %reduce_sum3A_884 = arith.constant true
    %reduce_sum3A_885 = vector.broadcast %reduce_sum3A_884 : i1 to vector<16xi1>
    %reduce_sum3A_886 = tpu.scan <sum>, %add3A_883 masked %reduce_sum3A_885 : vector<16xf32>, vector<16xi1> -> vector<16xf32>
    %reduce_sum3A_887 = vector.extract %reduce_sum3A_886[15] : f32 from vector<16xf32>
    %eq3A_888 = arith.constant 3 : i32
    %eq3A_889 = vector.broadcast %eq3A_888 : i32 to vector<16xi32>
    %eq3A_890 = arith.cmpi eq, %iota3A, %eq3A_889 : vector<16xi32>
    %broadcast_in_dim3A_891 = vector.broadcast %reduce_sum3A_887 : f32 to vector<16xf32>
    %select_n3A_892 = arith.select %eq3A_890, %broadcast_in_dim3A_891, %select_n3A_868 : vector<16xi1>, vector<16xf32>
    %get3A_893 = arith.constant 2304 : index
    %get3A_894 = tpu.vector_load %arg10[%get3A_893] {strides = array<i32>} : memref<4096xf32, #tpu.memory_space<vmem>>, vector<16xf32>,
    %mul3A_895 = arith.mulf %get3A_894, %get3A_15 : vector<16xf32>
    %get3A_896 = arith.constant 2320 : index
    %get3A_897 = tpu.vector_load %arg10[%get3A_896] {strides = array<i32>} : memref<4096xf32, #tpu.memory_space<vmem>>, vector<16xf32>,
    %mul3A_898 = arith.mulf %get3A_897, %get3A_17 : vector<16xf32>
    %add3A_899 = arith.addf %mul3A_895, %mul3A_898 : vector<16xf32>
    %get3A_900 = arith.constant 2336 : index
    %get3A_901 = tpu.vector_load %arg10[%get3A_900] {strides = array<i32>} : memref<4096xf32, #tpu.memory_space<vmem>>, vector<16xf32>,
    %mul3A_902 = arith.mulf %get3A_901, %get3A_19 : vector<16xf32>
    %add3A_903 = arith.addf %add3A_899, %mul3A_902 : vector<16xf32>
    %get3A_904 = arith.constant 2352 : index
    %get3A_905 = tpu.vector_load %arg10[%get3A_904] {strides = array<i32>} : memref<4096xf32, #tpu.memory_space<vmem>>, vector<16xf32>,
    %mul3A_906 = arith.mulf %get3A_905, %get3A_21 : vector<16xf32>
    %add3A_907 = arith.addf %add3A_903, %mul3A_906 : vector<16xf32>
    %reduce_sum3A_908 = arith.constant true
    %reduce_sum3A_909 = vector.broadcast %reduce_sum3A_908 : i1 to vector<16xi1>
    %reduce_sum3A_910 = tpu.scan <sum>, %add3A_907 masked %reduce_sum3A_909 : vector<16xf32>, vector<16xi1> -> vector<16xf32>
    %reduce_sum3A_911 = vector.extract %reduce_sum3A_910[15] : f32 from vector<16xf32>
    %eq3A_912 = arith.constant 4 : i32
    %eq3A_913 = vector.broadcast %eq3A_912 : i32 to vector<16xi32>
    %eq3A_914 = arith.cmpi eq, %iota3A, %eq3A_913 : vector<16xi32>
    %broadcast_in_dim3A_915 = vector.broadcast %reduce_sum3A_911 : f32 to vector<16xf32>
    %select_n3A_916 = arith.select %eq3A_914, %broadcast_in_dim3A_915, %select_n3A_892 : vector<16xi1>, vector<16xf32>
    %get3A_917 = arith.constant 2368 : index
    %get3A_918 = tpu.vector_load %arg10[%get3A_917] {strides = array<i32>} : memref<4096xf32, #tpu.memory_space<vmem>>, vector<16xf32>,
    %mul3A_919 = arith.mulf %get3A_918, %get3A_15 : vector<16xf32>
    %get3A_920 = arith.constant 2384 : index
    %get3A_921 = tpu.vector_load %arg10[%get3A_920] {strides = array<i32>} : memref<4096xf32, #tpu.memory_space<vmem>>, vector<16xf32>,
    %mul3A_922 = arith.mulf %get3A_921, %get3A_17 : vector<16xf32>
    %add3A_923 = arith.addf %mul3A_919, %mul3A_922 : vector<16xf32>
    %get3A_924 = arith.constant 2400 : index
    %get3A_925 = tpu.vector_load %arg10[%get3A_924] {strides = array<i32>} : memref<4096xf32, #tpu.memory_space<vmem>>, vector<16xf32>,
    %mul3A_926 = arith.mulf %get3A_925, %get3A_19 : vector<16xf32>
    %add3A_927 = arith.addf %add3A_923, %mul3A_926 : vector<16xf32>
    %get3A_928 = arith.constant 2416 : index
    %get3A_929 = tpu.vector_load %arg10[%get3A_928] {strides = array<i32>} : memref<4096xf32, #tpu.memory_space<vmem>>, vector<16xf32>,
    %mul3A_930 = arith.mulf %get3A_929, %get3A_21 : vector<16xf32>
    %add3A_931 = arith.addf %add3A_927, %mul3A_930 : vector<16xf32>
    %reduce_sum3A_932 = arith.constant true
    %reduce_sum3A_933 = vector.broadcast %reduce_sum3A_932 : i1 to vector<16xi1>
    %reduce_sum3A_934 = tpu.scan <sum>, %add3A_931 masked %reduce_sum3A_933 : vector<16xf32>, vector<16xi1> -> vector<16xf32>
    %reduce_sum3A_935 = vector.extract %reduce_sum3A_934[15] : f32 from vector<16xf32>
    %eq3A_936 = arith.constant 5 : i32
    %eq3A_937 = vector.broadcast %eq3A_936 : i32 to vector<16xi32>
    %eq3A_938 = arith.cmpi eq, %iota3A, %eq3A_937 : vector<16xi32>
    %broadcast_in_dim3A_939 = vector.broadcast %reduce_sum3A_935 : f32 to vector<16xf32>
    %select_n3A_940 = arith.select %eq3A_938, %broadcast_in_dim3A_939, %select_n3A_916 : vector<16xi1>, vector<16xf32>
    %get3A_941 = arith.constant 2432 : index
    %get3A_942 = tpu.vector_load %arg10[%get3A_941] {strides = array<i32>} : memref<4096xf32, #tpu.memory_space<vmem>>, vector<16xf32>,
    %mul3A_943 = arith.mulf %get3A_942, %get3A_15 : vector<16xf32>
    %get3A_944 = arith.constant 2448 : index
    %get3A_945 = tpu.vector_load %arg10[%get3A_944] {strides = array<i32>} : memref<4096xf32, #tpu.memory_space<vmem>>, vector<16xf32>,
    %mul3A_946 = arith.mulf %get3A_945, %get3A_17 : vector<16xf32>
    %add3A_947 = arith.addf %mul3A_943, %mul3A_946 : vector<16xf32>
    %get3A_948 = arith.constant 2464 : index
    %get3A_949 = tpu.vector_load %arg10[%get3A_948] {strides = array<i32>} : memref<4096xf32, #tpu.memory_space<vmem>>, vector<16xf32>,
    %mul3A_950 = arith.mulf %get3A_949, %get3A_19 : vector<16xf32>
    %add3A_951 = arith.addf %add3A_947, %mul3A_950 : vector<16xf32>
    %get3A_952 = arith.constant 2480 : index
    %get3A_953 = tpu.vector_load %arg10[%get3A_952] {strides = array<i32>} : memref<4096xf32, #tpu.memory_space<vmem>>, vector<16xf32>,
    %mul3A_954 = arith.mulf %get3A_953, %get3A_21 : vector<16xf32>
    %add3A_955 = arith.addf %add3A_951, %mul3A_954 : vector<16xf32>
    %reduce_sum3A_956 = arith.constant true
    %reduce_sum3A_957 = vector.broadcast %reduce_sum3A_956 : i1 to vector<16xi1>
    %reduce_sum3A_958 = tpu.scan <sum>, %add3A_955 masked %reduce_sum3A_957 : vector<16xf32>, vector<16xi1> -> vector<16xf32>
    %reduce_sum3A_959 = vector.extract %reduce_sum3A_958[15] : f32 from vector<16xf32>
    %eq3A_960 = arith.constant 6 : i32
    %eq3A_961 = vector.broadcast %eq3A_960 : i32 to vector<16xi32>
    %eq3A_962 = arith.cmpi eq, %iota3A, %eq3A_961 : vector<16xi32>
    %broadcast_in_dim3A_963 = vector.broadcast %reduce_sum3A_959 : f32 to vector<16xf32>
    %select_n3A_964 = arith.select %eq3A_962, %broadcast_in_dim3A_963, %select_n3A_940 : vector<16xi1>, vector<16xf32>
    %get3A_965 = arith.constant 2496 : index
    %get3A_966 = tpu.vector_load %arg10[%get3A_965] {strides = array<i32>} : memref<4096xf32, #tpu.memory_space<vmem>>, vector<16xf32>,
    %mul3A_967 = arith.mulf %get3A_966, %get3A_15 : vector<16xf32>
    %get3A_968 = arith.constant 2512 : index
    %get3A_969 = tpu.vector_load %arg10[%get3A_968] {strides = array<i32>} : memref<4096xf32, #tpu.memory_space<vmem>>, vector<16xf32>,
    %mul3A_970 = arith.mulf %get3A_969, %get3A_17 : vector<16xf32>
    %add3A_971 = arith.addf %mul3A_967, %mul3A_970 : vector<16xf32>
    %get3A_972 = arith.constant 2528 : index
    %get3A_973 = tpu.vector_load %arg10[%get3A_972] {strides = array<i32>} : memref<4096xf32, #tpu.memory_space<vmem>>, vector<16xf32>,
    %mul3A_974 = arith.mulf %get3A_973, %get3A_19 : vector<16xf32>
    %add3A_975 = arith.addf %add3A_971, %mul3A_974 : vector<16xf32>
    %get3A_976 = arith.constant 2544 : index
    %get3A_977 = tpu.vector_load %arg10[%get3A_976] {strides = array<i32>} : memref<4096xf32, #tpu.memory_space<vmem>>, vector<16xf32>,
    %mul3A_978 = arith.mulf %get3A_977, %get3A_21 : vector<16xf32>
    %add3A_979 = arith.addf %add3A_975, %mul3A_978 : vector<16xf32>
    %reduce_sum3A_980 = arith.constant true
    %reduce_sum3A_981 = vector.broadcast %reduce_sum3A_980 : i1 to vector<16xi1>
    %reduce_sum3A_982 = tpu.scan <sum>, %add3A_979 masked %reduce_sum3A_981 : vector<16xf32>, vector<16xi1> -> vector<16xf32>
    %reduce_sum3A_983 = vector.extract %reduce_sum3A_982[15] : f32 from vector<16xf32>
    %eq3A_984 = arith.constant 7 : i32
    %eq3A_985 = vector.broadcast %eq3A_984 : i32 to vector<16xi32>
    %eq3A_986 = arith.cmpi eq, %iota3A, %eq3A_985 : vector<16xi32>
    %broadcast_in_dim3A_987 = vector.broadcast %reduce_sum3A_983 : f32 to vector<16xf32>
    %select_n3A_988 = arith.select %eq3A_986, %broadcast_in_dim3A_987, %select_n3A_964 : vector<16xi1>, vector<16xf32>
    %get3A_989 = arith.constant 2560 : index
    %get3A_990 = tpu.vector_load %arg10[%get3A_989] {strides = array<i32>} : memref<4096xf32, #tpu.memory_space<vmem>>, vector<16xf32>,
    %mul3A_991 = arith.mulf %get3A_990, %get3A_15 : vector<16xf32>
    %get3A_992 = arith.constant 2576 : index
    %get3A_993 = tpu.vector_load %arg10[%get3A_992] {strides = array<i32>} : memref<4096xf32, #tpu.memory_space<vmem>>, vector<16xf32>,
    %mul3A_994 = arith.mulf %get3A_993, %get3A_17 : vector<16xf32>
    %add3A_995 = arith.addf %mul3A_991, %mul3A_994 : vector<16xf32>
    %get3A_996 = arith.constant 2592 : index
    %get3A_997 = tpu.vector_load %arg10[%get3A_996] {strides = array<i32>} : memref<4096xf32, #tpu.memory_space<vmem>>, vector<16xf32>,
    %mul3A_998 = arith.mulf %get3A_997, %get3A_19 : vector<16xf32>
    %add3A_999 = arith.addf %add3A_995, %mul3A_998 : vector<16xf32>
    %get3A_1000 = arith.constant 2608 : index
    %get3A_1001 = tpu.vector_load %arg10[%get3A_1000] {strides = array<i32>} : memref<4096xf32, #tpu.memory_space<vmem>>, vector<16xf32>,
    %mul3A_1002 = arith.mulf %get3A_1001, %get3A_21 : vector<16xf32>
    %add3A_1003 = arith.addf %add3A_999, %mul3A_1002 : vector<16xf32>
    %reduce_sum3A_1004 = arith.constant true
    %reduce_sum3A_1005 = vector.broadcast %reduce_sum3A_1004 : i1 to vector<16xi1>
    %reduce_sum3A_1006 = tpu.scan <sum>, %add3A_1003 masked %reduce_sum3A_1005 : vector<16xf32>, vector<16xi1> -> vector<16xf32>
    %reduce_sum3A_1007 = vector.extract %reduce_sum3A_1006[15] : f32 from vector<16xf32>
    %eq3A_1008 = arith.constant 8 : i32
    %eq3A_1009 = vector.broadcast %eq3A_1008 : i32 to vector<16xi32>
    %eq3A_1010 = arith.cmpi eq, %iota3A, %eq3A_1009 : vector<16xi32>
    %broadcast_in_dim3A_1011 = vector.broadcast %reduce_sum3A_1007 : f32 to vector<16xf32>
    %select_n3A_1012 = arith.select %eq3A_1010, %broadcast_in_dim3A_1011, %select_n3A_988 : vector<16xi1>, vector<16xf32>
    %get3A_1013 = arith.constant 2624 : index
    %get3A_1014 = tpu.vector_load %arg10[%get3A_1013] {strides = array<i32>} : memref<4096xf32, #tpu.memory_space<vmem>>, vector<16xf32>,
    %mul3A_1015 = arith.mulf %get3A_1014, %get3A_15 : vector<16xf32>
    %get3A_1016 = arith.constant 2640 : index
    %get3A_1017 = tpu.vector_load %arg10[%get3A_1016] {strides = array<i32>} : memref<4096xf32, #tpu.memory_space<vmem>>, vector<16xf32>,
    %mul3A_1018 = arith.mulf %get3A_1017, %get3A_17 : vector<16xf32>
    %add3A_1019 = arith.addf %mul3A_1015, %mul3A_1018 : vector<16xf32>
    %get3A_1020 = arith.constant 2656 : index
    %get3A_1021 = tpu.vector_load %arg10[%get3A_1020] {strides = array<i32>} : memref<4096xf32, #tpu.memory_space<vmem>>, vector<16xf32>,
    %mul3A_1022 = arith.mulf %get3A_1021, %get3A_19 : vector<16xf32>
    %add3A_1023 = arith.addf %add3A_1019, %mul3A_1022 : vector<16xf32>
    %get3A_1024 = arith.constant 2672 : index
    %get3A_1025 = tpu.vector_load %arg10[%get3A_1024] {strides = array<i32>} : memref<4096xf32, #tpu.memory_space<vmem>>, vector<16xf32>,
    %mul3A_1026 = arith.mulf %get3A_1025, %get3A_21 : vector<16xf32>
    %add3A_1027 = arith.addf %add3A_1023, %mul3A_1026 : vector<16xf32>
    %reduce_sum3A_1028 = arith.constant true
    %reduce_sum3A_1029 = vector.broadcast %reduce_sum3A_1028 : i1 to vector<16xi1>
    %reduce_sum3A_1030 = tpu.scan <sum>, %add3A_1027 masked %reduce_sum3A_1029 : vector<16xf32>, vector<16xi1> -> vector<16xf32>
    %reduce_sum3A_1031 = vector.extract %reduce_sum3A_1030[15] : f32 from vector<16xf32>
    %eq3A_1032 = arith.constant 9 : i32
    %eq3A_1033 = vector.broadcast %eq3A_1032 : i32 to vector<16xi32>
    %eq3A_1034 = arith.cmpi eq, %iota3A, %eq3A_1033 : vector<16xi32>
    %broadcast_in_dim3A_1035 = vector.broadcast %reduce_sum3A_1031 : f32 to vector<16xf32>
    %select_n3A_1036 = arith.select %eq3A_1034, %broadcast_in_dim3A_1035, %select_n3A_1012 : vector<16xi1>, vector<16xf32>
    %get3A_1037 = arith.constant 2688 : index
    %get3A_1038 = tpu.vector_load %arg10[%get3A_1037] {strides = array<i32>} : memref<4096xf32, #tpu.memory_space<vmem>>, vector<16xf32>,
    %mul3A_1039 = arith.mulf %get3A_1038, %get3A_15 : vector<16xf32>
    %get3A_1040 = arith.constant 2704 : index
    %get3A_1041 = tpu.vector_load %arg10[%get3A_1040] {strides = array<i32>} : memref<4096xf32, #tpu.memory_space<vmem>>, vector<16xf32>,
    %mul3A_1042 = arith.mulf %get3A_1041, %get3A_17 : vector<16xf32>
    %add3A_1043 = arith.addf %mul3A_1039, %mul3A_1042 : vector<16xf32>
    %get3A_1044 = arith.constant 2720 : index
    %get3A_1045 = tpu.vector_load %arg10[%get3A_1044] {strides = array<i32>} : memref<4096xf32, #tpu.memory_space<vmem>>, vector<16xf32>,
    %mul3A_1046 = arith.mulf %get3A_1045, %get3A_19 : vector<16xf32>
    %add3A_1047 = arith.addf %add3A_1043, %mul3A_1046 : vector<16xf32>
    %get3A_1048 = arith.constant 2736 : index
    %get3A_1049 = tpu.vector_load %arg10[%get3A_1048] {strides = array<i32>} : memref<4096xf32, #tpu.memory_space<vmem>>, vector<16xf32>,
    %mul3A_1050 = arith.mulf %get3A_1049, %get3A_21 : vector<16xf32>
    %add3A_1051 = arith.addf %add3A_1047, %mul3A_1050 : vector<16xf32>
    %reduce_sum3A_1052 = arith.constant true
    %reduce_sum3A_1053 = vector.broadcast %reduce_sum3A_1052 : i1 to vector<16xi1>
    %reduce_sum3A_1054 = tpu.scan <sum>, %add3A_1051 masked %reduce_sum3A_1053 : vector<16xf32>, vector<16xi1> -> vector<16xf32>
    %reduce_sum3A_1055 = vector.extract %reduce_sum3A_1054[15] : f32 from vector<16xf32>
    %eq3A_1056 = arith.constant 10 : i32
    %eq3A_1057 = vector.broadcast %eq3A_1056 : i32 to vector<16xi32>
    %eq3A_1058 = arith.cmpi eq, %iota3A, %eq3A_1057 : vector<16xi32>
    %broadcast_in_dim3A_1059 = vector.broadcast %reduce_sum3A_1055 : f32 to vector<16xf32>
    %select_n3A_1060 = arith.select %eq3A_1058, %broadcast_in_dim3A_1059, %select_n3A_1036 : vector<16xi1>, vector<16xf32>
    %get3A_1061 = arith.constant 2752 : index
    %get3A_1062 = tpu.vector_load %arg10[%get3A_1061] {strides = array<i32>} : memref<4096xf32, #tpu.memory_space<vmem>>, vector<16xf32>,
    %mul3A_1063 = arith.mulf %get3A_1062, %get3A_15 : vector<16xf32>
    %get3A_1064 = arith.constant 2768 : index
    %get3A_1065 = tpu.vector_load %arg10[%get3A_1064] {strides = array<i32>} : memref<4096xf32, #tpu.memory_space<vmem>>, vector<16xf32>,
    %mul3A_1066 = arith.mulf %get3A_1065, %get3A_17 : vector<16xf32>
    %add3A_1067 = arith.addf %mul3A_1063, %mul3A_1066 : vector<16xf32>
    %get3A_1068 = arith.constant 2784 : index
    %get3A_1069 = tpu.vector_load %arg10[%get3A_1068] {strides = array<i32>} : memref<4096xf32, #tpu.memory_space<vmem>>, vector<16xf32>,
    %mul3A_1070 = arith.mulf %get3A_1069, %get3A_19 : vector<16xf32>
    %add3A_1071 = arith.addf %add3A_1067, %mul3A_1070 : vector<16xf32>
    %get3A_1072 = arith.constant 2800 : index
    %get3A_1073 = tpu.vector_load %arg10[%get3A_1072] {strides = array<i32>} : memref<4096xf32, #tpu.memory_space<vmem>>, vector<16xf32>,
    %mul3A_1074 = arith.mulf %get3A_1073, %get3A_21 : vector<16xf32>
    %add3A_1075 = arith.addf %add3A_1071, %mul3A_1074 : vector<16xf32>
    %reduce_sum3A_1076 = arith.constant true
    %reduce_sum3A_1077 = vector.broadcast %reduce_sum3A_1076 : i1 to vector<16xi1>
    %reduce_sum3A_1078 = tpu.scan <sum>, %add3A_1075 masked %reduce_sum3A_1077 : vector<16xf32>, vector<16xi1> -> vector<16xf32>
    %reduce_sum3A_1079 = vector.extract %reduce_sum3A_1078[15] : f32 from vector<16xf32>
    %eq3A_1080 = arith.constant 11 : i32
    %eq3A_1081 = vector.broadcast %eq3A_1080 : i32 to vector<16xi32>
    %eq3A_1082 = arith.cmpi eq, %iota3A, %eq3A_1081 : vector<16xi32>
    %broadcast_in_dim3A_1083 = vector.broadcast %reduce_sum3A_1079 : f32 to vector<16xf32>
    %select_n3A_1084 = arith.select %eq3A_1082, %broadcast_in_dim3A_1083, %select_n3A_1060 : vector<16xi1>, vector<16xf32>
    %get3A_1085 = arith.constant 2816 : index
    %get3A_1086 = tpu.vector_load %arg10[%get3A_1085] {strides = array<i32>} : memref<4096xf32, #tpu.memory_space<vmem>>, vector<16xf32>,
    %mul3A_1087 = arith.mulf %get3A_1086, %get3A_15 : vector<16xf32>
    %get3A_1088 = arith.constant 2832 : index
    %get3A_1089 = tpu.vector_load %arg10[%get3A_1088] {strides = array<i32>} : memref<4096xf32, #tpu.memory_space<vmem>>, vector<16xf32>,
    %mul3A_1090 = arith.mulf %get3A_1089, %get3A_17 : vector<16xf32>
    %add3A_1091 = arith.addf %mul3A_1087, %mul3A_1090 : vector<16xf32>
    %get3A_1092 = arith.constant 2848 : index
    %get3A_1093 = tpu.vector_load %arg10[%get3A_1092] {strides = array<i32>} : memref<4096xf32, #tpu.memory_space<vmem>>, vector<16xf32>,
    %mul3A_1094 = arith.mulf %get3A_1093, %get3A_19 : vector<16xf32>
    %add3A_1095 = arith.addf %add3A_1091, %mul3A_1094 : vector<16xf32>
    %get3A_1096 = arith.constant 2864 : index
    %get3A_1097 = tpu.vector_load %arg10[%get3A_1096] {strides = array<i32>} : memref<4096xf32, #tpu.memory_space<vmem>>, vector<16xf32>,
    %mul3A_1098 = arith.mulf %get3A_1097, %get3A_21 : vector<16xf32>
    %add3A_1099 = arith.addf %add3A_1095, %mul3A_1098 : vector<16xf32>
    %reduce_sum3A_1100 = arith.constant true
    %reduce_sum3A_1101 = vector.broadcast %reduce_sum3A_1100 : i1 to vector<16xi1>
    %reduce_sum3A_1102 = tpu.scan <sum>, %add3A_1099 masked %reduce_sum3A_1101 : vector<16xf32>, vector<16xi1> -> vector<16xf32>
    %reduce_sum3A_1103 = vector.extract %reduce_sum3A_1102[15] : f32 from vector<16xf32>
    %eq3A_1104 = arith.constant 12 : i32
    %eq3A_1105 = vector.broadcast %eq3A_1104 : i32 to vector<16xi32>
    %eq3A_1106 = arith.cmpi eq, %iota3A, %eq3A_1105 : vector<16xi32>
    %broadcast_in_dim3A_1107 = vector.broadcast %reduce_sum3A_1103 : f32 to vector<16xf32>
    %select_n3A_1108 = arith.select %eq3A_1106, %broadcast_in_dim3A_1107, %select_n3A_1084 : vector<16xi1>, vector<16xf32>
    %get3A_1109 = arith.constant 2880 : index
    %get3A_1110 = tpu.vector_load %arg10[%get3A_1109] {strides = array<i32>} : memref<4096xf32, #tpu.memory_space<vmem>>, vector<16xf32>,
    %mul3A_1111 = arith.mulf %get3A_1110, %get3A_15 : vector<16xf32>
    %get3A_1112 = arith.constant 2896 : index
    %get3A_1113 = tpu.vector_load %arg10[%get3A_1112] {strides = array<i32>} : memref<4096xf32, #tpu.memory_space<vmem>>, vector<16xf32>,
    %mul3A_1114 = arith.mulf %get3A_1113, %get3A_17 : vector<16xf32>
    %add3A_1115 = arith.addf %mul3A_1111, %mul3A_1114 : vector<16xf32>
    %get3A_1116 = arith.constant 2912 : index
    %get3A_1117 = tpu.vector_load %arg10[%get3A_1116] {strides = array<i32>} : memref<4096xf32, #tpu.memory_space<vmem>>, vector<16xf32>,
    %mul3A_1118 = arith.mulf %get3A_1117, %get3A_19 : vector<16xf32>
    %add3A_1119 = arith.addf %add3A_1115, %mul3A_1118 : vector<16xf32>
    %get3A_1120 = arith.constant 2928 : index
    %get3A_1121 = tpu.vector_load %arg10[%get3A_1120] {strides = array<i32>} : memref<4096xf32, #tpu.memory_space<vmem>>, vector<16xf32>,
    %mul3A_1122 = arith.mulf %get3A_1121, %get3A_21 : vector<16xf32>
    %add3A_1123 = arith.addf %add3A_1119, %mul3A_1122 : vector<16xf32>
    %reduce_sum3A_1124 = arith.constant true
    %reduce_sum3A_1125 = vector.broadcast %reduce_sum3A_1124 : i1 to vector<16xi1>
    %reduce_sum3A_1126 = tpu.scan <sum>, %add3A_1123 masked %reduce_sum3A_1125 : vector<16xf32>, vector<16xi1> -> vector<16xf32>
    %reduce_sum3A_1127 = vector.extract %reduce_sum3A_1126[15] : f32 from vector<16xf32>
    %eq3A_1128 = arith.constant 13 : i32
    %eq3A_1129 = vector.broadcast %eq3A_1128 : i32 to vector<16xi32>
    %eq3A_1130 = arith.cmpi eq, %iota3A, %eq3A_1129 : vector<16xi32>
    %broadcast_in_dim3A_1131 = vector.broadcast %reduce_sum3A_1127 : f32 to vector<16xf32>
    %select_n3A_1132 = arith.select %eq3A_1130, %broadcast_in_dim3A_1131, %select_n3A_1108 : vector<16xi1>, vector<16xf32>
    %get3A_1133 = arith.constant 2944 : index
    %get3A_1134 = tpu.vector_load %arg10[%get3A_1133] {strides = array<i32>} : memref<4096xf32, #tpu.memory_space<vmem>>, vector<16xf32>,
    %mul3A_1135 = arith.mulf %get3A_1134, %get3A_15 : vector<16xf32>
    %get3A_1136 = arith.constant 2960 : index
    %get3A_1137 = tpu.vector_load %arg10[%get3A_1136] {strides = array<i32>} : memref<4096xf32, #tpu.memory_space<vmem>>, vector<16xf32>,
    %mul3A_1138 = arith.mulf %get3A_1137, %get3A_17 : vector<16xf32>
    %add3A_1139 = arith.addf %mul3A_1135, %mul3A_1138 : vector<16xf32>
    %get3A_1140 = arith.constant 2976 : index
    %get3A_1141 = tpu.vector_load %arg10[%get3A_1140] {strides = array<i32>} : memref<4096xf32, #tpu.memory_space<vmem>>, vector<16xf32>,
    %mul3A_1142 = arith.mulf %get3A_1141, %get3A_19 : vector<16xf32>
    %add3A_1143 = arith.addf %add3A_1139, %mul3A_1142 : vector<16xf32>
    %get3A_1144 = arith.constant 2992 : index
    %get3A_1145 = tpu.vector_load %arg10[%get3A_1144] {strides = array<i32>} : memref<4096xf32, #tpu.memory_space<vmem>>, vector<16xf32>,
    %mul3A_1146 = arith.mulf %get3A_1145, %get3A_21 : vector<16xf32>
    %add3A_1147 = arith.addf %add3A_1143, %mul3A_1146 : vector<16xf32>
    %reduce_sum3A_1148 = arith.constant true
    %reduce_sum3A_1149 = vector.broadcast %reduce_sum3A_1148 : i1 to vector<16xi1>
    %reduce_sum3A_1150 = tpu.scan <sum>, %add3A_1147 masked %reduce_sum3A_1149 : vector<16xf32>, vector<16xi1> -> vector<16xf32>
    %reduce_sum3A_1151 = vector.extract %reduce_sum3A_1150[15] : f32 from vector<16xf32>
    %eq3A_1152 = arith.constant 14 : i32
    %eq3A_1153 = vector.broadcast %eq3A_1152 : i32 to vector<16xi32>
    %eq3A_1154 = arith.cmpi eq, %iota3A, %eq3A_1153 : vector<16xi32>
    %broadcast_in_dim3A_1155 = vector.broadcast %reduce_sum3A_1151 : f32 to vector<16xf32>
    %select_n3A_1156 = arith.select %eq3A_1154, %broadcast_in_dim3A_1155, %select_n3A_1132 : vector<16xi1>, vector<16xf32>
    %get3A_1157 = arith.constant 3008 : index
    %get3A_1158 = tpu.vector_load %arg10[%get3A_1157] {strides = array<i32>} : memref<4096xf32, #tpu.memory_space<vmem>>, vector<16xf32>,
    %mul3A_1159 = arith.mulf %get3A_1158, %get3A_15 : vector<16xf32>
    %get3A_1160 = arith.constant 3024 : index
    %get3A_1161 = tpu.vector_load %arg10[%get3A_1160] {strides = array<i32>} : memref<4096xf32, #tpu.memory_space<vmem>>, vector<16xf32>,
    %mul3A_1162 = arith.mulf %get3A_1161, %get3A_17 : vector<16xf32>
    %add3A_1163 = arith.addf %mul3A_1159, %mul3A_1162 : vector<16xf32>
    %get3A_1164 = arith.constant 3040 : index
    %get3A_1165 = tpu.vector_load %arg10[%get3A_1164] {strides = array<i32>} : memref<4096xf32, #tpu.memory_space<vmem>>, vector<16xf32>,
    %mul3A_1166 = arith.mulf %get3A_1165, %get3A_19 : vector<16xf32>
    %add3A_1167 = arith.addf %add3A_1163, %mul3A_1166 : vector<16xf32>
    %get3A_1168 = arith.constant 3056 : index
    %get3A_1169 = tpu.vector_load %arg10[%get3A_1168] {strides = array<i32>} : memref<4096xf32, #tpu.memory_space<vmem>>, vector<16xf32>,
    %mul3A_1170 = arith.mulf %get3A_1169, %get3A_21 : vector<16xf32>
    %add3A_1171 = arith.addf %add3A_1167, %mul3A_1170 : vector<16xf32>
    %reduce_sum3A_1172 = arith.constant true
    %reduce_sum3A_1173 = vector.broadcast %reduce_sum3A_1172 : i1 to vector<16xi1>
    %reduce_sum3A_1174 = tpu.scan <sum>, %add3A_1171 masked %reduce_sum3A_1173 : vector<16xf32>, vector<16xi1> -> vector<16xf32>
    %reduce_sum3A_1175 = vector.extract %reduce_sum3A_1174[15] : f32 from vector<16xf32>
    %eq3A_1176 = arith.constant 15 : i32
    %eq3A_1177 = vector.broadcast %eq3A_1176 : i32 to vector<16xi32>
    %eq3A_1178 = arith.cmpi eq, %iota3A, %eq3A_1177 : vector<16xi32>
    %broadcast_in_dim3A_1179 = vector.broadcast %reduce_sum3A_1175 : f32 to vector<16xf32>
    %select_n3A_1180 = arith.select %eq3A_1178, %broadcast_in_dim3A_1179, %select_n3A_1156 : vector<16xi1>, vector<16xf32>
    %swap3A_1181 = arith.constant 32 : index
    %swap3A_1182 = tpu.vector_load %arg12[%swap3A_1181] {strides = array<i32>} : memref<64xf32, #tpu.memory_space<vmem>>, vector<16xf32>,
    tpu.vector_store %arg12[%swap3A_1181], %select_n3A_1180 {strides = array<i32>} : memref<64xf32, #tpu.memory_space<vmem>>, vector<16xf32>,
    %broadcast_in_dim3A_1183 = arith.constant 0.000000e+00 : f32
    %broadcast_in_dim3A_1184 = vector.broadcast %broadcast_in_dim3A_1183 : f32 to vector<16xf32>
    %get3A_1185 = arith.constant 3072 : index
    %get3A_1186 = tpu.vector_load %arg10[%get3A_1185] {strides = array<i32>} : memref<4096xf32, #tpu.memory_space<vmem>>, vector<16xf32>,
    %mul3A_1187 = arith.mulf %get3A_1186, %get3A_15 : vector<16xf32>
    %get3A_1188 = arith.constant 3088 : index
    %get3A_1189 = tpu.vector_load %arg10[%get3A_1188] {strides = array<i32>} : memref<4096xf32, #tpu.memory_space<vmem>>, vector<16xf32>,
    %mul3A_1190 = arith.mulf %get3A_1189, %get3A_17 : vector<16xf32>
    %add3A_1191 = arith.addf %mul3A_1187, %mul3A_1190 : vector<16xf32>
    %get3A_1192 = arith.constant 3104 : index
    %get3A_1193 = tpu.vector_load %arg10[%get3A_1192] {strides = array<i32>} : memref<4096xf32, #tpu.memory_space<vmem>>, vector<16xf32>,
    %mul3A_1194 = arith.mulf %get3A_1193, %get3A_19 : vector<16xf32>
    %add3A_1195 = arith.addf %add3A_1191, %mul3A_1194 : vector<16xf32>
    %get3A_1196 = arith.constant 3120 : index
    %get3A_1197 = tpu.vector_load %arg10[%get3A_1196] {strides = array<i32>} : memref<4096xf32, #tpu.memory_space<vmem>>, vector<16xf32>,
    %mul3A_1198 = arith.mulf %get3A_1197, %get3A_21 : vector<16xf32>
    %add3A_1199 = arith.addf %add3A_1195, %mul3A_1198 : vector<16xf32>
    %reduce_sum3A_1200 = arith.constant true
    %reduce_sum3A_1201 = vector.broadcast %reduce_sum3A_1200 : i1 to vector<16xi1>
    %reduce_sum3A_1202 = tpu.scan <sum>, %add3A_1199 masked %reduce_sum3A_1201 : vector<16xf32>, vector<16xi1> -> vector<16xf32>
    %reduce_sum3A_1203 = vector.extract %reduce_sum3A_1202[15] : f32 from vector<16xf32>
    %eq3A_1204 = arith.constant 0 : i32
    %eq3A_1205 = vector.broadcast %eq3A_1204 : i32 to vector<16xi32>
    %eq3A_1206 = arith.cmpi eq, %iota3A, %eq3A_1205 : vector<16xi32>
    %broadcast_in_dim3A_1207 = vector.broadcast %reduce_sum3A_1203 : f32 to vector<16xf32>
    %select_n3A_1208 = arith.select %eq3A_1206, %broadcast_in_dim3A_1207, %broadcast_in_dim3A_1184 : vector<16xi1>, vector<16xf32>
    %get3A_1209 = arith.constant 3136 : index
    %get3A_1210 = tpu.vector_load %arg10[%get3A_1209] {strides = array<i32>} : memref<4096xf32, #tpu.memory_space<vmem>>, vector<16xf32>,
    %mul3A_1211 = arith.mulf %get3A_1210, %get3A_15 : vector<16xf32>
    %get3A_1212 = arith.constant 3152 : index
    %get3A_1213 = tpu.vector_load %arg10[%get3A_1212] {strides = array<i32>} : memref<4096xf32, #tpu.memory_space<vmem>>, vector<16xf32>,
    %mul3A_1214 = arith.mulf %get3A_1213, %get3A_17 : vector<16xf32>
    %add3A_1215 = arith.addf %mul3A_1211, %mul3A_1214 : vector<16xf32>
    %get3A_1216 = arith.constant 3168 : index
    %get3A_1217 = tpu.vector_load %arg10[%get3A_1216] {strides = array<i32>} : memref<4096xf32, #tpu.memory_space<vmem>>, vector<16xf32>,
    %mul3A_1218 = arith.mulf %get3A_1217, %get3A_19 : vector<16xf32>
    %add3A_1219 = arith.addf %add3A_1215, %mul3A_1218 : vector<16xf32>
    %get3A_1220 = arith.constant 3184 : index
    %get3A_1221 = tpu.vector_load %arg10[%get3A_1220] {strides = array<i32>} : memref<4096xf32, #tpu.memory_space<vmem>>, vector<16xf32>,
    %mul3A_1222 = arith.mulf %get3A_1221, %get3A_21 : vector<16xf32>
    %add3A_1223 = arith.addf %add3A_1219, %mul3A_1222 : vector<16xf32>
    %reduce_sum3A_1224 = arith.constant true
    %reduce_sum3A_1225 = vector.broadcast %reduce_sum3A_1224 : i1 to vector<16xi1>
    %reduce_sum3A_1226 = tpu.scan <sum>, %add3A_1223 masked %reduce_sum3A_1225 : vector<16xf32>, vector<16xi1> -> vector<16xf32>
    %reduce_sum3A_1227 = vector.extract %reduce_sum3A_1226[15] : f32 from vector<16xf32>
    %eq3A_1228 = arith.constant 1 : i32
    %eq3A_1229 = vector.broadcast %eq3A_1228 : i32 to vector<16xi32>
    %eq3A_1230 = arith.cmpi eq, %iota3A, %eq3A_1229 : vector<16xi32>
    %broadcast_in_dim3A_1231 = vector.broadcast %reduce_sum3A_1227 : f32 to vector<16xf32>
    %select_n3A_1232 = arith.select %eq3A_1230, %broadcast_in_dim3A_1231, %select_n3A_1208 : vector<16xi1>, vector<16xf32>
    %get3A_1233 = arith.constant 3200 : index
    %get3A_1234 = tpu.vector_load %arg10[%get3A_1233] {strides = array<i32>} : memref<4096xf32, #tpu.memory_space<vmem>>, vector<16xf32>,
    %mul3A_1235 = arith.mulf %get3A_1234, %get3A_15 : vector<16xf32>
    %get3A_1236 = arith.constant 3216 : index
    %get3A_1237 = tpu.vector_load %arg10[%get3A_1236] {strides = array<i32>} : memref<4096xf32, #tpu.memory_space<vmem>>, vector<16xf32>,
    %mul3A_1238 = arith.mulf %get3A_1237, %get3A_17 : vector<16xf32>
    %add3A_1239 = arith.addf %mul3A_1235, %mul3A_1238 : vector<16xf32>
    %get3A_1240 = arith.constant 3232 : index
    %get3A_1241 = tpu.vector_load %arg10[%get3A_1240] {strides = array<i32>} : memref<4096xf32, #tpu.memory_space<vmem>>, vector<16xf32>,
    %mul3A_1242 = arith.mulf %get3A_1241, %get3A_19 : vector<16xf32>
    %add3A_1243 = arith.addf %add3A_1239, %mul3A_1242 : vector<16xf32>
    %get3A_1244 = arith.constant 3248 : index
    %get3A_1245 = tpu.vector_load %arg10[%get3A_1244] {strides = array<i32>} : memref<4096xf32, #tpu.memory_space<vmem>>, vector<16xf32>,
    %mul3A_1246 = arith.mulf %get3A_1245, %get3A_21 : vector<16xf32>
    %add3A_1247 = arith.addf %add3A_1243, %mul3A_1246 : vector<16xf32>
    %reduce_sum3A_1248 = arith.constant true
    %reduce_sum3A_1249 = vector.broadcast %reduce_sum3A_1248 : i1 to vector<16xi1>
    %reduce_sum3A_1250 = tpu.scan <sum>, %add3A_1247 masked %reduce_sum3A_1249 : vector<16xf32>, vector<16xi1> -> vector<16xf32>
    %reduce_sum3A_1251 = vector.extract %reduce_sum3A_1250[15] : f32 from vector<16xf32>
    %eq3A_1252 = arith.constant 2 : i32
    %eq3A_1253 = vector.broadcast %eq3A_1252 : i32 to vector<16xi32>
    %eq3A_1254 = arith.cmpi eq, %iota3A, %eq3A_1253 : vector<16xi32>
    %broadcast_in_dim3A_1255 = vector.broadcast %reduce_sum3A_1251 : f32 to vector<16xf32>
    %select_n3A_1256 = arith.select %eq3A_1254, %broadcast_in_dim3A_1255, %select_n3A_1232 : vector<16xi1>, vector<16xf32>
    %get3A_1257 = arith.constant 3264 : index
    %get3A_1258 = tpu.vector_load %arg10[%get3A_1257] {strides = array<i32>} : memref<4096xf32, #tpu.memory_space<vmem>>, vector<16xf32>,
    %mul3A_1259 = arith.mulf %get3A_1258, %get3A_15 : vector<16xf32>
    %get3A_1260 = arith.constant 3280 : index
    %get3A_1261 = tpu.vector_load %arg10[%get3A_1260] {strides = array<i32>} : memref<4096xf32, #tpu.memory_space<vmem>>, vector<16xf32>,
    %mul3A_1262 = arith.mulf %get3A_1261, %get3A_17 : vector<16xf32>
    %add3A_1263 = arith.addf %mul3A_1259, %mul3A_1262 : vector<16xf32>
    %get3A_1264 = arith.constant 3296 : index
    %get3A_1265 = tpu.vector_load %arg10[%get3A_1264] {strides = array<i32>} : memref<4096xf32, #tpu.memory_space<vmem>>, vector<16xf32>,
    %mul3A_1266 = arith.mulf %get3A_1265, %get3A_19 : vector<16xf32>
    %add3A_1267 = arith.addf %add3A_1263, %mul3A_1266 : vector<16xf32>
    %get3A_1268 = arith.constant 3312 : index
    %get3A_1269 = tpu.vector_load %arg10[%get3A_1268] {strides = array<i32>} : memref<4096xf32, #tpu.memory_space<vmem>>, vector<16xf32>,
    %mul3A_1270 = arith.mulf %get3A_1269, %get3A_21 : vector<16xf32>
    %add3A_1271 = arith.addf %add3A_1267, %mul3A_1270 : vector<16xf32>
    %reduce_sum3A_1272 = arith.constant true
    %reduce_sum3A_1273 = vector.broadcast %reduce_sum3A_1272 : i1 to vector<16xi1>
    %reduce_sum3A_1274 = tpu.scan <sum>, %add3A_1271 masked %reduce_sum3A_1273 : vector<16xf32>, vector<16xi1> -> vector<16xf32>
    %reduce_sum3A_1275 = vector.extract %reduce_sum3A_1274[15] : f32 from vector<16xf32>
    %eq3A_1276 = arith.constant 3 : i32
    %eq3A_1277 = vector.broadcast %eq3A_1276 : i32 to vector<16xi32>
    %eq3A_1278 = arith.cmpi eq, %iota3A, %eq3A_1277 : vector<16xi32>
    %broadcast_in_dim3A_1279 = vector.broadcast %reduce_sum3A_1275 : f32 to vector<16xf32>
    %select_n3A_1280 = arith.select %eq3A_1278, %broadcast_in_dim3A_1279, %select_n3A_1256 : vector<16xi1>, vector<16xf32>
    %get3A_1281 = arith.constant 3328 : index
    %get3A_1282 = tpu.vector_load %arg10[%get3A_1281] {strides = array<i32>} : memref<4096xf32, #tpu.memory_space<vmem>>, vector<16xf32>,
    %mul3A_1283 = arith.mulf %get3A_1282, %get3A_15 : vector<16xf32>
    %get3A_1284 = arith.constant 3344 : index
    %get3A_1285 = tpu.vector_load %arg10[%get3A_1284] {strides = array<i32>} : memref<4096xf32, #tpu.memory_space<vmem>>, vector<16xf32>,
    %mul3A_1286 = arith.mulf %get3A_1285, %get3A_17 : vector<16xf32>
    %add3A_1287 = arith.addf %mul3A_1283, %mul3A_1286 : vector<16xf32>
    %get3A_1288 = arith.constant 3360 : index
    %get3A_1289 = tpu.vector_load %arg10[%get3A_1288] {strides = array<i32>} : memref<4096xf32, #tpu.memory_space<vmem>>, vector<16xf32>,
    %mul3A_1290 = arith.mulf %get3A_1289, %get3A_19 : vector<16xf32>
    %add3A_1291 = arith.addf %add3A_1287, %mul3A_1290 : vector<16xf32>
    %get3A_1292 = arith.constant 3376 : index
    %get3A_1293 = tpu.vector_load %arg10[%get3A_1292] {strides = array<i32>} : memref<4096xf32, #tpu.memory_space<vmem>>, vector<16xf32>,
    %mul3A_1294 = arith.mulf %get3A_1293, %get3A_21 : vector<16xf32>
    %add3A_1295 = arith.addf %add3A_1291, %mul3A_1294 : vector<16xf32>
    %reduce_sum3A_1296 = arith.constant true
    %reduce_sum3A_1297 = vector.broadcast %reduce_sum3A_1296 : i1 to vector<16xi1>
    %reduce_sum3A_1298 = tpu.scan <sum>, %add3A_1295 masked %reduce_sum3A_1297 : vector<16xf32>, vector<16xi1> -> vector<16xf32>
    %reduce_sum3A_1299 = vector.extract %reduce_sum3A_1298[15] : f32 from vector<16xf32>
    %eq3A_1300 = arith.constant 4 : i32
    %eq3A_1301 = vector.broadcast %eq3A_1300 : i32 to vector<16xi32>
    %eq3A_1302 = arith.cmpi eq, %iota3A, %eq3A_1301 : vector<16xi32>
    %broadcast_in_dim3A_1303 = vector.broadcast %reduce_sum3A_1299 : f32 to vector<16xf32>
    %select_n3A_1304 = arith.select %eq3A_1302, %broadcast_in_dim3A_1303, %select_n3A_1280 : vector<16xi1>, vector<16xf32>
    %get3A_1305 = arith.constant 3392 : index
    %get3A_1306 = tpu.vector_load %arg10[%get3A_1305] {strides = array<i32>} : memref<4096xf32, #tpu.memory_space<vmem>>, vector<16xf32>,
    %mul3A_1307 = arith.mulf %get3A_1306, %get3A_15 : vector<16xf32>
    %get3A_1308 = arith.constant 3408 : index
    %get3A_1309 = tpu.vector_load %arg10[%get3A_1308] {strides = array<i32>} : memref<4096xf32, #tpu.memory_space<vmem>>, vector<16xf32>,
    %mul3A_1310 = arith.mulf %get3A_1309, %get3A_17 : vector<16xf32>
    %add3A_1311 = arith.addf %mul3A_1307, %mul3A_1310 : vector<16xf32>
    %get3A_1312 = arith.constant 3424 : index
    %get3A_1313 = tpu.vector_load %arg10[%get3A_1312] {strides = array<i32>} : memref<4096xf32, #tpu.memory_space<vmem>>, vector<16xf32>,
    %mul3A_1314 = arith.mulf %get3A_1313, %get3A_19 : vector<16xf32>
    %add3A_1315 = arith.addf %add3A_1311, %mul3A_1314 : vector<16xf32>
    %get3A_1316 = arith.constant 3440 : index
    %get3A_1317 = tpu.vector_load %arg10[%get3A_1316] {strides = array<i32>} : memref<4096xf32, #tpu.memory_space<vmem>>, vector<16xf32>,
    %mul3A_1318 = arith.mulf %get3A_1317, %get3A_21 : vector<16xf32>
    %add3A_1319 = arith.addf %add3A_1315, %mul3A_1318 : vector<16xf32>
    %reduce_sum3A_1320 = arith.constant true
    %reduce_sum3A_1321 = vector.broadcast %reduce_sum3A_1320 : i1 to vector<16xi1>
    %reduce_sum3A_1322 = tpu.scan <sum>, %add3A_1319 masked %reduce_sum3A_1321 : vector<16xf32>, vector<16xi1> -> vector<16xf32>
    %reduce_sum3A_1323 = vector.extract %reduce_sum3A_1322[15] : f32 from vector<16xf32>
    %eq3A_1324 = arith.constant 5 : i32
    %eq3A_1325 = vector.broadcast %eq3A_1324 : i32 to vector<16xi32>
    %eq3A_1326 = arith.cmpi eq, %iota3A, %eq3A_1325 : vector<16xi32>
    %broadcast_in_dim3A_1327 = vector.broadcast %reduce_sum3A_1323 : f32 to vector<16xf32>
    %select_n3A_1328 = arith.select %eq3A_1326, %broadcast_in_dim3A_1327, %select_n3A_1304 : vector<16xi1>, vector<16xf32>
    %get3A_1329 = arith.constant 3456 : index
    %get3A_1330 = tpu.vector_load %arg10[%get3A_1329] {strides = array<i32>} : memref<4096xf32, #tpu.memory_space<vmem>>, vector<16xf32>,
    %mul3A_1331 = arith.mulf %get3A_1330, %get3A_15 : vector<16xf32>
    %get3A_1332 = arith.constant 3472 : index
    %get3A_1333 = tpu.vector_load %arg10[%get3A_1332] {strides = array<i32>} : memref<4096xf32, #tpu.memory_space<vmem>>, vector<16xf32>,
    %mul3A_1334 = arith.mulf %get3A_1333, %get3A_17 : vector<16xf32>
    %add3A_1335 = arith.addf %mul3A_1331, %mul3A_1334 : vector<16xf32>
    %get3A_1336 = arith.constant 3488 : index
    %get3A_1337 = tpu.vector_load %arg10[%get3A_1336] {strides = array<i32>} : memref<4096xf32, #tpu.memory_space<vmem>>, vector<16xf32>,
    %mul3A_1338 = arith.mulf %get3A_1337, %get3A_19 : vector<16xf32>
    %add3A_1339 = arith.addf %add3A_1335, %mul3A_1338 : vector<16xf32>
    %get3A_1340 = arith.constant 3504 : index
    %get3A_1341 = tpu.vector_load %arg10[%get3A_1340] {strides = array<i32>} : memref<4096xf32, #tpu.memory_space<vmem>>, vector<16xf32>,
    %mul3A_1342 = arith.mulf %get3A_1341, %get3A_21 : vector<16xf32>
    %add3A_1343 = arith.addf %add3A_1339, %mul3A_1342 : vector<16xf32>
    %reduce_sum3A_1344 = arith.constant true
    %reduce_sum3A_1345 = vector.broadcast %reduce_sum3A_1344 : i1 to vector<16xi1>
    %reduce_sum3A_1346 = tpu.scan <sum>, %add3A_1343 masked %reduce_sum3A_1345 : vector<16xf32>, vector<16xi1> -> vector<16xf32>
    %reduce_sum3A_1347 = vector.extract %reduce_sum3A_1346[15] : f32 from vector<16xf32>
    %eq3A_1348 = arith.constant 6 : i32
    %eq3A_1349 = vector.broadcast %eq3A_1348 : i32 to vector<16xi32>
    %eq3A_1350 = arith.cmpi eq, %iota3A, %eq3A_1349 : vector<16xi32>
    %broadcast_in_dim3A_1351 = vector.broadcast %reduce_sum3A_1347 : f32 to vector<16xf32>
    %select_n3A_1352 = arith.select %eq3A_1350, %broadcast_in_dim3A_1351, %select_n3A_1328 : vector<16xi1>, vector<16xf32>
    %get3A_1353 = arith.constant 3520 : index
    %get3A_1354 = tpu.vector_load %arg10[%get3A_1353] {strides = array<i32>} : memref<4096xf32, #tpu.memory_space<vmem>>, vector<16xf32>,
    %mul3A_1355 = arith.mulf %get3A_1354, %get3A_15 : vector<16xf32>
    %get3A_1356 = arith.constant 3536 : index
    %get3A_1357 = tpu.vector_load %arg10[%get3A_1356] {strides = array<i32>} : memref<4096xf32, #tpu.memory_space<vmem>>, vector<16xf32>,
    %mul3A_1358 = arith.mulf %get3A_1357, %get3A_17 : vector<16xf32>
    %add3A_1359 = arith.addf %mul3A_1355, %mul3A_1358 : vector<16xf32>
    %get3A_1360 = arith.constant 3552 : index
    %get3A_1361 = tpu.vector_load %arg10[%get3A_1360] {strides = array<i32>} : memref<4096xf32, #tpu.memory_space<vmem>>, vector<16xf32>,
    %mul3A_1362 = arith.mulf %get3A_1361, %get3A_19 : vector<16xf32>
    %add3A_1363 = arith.addf %add3A_1359, %mul3A_1362 : vector<16xf32>
    %get3A_1364 = arith.constant 3568 : index
    %get3A_1365 = tpu.vector_load %arg10[%get3A_1364] {strides = array<i32>} : memref<4096xf32, #tpu.memory_space<vmem>>, vector<16xf32>,
    %mul3A_1366 = arith.mulf %get3A_1365, %get3A_21 : vector<16xf32>
    %add3A_1367 = arith.addf %add3A_1363, %mul3A_1366 : vector<16xf32>
    %reduce_sum3A_1368 = arith.constant true
    %reduce_sum3A_1369 = vector.broadcast %reduce_sum3A_1368 : i1 to vector<16xi1>
    %reduce_sum3A_1370 = tpu.scan <sum>, %add3A_1367 masked %reduce_sum3A_1369 : vector<16xf32>, vector<16xi1> -> vector<16xf32>
    %reduce_sum3A_1371 = vector.extract %reduce_sum3A_1370[15] : f32 from vector<16xf32>
    %eq3A_1372 = arith.constant 7 : i32
    %eq3A_1373 = vector.broadcast %eq3A_1372 : i32 to vector<16xi32>
    %eq3A_1374 = arith.cmpi eq, %iota3A, %eq3A_1373 : vector<16xi32>
    %broadcast_in_dim3A_1375 = vector.broadcast %reduce_sum3A_1371 : f32 to vector<16xf32>
    %select_n3A_1376 = arith.select %eq3A_1374, %broadcast_in_dim3A_1375, %select_n3A_1352 : vector<16xi1>, vector<16xf32>
    %get3A_1377 = arith.constant 3584 : index
    %get3A_1378 = tpu.vector_load %arg10[%get3A_1377] {strides = array<i32>} : memref<4096xf32, #tpu.memory_space<vmem>>, vector<16xf32>,
    %mul3A_1379 = arith.mulf %get3A_1378, %get3A_15 : vector<16xf32>
    %get3A_1380 = arith.constant 3600 : index
    %get3A_1381 = tpu.vector_load %arg10[%get3A_1380] {strides = array<i32>} : memref<4096xf32, #tpu.memory_space<vmem>>, vector<16xf32>,
    %mul3A_1382 = arith.mulf %get3A_1381, %get3A_17 : vector<16xf32>
    %add3A_1383 = arith.addf %mul3A_1379, %mul3A_1382 : vector<16xf32>
    %get3A_1384 = arith.constant 3616 : index
    %get3A_1385 = tpu.vector_load %arg10[%get3A_1384] {strides = array<i32>} : memref<4096xf32, #tpu.memory_space<vmem>>, vector<16xf32>,
    %mul3A_1386 = arith.mulf %get3A_1385, %get3A_19 : vector<16xf32>
    %add3A_1387 = arith.addf %add3A_1383, %mul3A_1386 : vector<16xf32>
    %get3A_1388 = arith.constant 3632 : index
    %get3A_1389 = tpu.vector_load %arg10[%get3A_1388] {strides = array<i32>} : memref<4096xf32, #tpu.memory_space<vmem>>, vector<16xf32>,
    %mul3A_1390 = arith.mulf %get3A_1389, %get3A_21 : vector<16xf32>
    %add3A_1391 = arith.addf %add3A_1387, %mul3A_1390 : vector<16xf32>
    %reduce_sum3A_1392 = arith.constant true
    %reduce_sum3A_1393 = vector.broadcast %reduce_sum3A_1392 : i1 to vector<16xi1>
    %reduce_sum3A_1394 = tpu.scan <sum>, %add3A_1391 masked %reduce_sum3A_1393 : vector<16xf32>, vector<16xi1> -> vector<16xf32>
    %reduce_sum3A_1395 = vector.extract %reduce_sum3A_1394[15] : f32 from vector<16xf32>
    %eq3A_1396 = arith.constant 8 : i32
    %eq3A_1397 = vector.broadcast %eq3A_1396 : i32 to vector<16xi32>
    %eq3A_1398 = arith.cmpi eq, %iota3A, %eq3A_1397 : vector<16xi32>
    %broadcast_in_dim3A_1399 = vector.broadcast %reduce_sum3A_1395 : f32 to vector<16xf32>
    %select_n3A_1400 = arith.select %eq3A_1398, %broadcast_in_dim3A_1399, %select_n3A_1376 : vector<16xi1>, vector<16xf32>
    %get3A_1401 = arith.constant 3648 : index
    %get3A_1402 = tpu.vector_load %arg10[%get3A_1401] {strides = array<i32>} : memref<4096xf32, #tpu.memory_space<vmem>>, vector<16xf32>,
    %mul3A_1403 = arith.mulf %get3A_1402, %get3A_15 : vector<16xf32>
    %get3A_1404 = arith.constant 3664 : index
    %get3A_1405 = tpu.vector_load %arg10[%get3A_1404] {strides = array<i32>} : memref<4096xf32, #tpu.memory_space<vmem>>, vector<16xf32>,
    %mul3A_1406 = arith.mulf %get3A_1405, %get3A_17 : vector<16xf32>
    %add3A_1407 = arith.addf %mul3A_1403, %mul3A_1406 : vector<16xf32>
    %get3A_1408 = arith.constant 3680 : index
    %get3A_1409 = tpu.vector_load %arg10[%get3A_1408] {strides = array<i32>} : memref<4096xf32, #tpu.memory_space<vmem>>, vector<16xf32>,
    %mul3A_1410 = arith.mulf %get3A_1409, %get3A_19 : vector<16xf32>
    %add3A_1411 = arith.addf %add3A_1407, %mul3A_1410 : vector<16xf32>
    %get3A_1412 = arith.constant 3696 : index
    %get3A_1413 = tpu.vector_load %arg10[%get3A_1412] {strides = array<i32>} : memref<4096xf32, #tpu.memory_space<vmem>>, vector<16xf32>,
    %mul3A_1414 = arith.mulf %get3A_1413, %get3A_21 : vector<16xf32>
    %add3A_1415 = arith.addf %add3A_1411, %mul3A_1414 : vector<16xf32>
    %reduce_sum3A_1416 = arith.constant true
    %reduce_sum3A_1417 = vector.broadcast %reduce_sum3A_1416 : i1 to vector<16xi1>
    %reduce_sum3A_1418 = tpu.scan <sum>, %add3A_1415 masked %reduce_sum3A_1417 : vector<16xf32>, vector<16xi1> -> vector<16xf32>
    %reduce_sum3A_1419 = vector.extract %reduce_sum3A_1418[15] : f32 from vector<16xf32>
    %eq3A_1420 = arith.constant 9 : i32
    %eq3A_1421 = vector.broadcast %eq3A_1420 : i32 to vector<16xi32>
    %eq3A_1422 = arith.cmpi eq, %iota3A, %eq3A_1421 : vector<16xi32>
    %broadcast_in_dim3A_1423 = vector.broadcast %reduce_sum3A_1419 : f32 to vector<16xf32>
    %select_n3A_1424 = arith.select %eq3A_1422, %broadcast_in_dim3A_1423, %select_n3A_1400 : vector<16xi1>, vector<16xf32>
    %get3A_1425 = arith.constant 3712 : index
    %get3A_1426 = tpu.vector_load %arg10[%get3A_1425] {strides = array<i32>} : memref<4096xf32, #tpu.memory_space<vmem>>, vector<16xf32>,
    %mul3A_1427 = arith.mulf %get3A_1426, %get3A_15 : vector<16xf32>
    %get3A_1428 = arith.constant 3728 : index
    %get3A_1429 = tpu.vector_load %arg10[%get3A_1428] {strides = array<i32>} : memref<4096xf32, #tpu.memory_space<vmem>>, vector<16xf32>,
    %mul3A_1430 = arith.mulf %get3A_1429, %get3A_17 : vector<16xf32>
    %add3A_1431 = arith.addf %mul3A_1427, %mul3A_1430 : vector<16xf32>
    %get3A_1432 = arith.constant 3744 : index
    %get3A_1433 = tpu.vector_load %arg10[%get3A_1432] {strides = array<i32>} : memref<4096xf32, #tpu.memory_space<vmem>>, vector<16xf32>,
    %mul3A_1434 = arith.mulf %get3A_1433, %get3A_19 : vector<16xf32>
    %add3A_1435 = arith.addf %add3A_1431, %mul3A_1434 : vector<16xf32>
    %get3A_1436 = arith.constant 3760 : index
    %get3A_1437 = tpu.vector_load %arg10[%get3A_1436] {strides = array<i32>} : memref<4096xf32, #tpu.memory_space<vmem>>, vector<16xf32>,
    %mul3A_1438 = arith.mulf %get3A_1437, %get3A_21 : vector<16xf32>
    %add3A_1439 = arith.addf %add3A_1435, %mul3A_1438 : vector<16xf32>
    %reduce_sum3A_1440 = arith.constant true
    %reduce_sum3A_1441 = vector.broadcast %reduce_sum3A_1440 : i1 to vector<16xi1>
    %reduce_sum3A_1442 = tpu.scan <sum>, %add3A_1439 masked %reduce_sum3A_1441 : vector<16xf32>, vector<16xi1> -> vector<16xf32>
    %reduce_sum3A_1443 = vector.extract %reduce_sum3A_1442[15] : f32 from vector<16xf32>
    %eq3A_1444 = arith.constant 10 : i32
    %eq3A_1445 = vector.broadcast %eq3A_1444 : i32 to vector<16xi32>
    %eq3A_1446 = arith.cmpi eq, %iota3A, %eq3A_1445 : vector<16xi32>
    %broadcast_in_dim3A_1447 = vector.broadcast %reduce_sum3A_1443 : f32 to vector<16xf32>
    %select_n3A_1448 = arith.select %eq3A_1446, %broadcast_in_dim3A_1447, %select_n3A_1424 : vector<16xi1>, vector<16xf32>
    %get3A_1449 = arith.constant 3776 : index
    %get3A_1450 = tpu.vector_load %arg10[%get3A_1449] {strides = array<i32>} : memref<4096xf32, #tpu.memory_space<vmem>>, vector<16xf32>,
    %mul3A_1451 = arith.mulf %get3A_1450, %get3A_15 : vector<16xf32>
    %get3A_1452 = arith.constant 3792 : index
    %get3A_1453 = tpu.vector_load %arg10[%get3A_1452] {strides = array<i32>} : memref<4096xf32, #tpu.memory_space<vmem>>, vector<16xf32>,
    %mul3A_1454 = arith.mulf %get3A_1453, %get3A_17 : vector<16xf32>
    %add3A_1455 = arith.addf %mul3A_1451, %mul3A_1454 : vector<16xf32>
    %get3A_1456 = arith.constant 3808 : index
    %get3A_1457 = tpu.vector_load %arg10[%get3A_1456] {strides = array<i32>} : memref<4096xf32, #tpu.memory_space<vmem>>, vector<16xf32>,
    %mul3A_1458 = arith.mulf %get3A_1457, %get3A_19 : vector<16xf32>
    %add3A_1459 = arith.addf %add3A_1455, %mul3A_1458 : vector<16xf32>
    %get3A_1460 = arith.constant 3824 : index
    %get3A_1461 = tpu.vector_load %arg10[%get3A_1460] {strides = array<i32>} : memref<4096xf32, #tpu.memory_space<vmem>>, vector<16xf32>,
    %mul3A_1462 = arith.mulf %get3A_1461, %get3A_21 : vector<16xf32>
    %add3A_1463 = arith.addf %add3A_1459, %mul3A_1462 : vector<16xf32>
    %reduce_sum3A_1464 = arith.constant true
    %reduce_sum3A_1465 = vector.broadcast %reduce_sum3A_1464 : i1 to vector<16xi1>
    %reduce_sum3A_1466 = tpu.scan <sum>, %add3A_1463 masked %reduce_sum3A_1465 : vector<16xf32>, vector<16xi1> -> vector<16xf32>
    %reduce_sum3A_1467 = vector.extract %reduce_sum3A_1466[15] : f32 from vector<16xf32>
    %eq3A_1468 = arith.constant 11 : i32
    %eq3A_1469 = vector.broadcast %eq3A_1468 : i32 to vector<16xi32>
    %eq3A_1470 = arith.cmpi eq, %iota3A, %eq3A_1469 : vector<16xi32>
    %broadcast_in_dim3A_1471 = vector.broadcast %reduce_sum3A_1467 : f32 to vector<16xf32>
    %select_n3A_1472 = arith.select %eq3A_1470, %broadcast_in_dim3A_1471, %select_n3A_1448 : vector<16xi1>, vector<16xf32>
    %get3A_1473 = arith.constant 3840 : index
    %get3A_1474 = tpu.vector_load %arg10[%get3A_1473] {strides = array<i32>} : memref<4096xf32, #tpu.memory_space<vmem>>, vector<16xf32>,
    %mul3A_1475 = arith.mulf %get3A_1474, %get3A_15 : vector<16xf32>
    %get3A_1476 = arith.constant 3856 : index
    %get3A_1477 = tpu.vector_load %arg10[%get3A_1476] {strides = array<i32>} : memref<4096xf32, #tpu.memory_space<vmem>>, vector<16xf32>,
    %mul3A_1478 = arith.mulf %get3A_1477, %get3A_17 : vector<16xf32>
    %add3A_1479 = arith.addf %mul3A_1475, %mul3A_1478 : vector<16xf32>
    %get3A_1480 = arith.constant 3872 : index
    %get3A_1481 = tpu.vector_load %arg10[%get3A_1480] {strides = array<i32>} : memref<4096xf32, #tpu.memory_space<vmem>>, vector<16xf32>,
    %mul3A_1482 = arith.mulf %get3A_1481, %get3A_19 : vector<16xf32>
    %add3A_1483 = arith.addf %add3A_1479, %mul3A_1482 : vector<16xf32>
    %get3A_1484 = arith.constant 3888 : index
    %get3A_1485 = tpu.vector_load %arg10[%get3A_1484] {strides = array<i32>} : memref<4096xf32, #tpu.memory_space<vmem>>, vector<16xf32>,
    %mul3A_1486 = arith.mulf %get3A_1485, %get3A_21 : vector<16xf32>
    %add3A_1487 = arith.addf %add3A_1483, %mul3A_1486 : vector<16xf32>
    %reduce_sum3A_1488 = arith.constant true
    %reduce_sum3A_1489 = vector.broadcast %reduce_sum3A_1488 : i1 to vector<16xi1>
    %reduce_sum3A_1490 = tpu.scan <sum>, %add3A_1487 masked %reduce_sum3A_1489 : vector<16xf32>, vector<16xi1> -> vector<16xf32>
    %reduce_sum3A_1491 = vector.extract %reduce_sum3A_1490[15] : f32 from vector<16xf32>
    %eq3A_1492 = arith.constant 12 : i32
    %eq3A_1493 = vector.broadcast %eq3A_1492 : i32 to vector<16xi32>
    %eq3A_1494 = arith.cmpi eq, %iota3A, %eq3A_1493 : vector<16xi32>
    %broadcast_in_dim3A_1495 = vector.broadcast %reduce_sum3A_1491 : f32 to vector<16xf32>
    %select_n3A_1496 = arith.select %eq3A_1494, %broadcast_in_dim3A_1495, %select_n3A_1472 : vector<16xi1>, vector<16xf32>
    %get3A_1497 = arith.constant 3904 : index
    %get3A_1498 = tpu.vector_load %arg10[%get3A_1497] {strides = array<i32>} : memref<4096xf32, #tpu.memory_space<vmem>>, vector<16xf32>,
    %mul3A_1499 = arith.mulf %get3A_1498, %get3A_15 : vector<16xf32>
    %get3A_1500 = arith.constant 3920 : index
    %get3A_1501 = tpu.vector_load %arg10[%get3A_1500] {strides = array<i32>} : memref<4096xf32, #tpu.memory_space<vmem>>, vector<16xf32>,
    %mul3A_1502 = arith.mulf %get3A_1501, %get3A_17 : vector<16xf32>
    %add3A_1503 = arith.addf %mul3A_1499, %mul3A_1502 : vector<16xf32>
    %get3A_1504 = arith.constant 3936 : index
    %get3A_1505 = tpu.vector_load %arg10[%get3A_1504] {strides = array<i32>} : memref<4096xf32, #tpu.memory_space<vmem>>, vector<16xf32>,
    %mul3A_1506 = arith.mulf %get3A_1505, %get3A_19 : vector<16xf32>
    %add3A_1507 = arith.addf %add3A_1503, %mul3A_1506 : vector<16xf32>
    %get3A_1508 = arith.constant 3952 : index
    %get3A_1509 = tpu.vector_load %arg10[%get3A_1508] {strides = array<i32>} : memref<4096xf32, #tpu.memory_space<vmem>>, vector<16xf32>,
    %mul3A_1510 = arith.mulf %get3A_1509, %get3A_21 : vector<16xf32>
    %add3A_1511 = arith.addf %add3A_1507, %mul3A_1510 : vector<16xf32>
    %reduce_sum3A_1512 = arith.constant true
    %reduce_sum3A_1513 = vector.broadcast %reduce_sum3A_1512 : i1 to vector<16xi1>
    %reduce_sum3A_1514 = tpu.scan <sum>, %add3A_1511 masked %reduce_sum3A_1513 : vector<16xf32>, vector<16xi1> -> vector<16xf32>
    %reduce_sum3A_1515 = vector.extract %reduce_sum3A_1514[15] : f32 from vector<16xf32>
    %eq3A_1516 = arith.constant 13 : i32
    %eq3A_1517 = vector.broadcast %eq3A_1516 : i32 to vector<16xi32>
    %eq3A_1518 = arith.cmpi eq, %iota3A, %eq3A_1517 : vector<16xi32>
    %broadcast_in_dim3A_1519 = vector.broadcast %reduce_sum3A_1515 : f32 to vector<16xf32>
    %select_n3A_1520 = arith.select %eq3A_1518, %broadcast_in_dim3A_1519, %select_n3A_1496 : vector<16xi1>, vector<16xf32>
    %get3A_1521 = arith.constant 3968 : index
    %get3A_1522 = tpu.vector_load %arg10[%get3A_1521] {strides = array<i32>} : memref<4096xf32, #tpu.memory_space<vmem>>, vector<16xf32>,
    %mul3A_1523 = arith.mulf %get3A_1522, %get3A_15 : vector<16xf32>
    %get3A_1524 = arith.constant 3984 : index
    %get3A_1525 = tpu.vector_load %arg10[%get3A_1524] {strides = array<i32>} : memref<4096xf32, #tpu.memory_space<vmem>>, vector<16xf32>,
    %mul3A_1526 = arith.mulf %get3A_1525, %get3A_17 : vector<16xf32>
    %add3A_1527 = arith.addf %mul3A_1523, %mul3A_1526 : vector<16xf32>
    %get3A_1528 = arith.constant 4000 : index
    %get3A_1529 = tpu.vector_load %arg10[%get3A_1528] {strides = array<i32>} : memref<4096xf32, #tpu.memory_space<vmem>>, vector<16xf32>,
    %mul3A_1530 = arith.mulf %get3A_1529, %get3A_19 : vector<16xf32>
    %add3A_1531 = arith.addf %add3A_1527, %mul3A_1530 : vector<16xf32>
    %get3A_1532 = arith.constant 4016 : index
    %get3A_1533 = tpu.vector_load %arg10[%get3A_1532] {strides = array<i32>} : memref<4096xf32, #tpu.memory_space<vmem>>, vector<16xf32>,
    %mul3A_1534 = arith.mulf %get3A_1533, %get3A_21 : vector<16xf32>
    %add3A_1535 = arith.addf %add3A_1531, %mul3A_1534 : vector<16xf32>
    %reduce_sum3A_1536 = arith.constant true
    %reduce_sum3A_1537 = vector.broadcast %reduce_sum3A_1536 : i1 to vector<16xi1>
    %reduce_sum3A_1538 = tpu.scan <sum>, %add3A_1535 masked %reduce_sum3A_1537 : vector<16xf32>, vector<16xi1> -> vector<16xf32>
    %reduce_sum3A_1539 = vector.extract %reduce_sum3A_1538[15] : f32 from vector<16xf32>
    %eq3A_1540 = arith.constant 14 : i32
    %eq3A_1541 = vector.broadcast %eq3A_1540 : i32 to vector<16xi32>
    %eq3A_1542 = arith.cmpi eq, %iota3A, %eq3A_1541 : vector<16xi32>
    %broadcast_in_dim3A_1543 = vector.broadcast %reduce_sum3A_1539 : f32 to vector<16xf32>
    %select_n3A_1544 = arith.select %eq3A_1542, %broadcast_in_dim3A_1543, %select_n3A_1520 : vector<16xi1>, vector<16xf32>
    %get3A_1545 = arith.constant 4032 : index
    %get3A_1546 = tpu.vector_load %arg10[%get3A_1545] {strides = array<i32>} : memref<4096xf32, #tpu.memory_space<vmem>>, vector<16xf32>,
    %mul3A_1547 = arith.mulf %get3A_1546, %get3A_15 : vector<16xf32>
    %get3A_1548 = arith.constant 4048 : index
    %get3A_1549 = tpu.vector_load %arg10[%get3A_1548] {strides = array<i32>} : memref<4096xf32, #tpu.memory_space<vmem>>, vector<16xf32>,
    %mul3A_1550 = arith.mulf %get3A_1549, %get3A_17 : vector<16xf32>
    %add3A_1551 = arith.addf %mul3A_1547, %mul3A_1550 : vector<16xf32>
    %get3A_1552 = arith.constant 4064 : index
    %get3A_1553 = tpu.vector_load %arg10[%get3A_1552] {strides = array<i32>} : memref<4096xf32, #tpu.memory_space<vmem>>, vector<16xf32>,
    %mul3A_1554 = arith.mulf %get3A_1553, %get3A_19 : vector<16xf32>
    %add3A_1555 = arith.addf %add3A_1551, %mul3A_1554 : vector<16xf32>
    %get3A_1556 = arith.constant 4080 : index
    %get3A_1557 = tpu.vector_load %arg10[%get3A_1556] {strides = array<i32>} : memref<4096xf32, #tpu.memory_space<vmem>>, vector<16xf32>,
    %mul3A_1558 = arith.mulf %get3A_1557, %get3A_21 : vector<16xf32>
    %add3A_1559 = arith.addf %add3A_1555, %mul3A_1558 : vector<16xf32>
    %reduce_sum3A_1560 = arith.constant true
    %reduce_sum3A_1561 = vector.broadcast %reduce_sum3A_1560 : i1 to vector<16xi1>
    %reduce_sum3A_1562 = tpu.scan <sum>, %add3A_1559 masked %reduce_sum3A_1561 : vector<16xf32>, vector<16xi1> -> vector<16xf32>
    %reduce_sum3A_1563 = vector.extract %reduce_sum3A_1562[15] : f32 from vector<16xf32>
    %eq3A_1564 = arith.constant 15 : i32
    %eq3A_1565 = vector.broadcast %eq3A_1564 : i32 to vector<16xi32>
    %eq3A_1566 = arith.cmpi eq, %iota3A, %eq3A_1565 : vector<16xi32>
    %broadcast_in_dim3A_1567 = vector.broadcast %reduce_sum3A_1563 : f32 to vector<16xf32>
    %select_n3A_1568 = arith.select %eq3A_1566, %broadcast_in_dim3A_1567, %select_n3A_1544 : vector<16xi1>, vector<16xf32>
    %swap3A_1569 = arith.constant 48 : index
    %swap3A_1570 = tpu.vector_load %arg12[%swap3A_1569] {strides = array<i32>} : memref<64xf32, #tpu.memory_space<vmem>>, vector<16xf32>,
    tpu.vector_store %arg12[%swap3A_1569], %select_n3A_1568 {strides = array<i32>} : memref<64xf32, #tpu.memory_space<vmem>>, vector<16xf32>,
    %broadcast_in_dim3A_1571 = arith.constant 0.000000e+00 : f32
    %broadcast_in_dim3A_1572 = vector.broadcast %broadcast_in_dim3A_1571 : f32 to vector<16xf32>
    "tpu.region"() ({
      %run_scoped3A = tpu.sem_alloc : memref<!tpu.dma_semaphore, #tpu.memory_space<semaphore_mem>>
      %dma_start3A_2186 = tpu.memref_slice %arg13[%min3A_12] : memref<1000xf32, #tpu.memory_space<vmem_shared>> -> memref<64xf32, #tpu.memory_space<vmem_shared>>
      %dma_start3A_2187 = tpu.memref_slice %arg13[%min3A_12] : memref<1000xf32, #tpu.memory_space<vmem_shared>> -> memref<64xf32, #tpu.memory_space<vmem_shared>>
      tpu.enqueue_dma source(%arg12 : memref<64xf32, #tpu.memory_space<vmem>>) target(%dma_start3A_2187 : memref<64xf32, #tpu.memory_space<vmem_shared>>) target_semaphore(%run_scoped3A : memref<!tpu.dma_semaphore, #tpu.memory_space<semaphore_mem>>)
      %dma_wait3A_2188 = tpu.memref_slice %arg13[%min3A_12] : memref<1000xf32, #tpu.memory_space<vmem_shared>> -> memref<64xf32, #tpu.memory_space<vmem_shared>>
      %dma_wait3A_2189 = tpu.memref_slice %arg13[%min3A_12] : memref<1000xf32, #tpu.memory_space<vmem_shared>> -> memref<64xf32, #tpu.memory_space<vmem_shared>>
      tpu.wait_dma2 semaphore(%run_scoped3A : memref<!tpu.dma_semaphore, #tpu.memory_space<semaphore_mem>>) src(%arg12 : memref<64xf32, #tpu.memory_space<vmem>>) dst(%dma_wait3A_2189 : memref<64xf32, #tpu.memory_space<vmem_shared>>)
      tpu.yield
    }) : () -> ()
    %barrier3A = arith.constant 0 : index
    tpu.barrier barrier_id(%barrier3A)
    "tpu.region"() ({
      %run_scoped3A = tpu.sem_alloc : memref<!tpu.dma_semaphore, #tpu.memory_space<semaphore_mem>>
      tpu.enqueue_dma source(%arg13 : memref<1000xf32, #tpu.memory_space<vmem_shared>>) target(%arg6 : memref<1000xf32, #tpu.memory_space<vmem>>) target_semaphore(%run_scoped3A : memref<!tpu.dma_semaphore, #tpu.memory_space<semaphore_mem>>)
      tpu.wait_dma2 semaphore(%run_scoped3A : memref<!tpu.dma_semaphore, #tpu.memory_space<semaphore_mem>>) src(%arg13 : memref<1000xf32, #tpu.memory_space<vmem_shared>>) dst(%arg6 : memref<1000xf32, #tpu.memory_space<vmem>>)
      tpu.yield
    }) : () -> ()
    %dma_wait3A = arith.constant 0 : i32
    %dma_wait3A_1573 = tpu.memref_slice %arg4[%dma_wait3A, %mul3A_6] : memref<200x16384xi32, #tpu.memory_space<hbm>> -> memref<200x128xi32, #tpu.memory_space<hbm>>
    %dma_wait3A_1574 = arith.constant 0 : i32
    %dma_wait3A_1575 = tpu.memref_slice %arg4[%dma_wait3A_1574, %mul3A_6] : memref<200x16384xi32, #tpu.memory_space<hbm>> -> memref<200x128xi32, #tpu.memory_space<hbm>>
    tpu.wait_dma2 semaphore(%arg14 : memref<!tpu.dma_semaphore, #tpu.memory_space<semaphore_mem>>) src(%dma_wait3A_1575 : memref<200x128xi32, #tpu.memory_space<hbm>>) dst(%arg7 : memref<200x128xi32, #tpu.memory_space<vmem>>)
    %add3A_1576 = arith.constant 1 : i32
    %add3A_1577 = arith.addi %mul3A_2, %add3A_1576 : i32
    %mul3A_1578 = arith.constant 128 : i32
    %mul3A_1579 = arith.muli %add3A_1577, %mul3A_1578 : i32
    %dma_start3A_1580 = arith.constant 0 : i32
    %dma_start3A_1581 = tpu.memref_slice %arg4[%dma_start3A_1580, %mul3A_1579] : memref<200x16384xi32, #tpu.memory_space<hbm>> -> memref<200x128xi32, #tpu.memory_space<hbm>>
    %dma_start3A_1582 = arith.constant 0 : i32
    %dma_start3A_1583 = tpu.memref_slice %arg4[%dma_start3A_1582, %mul3A_1579] : memref<200x16384xi32, #tpu.memory_space<hbm>> -> memref<200x128xi32, #tpu.memory_space<hbm>>
    tpu.enqueue_dma source(%dma_start3A_1583 : memref<200x128xi32, #tpu.memory_space<hbm>>) target(%arg8 : memref<200x128xi32, #tpu.memory_space<vmem>>) target_semaphore(%arg15 : memref<!tpu.dma_semaphore, #tpu.memory_space<semaphore_mem>>)
    %broadcast_in_dim3A_1584 = arith.constant 0.000000e+00 : f32
    %broadcast_in_dim3A_1585 = vector.broadcast %broadcast_in_dim3A_1584 : f32 to vector<16xf32>
    %scan3A = arith.constant 0 : i32
    %scan3A_1586 = arith.constant 25 : i32
    %scan3A_1587 = arith.addi %scan3A, %scan3A_1586 : i32
    %scan3A_1588 = arith.constant 1 : i32
    %scan3A_1589:8 = scf.for %scan3A_2186 = %scan3A to %scan3A_1587 step %scan3A_1588 iter_args(%scan3A_2187 = %broadcast_in_dim3A_1585, %scan3A_2188 = %broadcast_in_dim3A_1585, %scan3A_2189 = %broadcast_in_dim3A_1585, %scan3A_2190 = %broadcast_in_dim3A_1585, %scan3A_2191 = %broadcast_in_dim3A_1585, %scan3A_2192 = %broadcast_in_dim3A_1585, %scan3A_2193 = %broadcast_in_dim3A_1585, %scan3A_2194 = %broadcast_in_dim3A_1585) -> (vector<16xf32>, vector<16xf32>, vector<16xf32>, vector<16xf32>, vector<16xf32>, vector<16xf32>, vector<16xf32>, vector<16xf32>)  : i32 {
      %mul3A_2195 = arith.constant 8 : i32
      %mul3A_2196 = arith.muli %scan3A_2186, %mul3A_2195 : i32
      %add3A_2197 = arith.constant 0 : i32
      %add3A_2198 = arith.addi %mul3A_2196, %add3A_2197 : i32
      %get3A_2199 = arith.index_cast %add3A_2198 : i32 to index
      %get3A_2200 = arith.constant 0 : index
      %get3A_2201 = tpu.vector_load %arg7[%get3A_2199, %get3A_2200] {strides = array<i32>} : memref<200x128xi32, #tpu.memory_space<vmem>>, vector<16xi32>,
      %gather3A = tpu.vector_load_idx %arg6[%get3A_2201] : memref<1000xf32, #tpu.memory_space<vmem>>[vector<16xi32>], vector<16xf32>,
      %add3A_2202 = arith.addf %scan3A_2187, %gather3A : vector<16xf32>
      %get3A_2203 = arith.index_cast %add3A_2198 : i32 to index
      %get3A_2204 = arith.constant 16 : index
      %get3A_2205 = tpu.vector_load %arg7[%get3A_2203, %get3A_2204] {strides = array<i32>} : memref<200x128xi32, #tpu.memory_space<vmem>>, vector<16xi32>,
      %gather3A_2206 = tpu.vector_load_idx %arg6[%get3A_2205] : memref<1000xf32, #tpu.memory_space<vmem>>[vector<16xi32>], vector<16xf32>,
      %add3A_2207 = arith.addf %scan3A_2188, %gather3A_2206 : vector<16xf32>
      %get3A_2208 = arith.index_cast %add3A_2198 : i32 to index
      %get3A_2209 = arith.constant 32 : index
      %get3A_2210 = tpu.vector_load %arg7[%get3A_2208, %get3A_2209] {strides = array<i32>} : memref<200x128xi32, #tpu.memory_space<vmem>>, vector<16xi32>,
      %gather3A_2211 = tpu.vector_load_idx %arg6[%get3A_2210] : memref<1000xf32, #tpu.memory_space<vmem>>[vector<16xi32>], vector<16xf32>,
      %add3A_2212 = arith.addf %scan3A_2189, %gather3A_2211 : vector<16xf32>
      %get3A_2213 = arith.index_cast %add3A_2198 : i32 to index
      %get3A_2214 = arith.constant 48 : index
      %get3A_2215 = tpu.vector_load %arg7[%get3A_2213, %get3A_2214] {strides = array<i32>} : memref<200x128xi32, #tpu.memory_space<vmem>>, vector<16xi32>,
      %gather3A_2216 = tpu.vector_load_idx %arg6[%get3A_2215] : memref<1000xf32, #tpu.memory_space<vmem>>[vector<16xi32>], vector<16xf32>,
      %add3A_2217 = arith.addf %scan3A_2190, %gather3A_2216 : vector<16xf32>
      %get3A_2218 = arith.index_cast %add3A_2198 : i32 to index
      %get3A_2219 = arith.constant 64 : index
      %get3A_2220 = tpu.vector_load %arg7[%get3A_2218, %get3A_2219] {strides = array<i32>} : memref<200x128xi32, #tpu.memory_space<vmem>>, vector<16xi32>,
      %gather3A_2221 = tpu.vector_load_idx %arg6[%get3A_2220] : memref<1000xf32, #tpu.memory_space<vmem>>[vector<16xi32>], vector<16xf32>,
      %add3A_2222 = arith.addf %scan3A_2191, %gather3A_2221 : vector<16xf32>
      %get3A_2223 = arith.index_cast %add3A_2198 : i32 to index
      %get3A_2224 = arith.constant 80 : index
      %get3A_2225 = tpu.vector_load %arg7[%get3A_2223, %get3A_2224] {strides = array<i32>} : memref<200x128xi32, #tpu.memory_space<vmem>>, vector<16xi32>,
      %gather3A_2226 = tpu.vector_load_idx %arg6[%get3A_2225] : memref<1000xf32, #tpu.memory_space<vmem>>[vector<16xi32>], vector<16xf32>,
      %add3A_2227 = arith.addf %scan3A_2192, %gather3A_2226 : vector<16xf32>
      %get3A_2228 = arith.index_cast %add3A_2198 : i32 to index
      %get3A_2229 = arith.constant 96 : index
      %get3A_2230 = tpu.vector_load %arg7[%get3A_2228, %get3A_2229] {strides = array<i32>} : memref<200x128xi32, #tpu.memory_space<vmem>>, vector<16xi32>,
      %gather3A_2231 = tpu.vector_load_idx %arg6[%get3A_2230] : memref<1000xf32, #tpu.memory_space<vmem>>[vector<16xi32>], vector<16xf32>,
      %add3A_2232 = arith.addf %scan3A_2193, %gather3A_2231 : vector<16xf32>
      %get3A_2233 = arith.index_cast %add3A_2198 : i32 to index
      %get3A_2234 = arith.constant 112 : index
      %get3A_2235 = tpu.vector_load %arg7[%get3A_2233, %get3A_2234] {strides = array<i32>} : memref<200x128xi32, #tpu.memory_space<vmem>>, vector<16xi32>,
      %gather3A_2236 = tpu.vector_load_idx %arg6[%get3A_2235] : memref<1000xf32, #tpu.memory_space<vmem>>[vector<16xi32>], vector<16xf32>,
      %add3A_2237 = arith.addf %scan3A_2194, %gather3A_2236 : vector<16xf32>
      %mul3A_2238 = arith.constant 8 : i32
      %mul3A_2239 = arith.muli %scan3A_2186, %mul3A_2238 : i32
      %add3A_2240 = arith.constant 1 : i32
      %add3A_2241 = arith.addi %mul3A_2239, %add3A_2240 : i32
      %get3A_2242 = arith.index_cast %add3A_2241 : i32 to index
      %get3A_2243 = arith.constant 0 : index
      %get3A_2244 = tpu.vector_load %arg7[%get3A_2242, %get3A_2243] {strides = array<i32>} : memref<200x128xi32, #tpu.memory_space<vmem>>, vector<16xi32>,
      %gather3A_2245 = tpu.vector_load_idx %arg6[%get3A_2244] : memref<1000xf32, #tpu.memory_space<vmem>>[vector<16xi32>], vector<16xf32>,
      %add3A_2246 = arith.addf %add3A_2202, %gather3A_2245 : vector<16xf32>
      %get3A_2247 = arith.index_cast %add3A_2241 : i32 to index
      %get3A_2248 = arith.constant 16 : index
      %get3A_2249 = tpu.vector_load %arg7[%get3A_2247, %get3A_2248] {strides = array<i32>} : memref<200x128xi32, #tpu.memory_space<vmem>>, vector<16xi32>,
      %gather3A_2250 = tpu.vector_load_idx %arg6[%get3A_2249] : memref<1000xf32, #tpu.memory_space<vmem>>[vector<16xi32>], vector<16xf32>,
      %add3A_2251 = arith.addf %add3A_2207, %gather3A_2250 : vector<16xf32>
      %get3A_2252 = arith.index_cast %add3A_2241 : i32 to index
      %get3A_2253 = arith.constant 32 : index
      %get3A_2254 = tpu.vector_load %arg7[%get3A_2252, %get3A_2253] {strides = array<i32>} : memref<200x128xi32, #tpu.memory_space<vmem>>, vector<16xi32>,
      %gather3A_2255 = tpu.vector_load_idx %arg6[%get3A_2254] : memref<1000xf32, #tpu.memory_space<vmem>>[vector<16xi32>], vector<16xf32>,
      %add3A_2256 = arith.addf %add3A_2212, %gather3A_2255 : vector<16xf32>
      %get3A_2257 = arith.index_cast %add3A_2241 : i32 to index
      %get3A_2258 = arith.constant 48 : index
      %get3A_2259 = tpu.vector_load %arg7[%get3A_2257, %get3A_2258] {strides = array<i32>} : memref<200x128xi32, #tpu.memory_space<vmem>>, vector<16xi32>,
      %gather3A_2260 = tpu.vector_load_idx %arg6[%get3A_2259] : memref<1000xf32, #tpu.memory_space<vmem>>[vector<16xi32>], vector<16xf32>,
      %add3A_2261 = arith.addf %add3A_2217, %gather3A_2260 : vector<16xf32>
      %get3A_2262 = arith.index_cast %add3A_2241 : i32 to index
      %get3A_2263 = arith.constant 64 : index
      %get3A_2264 = tpu.vector_load %arg7[%get3A_2262, %get3A_2263] {strides = array<i32>} : memref<200x128xi32, #tpu.memory_space<vmem>>, vector<16xi32>,
      %gather3A_2265 = tpu.vector_load_idx %arg6[%get3A_2264] : memref<1000xf32, #tpu.memory_space<vmem>>[vector<16xi32>], vector<16xf32>,
      %add3A_2266 = arith.addf %add3A_2222, %gather3A_2265 : vector<16xf32>
      %get3A_2267 = arith.index_cast %add3A_2241 : i32 to index
      %get3A_2268 = arith.constant 80 : index
      %get3A_2269 = tpu.vector_load %arg7[%get3A_2267, %get3A_2268] {strides = array<i32>} : memref<200x128xi32, #tpu.memory_space<vmem>>, vector<16xi32>,
      %gather3A_2270 = tpu.vector_load_idx %arg6[%get3A_2269] : memref<1000xf32, #tpu.memory_space<vmem>>[vector<16xi32>], vector<16xf32>,
      %add3A_2271 = arith.addf %add3A_2227, %gather3A_2270 : vector<16xf32>
      %get3A_2272 = arith.index_cast %add3A_2241 : i32 to index
      %get3A_2273 = arith.constant 96 : index
      %get3A_2274 = tpu.vector_load %arg7[%get3A_2272, %get3A_2273] {strides = array<i32>} : memref<200x128xi32, #tpu.memory_space<vmem>>, vector<16xi32>,
      %gather3A_2275 = tpu.vector_load_idx %arg6[%get3A_2274] : memref<1000xf32, #tpu.memory_space<vmem>>[vector<16xi32>], vector<16xf32>,
      %add3A_2276 = arith.addf %add3A_2232, %gather3A_2275 : vector<16xf32>
      %get3A_2277 = arith.index_cast %add3A_2241 : i32 to index
      %get3A_2278 = arith.constant 112 : index
      %get3A_2279 = tpu.vector_load %arg7[%get3A_2277, %get3A_2278] {strides = array<i32>} : memref<200x128xi32, #tpu.memory_space<vmem>>, vector<16xi32>,
      %gather3A_2280 = tpu.vector_load_idx %arg6[%get3A_2279] : memref<1000xf32, #tpu.memory_space<vmem>>[vector<16xi32>], vector<16xf32>,
      %add3A_2281 = arith.addf %add3A_2237, %gather3A_2280 : vector<16xf32>
      %mul3A_2282 = arith.constant 8 : i32
      %mul3A_2283 = arith.muli %scan3A_2186, %mul3A_2282 : i32
      %add3A_2284 = arith.constant 2 : i32
      %add3A_2285 = arith.addi %mul3A_2283, %add3A_2284 : i32
      %get3A_2286 = arith.index_cast %add3A_2285 : i32 to index
      %get3A_2287 = arith.constant 0 : index
      %get3A_2288 = tpu.vector_load %arg7[%get3A_2286, %get3A_2287] {strides = array<i32>} : memref<200x128xi32, #tpu.memory_space<vmem>>, vector<16xi32>,
      %gather3A_2289 = tpu.vector_load_idx %arg6[%get3A_2288] : memref<1000xf32, #tpu.memory_space<vmem>>[vector<16xi32>], vector<16xf32>,
      %add3A_2290 = arith.addf %add3A_2246, %gather3A_2289 : vector<16xf32>
      %get3A_2291 = arith.index_cast %add3A_2285 : i32 to index
      %get3A_2292 = arith.constant 16 : index
      %get3A_2293 = tpu.vector_load %arg7[%get3A_2291, %get3A_2292] {strides = array<i32>} : memref<200x128xi32, #tpu.memory_space<vmem>>, vector<16xi32>,
      %gather3A_2294 = tpu.vector_load_idx %arg6[%get3A_2293] : memref<1000xf32, #tpu.memory_space<vmem>>[vector<16xi32>], vector<16xf32>,
      %add3A_2295 = arith.addf %add3A_2251, %gather3A_2294 : vector<16xf32>
      %get3A_2296 = arith.index_cast %add3A_2285 : i32 to index
      %get3A_2297 = arith.constant 32 : index
      %get3A_2298 = tpu.vector_load %arg7[%get3A_2296, %get3A_2297] {strides = array<i32>} : memref<200x128xi32, #tpu.memory_space<vmem>>, vector<16xi32>,
      %gather3A_2299 = tpu.vector_load_idx %arg6[%get3A_2298] : memref<1000xf32, #tpu.memory_space<vmem>>[vector<16xi32>], vector<16xf32>,
      %add3A_2300 = arith.addf %add3A_2256, %gather3A_2299 : vector<16xf32>
      %get3A_2301 = arith.index_cast %add3A_2285 : i32 to index
      %get3A_2302 = arith.constant 48 : index
      %get3A_2303 = tpu.vector_load %arg7[%get3A_2301, %get3A_2302] {strides = array<i32>} : memref<200x128xi32, #tpu.memory_space<vmem>>, vector<16xi32>,
      %gather3A_2304 = tpu.vector_load_idx %arg6[%get3A_2303] : memref<1000xf32, #tpu.memory_space<vmem>>[vector<16xi32>], vector<16xf32>,
      %add3A_2305 = arith.addf %add3A_2261, %gather3A_2304 : vector<16xf32>
      %get3A_2306 = arith.index_cast %add3A_2285 : i32 to index
      %get3A_2307 = arith.constant 64 : index
      %get3A_2308 = tpu.vector_load %arg7[%get3A_2306, %get3A_2307] {strides = array<i32>} : memref<200x128xi32, #tpu.memory_space<vmem>>, vector<16xi32>,
      %gather3A_2309 = tpu.vector_load_idx %arg6[%get3A_2308] : memref<1000xf32, #tpu.memory_space<vmem>>[vector<16xi32>], vector<16xf32>,
      %add3A_2310 = arith.addf %add3A_2266, %gather3A_2309 : vector<16xf32>
      %get3A_2311 = arith.index_cast %add3A_2285 : i32 to index
      %get3A_2312 = arith.constant 80 : index
      %get3A_2313 = tpu.vector_load %arg7[%get3A_2311, %get3A_2312] {strides = array<i32>} : memref<200x128xi32, #tpu.memory_space<vmem>>, vector<16xi32>,
      %gather3A_2314 = tpu.vector_load_idx %arg6[%get3A_2313] : memref<1000xf32, #tpu.memory_space<vmem>>[vector<16xi32>], vector<16xf32>,
      %add3A_2315 = arith.addf %add3A_2271, %gather3A_2314 : vector<16xf32>
      %get3A_2316 = arith.index_cast %add3A_2285 : i32 to index
      %get3A_2317 = arith.constant 96 : index
      %get3A_2318 = tpu.vector_load %arg7[%get3A_2316, %get3A_2317] {strides = array<i32>} : memref<200x128xi32, #tpu.memory_space<vmem>>, vector<16xi32>,
      %gather3A_2319 = tpu.vector_load_idx %arg6[%get3A_2318] : memref<1000xf32, #tpu.memory_space<vmem>>[vector<16xi32>], vector<16xf32>,
      %add3A_2320 = arith.addf %add3A_2276, %gather3A_2319 : vector<16xf32>
      %get3A_2321 = arith.index_cast %add3A_2285 : i32 to index
      %get3A_2322 = arith.constant 112 : index
      %get3A_2323 = tpu.vector_load %arg7[%get3A_2321, %get3A_2322] {strides = array<i32>} : memref<200x128xi32, #tpu.memory_space<vmem>>, vector<16xi32>,
      %gather3A_2324 = tpu.vector_load_idx %arg6[%get3A_2323] : memref<1000xf32, #tpu.memory_space<vmem>>[vector<16xi32>], vector<16xf32>,
      %add3A_2325 = arith.addf %add3A_2281, %gather3A_2324 : vector<16xf32>
      %mul3A_2326 = arith.constant 8 : i32
      %mul3A_2327 = arith.muli %scan3A_2186, %mul3A_2326 : i32
      %add3A_2328 = arith.constant 3 : i32
      %add3A_2329 = arith.addi %mul3A_2327, %add3A_2328 : i32
      %get3A_2330 = arith.index_cast %add3A_2329 : i32 to index
      %get3A_2331 = arith.constant 0 : index
      %get3A_2332 = tpu.vector_load %arg7[%get3A_2330, %get3A_2331] {strides = array<i32>} : memref<200x128xi32, #tpu.memory_space<vmem>>, vector<16xi32>,
      %gather3A_2333 = tpu.vector_load_idx %arg6[%get3A_2332] : memref<1000xf32, #tpu.memory_space<vmem>>[vector<16xi32>], vector<16xf32>,
      %add3A_2334 = arith.addf %add3A_2290, %gather3A_2333 : vector<16xf32>
      %get3A_2335 = arith.index_cast %add3A_2329 : i32 to index
      %get3A_2336 = arith.constant 16 : index
      %get3A_2337 = tpu.vector_load %arg7[%get3A_2335, %get3A_2336] {strides = array<i32>} : memref<200x128xi32, #tpu.memory_space<vmem>>, vector<16xi32>,
      %gather3A_2338 = tpu.vector_load_idx %arg6[%get3A_2337] : memref<1000xf32, #tpu.memory_space<vmem>>[vector<16xi32>], vector<16xf32>,
      %add3A_2339 = arith.addf %add3A_2295, %gather3A_2338 : vector<16xf32>
      %get3A_2340 = arith.index_cast %add3A_2329 : i32 to index
      %get3A_2341 = arith.constant 32 : index
      %get3A_2342 = tpu.vector_load %arg7[%get3A_2340, %get3A_2341] {strides = array<i32>} : memref<200x128xi32, #tpu.memory_space<vmem>>, vector<16xi32>,
      %gather3A_2343 = tpu.vector_load_idx %arg6[%get3A_2342] : memref<1000xf32, #tpu.memory_space<vmem>>[vector<16xi32>], vector<16xf32>,
      %add3A_2344 = arith.addf %add3A_2300, %gather3A_2343 : vector<16xf32>
      %get3A_2345 = arith.index_cast %add3A_2329 : i32 to index
      %get3A_2346 = arith.constant 48 : index
      %get3A_2347 = tpu.vector_load %arg7[%get3A_2345, %get3A_2346] {strides = array<i32>} : memref<200x128xi32, #tpu.memory_space<vmem>>, vector<16xi32>,
      %gather3A_2348 = tpu.vector_load_idx %arg6[%get3A_2347] : memref<1000xf32, #tpu.memory_space<vmem>>[vector<16xi32>], vector<16xf32>,
      %add3A_2349 = arith.addf %add3A_2305, %gather3A_2348 : vector<16xf32>
      %get3A_2350 = arith.index_cast %add3A_2329 : i32 to index
      %get3A_2351 = arith.constant 64 : index
      %get3A_2352 = tpu.vector_load %arg7[%get3A_2350, %get3A_2351] {strides = array<i32>} : memref<200x128xi32, #tpu.memory_space<vmem>>, vector<16xi32>,
      %gather3A_2353 = tpu.vector_load_idx %arg6[%get3A_2352] : memref<1000xf32, #tpu.memory_space<vmem>>[vector<16xi32>], vector<16xf32>,
      %add3A_2354 = arith.addf %add3A_2310, %gather3A_2353 : vector<16xf32>
      %get3A_2355 = arith.index_cast %add3A_2329 : i32 to index
      %get3A_2356 = arith.constant 80 : index
      %get3A_2357 = tpu.vector_load %arg7[%get3A_2355, %get3A_2356] {strides = array<i32>} : memref<200x128xi32, #tpu.memory_space<vmem>>, vector<16xi32>,
      %gather3A_2358 = tpu.vector_load_idx %arg6[%get3A_2357] : memref<1000xf32, #tpu.memory_space<vmem>>[vector<16xi32>], vector<16xf32>,
      %add3A_2359 = arith.addf %add3A_2315, %gather3A_2358 : vector<16xf32>
      %get3A_2360 = arith.index_cast %add3A_2329 : i32 to index
      %get3A_2361 = arith.constant 96 : index
      %get3A_2362 = tpu.vector_load %arg7[%get3A_2360, %get3A_2361] {strides = array<i32>} : memref<200x128xi32, #tpu.memory_space<vmem>>, vector<16xi32>,
      %gather3A_2363 = tpu.vector_load_idx %arg6[%get3A_2362] : memref<1000xf32, #tpu.memory_space<vmem>>[vector<16xi32>], vector<16xf32>,
      %add3A_2364 = arith.addf %add3A_2320, %gather3A_2363 : vector<16xf32>
      %get3A_2365 = arith.index_cast %add3A_2329 : i32 to index
      %get3A_2366 = arith.constant 112 : index
      %get3A_2367 = tpu.vector_load %arg7[%get3A_2365, %get3A_2366] {strides = array<i32>} : memref<200x128xi32, #tpu.memory_space<vmem>>, vector<16xi32>,
      %gather3A_2368 = tpu.vector_load_idx %arg6[%get3A_2367] : memref<1000xf32, #tpu.memory_space<vmem>>[vector<16xi32>], vector<16xf32>,
      %add3A_2369 = arith.addf %add3A_2325, %gather3A_2368 : vector<16xf32>
      %mul3A_2370 = arith.constant 8 : i32
      %mul3A_2371 = arith.muli %scan3A_2186, %mul3A_2370 : i32
      %add3A_2372 = arith.constant 4 : i32
      %add3A_2373 = arith.addi %mul3A_2371, %add3A_2372 : i32
      %get3A_2374 = arith.index_cast %add3A_2373 : i32 to index
      %get3A_2375 = arith.constant 0 : index
      %get3A_2376 = tpu.vector_load %arg7[%get3A_2374, %get3A_2375] {strides = array<i32>} : memref<200x128xi32, #tpu.memory_space<vmem>>, vector<16xi32>,
      %gather3A_2377 = tpu.vector_load_idx %arg6[%get3A_2376] : memref<1000xf32, #tpu.memory_space<vmem>>[vector<16xi32>], vector<16xf32>,
      %add3A_2378 = arith.addf %add3A_2334, %gather3A_2377 : vector<16xf32>
      %get3A_2379 = arith.index_cast %add3A_2373 : i32 to index
      %get3A_2380 = arith.constant 16 : index
      %get3A_2381 = tpu.vector_load %arg7[%get3A_2379, %get3A_2380] {strides = array<i32>} : memref<200x128xi32, #tpu.memory_space<vmem>>, vector<16xi32>,
      %gather3A_2382 = tpu.vector_load_idx %arg6[%get3A_2381] : memref<1000xf32, #tpu.memory_space<vmem>>[vector<16xi32>], vector<16xf32>,
      %add3A_2383 = arith.addf %add3A_2339, %gather3A_2382 : vector<16xf32>
      %get3A_2384 = arith.index_cast %add3A_2373 : i32 to index
      %get3A_2385 = arith.constant 32 : index
      %get3A_2386 = tpu.vector_load %arg7[%get3A_2384, %get3A_2385] {strides = array<i32>} : memref<200x128xi32, #tpu.memory_space<vmem>>, vector<16xi32>,
      %gather3A_2387 = tpu.vector_load_idx %arg6[%get3A_2386] : memref<1000xf32, #tpu.memory_space<vmem>>[vector<16xi32>], vector<16xf32>,
      %add3A_2388 = arith.addf %add3A_2344, %gather3A_2387 : vector<16xf32>
      %get3A_2389 = arith.index_cast %add3A_2373 : i32 to index
      %get3A_2390 = arith.constant 48 : index
      %get3A_2391 = tpu.vector_load %arg7[%get3A_2389, %get3A_2390] {strides = array<i32>} : memref<200x128xi32, #tpu.memory_space<vmem>>, vector<16xi32>,
      %gather3A_2392 = tpu.vector_load_idx %arg6[%get3A_2391] : memref<1000xf32, #tpu.memory_space<vmem>>[vector<16xi32>], vector<16xf32>,
      %add3A_2393 = arith.addf %add3A_2349, %gather3A_2392 : vector<16xf32>
      %get3A_2394 = arith.index_cast %add3A_2373 : i32 to index
      %get3A_2395 = arith.constant 64 : index
      %get3A_2396 = tpu.vector_load %arg7[%get3A_2394, %get3A_2395] {strides = array<i32>} : memref<200x128xi32, #tpu.memory_space<vmem>>, vector<16xi32>,
      %gather3A_2397 = tpu.vector_load_idx %arg6[%get3A_2396] : memref<1000xf32, #tpu.memory_space<vmem>>[vector<16xi32>], vector<16xf32>,
      %add3A_2398 = arith.addf %add3A_2354, %gather3A_2397 : vector<16xf32>
      %get3A_2399 = arith.index_cast %add3A_2373 : i32 to index
      %get3A_2400 = arith.constant 80 : index
      %get3A_2401 = tpu.vector_load %arg7[%get3A_2399, %get3A_2400] {strides = array<i32>} : memref<200x128xi32, #tpu.memory_space<vmem>>, vector<16xi32>,
      %gather3A_2402 = tpu.vector_load_idx %arg6[%get3A_2401] : memref<1000xf32, #tpu.memory_space<vmem>>[vector<16xi32>], vector<16xf32>,
      %add3A_2403 = arith.addf %add3A_2359, %gather3A_2402 : vector<16xf32>
      %get3A_2404 = arith.index_cast %add3A_2373 : i32 to index
      %get3A_2405 = arith.constant 96 : index
      %get3A_2406 = tpu.vector_load %arg7[%get3A_2404, %get3A_2405] {strides = array<i32>} : memref<200x128xi32, #tpu.memory_space<vmem>>, vector<16xi32>,
      %gather3A_2407 = tpu.vector_load_idx %arg6[%get3A_2406] : memref<1000xf32, #tpu.memory_space<vmem>>[vector<16xi32>], vector<16xf32>,
      %add3A_2408 = arith.addf %add3A_2364, %gather3A_2407 : vector<16xf32>
      %get3A_2409 = arith.index_cast %add3A_2373 : i32 to index
      %get3A_2410 = arith.constant 112 : index
      %get3A_2411 = tpu.vector_load %arg7[%get3A_2409, %get3A_2410] {strides = array<i32>} : memref<200x128xi32, #tpu.memory_space<vmem>>, vector<16xi32>,
      %gather3A_2412 = tpu.vector_load_idx %arg6[%get3A_2411] : memref<1000xf32, #tpu.memory_space<vmem>>[vector<16xi32>], vector<16xf32>,
      %add3A_2413 = arith.addf %add3A_2369, %gather3A_2412 : vector<16xf32>
      %mul3A_2414 = arith.constant 8 : i32
      %mul3A_2415 = arith.muli %scan3A_2186, %mul3A_2414 : i32
      %add3A_2416 = arith.constant 5 : i32
      %add3A_2417 = arith.addi %mul3A_2415, %add3A_2416 : i32
      %get3A_2418 = arith.index_cast %add3A_2417 : i32 to index
      %get3A_2419 = arith.constant 0 : index
      %get3A_2420 = tpu.vector_load %arg7[%get3A_2418, %get3A_2419] {strides = array<i32>} : memref<200x128xi32, #tpu.memory_space<vmem>>, vector<16xi32>,
      %gather3A_2421 = tpu.vector_load_idx %arg6[%get3A_2420] : memref<1000xf32, #tpu.memory_space<vmem>>[vector<16xi32>], vector<16xf32>,
      %add3A_2422 = arith.addf %add3A_2378, %gather3A_2421 : vector<16xf32>
      %get3A_2423 = arith.index_cast %add3A_2417 : i32 to index
      %get3A_2424 = arith.constant 16 : index
      %get3A_2425 = tpu.vector_load %arg7[%get3A_2423, %get3A_2424] {strides = array<i32>} : memref<200x128xi32, #tpu.memory_space<vmem>>, vector<16xi32>,
      %gather3A_2426 = tpu.vector_load_idx %arg6[%get3A_2425] : memref<1000xf32, #tpu.memory_space<vmem>>[vector<16xi32>], vector<16xf32>,
      %add3A_2427 = arith.addf %add3A_2383, %gather3A_2426 : vector<16xf32>
      %get3A_2428 = arith.index_cast %add3A_2417 : i32 to index
      %get3A_2429 = arith.constant 32 : index
      %get3A_2430 = tpu.vector_load %arg7[%get3A_2428, %get3A_2429] {strides = array<i32>} : memref<200x128xi32, #tpu.memory_space<vmem>>, vector<16xi32>,
      %gather3A_2431 = tpu.vector_load_idx %arg6[%get3A_2430] : memref<1000xf32, #tpu.memory_space<vmem>>[vector<16xi32>], vector<16xf32>,
      %add3A_2432 = arith.addf %add3A_2388, %gather3A_2431 : vector<16xf32>
      %get3A_2433 = arith.index_cast %add3A_2417 : i32 to index
      %get3A_2434 = arith.constant 48 : index
      %get3A_2435 = tpu.vector_load %arg7[%get3A_2433, %get3A_2434] {strides = array<i32>} : memref<200x128xi32, #tpu.memory_space<vmem>>, vector<16xi32>,
      %gather3A_2436 = tpu.vector_load_idx %arg6[%get3A_2435] : memref<1000xf32, #tpu.memory_space<vmem>>[vector<16xi32>], vector<16xf32>,
      %add3A_2437 = arith.addf %add3A_2393, %gather3A_2436 : vector<16xf32>
      %get3A_2438 = arith.index_cast %add3A_2417 : i32 to index
      %get3A_2439 = arith.constant 64 : index
      %get3A_2440 = tpu.vector_load %arg7[%get3A_2438, %get3A_2439] {strides = array<i32>} : memref<200x128xi32, #tpu.memory_space<vmem>>, vector<16xi32>,
      %gather3A_2441 = tpu.vector_load_idx %arg6[%get3A_2440] : memref<1000xf32, #tpu.memory_space<vmem>>[vector<16xi32>], vector<16xf32>,
      %add3A_2442 = arith.addf %add3A_2398, %gather3A_2441 : vector<16xf32>
      %get3A_2443 = arith.index_cast %add3A_2417 : i32 to index
      %get3A_2444 = arith.constant 80 : index
      %get3A_2445 = tpu.vector_load %arg7[%get3A_2443, %get3A_2444] {strides = array<i32>} : memref<200x128xi32, #tpu.memory_space<vmem>>, vector<16xi32>,
      %gather3A_2446 = tpu.vector_load_idx %arg6[%get3A_2445] : memref<1000xf32, #tpu.memory_space<vmem>>[vector<16xi32>], vector<16xf32>,
      %add3A_2447 = arith.addf %add3A_2403, %gather3A_2446 : vector<16xf32>
      %get3A_2448 = arith.index_cast %add3A_2417 : i32 to index
      %get3A_2449 = arith.constant 96 : index
      %get3A_2450 = tpu.vector_load %arg7[%get3A_2448, %get3A_2449] {strides = array<i32>} : memref<200x128xi32, #tpu.memory_space<vmem>>, vector<16xi32>,
      %gather3A_2451 = tpu.vector_load_idx %arg6[%get3A_2450] : memref<1000xf32, #tpu.memory_space<vmem>>[vector<16xi32>], vector<16xf32>,
      %add3A_2452 = arith.addf %add3A_2408, %gather3A_2451 : vector<16xf32>
      %get3A_2453 = arith.index_cast %add3A_2417 : i32 to index
      %get3A_2454 = arith.constant 112 : index
      %get3A_2455 = tpu.vector_load %arg7[%get3A_2453, %get3A_2454] {strides = array<i32>} : memref<200x128xi32, #tpu.memory_space<vmem>>, vector<16xi32>,
      %gather3A_2456 = tpu.vector_load_idx %arg6[%get3A_2455] : memref<1000xf32, #tpu.memory_space<vmem>>[vector<16xi32>], vector<16xf32>,
      %add3A_2457 = arith.addf %add3A_2413, %gather3A_2456 : vector<16xf32>
      %mul3A_2458 = arith.constant 8 : i32
      %mul3A_2459 = arith.muli %scan3A_2186, %mul3A_2458 : i32
      %add3A_2460 = arith.constant 6 : i32
      %add3A_2461 = arith.addi %mul3A_2459, %add3A_2460 : i32
      %get3A_2462 = arith.index_cast %add3A_2461 : i32 to index
      %get3A_2463 = arith.constant 0 : index
      %get3A_2464 = tpu.vector_load %arg7[%get3A_2462, %get3A_2463] {strides = array<i32>} : memref<200x128xi32, #tpu.memory_space<vmem>>, vector<16xi32>,
      %gather3A_2465 = tpu.vector_load_idx %arg6[%get3A_2464] : memref<1000xf32, #tpu.memory_space<vmem>>[vector<16xi32>], vector<16xf32>,
      %add3A_2466 = arith.addf %add3A_2422, %gather3A_2465 : vector<16xf32>
      %get3A_2467 = arith.index_cast %add3A_2461 : i32 to index
      %get3A_2468 = arith.constant 16 : index
      %get3A_2469 = tpu.vector_load %arg7[%get3A_2467, %get3A_2468] {strides = array<i32>} : memref<200x128xi32, #tpu.memory_space<vmem>>, vector<16xi32>,
      %gather3A_2470 = tpu.vector_load_idx %arg6[%get3A_2469] : memref<1000xf32, #tpu.memory_space<vmem>>[vector<16xi32>], vector<16xf32>,
      %add3A_2471 = arith.addf %add3A_2427, %gather3A_2470 : vector<16xf32>
      %get3A_2472 = arith.index_cast %add3A_2461 : i32 to index
      %get3A_2473 = arith.constant 32 : index
      %get3A_2474 = tpu.vector_load %arg7[%get3A_2472, %get3A_2473] {strides = array<i32>} : memref<200x128xi32, #tpu.memory_space<vmem>>, vector<16xi32>,
      %gather3A_2475 = tpu.vector_load_idx %arg6[%get3A_2474] : memref<1000xf32, #tpu.memory_space<vmem>>[vector<16xi32>], vector<16xf32>,
      %add3A_2476 = arith.addf %add3A_2432, %gather3A_2475 : vector<16xf32>
      %get3A_2477 = arith.index_cast %add3A_2461 : i32 to index
      %get3A_2478 = arith.constant 48 : index
      %get3A_2479 = tpu.vector_load %arg7[%get3A_2477, %get3A_2478] {strides = array<i32>} : memref<200x128xi32, #tpu.memory_space<vmem>>, vector<16xi32>,
      %gather3A_2480 = tpu.vector_load_idx %arg6[%get3A_2479] : memref<1000xf32, #tpu.memory_space<vmem>>[vector<16xi32>], vector<16xf32>,
      %add3A_2481 = arith.addf %add3A_2437, %gather3A_2480 : vector<16xf32>
      %get3A_2482 = arith.index_cast %add3A_2461 : i32 to index
      %get3A_2483 = arith.constant 64 : index
      %get3A_2484 = tpu.vector_load %arg7[%get3A_2482, %get3A_2483] {strides = array<i32>} : memref<200x128xi32, #tpu.memory_space<vmem>>, vector<16xi32>,
      %gather3A_2485 = tpu.vector_load_idx %arg6[%get3A_2484] : memref<1000xf32, #tpu.memory_space<vmem>>[vector<16xi32>], vector<16xf32>,
      %add3A_2486 = arith.addf %add3A_2442, %gather3A_2485 : vector<16xf32>
      %get3A_2487 = arith.index_cast %add3A_2461 : i32 to index
      %get3A_2488 = arith.constant 80 : index
      %get3A_2489 = tpu.vector_load %arg7[%get3A_2487, %get3A_2488] {strides = array<i32>} : memref<200x128xi32, #tpu.memory_space<vmem>>, vector<16xi32>,
      %gather3A_2490 = tpu.vector_load_idx %arg6[%get3A_2489] : memref<1000xf32, #tpu.memory_space<vmem>>[vector<16xi32>], vector<16xf32>,
      %add3A_2491 = arith.addf %add3A_2447, %gather3A_2490 : vector<16xf32>
      %get3A_2492 = arith.index_cast %add3A_2461 : i32 to index
      %get3A_2493 = arith.constant 96 : index
      %get3A_2494 = tpu.vector_load %arg7[%get3A_2492, %get3A_2493] {strides = array<i32>} : memref<200x128xi32, #tpu.memory_space<vmem>>, vector<16xi32>,
      %gather3A_2495 = tpu.vector_load_idx %arg6[%get3A_2494] : memref<1000xf32, #tpu.memory_space<vmem>>[vector<16xi32>], vector<16xf32>,
      %add3A_2496 = arith.addf %add3A_2452, %gather3A_2495 : vector<16xf32>
      %get3A_2497 = arith.index_cast %add3A_2461 : i32 to index
      %get3A_2498 = arith.constant 112 : index
      %get3A_2499 = tpu.vector_load %arg7[%get3A_2497, %get3A_2498] {strides = array<i32>} : memref<200x128xi32, #tpu.memory_space<vmem>>, vector<16xi32>,
      %gather3A_2500 = tpu.vector_load_idx %arg6[%get3A_2499] : memref<1000xf32, #tpu.memory_space<vmem>>[vector<16xi32>], vector<16xf32>,
      %add3A_2501 = arith.addf %add3A_2457, %gather3A_2500 : vector<16xf32>
      %mul3A_2502 = arith.constant 8 : i32
      %mul3A_2503 = arith.muli %scan3A_2186, %mul3A_2502 : i32
      %add3A_2504 = arith.constant 7 : i32
      %add3A_2505 = arith.addi %mul3A_2503, %add3A_2504 : i32
      %get3A_2506 = arith.index_cast %add3A_2505 : i32 to index
      %get3A_2507 = arith.constant 0 : index
      %get3A_2508 = tpu.vector_load %arg7[%get3A_2506, %get3A_2507] {strides = array<i32>} : memref<200x128xi32, #tpu.memory_space<vmem>>, vector<16xi32>,
      %gather3A_2509 = tpu.vector_load_idx %arg6[%get3A_2508] : memref<1000xf32, #tpu.memory_space<vmem>>[vector<16xi32>], vector<16xf32>,
      %add3A_2510 = arith.addf %add3A_2466, %gather3A_2509 : vector<16xf32>
      %get3A_2511 = arith.index_cast %add3A_2505 : i32 to index
      %get3A_2512 = arith.constant 16 : index
      %get3A_2513 = tpu.vector_load %arg7[%get3A_2511, %get3A_2512] {strides = array<i32>} : memref<200x128xi32, #tpu.memory_space<vmem>>, vector<16xi32>,
      %gather3A_2514 = tpu.vector_load_idx %arg6[%get3A_2513] : memref<1000xf32, #tpu.memory_space<vmem>>[vector<16xi32>], vector<16xf32>,
      %add3A_2515 = arith.addf %add3A_2471, %gather3A_2514 : vector<16xf32>
      %get3A_2516 = arith.index_cast %add3A_2505 : i32 to index
      %get3A_2517 = arith.constant 32 : index
      %get3A_2518 = tpu.vector_load %arg7[%get3A_2516, %get3A_2517] {strides = array<i32>} : memref<200x128xi32, #tpu.memory_space<vmem>>, vector<16xi32>,
      %gather3A_2519 = tpu.vector_load_idx %arg6[%get3A_2518] : memref<1000xf32, #tpu.memory_space<vmem>>[vector<16xi32>], vector<16xf32>,
      %add3A_2520 = arith.addf %add3A_2476, %gather3A_2519 : vector<16xf32>
      %get3A_2521 = arith.index_cast %add3A_2505 : i32 to index
      %get3A_2522 = arith.constant 48 : index
      %get3A_2523 = tpu.vector_load %arg7[%get3A_2521, %get3A_2522] {strides = array<i32>} : memref<200x128xi32, #tpu.memory_space<vmem>>, vector<16xi32>,
      %gather3A_2524 = tpu.vector_load_idx %arg6[%get3A_2523] : memref<1000xf32, #tpu.memory_space<vmem>>[vector<16xi32>], vector<16xf32>,
      %add3A_2525 = arith.addf %add3A_2481, %gather3A_2524 : vector<16xf32>
      %get3A_2526 = arith.index_cast %add3A_2505 : i32 to index
      %get3A_2527 = arith.constant 64 : index
      %get3A_2528 = tpu.vector_load %arg7[%get3A_2526, %get3A_2527] {strides = array<i32>} : memref<200x128xi32, #tpu.memory_space<vmem>>, vector<16xi32>,
      %gather3A_2529 = tpu.vector_load_idx %arg6[%get3A_2528] : memref<1000xf32, #tpu.memory_space<vmem>>[vector<16xi32>], vector<16xf32>,
      %add3A_2530 = arith.addf %add3A_2486, %gather3A_2529 : vector<16xf32>
      %get3A_2531 = arith.index_cast %add3A_2505 : i32 to index
      %get3A_2532 = arith.constant 80 : index
      %get3A_2533 = tpu.vector_load %arg7[%get3A_2531, %get3A_2532] {strides = array<i32>} : memref<200x128xi32, #tpu.memory_space<vmem>>, vector<16xi32>,
      %gather3A_2534 = tpu.vector_load_idx %arg6[%get3A_2533] : memref<1000xf32, #tpu.memory_space<vmem>>[vector<16xi32>], vector<16xf32>,
      %add3A_2535 = arith.addf %add3A_2491, %gather3A_2534 : vector<16xf32>
      %get3A_2536 = arith.index_cast %add3A_2505 : i32 to index
      %get3A_2537 = arith.constant 96 : index
      %get3A_2538 = tpu.vector_load %arg7[%get3A_2536, %get3A_2537] {strides = array<i32>} : memref<200x128xi32, #tpu.memory_space<vmem>>, vector<16xi32>,
      %gather3A_2539 = tpu.vector_load_idx %arg6[%get3A_2538] : memref<1000xf32, #tpu.memory_space<vmem>>[vector<16xi32>], vector<16xf32>,
      %add3A_2540 = arith.addf %add3A_2496, %gather3A_2539 : vector<16xf32>
      %get3A_2541 = arith.index_cast %add3A_2505 : i32 to index
      %get3A_2542 = arith.constant 112 : index
      %get3A_2543 = tpu.vector_load %arg7[%get3A_2541, %get3A_2542] {strides = array<i32>} : memref<200x128xi32, #tpu.memory_space<vmem>>, vector<16xi32>,
      %gather3A_2544 = tpu.vector_load_idx %arg6[%get3A_2543] : memref<1000xf32, #tpu.memory_space<vmem>>[vector<16xi32>], vector<16xf32>,
      %add3A_2545 = arith.addf %add3A_2501, %gather3A_2544 : vector<16xf32>
      scf.yield %add3A_2510, %add3A_2515, %add3A_2520, %add3A_2525, %add3A_2530, %add3A_2535, %add3A_2540, %add3A_2545 : vector<16xf32>, vector<16xf32>, vector<16xf32>, vector<16xf32>, vector<16xf32>, vector<16xf32>, vector<16xf32>, vector<16xf32>
    }
    %scan3A_1590 = arith.constant 25 : i32
    %mul3A_1591 = arith.constant 5.000000e-03 : f32
    %mul3A_1592 = vector.broadcast %mul3A_1591 : f32 to vector<16xf32>
    %mul3A_1593 = arith.mulf %scan3A_1589#0, %mul3A_1592 : vector<16xf32>
    %add3A_1594 = vector.broadcast %squeeze3A : f32 to vector<16xf32>
    %add3A_1595 = arith.addf %mul3A_1593, %add3A_1594 : vector<16xf32>
    %neg3A = arith.constant 0.000000e+00 : f32
    %neg3A_1596 = vector.broadcast %neg3A : f32 to vector<16xf32>
    %neg3A_1597 = arith.subf %neg3A_1596, %add3A_1595 : vector<16xf32>
    %exp3A = math.exp %neg3A_1597 : vector<16xf32>
    %add3A_1598 = arith.constant 1.000000e+00 : f32
    %add3A_1599 = vector.broadcast %add3A_1598 : f32 to vector<16xf32>
    %add3A_1600 = arith.addf %add3A_1599, %exp3A : vector<16xf32>
    %div3A = arith.constant 1.000000e+00 : f32
    %div3A_1601 = vector.broadcast %div3A : f32 to vector<16xf32>
    %div3A_1602 = arith.divf %div3A_1601, %add3A_1600 : vector<16xf32>
    %swap3A_1603 = arith.constant 0 : index
    %swap3A_1604 = tpu.vector_load %arg9[%swap3A_1603] {strides = array<i32>} : memref<512xf32, #tpu.memory_space<vmem>>, vector<16xf32>,
    tpu.vector_store %arg9[%swap3A_1603], %div3A_1602 {strides = array<i32>} : memref<512xf32, #tpu.memory_space<vmem>>, vector<16xf32>,
    %mul3A_1605 = arith.constant 5.000000e-03 : f32
    %mul3A_1606 = vector.broadcast %mul3A_1605 : f32 to vector<16xf32>
    %mul3A_1607 = arith.mulf %scan3A_1589#1, %mul3A_1606 : vector<16xf32>
    %add3A_1608 = vector.broadcast %squeeze3A : f32 to vector<16xf32>
    %add3A_1609 = arith.addf %mul3A_1607, %add3A_1608 : vector<16xf32>
    %neg3A_1610 = arith.constant 0.000000e+00 : f32
    %neg3A_1611 = vector.broadcast %neg3A_1610 : f32 to vector<16xf32>
    %neg3A_1612 = arith.subf %neg3A_1611, %add3A_1609 : vector<16xf32>
    %exp3A_1613 = math.exp %neg3A_1612 : vector<16xf32>
    %add3A_1614 = arith.constant 1.000000e+00 : f32
    %add3A_1615 = vector.broadcast %add3A_1614 : f32 to vector<16xf32>
    %add3A_1616 = arith.addf %add3A_1615, %exp3A_1613 : vector<16xf32>
    %div3A_1617 = arith.constant 1.000000e+00 : f32
    %div3A_1618 = vector.broadcast %div3A_1617 : f32 to vector<16xf32>
    %div3A_1619 = arith.divf %div3A_1618, %add3A_1616 : vector<16xf32>
    %swap3A_1620 = arith.constant 16 : index
    %swap3A_1621 = tpu.vector_load %arg9[%swap3A_1620] {strides = array<i32>} : memref<512xf32, #tpu.memory_space<vmem>>, vector<16xf32>,
    tpu.vector_store %arg9[%swap3A_1620], %div3A_1619 {strides = array<i32>} : memref<512xf32, #tpu.memory_space<vmem>>, vector<16xf32>,
    %mul3A_1622 = arith.constant 5.000000e-03 : f32
    %mul3A_1623 = vector.broadcast %mul3A_1622 : f32 to vector<16xf32>
    %mul3A_1624 = arith.mulf %scan3A_1589#2, %mul3A_1623 : vector<16xf32>
    %add3A_1625 = vector.broadcast %squeeze3A : f32 to vector<16xf32>
    %add3A_1626 = arith.addf %mul3A_1624, %add3A_1625 : vector<16xf32>
    %neg3A_1627 = arith.constant 0.000000e+00 : f32
    %neg3A_1628 = vector.broadcast %neg3A_1627 : f32 to vector<16xf32>
    %neg3A_1629 = arith.subf %neg3A_1628, %add3A_1626 : vector<16xf32>
    %exp3A_1630 = math.exp %neg3A_1629 : vector<16xf32>
    %add3A_1631 = arith.constant 1.000000e+00 : f32
    %add3A_1632 = vector.broadcast %add3A_1631 : f32 to vector<16xf32>
    %add3A_1633 = arith.addf %add3A_1632, %exp3A_1630 : vector<16xf32>
    %div3A_1634 = arith.constant 1.000000e+00 : f32
    %div3A_1635 = vector.broadcast %div3A_1634 : f32 to vector<16xf32>
    %div3A_1636 = arith.divf %div3A_1635, %add3A_1633 : vector<16xf32>
    %swap3A_1637 = arith.constant 32 : index
    %swap3A_1638 = tpu.vector_load %arg9[%swap3A_1637] {strides = array<i32>} : memref<512xf32, #tpu.memory_space<vmem>>, vector<16xf32>,
    tpu.vector_store %arg9[%swap3A_1637], %div3A_1636 {strides = array<i32>} : memref<512xf32, #tpu.memory_space<vmem>>, vector<16xf32>,
    %mul3A_1639 = arith.constant 5.000000e-03 : f32
    %mul3A_1640 = vector.broadcast %mul3A_1639 : f32 to vector<16xf32>
    %mul3A_1641 = arith.mulf %scan3A_1589#3, %mul3A_1640 : vector<16xf32>
    %add3A_1642 = vector.broadcast %squeeze3A : f32 to vector<16xf32>
    %add3A_1643 = arith.addf %mul3A_1641, %add3A_1642 : vector<16xf32>
    %neg3A_1644 = arith.constant 0.000000e+00 : f32
    %neg3A_1645 = vector.broadcast %neg3A_1644 : f32 to vector<16xf32>
    %neg3A_1646 = arith.subf %neg3A_1645, %add3A_1643 : vector<16xf32>
    %exp3A_1647 = math.exp %neg3A_1646 : vector<16xf32>
    %add3A_1648 = arith.constant 1.000000e+00 : f32
    %add3A_1649 = vector.broadcast %add3A_1648 : f32 to vector<16xf32>
    %add3A_1650 = arith.addf %add3A_1649, %exp3A_1647 : vector<16xf32>
    %div3A_1651 = arith.constant 1.000000e+00 : f32
    %div3A_1652 = vector.broadcast %div3A_1651 : f32 to vector<16xf32>
    %div3A_1653 = arith.divf %div3A_1652, %add3A_1650 : vector<16xf32>
    %swap3A_1654 = arith.constant 48 : index
    %swap3A_1655 = tpu.vector_load %arg9[%swap3A_1654] {strides = array<i32>} : memref<512xf32, #tpu.memory_space<vmem>>, vector<16xf32>,
    tpu.vector_store %arg9[%swap3A_1654], %div3A_1653 {strides = array<i32>} : memref<512xf32, #tpu.memory_space<vmem>>, vector<16xf32>,
    %mul3A_1656 = arith.constant 5.000000e-03 : f32
    %mul3A_1657 = vector.broadcast %mul3A_1656 : f32 to vector<16xf32>
    %mul3A_1658 = arith.mulf %scan3A_1589#4, %mul3A_1657 : vector<16xf32>
    %add3A_1659 = vector.broadcast %squeeze3A : f32 to vector<16xf32>
    %add3A_1660 = arith.addf %mul3A_1658, %add3A_1659 : vector<16xf32>
    %neg3A_1661 = arith.constant 0.000000e+00 : f32
    %neg3A_1662 = vector.broadcast %neg3A_1661 : f32 to vector<16xf32>
    %neg3A_1663 = arith.subf %neg3A_1662, %add3A_1660 : vector<16xf32>
    %exp3A_1664 = math.exp %neg3A_1663 : vector<16xf32>
    %add3A_1665 = arith.constant 1.000000e+00 : f32
    %add3A_1666 = vector.broadcast %add3A_1665 : f32 to vector<16xf32>
    %add3A_1667 = arith.addf %add3A_1666, %exp3A_1664 : vector<16xf32>
    %div3A_1668 = arith.constant 1.000000e+00 : f32
    %div3A_1669 = vector.broadcast %div3A_1668 : f32 to vector<16xf32>
    %div3A_1670 = arith.divf %div3A_1669, %add3A_1667 : vector<16xf32>
    %swap3A_1671 = arith.constant 64 : index
    %swap3A_1672 = tpu.vector_load %arg9[%swap3A_1671] {strides = array<i32>} : memref<512xf32, #tpu.memory_space<vmem>>, vector<16xf32>,
    tpu.vector_store %arg9[%swap3A_1671], %div3A_1670 {strides = array<i32>} : memref<512xf32, #tpu.memory_space<vmem>>, vector<16xf32>,
    %mul3A_1673 = arith.constant 5.000000e-03 : f32
    %mul3A_1674 = vector.broadcast %mul3A_1673 : f32 to vector<16xf32>
    %mul3A_1675 = arith.mulf %scan3A_1589#5, %mul3A_1674 : vector<16xf32>
    %add3A_1676 = vector.broadcast %squeeze3A : f32 to vector<16xf32>
    %add3A_1677 = arith.addf %mul3A_1675, %add3A_1676 : vector<16xf32>
    %neg3A_1678 = arith.constant 0.000000e+00 : f32
    %neg3A_1679 = vector.broadcast %neg3A_1678 : f32 to vector<16xf32>
    %neg3A_1680 = arith.subf %neg3A_1679, %add3A_1677 : vector<16xf32>
    %exp3A_1681 = math.exp %neg3A_1680 : vector<16xf32>
    %add3A_1682 = arith.constant 1.000000e+00 : f32
    %add3A_1683 = vector.broadcast %add3A_1682 : f32 to vector<16xf32>
    %add3A_1684 = arith.addf %add3A_1683, %exp3A_1681 : vector<16xf32>
    %div3A_1685 = arith.constant 1.000000e+00 : f32
    %div3A_1686 = vector.broadcast %div3A_1685 : f32 to vector<16xf32>
    %div3A_1687 = arith.divf %div3A_1686, %add3A_1684 : vector<16xf32>
    %swap3A_1688 = arith.constant 80 : index
    %swap3A_1689 = tpu.vector_load %arg9[%swap3A_1688] {strides = array<i32>} : memref<512xf32, #tpu.memory_space<vmem>>, vector<16xf32>,
    tpu.vector_store %arg9[%swap3A_1688], %div3A_1687 {strides = array<i32>} : memref<512xf32, #tpu.memory_space<vmem>>, vector<16xf32>,
    %mul3A_1690 = arith.constant 5.000000e-03 : f32
    %mul3A_1691 = vector.broadcast %mul3A_1690 : f32 to vector<16xf32>
    %mul3A_1692 = arith.mulf %scan3A_1589#6, %mul3A_1691 : vector<16xf32>
    %add3A_1693 = vector.broadcast %squeeze3A : f32 to vector<16xf32>
    %add3A_1694 = arith.addf %mul3A_1692, %add3A_1693 : vector<16xf32>
    %neg3A_1695 = arith.constant 0.000000e+00 : f32
    %neg3A_1696 = vector.broadcast %neg3A_1695 : f32 to vector<16xf32>
    %neg3A_1697 = arith.subf %neg3A_1696, %add3A_1694 : vector<16xf32>
    %exp3A_1698 = math.exp %neg3A_1697 : vector<16xf32>
    %add3A_1699 = arith.constant 1.000000e+00 : f32
    %add3A_1700 = vector.broadcast %add3A_1699 : f32 to vector<16xf32>
    %add3A_1701 = arith.addf %add3A_1700, %exp3A_1698 : vector<16xf32>
    %div3A_1702 = arith.constant 1.000000e+00 : f32
    %div3A_1703 = vector.broadcast %div3A_1702 : f32 to vector<16xf32>
    %div3A_1704 = arith.divf %div3A_1703, %add3A_1701 : vector<16xf32>
    %swap3A_1705 = arith.constant 96 : index
    %swap3A_1706 = tpu.vector_load %arg9[%swap3A_1705] {strides = array<i32>} : memref<512xf32, #tpu.memory_space<vmem>>, vector<16xf32>,
    tpu.vector_store %arg9[%swap3A_1705], %div3A_1704 {strides = array<i32>} : memref<512xf32, #tpu.memory_space<vmem>>, vector<16xf32>,
    %mul3A_1707 = arith.constant 5.000000e-03 : f32
    %mul3A_1708 = vector.broadcast %mul3A_1707 : f32 to vector<16xf32>
    %mul3A_1709 = arith.mulf %scan3A_1589#7, %mul3A_1708 : vector<16xf32>
    %add3A_1710 = vector.broadcast %squeeze3A : f32 to vector<16xf32>
    %add3A_1711 = arith.addf %mul3A_1709, %add3A_1710 : vector<16xf32>
    %neg3A_1712 = arith.constant 0.000000e+00 : f32
    %neg3A_1713 = vector.broadcast %neg3A_1712 : f32 to vector<16xf32>
    %neg3A_1714 = arith.subf %neg3A_1713, %add3A_1711 : vector<16xf32>
    %exp3A_1715 = math.exp %neg3A_1714 : vector<16xf32>
    %add3A_1716 = arith.constant 1.000000e+00 : f32
    %add3A_1717 = vector.broadcast %add3A_1716 : f32 to vector<16xf32>
    %add3A_1718 = arith.addf %add3A_1717, %exp3A_1715 : vector<16xf32>
    %div3A_1719 = arith.constant 1.000000e+00 : f32
    %div3A_1720 = vector.broadcast %div3A_1719 : f32 to vector<16xf32>
    %div3A_1721 = arith.divf %div3A_1720, %add3A_1718 : vector<16xf32>
    %swap3A_1722 = arith.constant 112 : index
    %swap3A_1723 = tpu.vector_load %arg9[%swap3A_1722] {strides = array<i32>} : memref<512xf32, #tpu.memory_space<vmem>>, vector<16xf32>,
    tpu.vector_store %arg9[%swap3A_1722], %div3A_1721 {strides = array<i32>} : memref<512xf32, #tpu.memory_space<vmem>>, vector<16xf32>,
    %dma_wait3A_1724 = arith.constant 0 : i32
    %dma_wait3A_1725 = tpu.memref_slice %arg4[%dma_wait3A_1724, %mul3A_1579] : memref<200x16384xi32, #tpu.memory_space<hbm>> -> memref<200x128xi32, #tpu.memory_space<hbm>>
    %dma_wait3A_1726 = arith.constant 0 : i32
    %dma_wait3A_1727 = tpu.memref_slice %arg4[%dma_wait3A_1726, %mul3A_1579] : memref<200x16384xi32, #tpu.memory_space<hbm>> -> memref<200x128xi32, #tpu.memory_space<hbm>>
    tpu.wait_dma2 semaphore(%arg15 : memref<!tpu.dma_semaphore, #tpu.memory_space<semaphore_mem>>) src(%dma_wait3A_1727 : memref<200x128xi32, #tpu.memory_space<hbm>>) dst(%arg8 : memref<200x128xi32, #tpu.memory_space<vmem>>)
    %add3A_1728 = arith.constant 2 : i32
    %add3A_1729 = arith.addi %mul3A_2, %add3A_1728 : i32
    %mul3A_1730 = arith.constant 128 : i32
    %mul3A_1731 = arith.muli %add3A_1729, %mul3A_1730 : i32
    %dma_start3A_1732 = arith.constant 0 : i32
    %dma_start3A_1733 = tpu.memref_slice %arg4[%dma_start3A_1732, %mul3A_1731] : memref<200x16384xi32, #tpu.memory_space<hbm>> -> memref<200x128xi32, #tpu.memory_space<hbm>>
    %dma_start3A_1734 = arith.constant 0 : i32
    %dma_start3A_1735 = tpu.memref_slice %arg4[%dma_start3A_1734, %mul3A_1731] : memref<200x16384xi32, #tpu.memory_space<hbm>> -> memref<200x128xi32, #tpu.memory_space<hbm>>
    tpu.enqueue_dma source(%dma_start3A_1735 : memref<200x128xi32, #tpu.memory_space<hbm>>) target(%arg7 : memref<200x128xi32, #tpu.memory_space<vmem>>) target_semaphore(%arg14 : memref<!tpu.dma_semaphore, #tpu.memory_space<semaphore_mem>>)
    %broadcast_in_dim3A_1736 = arith.constant 0.000000e+00 : f32
    %broadcast_in_dim3A_1737 = vector.broadcast %broadcast_in_dim3A_1736 : f32 to vector<16xf32>
    %scan3A_1738 = arith.constant 0 : i32
    %scan3A_1739 = arith.constant 25 : i32
    %scan3A_1740 = arith.addi %scan3A_1738, %scan3A_1739 : i32
    %scan3A_1741 = arith.constant 1 : i32
    %scan3A_1742:8 = scf.for %scan3A_2186 = %scan3A_1738 to %scan3A_1740 step %scan3A_1741 iter_args(%scan3A_2187 = %broadcast_in_dim3A_1737, %scan3A_2188 = %broadcast_in_dim3A_1737, %scan3A_2189 = %broadcast_in_dim3A_1737, %scan3A_2190 = %broadcast_in_dim3A_1737, %scan3A_2191 = %broadcast_in_dim3A_1737, %scan3A_2192 = %broadcast_in_dim3A_1737, %scan3A_2193 = %broadcast_in_dim3A_1737, %scan3A_2194 = %broadcast_in_dim3A_1737) -> (vector<16xf32>, vector<16xf32>, vector<16xf32>, vector<16xf32>, vector<16xf32>, vector<16xf32>, vector<16xf32>, vector<16xf32>)  : i32 {
      %mul3A_2195 = arith.constant 8 : i32
      %mul3A_2196 = arith.muli %scan3A_2186, %mul3A_2195 : i32
      %add3A_2197 = arith.constant 0 : i32
      %add3A_2198 = arith.addi %mul3A_2196, %add3A_2197 : i32
      %get3A_2199 = arith.index_cast %add3A_2198 : i32 to index
      %get3A_2200 = arith.constant 0 : index
      %get3A_2201 = tpu.vector_load %arg8[%get3A_2199, %get3A_2200] {strides = array<i32>} : memref<200x128xi32, #tpu.memory_space<vmem>>, vector<16xi32>,
      %gather3A = tpu.vector_load_idx %arg6[%get3A_2201] : memref<1000xf32, #tpu.memory_space<vmem>>[vector<16xi32>], vector<16xf32>,
      %add3A_2202 = arith.addf %scan3A_2187, %gather3A : vector<16xf32>
      %get3A_2203 = arith.index_cast %add3A_2198 : i32 to index
      %get3A_2204 = arith.constant 16 : index
      %get3A_2205 = tpu.vector_load %arg8[%get3A_2203, %get3A_2204] {strides = array<i32>} : memref<200x128xi32, #tpu.memory_space<vmem>>, vector<16xi32>,
      %gather3A_2206 = tpu.vector_load_idx %arg6[%get3A_2205] : memref<1000xf32, #tpu.memory_space<vmem>>[vector<16xi32>], vector<16xf32>,
      %add3A_2207 = arith.addf %scan3A_2188, %gather3A_2206 : vector<16xf32>
      %get3A_2208 = arith.index_cast %add3A_2198 : i32 to index
      %get3A_2209 = arith.constant 32 : index
      %get3A_2210 = tpu.vector_load %arg8[%get3A_2208, %get3A_2209] {strides = array<i32>} : memref<200x128xi32, #tpu.memory_space<vmem>>, vector<16xi32>,
      %gather3A_2211 = tpu.vector_load_idx %arg6[%get3A_2210] : memref<1000xf32, #tpu.memory_space<vmem>>[vector<16xi32>], vector<16xf32>,
      %add3A_2212 = arith.addf %scan3A_2189, %gather3A_2211 : vector<16xf32>
      %get3A_2213 = arith.index_cast %add3A_2198 : i32 to index
      %get3A_2214 = arith.constant 48 : index
      %get3A_2215 = tpu.vector_load %arg8[%get3A_2213, %get3A_2214] {strides = array<i32>} : memref<200x128xi32, #tpu.memory_space<vmem>>, vector<16xi32>,
      %gather3A_2216 = tpu.vector_load_idx %arg6[%get3A_2215] : memref<1000xf32, #tpu.memory_space<vmem>>[vector<16xi32>], vector<16xf32>,
      %add3A_2217 = arith.addf %scan3A_2190, %gather3A_2216 : vector<16xf32>
      %get3A_2218 = arith.index_cast %add3A_2198 : i32 to index
      %get3A_2219 = arith.constant 64 : index
      %get3A_2220 = tpu.vector_load %arg8[%get3A_2218, %get3A_2219] {strides = array<i32>} : memref<200x128xi32, #tpu.memory_space<vmem>>, vector<16xi32>,
      %gather3A_2221 = tpu.vector_load_idx %arg6[%get3A_2220] : memref<1000xf32, #tpu.memory_space<vmem>>[vector<16xi32>], vector<16xf32>,
      %add3A_2222 = arith.addf %scan3A_2191, %gather3A_2221 : vector<16xf32>
      %get3A_2223 = arith.index_cast %add3A_2198 : i32 to index
      %get3A_2224 = arith.constant 80 : index
      %get3A_2225 = tpu.vector_load %arg8[%get3A_2223, %get3A_2224] {strides = array<i32>} : memref<200x128xi32, #tpu.memory_space<vmem>>, vector<16xi32>,
      %gather3A_2226 = tpu.vector_load_idx %arg6[%get3A_2225] : memref<1000xf32, #tpu.memory_space<vmem>>[vector<16xi32>], vector<16xf32>,
      %add3A_2227 = arith.addf %scan3A_2192, %gather3A_2226 : vector<16xf32>
      %get3A_2228 = arith.index_cast %add3A_2198 : i32 to index
      %get3A_2229 = arith.constant 96 : index
      %get3A_2230 = tpu.vector_load %arg8[%get3A_2228, %get3A_2229] {strides = array<i32>} : memref<200x128xi32, #tpu.memory_space<vmem>>, vector<16xi32>,
      %gather3A_2231 = tpu.vector_load_idx %arg6[%get3A_2230] : memref<1000xf32, #tpu.memory_space<vmem>>[vector<16xi32>], vector<16xf32>,
      %add3A_2232 = arith.addf %scan3A_2193, %gather3A_2231 : vector<16xf32>
      %get3A_2233 = arith.index_cast %add3A_2198 : i32 to index
      %get3A_2234 = arith.constant 112 : index
      %get3A_2235 = tpu.vector_load %arg8[%get3A_2233, %get3A_2234] {strides = array<i32>} : memref<200x128xi32, #tpu.memory_space<vmem>>, vector<16xi32>,
      %gather3A_2236 = tpu.vector_load_idx %arg6[%get3A_2235] : memref<1000xf32, #tpu.memory_space<vmem>>[vector<16xi32>], vector<16xf32>,
      %add3A_2237 = arith.addf %scan3A_2194, %gather3A_2236 : vector<16xf32>
      %mul3A_2238 = arith.constant 8 : i32
      %mul3A_2239 = arith.muli %scan3A_2186, %mul3A_2238 : i32
      %add3A_2240 = arith.constant 1 : i32
      %add3A_2241 = arith.addi %mul3A_2239, %add3A_2240 : i32
      %get3A_2242 = arith.index_cast %add3A_2241 : i32 to index
      %get3A_2243 = arith.constant 0 : index
      %get3A_2244 = tpu.vector_load %arg8[%get3A_2242, %get3A_2243] {strides = array<i32>} : memref<200x128xi32, #tpu.memory_space<vmem>>, vector<16xi32>,
      %gather3A_2245 = tpu.vector_load_idx %arg6[%get3A_2244] : memref<1000xf32, #tpu.memory_space<vmem>>[vector<16xi32>], vector<16xf32>,
      %add3A_2246 = arith.addf %add3A_2202, %gather3A_2245 : vector<16xf32>
      %get3A_2247 = arith.index_cast %add3A_2241 : i32 to index
      %get3A_2248 = arith.constant 16 : index
      %get3A_2249 = tpu.vector_load %arg8[%get3A_2247, %get3A_2248] {strides = array<i32>} : memref<200x128xi32, #tpu.memory_space<vmem>>, vector<16xi32>,
      %gather3A_2250 = tpu.vector_load_idx %arg6[%get3A_2249] : memref<1000xf32, #tpu.memory_space<vmem>>[vector<16xi32>], vector<16xf32>,
      %add3A_2251 = arith.addf %add3A_2207, %gather3A_2250 : vector<16xf32>
      %get3A_2252 = arith.index_cast %add3A_2241 : i32 to index
      %get3A_2253 = arith.constant 32 : index
      %get3A_2254 = tpu.vector_load %arg8[%get3A_2252, %get3A_2253] {strides = array<i32>} : memref<200x128xi32, #tpu.memory_space<vmem>>, vector<16xi32>,
      %gather3A_2255 = tpu.vector_load_idx %arg6[%get3A_2254] : memref<1000xf32, #tpu.memory_space<vmem>>[vector<16xi32>], vector<16xf32>,
      %add3A_2256 = arith.addf %add3A_2212, %gather3A_2255 : vector<16xf32>
      %get3A_2257 = arith.index_cast %add3A_2241 : i32 to index
      %get3A_2258 = arith.constant 48 : index
      %get3A_2259 = tpu.vector_load %arg8[%get3A_2257, %get3A_2258] {strides = array<i32>} : memref<200x128xi32, #tpu.memory_space<vmem>>, vector<16xi32>,
      %gather3A_2260 = tpu.vector_load_idx %arg6[%get3A_2259] : memref<1000xf32, #tpu.memory_space<vmem>>[vector<16xi32>], vector<16xf32>,
      %add3A_2261 = arith.addf %add3A_2217, %gather3A_2260 : vector<16xf32>
      %get3A_2262 = arith.index_cast %add3A_2241 : i32 to index
      %get3A_2263 = arith.constant 64 : index
      %get3A_2264 = tpu.vector_load %arg8[%get3A_2262, %get3A_2263] {strides = array<i32>} : memref<200x128xi32, #tpu.memory_space<vmem>>, vector<16xi32>,
      %gather3A_2265 = tpu.vector_load_idx %arg6[%get3A_2264] : memref<1000xf32, #tpu.memory_space<vmem>>[vector<16xi32>], vector<16xf32>,
      %add3A_2266 = arith.addf %add3A_2222, %gather3A_2265 : vector<16xf32>
      %get3A_2267 = arith.index_cast %add3A_2241 : i32 to index
      %get3A_2268 = arith.constant 80 : index
      %get3A_2269 = tpu.vector_load %arg8[%get3A_2267, %get3A_2268] {strides = array<i32>} : memref<200x128xi32, #tpu.memory_space<vmem>>, vector<16xi32>,
      %gather3A_2270 = tpu.vector_load_idx %arg6[%get3A_2269] : memref<1000xf32, #tpu.memory_space<vmem>>[vector<16xi32>], vector<16xf32>,
      %add3A_2271 = arith.addf %add3A_2227, %gather3A_2270 : vector<16xf32>
      %get3A_2272 = arith.index_cast %add3A_2241 : i32 to index
      %get3A_2273 = arith.constant 96 : index
      %get3A_2274 = tpu.vector_load %arg8[%get3A_2272, %get3A_2273] {strides = array<i32>} : memref<200x128xi32, #tpu.memory_space<vmem>>, vector<16xi32>,
      %gather3A_2275 = tpu.vector_load_idx %arg6[%get3A_2274] : memref<1000xf32, #tpu.memory_space<vmem>>[vector<16xi32>], vector<16xf32>,
      %add3A_2276 = arith.addf %add3A_2232, %gather3A_2275 : vector<16xf32>
      %get3A_2277 = arith.index_cast %add3A_2241 : i32 to index
      %get3A_2278 = arith.constant 112 : index
      %get3A_2279 = tpu.vector_load %arg8[%get3A_2277, %get3A_2278] {strides = array<i32>} : memref<200x128xi32, #tpu.memory_space<vmem>>, vector<16xi32>,
      %gather3A_2280 = tpu.vector_load_idx %arg6[%get3A_2279] : memref<1000xf32, #tpu.memory_space<vmem>>[vector<16xi32>], vector<16xf32>,
      %add3A_2281 = arith.addf %add3A_2237, %gather3A_2280 : vector<16xf32>
      %mul3A_2282 = arith.constant 8 : i32
      %mul3A_2283 = arith.muli %scan3A_2186, %mul3A_2282 : i32
      %add3A_2284 = arith.constant 2 : i32
      %add3A_2285 = arith.addi %mul3A_2283, %add3A_2284 : i32
      %get3A_2286 = arith.index_cast %add3A_2285 : i32 to index
      %get3A_2287 = arith.constant 0 : index
      %get3A_2288 = tpu.vector_load %arg8[%get3A_2286, %get3A_2287] {strides = array<i32>} : memref<200x128xi32, #tpu.memory_space<vmem>>, vector<16xi32>,
      %gather3A_2289 = tpu.vector_load_idx %arg6[%get3A_2288] : memref<1000xf32, #tpu.memory_space<vmem>>[vector<16xi32>], vector<16xf32>,
      %add3A_2290 = arith.addf %add3A_2246, %gather3A_2289 : vector<16xf32>
      %get3A_2291 = arith.index_cast %add3A_2285 : i32 to index
      %get3A_2292 = arith.constant 16 : index
      %get3A_2293 = tpu.vector_load %arg8[%get3A_2291, %get3A_2292] {strides = array<i32>} : memref<200x128xi32, #tpu.memory_space<vmem>>, vector<16xi32>,
      %gather3A_2294 = tpu.vector_load_idx %arg6[%get3A_2293] : memref<1000xf32, #tpu.memory_space<vmem>>[vector<16xi32>], vector<16xf32>,
      %add3A_2295 = arith.addf %add3A_2251, %gather3A_2294 : vector<16xf32>
      %get3A_2296 = arith.index_cast %add3A_2285 : i32 to index
      %get3A_2297 = arith.constant 32 : index
      %get3A_2298 = tpu.vector_load %arg8[%get3A_2296, %get3A_2297] {strides = array<i32>} : memref<200x128xi32, #tpu.memory_space<vmem>>, vector<16xi32>,
      %gather3A_2299 = tpu.vector_load_idx %arg6[%get3A_2298] : memref<1000xf32, #tpu.memory_space<vmem>>[vector<16xi32>], vector<16xf32>,
      %add3A_2300 = arith.addf %add3A_2256, %gather3A_2299 : vector<16xf32>
      %get3A_2301 = arith.index_cast %add3A_2285 : i32 to index
      %get3A_2302 = arith.constant 48 : index
      %get3A_2303 = tpu.vector_load %arg8[%get3A_2301, %get3A_2302] {strides = array<i32>} : memref<200x128xi32, #tpu.memory_space<vmem>>, vector<16xi32>,
      %gather3A_2304 = tpu.vector_load_idx %arg6[%get3A_2303] : memref<1000xf32, #tpu.memory_space<vmem>>[vector<16xi32>], vector<16xf32>,
      %add3A_2305 = arith.addf %add3A_2261, %gather3A_2304 : vector<16xf32>
      %get3A_2306 = arith.index_cast %add3A_2285 : i32 to index
      %get3A_2307 = arith.constant 64 : index
      %get3A_2308 = tpu.vector_load %arg8[%get3A_2306, %get3A_2307] {strides = array<i32>} : memref<200x128xi32, #tpu.memory_space<vmem>>, vector<16xi32>,
      %gather3A_2309 = tpu.vector_load_idx %arg6[%get3A_2308] : memref<1000xf32, #tpu.memory_space<vmem>>[vector<16xi32>], vector<16xf32>,
      %add3A_2310 = arith.addf %add3A_2266, %gather3A_2309 : vector<16xf32>
      %get3A_2311 = arith.index_cast %add3A_2285 : i32 to index
      %get3A_2312 = arith.constant 80 : index
      %get3A_2313 = tpu.vector_load %arg8[%get3A_2311, %get3A_2312] {strides = array<i32>} : memref<200x128xi32, #tpu.memory_space<vmem>>, vector<16xi32>,
      %gather3A_2314 = tpu.vector_load_idx %arg6[%get3A_2313] : memref<1000xf32, #tpu.memory_space<vmem>>[vector<16xi32>], vector<16xf32>,
      %add3A_2315 = arith.addf %add3A_2271, %gather3A_2314 : vector<16xf32>
      %get3A_2316 = arith.index_cast %add3A_2285 : i32 to index
      %get3A_2317 = arith.constant 96 : index
      %get3A_2318 = tpu.vector_load %arg8[%get3A_2316, %get3A_2317] {strides = array<i32>} : memref<200x128xi32, #tpu.memory_space<vmem>>, vector<16xi32>,
      %gather3A_2319 = tpu.vector_load_idx %arg6[%get3A_2318] : memref<1000xf32, #tpu.memory_space<vmem>>[vector<16xi32>], vector<16xf32>,
      %add3A_2320 = arith.addf %add3A_2276, %gather3A_2319 : vector<16xf32>
      %get3A_2321 = arith.index_cast %add3A_2285 : i32 to index
      %get3A_2322 = arith.constant 112 : index
      %get3A_2323 = tpu.vector_load %arg8[%get3A_2321, %get3A_2322] {strides = array<i32>} : memref<200x128xi32, #tpu.memory_space<vmem>>, vector<16xi32>,
      %gather3A_2324 = tpu.vector_load_idx %arg6[%get3A_2323] : memref<1000xf32, #tpu.memory_space<vmem>>[vector<16xi32>], vector<16xf32>,
      %add3A_2325 = arith.addf %add3A_2281, %gather3A_2324 : vector<16xf32>
      %mul3A_2326 = arith.constant 8 : i32
      %mul3A_2327 = arith.muli %scan3A_2186, %mul3A_2326 : i32
      %add3A_2328 = arith.constant 3 : i32
      %add3A_2329 = arith.addi %mul3A_2327, %add3A_2328 : i32
      %get3A_2330 = arith.index_cast %add3A_2329 : i32 to index
      %get3A_2331 = arith.constant 0 : index
      %get3A_2332 = tpu.vector_load %arg8[%get3A_2330, %get3A_2331] {strides = array<i32>} : memref<200x128xi32, #tpu.memory_space<vmem>>, vector<16xi32>,
      %gather3A_2333 = tpu.vector_load_idx %arg6[%get3A_2332] : memref<1000xf32, #tpu.memory_space<vmem>>[vector<16xi32>], vector<16xf32>,
      %add3A_2334 = arith.addf %add3A_2290, %gather3A_2333 : vector<16xf32>
      %get3A_2335 = arith.index_cast %add3A_2329 : i32 to index
      %get3A_2336 = arith.constant 16 : index
      %get3A_2337 = tpu.vector_load %arg8[%get3A_2335, %get3A_2336] {strides = array<i32>} : memref<200x128xi32, #tpu.memory_space<vmem>>, vector<16xi32>,
      %gather3A_2338 = tpu.vector_load_idx %arg6[%get3A_2337] : memref<1000xf32, #tpu.memory_space<vmem>>[vector<16xi32>], vector<16xf32>,
      %add3A_2339 = arith.addf %add3A_2295, %gather3A_2338 : vector<16xf32>
      %get3A_2340 = arith.index_cast %add3A_2329 : i32 to index
      %get3A_2341 = arith.constant 32 : index
      %get3A_2342 = tpu.vector_load %arg8[%get3A_2340, %get3A_2341] {strides = array<i32>} : memref<200x128xi32, #tpu.memory_space<vmem>>, vector<16xi32>,
      %gather3A_2343 = tpu.vector_load_idx %arg6[%get3A_2342] : memref<1000xf32, #tpu.memory_space<vmem>>[vector<16xi32>], vector<16xf32>,
      %add3A_2344 = arith.addf %add3A_2300, %gather3A_2343 : vector<16xf32>
      %get3A_2345 = arith.index_cast %add3A_2329 : i32 to index
      %get3A_2346 = arith.constant 48 : index
      %get3A_2347 = tpu.vector_load %arg8[%get3A_2345, %get3A_2346] {strides = array<i32>} : memref<200x128xi32, #tpu.memory_space<vmem>>, vector<16xi32>,
      %gather3A_2348 = tpu.vector_load_idx %arg6[%get3A_2347] : memref<1000xf32, #tpu.memory_space<vmem>>[vector<16xi32>], vector<16xf32>,
      %add3A_2349 = arith.addf %add3A_2305, %gather3A_2348 : vector<16xf32>
      %get3A_2350 = arith.index_cast %add3A_2329 : i32 to index
      %get3A_2351 = arith.constant 64 : index
      %get3A_2352 = tpu.vector_load %arg8[%get3A_2350, %get3A_2351] {strides = array<i32>} : memref<200x128xi32, #tpu.memory_space<vmem>>, vector<16xi32>,
      %gather3A_2353 = tpu.vector_load_idx %arg6[%get3A_2352] : memref<1000xf32, #tpu.memory_space<vmem>>[vector<16xi32>], vector<16xf32>,
      %add3A_2354 = arith.addf %add3A_2310, %gather3A_2353 : vector<16xf32>
      %get3A_2355 = arith.index_cast %add3A_2329 : i32 to index
      %get3A_2356 = arith.constant 80 : index
      %get3A_2357 = tpu.vector_load %arg8[%get3A_2355, %get3A_2356] {strides = array<i32>} : memref<200x128xi32, #tpu.memory_space<vmem>>, vector<16xi32>,
      %gather3A_2358 = tpu.vector_load_idx %arg6[%get3A_2357] : memref<1000xf32, #tpu.memory_space<vmem>>[vector<16xi32>], vector<16xf32>,
      %add3A_2359 = arith.addf %add3A_2315, %gather3A_2358 : vector<16xf32>
      %get3A_2360 = arith.index_cast %add3A_2329 : i32 to index
      %get3A_2361 = arith.constant 96 : index
      %get3A_2362 = tpu.vector_load %arg8[%get3A_2360, %get3A_2361] {strides = array<i32>} : memref<200x128xi32, #tpu.memory_space<vmem>>, vector<16xi32>,
      %gather3A_2363 = tpu.vector_load_idx %arg6[%get3A_2362] : memref<1000xf32, #tpu.memory_space<vmem>>[vector<16xi32>], vector<16xf32>,
      %add3A_2364 = arith.addf %add3A_2320, %gather3A_2363 : vector<16xf32>
      %get3A_2365 = arith.index_cast %add3A_2329 : i32 to index
      %get3A_2366 = arith.constant 112 : index
      %get3A_2367 = tpu.vector_load %arg8[%get3A_2365, %get3A_2366] {strides = array<i32>} : memref<200x128xi32, #tpu.memory_space<vmem>>, vector<16xi32>,
      %gather3A_2368 = tpu.vector_load_idx %arg6[%get3A_2367] : memref<1000xf32, #tpu.memory_space<vmem>>[vector<16xi32>], vector<16xf32>,
      %add3A_2369 = arith.addf %add3A_2325, %gather3A_2368 : vector<16xf32>
      %mul3A_2370 = arith.constant 8 : i32
      %mul3A_2371 = arith.muli %scan3A_2186, %mul3A_2370 : i32
      %add3A_2372 = arith.constant 4 : i32
      %add3A_2373 = arith.addi %mul3A_2371, %add3A_2372 : i32
      %get3A_2374 = arith.index_cast %add3A_2373 : i32 to index
      %get3A_2375 = arith.constant 0 : index
      %get3A_2376 = tpu.vector_load %arg8[%get3A_2374, %get3A_2375] {strides = array<i32>} : memref<200x128xi32, #tpu.memory_space<vmem>>, vector<16xi32>,
      %gather3A_2377 = tpu.vector_load_idx %arg6[%get3A_2376] : memref<1000xf32, #tpu.memory_space<vmem>>[vector<16xi32>], vector<16xf32>,
      %add3A_2378 = arith.addf %add3A_2334, %gather3A_2377 : vector<16xf32>
      %get3A_2379 = arith.index_cast %add3A_2373 : i32 to index
      %get3A_2380 = arith.constant 16 : index
      %get3A_2381 = tpu.vector_load %arg8[%get3A_2379, %get3A_2380] {strides = array<i32>} : memref<200x128xi32, #tpu.memory_space<vmem>>, vector<16xi32>,
      %gather3A_2382 = tpu.vector_load_idx %arg6[%get3A_2381] : memref<1000xf32, #tpu.memory_space<vmem>>[vector<16xi32>], vector<16xf32>,
      %add3A_2383 = arith.addf %add3A_2339, %gather3A_2382 : vector<16xf32>
      %get3A_2384 = arith.index_cast %add3A_2373 : i32 to index
      %get3A_2385 = arith.constant 32 : index
      %get3A_2386 = tpu.vector_load %arg8[%get3A_2384, %get3A_2385] {strides = array<i32>} : memref<200x128xi32, #tpu.memory_space<vmem>>, vector<16xi32>,
      %gather3A_2387 = tpu.vector_load_idx %arg6[%get3A_2386] : memref<1000xf32, #tpu.memory_space<vmem>>[vector<16xi32>], vector<16xf32>,
      %add3A_2388 = arith.addf %add3A_2344, %gather3A_2387 : vector<16xf32>
      %get3A_2389 = arith.index_cast %add3A_2373 : i32 to index
      %get3A_2390 = arith.constant 48 : index
      %get3A_2391 = tpu.vector_load %arg8[%get3A_2389, %get3A_2390] {strides = array<i32>} : memref<200x128xi32, #tpu.memory_space<vmem>>, vector<16xi32>,
      %gather3A_2392 = tpu.vector_load_idx %arg6[%get3A_2391] : memref<1000xf32, #tpu.memory_space<vmem>>[vector<16xi32>], vector<16xf32>,
      %add3A_2393 = arith.addf %add3A_2349, %gather3A_2392 : vector<16xf32>
      %get3A_2394 = arith.index_cast %add3A_2373 : i32 to index
      %get3A_2395 = arith.constant 64 : index
      %get3A_2396 = tpu.vector_load %arg8[%get3A_2394, %get3A_2395] {strides = array<i32>} : memref<200x128xi32, #tpu.memory_space<vmem>>, vector<16xi32>,
      %gather3A_2397 = tpu.vector_load_idx %arg6[%get3A_2396] : memref<1000xf32, #tpu.memory_space<vmem>>[vector<16xi32>], vector<16xf32>,
      %add3A_2398 = arith.addf %add3A_2354, %gather3A_2397 : vector<16xf32>
      %get3A_2399 = arith.index_cast %add3A_2373 : i32 to index
      %get3A_2400 = arith.constant 80 : index
      %get3A_2401 = tpu.vector_load %arg8[%get3A_2399, %get3A_2400] {strides = array<i32>} : memref<200x128xi32, #tpu.memory_space<vmem>>, vector<16xi32>,
      %gather3A_2402 = tpu.vector_load_idx %arg6[%get3A_2401] : memref<1000xf32, #tpu.memory_space<vmem>>[vector<16xi32>], vector<16xf32>,
      %add3A_2403 = arith.addf %add3A_2359, %gather3A_2402 : vector<16xf32>
      %get3A_2404 = arith.index_cast %add3A_2373 : i32 to index
      %get3A_2405 = arith.constant 96 : index
      %get3A_2406 = tpu.vector_load %arg8[%get3A_2404, %get3A_2405] {strides = array<i32>} : memref<200x128xi32, #tpu.memory_space<vmem>>, vector<16xi32>,
      %gather3A_2407 = tpu.vector_load_idx %arg6[%get3A_2406] : memref<1000xf32, #tpu.memory_space<vmem>>[vector<16xi32>], vector<16xf32>,
      %add3A_2408 = arith.addf %add3A_2364, %gather3A_2407 : vector<16xf32>
      %get3A_2409 = arith.index_cast %add3A_2373 : i32 to index
      %get3A_2410 = arith.constant 112 : index
      %get3A_2411 = tpu.vector_load %arg8[%get3A_2409, %get3A_2410] {strides = array<i32>} : memref<200x128xi32, #tpu.memory_space<vmem>>, vector<16xi32>,
      %gather3A_2412 = tpu.vector_load_idx %arg6[%get3A_2411] : memref<1000xf32, #tpu.memory_space<vmem>>[vector<16xi32>], vector<16xf32>,
      %add3A_2413 = arith.addf %add3A_2369, %gather3A_2412 : vector<16xf32>
      %mul3A_2414 = arith.constant 8 : i32
      %mul3A_2415 = arith.muli %scan3A_2186, %mul3A_2414 : i32
      %add3A_2416 = arith.constant 5 : i32
      %add3A_2417 = arith.addi %mul3A_2415, %add3A_2416 : i32
      %get3A_2418 = arith.index_cast %add3A_2417 : i32 to index
      %get3A_2419 = arith.constant 0 : index
      %get3A_2420 = tpu.vector_load %arg8[%get3A_2418, %get3A_2419] {strides = array<i32>} : memref<200x128xi32, #tpu.memory_space<vmem>>, vector<16xi32>,
      %gather3A_2421 = tpu.vector_load_idx %arg6[%get3A_2420] : memref<1000xf32, #tpu.memory_space<vmem>>[vector<16xi32>], vector<16xf32>,
      %add3A_2422 = arith.addf %add3A_2378, %gather3A_2421 : vector<16xf32>
      %get3A_2423 = arith.index_cast %add3A_2417 : i32 to index
      %get3A_2424 = arith.constant 16 : index
      %get3A_2425 = tpu.vector_load %arg8[%get3A_2423, %get3A_2424] {strides = array<i32>} : memref<200x128xi32, #tpu.memory_space<vmem>>, vector<16xi32>,
      %gather3A_2426 = tpu.vector_load_idx %arg6[%get3A_2425] : memref<1000xf32, #tpu.memory_space<vmem>>[vector<16xi32>], vector<16xf32>,
      %add3A_2427 = arith.addf %add3A_2383, %gather3A_2426 : vector<16xf32>
      %get3A_2428 = arith.index_cast %add3A_2417 : i32 to index
      %get3A_2429 = arith.constant 32 : index
      %get3A_2430 = tpu.vector_load %arg8[%get3A_2428, %get3A_2429] {strides = array<i32>} : memref<200x128xi32, #tpu.memory_space<vmem>>, vector<16xi32>,
      %gather3A_2431 = tpu.vector_load_idx %arg6[%get3A_2430] : memref<1000xf32, #tpu.memory_space<vmem>>[vector<16xi32>], vector<16xf32>,
      %add3A_2432 = arith.addf %add3A_2388, %gather3A_2431 : vector<16xf32>
      %get3A_2433 = arith.index_cast %add3A_2417 : i32 to index
      %get3A_2434 = arith.constant 48 : index
      %get3A_2435 = tpu.vector_load %arg8[%get3A_2433, %get3A_2434] {strides = array<i32>} : memref<200x128xi32, #tpu.memory_space<vmem>>, vector<16xi32>,
      %gather3A_2436 = tpu.vector_load_idx %arg6[%get3A_2435] : memref<1000xf32, #tpu.memory_space<vmem>>[vector<16xi32>], vector<16xf32>,
      %add3A_2437 = arith.addf %add3A_2393, %gather3A_2436 : vector<16xf32>
      %get3A_2438 = arith.index_cast %add3A_2417 : i32 to index
      %get3A_2439 = arith.constant 64 : index
      %get3A_2440 = tpu.vector_load %arg8[%get3A_2438, %get3A_2439] {strides = array<i32>} : memref<200x128xi32, #tpu.memory_space<vmem>>, vector<16xi32>,
      %gather3A_2441 = tpu.vector_load_idx %arg6[%get3A_2440] : memref<1000xf32, #tpu.memory_space<vmem>>[vector<16xi32>], vector<16xf32>,
      %add3A_2442 = arith.addf %add3A_2398, %gather3A_2441 : vector<16xf32>
      %get3A_2443 = arith.index_cast %add3A_2417 : i32 to index
      %get3A_2444 = arith.constant 80 : index
      %get3A_2445 = tpu.vector_load %arg8[%get3A_2443, %get3A_2444] {strides = array<i32>} : memref<200x128xi32, #tpu.memory_space<vmem>>, vector<16xi32>,
      %gather3A_2446 = tpu.vector_load_idx %arg6[%get3A_2445] : memref<1000xf32, #tpu.memory_space<vmem>>[vector<16xi32>], vector<16xf32>,
      %add3A_2447 = arith.addf %add3A_2403, %gather3A_2446 : vector<16xf32>
      %get3A_2448 = arith.index_cast %add3A_2417 : i32 to index
      %get3A_2449 = arith.constant 96 : index
      %get3A_2450 = tpu.vector_load %arg8[%get3A_2448, %get3A_2449] {strides = array<i32>} : memref<200x128xi32, #tpu.memory_space<vmem>>, vector<16xi32>,
      %gather3A_2451 = tpu.vector_load_idx %arg6[%get3A_2450] : memref<1000xf32, #tpu.memory_space<vmem>>[vector<16xi32>], vector<16xf32>,
      %add3A_2452 = arith.addf %add3A_2408, %gather3A_2451 : vector<16xf32>
      %get3A_2453 = arith.index_cast %add3A_2417 : i32 to index
      %get3A_2454 = arith.constant 112 : index
      %get3A_2455 = tpu.vector_load %arg8[%get3A_2453, %get3A_2454] {strides = array<i32>} : memref<200x128xi32, #tpu.memory_space<vmem>>, vector<16xi32>,
      %gather3A_2456 = tpu.vector_load_idx %arg6[%get3A_2455] : memref<1000xf32, #tpu.memory_space<vmem>>[vector<16xi32>], vector<16xf32>,
      %add3A_2457 = arith.addf %add3A_2413, %gather3A_2456 : vector<16xf32>
      %mul3A_2458 = arith.constant 8 : i32
      %mul3A_2459 = arith.muli %scan3A_2186, %mul3A_2458 : i32
      %add3A_2460 = arith.constant 6 : i32
      %add3A_2461 = arith.addi %mul3A_2459, %add3A_2460 : i32
      %get3A_2462 = arith.index_cast %add3A_2461 : i32 to index
      %get3A_2463 = arith.constant 0 : index
      %get3A_2464 = tpu.vector_load %arg8[%get3A_2462, %get3A_2463] {strides = array<i32>} : memref<200x128xi32, #tpu.memory_space<vmem>>, vector<16xi32>,
      %gather3A_2465 = tpu.vector_load_idx %arg6[%get3A_2464] : memref<1000xf32, #tpu.memory_space<vmem>>[vector<16xi32>], vector<16xf32>,
      %add3A_2466 = arith.addf %add3A_2422, %gather3A_2465 : vector<16xf32>
      %get3A_2467 = arith.index_cast %add3A_2461 : i32 to index
      %get3A_2468 = arith.constant 16 : index
      %get3A_2469 = tpu.vector_load %arg8[%get3A_2467, %get3A_2468] {strides = array<i32>} : memref<200x128xi32, #tpu.memory_space<vmem>>, vector<16xi32>,
      %gather3A_2470 = tpu.vector_load_idx %arg6[%get3A_2469] : memref<1000xf32, #tpu.memory_space<vmem>>[vector<16xi32>], vector<16xf32>,
      %add3A_2471 = arith.addf %add3A_2427, %gather3A_2470 : vector<16xf32>
      %get3A_2472 = arith.index_cast %add3A_2461 : i32 to index
      %get3A_2473 = arith.constant 32 : index
      %get3A_2474 = tpu.vector_load %arg8[%get3A_2472, %get3A_2473] {strides = array<i32>} : memref<200x128xi32, #tpu.memory_space<vmem>>, vector<16xi32>,
      %gather3A_2475 = tpu.vector_load_idx %arg6[%get3A_2474] : memref<1000xf32, #tpu.memory_space<vmem>>[vector<16xi32>], vector<16xf32>,
      %add3A_2476 = arith.addf %add3A_2432, %gather3A_2475 : vector<16xf32>
      %get3A_2477 = arith.index_cast %add3A_2461 : i32 to index
      %get3A_2478 = arith.constant 48 : index
      %get3A_2479 = tpu.vector_load %arg8[%get3A_2477, %get3A_2478] {strides = array<i32>} : memref<200x128xi32, #tpu.memory_space<vmem>>, vector<16xi32>,
      %gather3A_2480 = tpu.vector_load_idx %arg6[%get3A_2479] : memref<1000xf32, #tpu.memory_space<vmem>>[vector<16xi32>], vector<16xf32>,
      %add3A_2481 = arith.addf %add3A_2437, %gather3A_2480 : vector<16xf32>
      %get3A_2482 = arith.index_cast %add3A_2461 : i32 to index
      %get3A_2483 = arith.constant 64 : index
      %get3A_2484 = tpu.vector_load %arg8[%get3A_2482, %get3A_2483] {strides = array<i32>} : memref<200x128xi32, #tpu.memory_space<vmem>>, vector<16xi32>,
      %gather3A_2485 = tpu.vector_load_idx %arg6[%get3A_2484] : memref<1000xf32, #tpu.memory_space<vmem>>[vector<16xi32>], vector<16xf32>,
      %add3A_2486 = arith.addf %add3A_2442, %gather3A_2485 : vector<16xf32>
      %get3A_2487 = arith.index_cast %add3A_2461 : i32 to index
      %get3A_2488 = arith.constant 80 : index
      %get3A_2489 = tpu.vector_load %arg8[%get3A_2487, %get3A_2488] {strides = array<i32>} : memref<200x128xi32, #tpu.memory_space<vmem>>, vector<16xi32>,
      %gather3A_2490 = tpu.vector_load_idx %arg6[%get3A_2489] : memref<1000xf32, #tpu.memory_space<vmem>>[vector<16xi32>], vector<16xf32>,
      %add3A_2491 = arith.addf %add3A_2447, %gather3A_2490 : vector<16xf32>
      %get3A_2492 = arith.index_cast %add3A_2461 : i32 to index
      %get3A_2493 = arith.constant 96 : index
      %get3A_2494 = tpu.vector_load %arg8[%get3A_2492, %get3A_2493] {strides = array<i32>} : memref<200x128xi32, #tpu.memory_space<vmem>>, vector<16xi32>,
      %gather3A_2495 = tpu.vector_load_idx %arg6[%get3A_2494] : memref<1000xf32, #tpu.memory_space<vmem>>[vector<16xi32>], vector<16xf32>,
      %add3A_2496 = arith.addf %add3A_2452, %gather3A_2495 : vector<16xf32>
      %get3A_2497 = arith.index_cast %add3A_2461 : i32 to index
      %get3A_2498 = arith.constant 112 : index
      %get3A_2499 = tpu.vector_load %arg8[%get3A_2497, %get3A_2498] {strides = array<i32>} : memref<200x128xi32, #tpu.memory_space<vmem>>, vector<16xi32>,
      %gather3A_2500 = tpu.vector_load_idx %arg6[%get3A_2499] : memref<1000xf32, #tpu.memory_space<vmem>>[vector<16xi32>], vector<16xf32>,
      %add3A_2501 = arith.addf %add3A_2457, %gather3A_2500 : vector<16xf32>
      %mul3A_2502 = arith.constant 8 : i32
      %mul3A_2503 = arith.muli %scan3A_2186, %mul3A_2502 : i32
      %add3A_2504 = arith.constant 7 : i32
      %add3A_2505 = arith.addi %mul3A_2503, %add3A_2504 : i32
      %get3A_2506 = arith.index_cast %add3A_2505 : i32 to index
      %get3A_2507 = arith.constant 0 : index
      %get3A_2508 = tpu.vector_load %arg8[%get3A_2506, %get3A_2507] {strides = array<i32>} : memref<200x128xi32, #tpu.memory_space<vmem>>, vector<16xi32>,
      %gather3A_2509 = tpu.vector_load_idx %arg6[%get3A_2508] : memref<1000xf32, #tpu.memory_space<vmem>>[vector<16xi32>], vector<16xf32>,
      %add3A_2510 = arith.addf %add3A_2466, %gather3A_2509 : vector<16xf32>
      %get3A_2511 = arith.index_cast %add3A_2505 : i32 to index
      %get3A_2512 = arith.constant 16 : index
      %get3A_2513 = tpu.vector_load %arg8[%get3A_2511, %get3A_2512] {strides = array<i32>} : memref<200x128xi32, #tpu.memory_space<vmem>>, vector<16xi32>,
      %gather3A_2514 = tpu.vector_load_idx %arg6[%get3A_2513] : memref<1000xf32, #tpu.memory_space<vmem>>[vector<16xi32>], vector<16xf32>,
      %add3A_2515 = arith.addf %add3A_2471, %gather3A_2514 : vector<16xf32>
      %get3A_2516 = arith.index_cast %add3A_2505 : i32 to index
      %get3A_2517 = arith.constant 32 : index
      %get3A_2518 = tpu.vector_load %arg8[%get3A_2516, %get3A_2517] {strides = array<i32>} : memref<200x128xi32, #tpu.memory_space<vmem>>, vector<16xi32>,
      %gather3A_2519 = tpu.vector_load_idx %arg6[%get3A_2518] : memref<1000xf32, #tpu.memory_space<vmem>>[vector<16xi32>], vector<16xf32>,
      %add3A_2520 = arith.addf %add3A_2476, %gather3A_2519 : vector<16xf32>
      %get3A_2521 = arith.index_cast %add3A_2505 : i32 to index
      %get3A_2522 = arith.constant 48 : index
      %get3A_2523 = tpu.vector_load %arg8[%get3A_2521, %get3A_2522] {strides = array<i32>} : memref<200x128xi32, #tpu.memory_space<vmem>>, vector<16xi32>,
      %gather3A_2524 = tpu.vector_load_idx %arg6[%get3A_2523] : memref<1000xf32, #tpu.memory_space<vmem>>[vector<16xi32>], vector<16xf32>,
      %add3A_2525 = arith.addf %add3A_2481, %gather3A_2524 : vector<16xf32>
      %get3A_2526 = arith.index_cast %add3A_2505 : i32 to index
      %get3A_2527 = arith.constant 64 : index
      %get3A_2528 = tpu.vector_load %arg8[%get3A_2526, %get3A_2527] {strides = array<i32>} : memref<200x128xi32, #tpu.memory_space<vmem>>, vector<16xi32>,
      %gather3A_2529 = tpu.vector_load_idx %arg6[%get3A_2528] : memref<1000xf32, #tpu.memory_space<vmem>>[vector<16xi32>], vector<16xf32>,
      %add3A_2530 = arith.addf %add3A_2486, %gather3A_2529 : vector<16xf32>
      %get3A_2531 = arith.index_cast %add3A_2505 : i32 to index
      %get3A_2532 = arith.constant 80 : index
      %get3A_2533 = tpu.vector_load %arg8[%get3A_2531, %get3A_2532] {strides = array<i32>} : memref<200x128xi32, #tpu.memory_space<vmem>>, vector<16xi32>,
      %gather3A_2534 = tpu.vector_load_idx %arg6[%get3A_2533] : memref<1000xf32, #tpu.memory_space<vmem>>[vector<16xi32>], vector<16xf32>,
      %add3A_2535 = arith.addf %add3A_2491, %gather3A_2534 : vector<16xf32>
      %get3A_2536 = arith.index_cast %add3A_2505 : i32 to index
      %get3A_2537 = arith.constant 96 : index
      %get3A_2538 = tpu.vector_load %arg8[%get3A_2536, %get3A_2537] {strides = array<i32>} : memref<200x128xi32, #tpu.memory_space<vmem>>, vector<16xi32>,
      %gather3A_2539 = tpu.vector_load_idx %arg6[%get3A_2538] : memref<1000xf32, #tpu.memory_space<vmem>>[vector<16xi32>], vector<16xf32>,
      %add3A_2540 = arith.addf %add3A_2496, %gather3A_2539 : vector<16xf32>
      %get3A_2541 = arith.index_cast %add3A_2505 : i32 to index
      %get3A_2542 = arith.constant 112 : index
      %get3A_2543 = tpu.vector_load %arg8[%get3A_2541, %get3A_2542] {strides = array<i32>} : memref<200x128xi32, #tpu.memory_space<vmem>>, vector<16xi32>,
      %gather3A_2544 = tpu.vector_load_idx %arg6[%get3A_2543] : memref<1000xf32, #tpu.memory_space<vmem>>[vector<16xi32>], vector<16xf32>,
      %add3A_2545 = arith.addf %add3A_2501, %gather3A_2544 : vector<16xf32>
      scf.yield %add3A_2510, %add3A_2515, %add3A_2520, %add3A_2525, %add3A_2530, %add3A_2535, %add3A_2540, %add3A_2545 : vector<16xf32>, vector<16xf32>, vector<16xf32>, vector<16xf32>, vector<16xf32>, vector<16xf32>, vector<16xf32>, vector<16xf32>
    }
    %scan3A_1743 = arith.constant 25 : i32
    %mul3A_1744 = arith.constant 5.000000e-03 : f32
    %mul3A_1745 = vector.broadcast %mul3A_1744 : f32 to vector<16xf32>
    %mul3A_1746 = arith.mulf %scan3A_1742#0, %mul3A_1745 : vector<16xf32>
    %add3A_1747 = vector.broadcast %squeeze3A : f32 to vector<16xf32>
    %add3A_1748 = arith.addf %mul3A_1746, %add3A_1747 : vector<16xf32>
    %neg3A_1749 = arith.constant 0.000000e+00 : f32
    %neg3A_1750 = vector.broadcast %neg3A_1749 : f32 to vector<16xf32>
    %neg3A_1751 = arith.subf %neg3A_1750, %add3A_1748 : vector<16xf32>
    %exp3A_1752 = math.exp %neg3A_1751 : vector<16xf32>
    %add3A_1753 = arith.constant 1.000000e+00 : f32
    %add3A_1754 = vector.broadcast %add3A_1753 : f32 to vector<16xf32>
    %add3A_1755 = arith.addf %add3A_1754, %exp3A_1752 : vector<16xf32>
    %div3A_1756 = arith.constant 1.000000e+00 : f32
    %div3A_1757 = vector.broadcast %div3A_1756 : f32 to vector<16xf32>
    %div3A_1758 = arith.divf %div3A_1757, %add3A_1755 : vector<16xf32>
    %swap3A_1759 = arith.constant 128 : index
    %swap3A_1760 = tpu.vector_load %arg9[%swap3A_1759] {strides = array<i32>} : memref<512xf32, #tpu.memory_space<vmem>>, vector<16xf32>,
    tpu.vector_store %arg9[%swap3A_1759], %div3A_1758 {strides = array<i32>} : memref<512xf32, #tpu.memory_space<vmem>>, vector<16xf32>,
    %mul3A_1761 = arith.constant 5.000000e-03 : f32
    %mul3A_1762 = vector.broadcast %mul3A_1761 : f32 to vector<16xf32>
    %mul3A_1763 = arith.mulf %scan3A_1742#1, %mul3A_1762 : vector<16xf32>
    %add3A_1764 = vector.broadcast %squeeze3A : f32 to vector<16xf32>
    %add3A_1765 = arith.addf %mul3A_1763, %add3A_1764 : vector<16xf32>
    %neg3A_1766 = arith.constant 0.000000e+00 : f32
    %neg3A_1767 = vector.broadcast %neg3A_1766 : f32 to vector<16xf32>
    %neg3A_1768 = arith.subf %neg3A_1767, %add3A_1765 : vector<16xf32>
    %exp3A_1769 = math.exp %neg3A_1768 : vector<16xf32>
    %add3A_1770 = arith.constant 1.000000e+00 : f32
    %add3A_1771 = vector.broadcast %add3A_1770 : f32 to vector<16xf32>
    %add3A_1772 = arith.addf %add3A_1771, %exp3A_1769 : vector<16xf32>
    %div3A_1773 = arith.constant 1.000000e+00 : f32
    %div3A_1774 = vector.broadcast %div3A_1773 : f32 to vector<16xf32>
    %div3A_1775 = arith.divf %div3A_1774, %add3A_1772 : vector<16xf32>
    %swap3A_1776 = arith.constant 144 : index
    %swap3A_1777 = tpu.vector_load %arg9[%swap3A_1776] {strides = array<i32>} : memref<512xf32, #tpu.memory_space<vmem>>, vector<16xf32>,
    tpu.vector_store %arg9[%swap3A_1776], %div3A_1775 {strides = array<i32>} : memref<512xf32, #tpu.memory_space<vmem>>, vector<16xf32>,
    %mul3A_1778 = arith.constant 5.000000e-03 : f32
    %mul3A_1779 = vector.broadcast %mul3A_1778 : f32 to vector<16xf32>
    %mul3A_1780 = arith.mulf %scan3A_1742#2, %mul3A_1779 : vector<16xf32>
    %add3A_1781 = vector.broadcast %squeeze3A : f32 to vector<16xf32>
    %add3A_1782 = arith.addf %mul3A_1780, %add3A_1781 : vector<16xf32>
    %neg3A_1783 = arith.constant 0.000000e+00 : f32
    %neg3A_1784 = vector.broadcast %neg3A_1783 : f32 to vector<16xf32>
    %neg3A_1785 = arith.subf %neg3A_1784, %add3A_1782 : vector<16xf32>
    %exp3A_1786 = math.exp %neg3A_1785 : vector<16xf32>
    %add3A_1787 = arith.constant 1.000000e+00 : f32
    %add3A_1788 = vector.broadcast %add3A_1787 : f32 to vector<16xf32>
    %add3A_1789 = arith.addf %add3A_1788, %exp3A_1786 : vector<16xf32>
    %div3A_1790 = arith.constant 1.000000e+00 : f32
    %div3A_1791 = vector.broadcast %div3A_1790 : f32 to vector<16xf32>
    %div3A_1792 = arith.divf %div3A_1791, %add3A_1789 : vector<16xf32>
    %swap3A_1793 = arith.constant 160 : index
    %swap3A_1794 = tpu.vector_load %arg9[%swap3A_1793] {strides = array<i32>} : memref<512xf32, #tpu.memory_space<vmem>>, vector<16xf32>,
    tpu.vector_store %arg9[%swap3A_1793], %div3A_1792 {strides = array<i32>} : memref<512xf32, #tpu.memory_space<vmem>>, vector<16xf32>,
    %mul3A_1795 = arith.constant 5.000000e-03 : f32
    %mul3A_1796 = vector.broadcast %mul3A_1795 : f32 to vector<16xf32>
    %mul3A_1797 = arith.mulf %scan3A_1742#3, %mul3A_1796 : vector<16xf32>
    %add3A_1798 = vector.broadcast %squeeze3A : f32 to vector<16xf32>
    %add3A_1799 = arith.addf %mul3A_1797, %add3A_1798 : vector<16xf32>
    %neg3A_1800 = arith.constant 0.000000e+00 : f32
    %neg3A_1801 = vector.broadcast %neg3A_1800 : f32 to vector<16xf32>
    %neg3A_1802 = arith.subf %neg3A_1801, %add3A_1799 : vector<16xf32>
    %exp3A_1803 = math.exp %neg3A_1802 : vector<16xf32>
    %add3A_1804 = arith.constant 1.000000e+00 : f32
    %add3A_1805 = vector.broadcast %add3A_1804 : f32 to vector<16xf32>
    %add3A_1806 = arith.addf %add3A_1805, %exp3A_1803 : vector<16xf32>
    %div3A_1807 = arith.constant 1.000000e+00 : f32
    %div3A_1808 = vector.broadcast %div3A_1807 : f32 to vector<16xf32>
    %div3A_1809 = arith.divf %div3A_1808, %add3A_1806 : vector<16xf32>
    %swap3A_1810 = arith.constant 176 : index
    %swap3A_1811 = tpu.vector_load %arg9[%swap3A_1810] {strides = array<i32>} : memref<512xf32, #tpu.memory_space<vmem>>, vector<16xf32>,
    tpu.vector_store %arg9[%swap3A_1810], %div3A_1809 {strides = array<i32>} : memref<512xf32, #tpu.memory_space<vmem>>, vector<16xf32>,
    %mul3A_1812 = arith.constant 5.000000e-03 : f32
    %mul3A_1813 = vector.broadcast %mul3A_1812 : f32 to vector<16xf32>
    %mul3A_1814 = arith.mulf %scan3A_1742#4, %mul3A_1813 : vector<16xf32>
    %add3A_1815 = vector.broadcast %squeeze3A : f32 to vector<16xf32>
    %add3A_1816 = arith.addf %mul3A_1814, %add3A_1815 : vector<16xf32>
    %neg3A_1817 = arith.constant 0.000000e+00 : f32
    %neg3A_1818 = vector.broadcast %neg3A_1817 : f32 to vector<16xf32>
    %neg3A_1819 = arith.subf %neg3A_1818, %add3A_1816 : vector<16xf32>
    %exp3A_1820 = math.exp %neg3A_1819 : vector<16xf32>
    %add3A_1821 = arith.constant 1.000000e+00 : f32
    %add3A_1822 = vector.broadcast %add3A_1821 : f32 to vector<16xf32>
    %add3A_1823 = arith.addf %add3A_1822, %exp3A_1820 : vector<16xf32>
    %div3A_1824 = arith.constant 1.000000e+00 : f32
    %div3A_1825 = vector.broadcast %div3A_1824 : f32 to vector<16xf32>
    %div3A_1826 = arith.divf %div3A_1825, %add3A_1823 : vector<16xf32>
    %swap3A_1827 = arith.constant 192 : index
    %swap3A_1828 = tpu.vector_load %arg9[%swap3A_1827] {strides = array<i32>} : memref<512xf32, #tpu.memory_space<vmem>>, vector<16xf32>,
    tpu.vector_store %arg9[%swap3A_1827], %div3A_1826 {strides = array<i32>} : memref<512xf32, #tpu.memory_space<vmem>>, vector<16xf32>,
    %mul3A_1829 = arith.constant 5.000000e-03 : f32
    %mul3A_1830 = vector.broadcast %mul3A_1829 : f32 to vector<16xf32>
    %mul3A_1831 = arith.mulf %scan3A_1742#5, %mul3A_1830 : vector<16xf32>
    %add3A_1832 = vector.broadcast %squeeze3A : f32 to vector<16xf32>
    %add3A_1833 = arith.addf %mul3A_1831, %add3A_1832 : vector<16xf32>
    %neg3A_1834 = arith.constant 0.000000e+00 : f32
    %neg3A_1835 = vector.broadcast %neg3A_1834 : f32 to vector<16xf32>
    %neg3A_1836 = arith.subf %neg3A_1835, %add3A_1833 : vector<16xf32>
    %exp3A_1837 = math.exp %neg3A_1836 : vector<16xf32>
    %add3A_1838 = arith.constant 1.000000e+00 : f32
    %add3A_1839 = vector.broadcast %add3A_1838 : f32 to vector<16xf32>
    %add3A_1840 = arith.addf %add3A_1839, %exp3A_1837 : vector<16xf32>
    %div3A_1841 = arith.constant 1.000000e+00 : f32
    %div3A_1842 = vector.broadcast %div3A_1841 : f32 to vector<16xf32>
    %div3A_1843 = arith.divf %div3A_1842, %add3A_1840 : vector<16xf32>
    %swap3A_1844 = arith.constant 208 : index
    %swap3A_1845 = tpu.vector_load %arg9[%swap3A_1844] {strides = array<i32>} : memref<512xf32, #tpu.memory_space<vmem>>, vector<16xf32>,
    tpu.vector_store %arg9[%swap3A_1844], %div3A_1843 {strides = array<i32>} : memref<512xf32, #tpu.memory_space<vmem>>, vector<16xf32>,
    %mul3A_1846 = arith.constant 5.000000e-03 : f32
    %mul3A_1847 = vector.broadcast %mul3A_1846 : f32 to vector<16xf32>
    %mul3A_1848 = arith.mulf %scan3A_1742#6, %mul3A_1847 : vector<16xf32>
    %add3A_1849 = vector.broadcast %squeeze3A : f32 to vector<16xf32>
    %add3A_1850 = arith.addf %mul3A_1848, %add3A_1849 : vector<16xf32>
    %neg3A_1851 = arith.constant 0.000000e+00 : f32
    %neg3A_1852 = vector.broadcast %neg3A_1851 : f32 to vector<16xf32>
    %neg3A_1853 = arith.subf %neg3A_1852, %add3A_1850 : vector<16xf32>
    %exp3A_1854 = math.exp %neg3A_1853 : vector<16xf32>
    %add3A_1855 = arith.constant 1.000000e+00 : f32
    %add3A_1856 = vector.broadcast %add3A_1855 : f32 to vector<16xf32>
    %add3A_1857 = arith.addf %add3A_1856, %exp3A_1854 : vector<16xf32>
    %div3A_1858 = arith.constant 1.000000e+00 : f32
    %div3A_1859 = vector.broadcast %div3A_1858 : f32 to vector<16xf32>
    %div3A_1860 = arith.divf %div3A_1859, %add3A_1857 : vector<16xf32>
    %swap3A_1861 = arith.constant 224 : index
    %swap3A_1862 = tpu.vector_load %arg9[%swap3A_1861] {strides = array<i32>} : memref<512xf32, #tpu.memory_space<vmem>>, vector<16xf32>,
    tpu.vector_store %arg9[%swap3A_1861], %div3A_1860 {strides = array<i32>} : memref<512xf32, #tpu.memory_space<vmem>>, vector<16xf32>,
    %mul3A_1863 = arith.constant 5.000000e-03 : f32
    %mul3A_1864 = vector.broadcast %mul3A_1863 : f32 to vector<16xf32>
    %mul3A_1865 = arith.mulf %scan3A_1742#7, %mul3A_1864 : vector<16xf32>
    %add3A_1866 = vector.broadcast %squeeze3A : f32 to vector<16xf32>
    %add3A_1867 = arith.addf %mul3A_1865, %add3A_1866 : vector<16xf32>
    %neg3A_1868 = arith.constant 0.000000e+00 : f32
    %neg3A_1869 = vector.broadcast %neg3A_1868 : f32 to vector<16xf32>
    %neg3A_1870 = arith.subf %neg3A_1869, %add3A_1867 : vector<16xf32>
    %exp3A_1871 = math.exp %neg3A_1870 : vector<16xf32>
    %add3A_1872 = arith.constant 1.000000e+00 : f32
    %add3A_1873 = vector.broadcast %add3A_1872 : f32 to vector<16xf32>
    %add3A_1874 = arith.addf %add3A_1873, %exp3A_1871 : vector<16xf32>
    %div3A_1875 = arith.constant 1.000000e+00 : f32
    %div3A_1876 = vector.broadcast %div3A_1875 : f32 to vector<16xf32>
    %div3A_1877 = arith.divf %div3A_1876, %add3A_1874 : vector<16xf32>
    %swap3A_1878 = arith.constant 240 : index
    %swap3A_1879 = tpu.vector_load %arg9[%swap3A_1878] {strides = array<i32>} : memref<512xf32, #tpu.memory_space<vmem>>, vector<16xf32>,
    tpu.vector_store %arg9[%swap3A_1878], %div3A_1877 {strides = array<i32>} : memref<512xf32, #tpu.memory_space<vmem>>, vector<16xf32>,
    %dma_wait3A_1880 = arith.constant 0 : i32
    %dma_wait3A_1881 = tpu.memref_slice %arg4[%dma_wait3A_1880, %mul3A_1731] : memref<200x16384xi32, #tpu.memory_space<hbm>> -> memref<200x128xi32, #tpu.memory_space<hbm>>
    %dma_wait3A_1882 = arith.constant 0 : i32
    %dma_wait3A_1883 = tpu.memref_slice %arg4[%dma_wait3A_1882, %mul3A_1731] : memref<200x16384xi32, #tpu.memory_space<hbm>> -> memref<200x128xi32, #tpu.memory_space<hbm>>
    tpu.wait_dma2 semaphore(%arg14 : memref<!tpu.dma_semaphore, #tpu.memory_space<semaphore_mem>>) src(%dma_wait3A_1883 : memref<200x128xi32, #tpu.memory_space<hbm>>) dst(%arg7 : memref<200x128xi32, #tpu.memory_space<vmem>>)
    %add3A_1884 = arith.constant 3 : i32
    %add3A_1885 = arith.addi %mul3A_2, %add3A_1884 : i32
    %mul3A_1886 = arith.constant 128 : i32
    %mul3A_1887 = arith.muli %add3A_1885, %mul3A_1886 : i32
    %dma_start3A_1888 = arith.constant 0 : i32
    %dma_start3A_1889 = tpu.memref_slice %arg4[%dma_start3A_1888, %mul3A_1887] : memref<200x16384xi32, #tpu.memory_space<hbm>> -> memref<200x128xi32, #tpu.memory_space<hbm>>
    %dma_start3A_1890 = arith.constant 0 : i32
    %dma_start3A_1891 = tpu.memref_slice %arg4[%dma_start3A_1890, %mul3A_1887] : memref<200x16384xi32, #tpu.memory_space<hbm>> -> memref<200x128xi32, #tpu.memory_space<hbm>>
    tpu.enqueue_dma source(%dma_start3A_1891 : memref<200x128xi32, #tpu.memory_space<hbm>>) target(%arg8 : memref<200x128xi32, #tpu.memory_space<vmem>>) target_semaphore(%arg15 : memref<!tpu.dma_semaphore, #tpu.memory_space<semaphore_mem>>)
    %broadcast_in_dim3A_1892 = arith.constant 0.000000e+00 : f32
    %broadcast_in_dim3A_1893 = vector.broadcast %broadcast_in_dim3A_1892 : f32 to vector<16xf32>
    %scan3A_1894 = arith.constant 0 : i32
    %scan3A_1895 = arith.constant 25 : i32
    %scan3A_1896 = arith.addi %scan3A_1894, %scan3A_1895 : i32
    %scan3A_1897 = arith.constant 1 : i32
    %scan3A_1898:8 = scf.for %scan3A_2186 = %scan3A_1894 to %scan3A_1896 step %scan3A_1897 iter_args(%scan3A_2187 = %broadcast_in_dim3A_1893, %scan3A_2188 = %broadcast_in_dim3A_1893, %scan3A_2189 = %broadcast_in_dim3A_1893, %scan3A_2190 = %broadcast_in_dim3A_1893, %scan3A_2191 = %broadcast_in_dim3A_1893, %scan3A_2192 = %broadcast_in_dim3A_1893, %scan3A_2193 = %broadcast_in_dim3A_1893, %scan3A_2194 = %broadcast_in_dim3A_1893) -> (vector<16xf32>, vector<16xf32>, vector<16xf32>, vector<16xf32>, vector<16xf32>, vector<16xf32>, vector<16xf32>, vector<16xf32>)  : i32 {
      %mul3A_2195 = arith.constant 8 : i32
      %mul3A_2196 = arith.muli %scan3A_2186, %mul3A_2195 : i32
      %add3A_2197 = arith.constant 0 : i32
      %add3A_2198 = arith.addi %mul3A_2196, %add3A_2197 : i32
      %get3A_2199 = arith.index_cast %add3A_2198 : i32 to index
      %get3A_2200 = arith.constant 0 : index
      %get3A_2201 = tpu.vector_load %arg7[%get3A_2199, %get3A_2200] {strides = array<i32>} : memref<200x128xi32, #tpu.memory_space<vmem>>, vector<16xi32>,
      %gather3A = tpu.vector_load_idx %arg6[%get3A_2201] : memref<1000xf32, #tpu.memory_space<vmem>>[vector<16xi32>], vector<16xf32>,
      %add3A_2202 = arith.addf %scan3A_2187, %gather3A : vector<16xf32>
      %get3A_2203 = arith.index_cast %add3A_2198 : i32 to index
      %get3A_2204 = arith.constant 16 : index
      %get3A_2205 = tpu.vector_load %arg7[%get3A_2203, %get3A_2204] {strides = array<i32>} : memref<200x128xi32, #tpu.memory_space<vmem>>, vector<16xi32>,
      %gather3A_2206 = tpu.vector_load_idx %arg6[%get3A_2205] : memref<1000xf32, #tpu.memory_space<vmem>>[vector<16xi32>], vector<16xf32>,
      %add3A_2207 = arith.addf %scan3A_2188, %gather3A_2206 : vector<16xf32>
      %get3A_2208 = arith.index_cast %add3A_2198 : i32 to index
      %get3A_2209 = arith.constant 32 : index
      %get3A_2210 = tpu.vector_load %arg7[%get3A_2208, %get3A_2209] {strides = array<i32>} : memref<200x128xi32, #tpu.memory_space<vmem>>, vector<16xi32>,
      %gather3A_2211 = tpu.vector_load_idx %arg6[%get3A_2210] : memref<1000xf32, #tpu.memory_space<vmem>>[vector<16xi32>], vector<16xf32>,
      %add3A_2212 = arith.addf %scan3A_2189, %gather3A_2211 : vector<16xf32>
      %get3A_2213 = arith.index_cast %add3A_2198 : i32 to index
      %get3A_2214 = arith.constant 48 : index
      %get3A_2215 = tpu.vector_load %arg7[%get3A_2213, %get3A_2214] {strides = array<i32>} : memref<200x128xi32, #tpu.memory_space<vmem>>, vector<16xi32>,
      %gather3A_2216 = tpu.vector_load_idx %arg6[%get3A_2215] : memref<1000xf32, #tpu.memory_space<vmem>>[vector<16xi32>], vector<16xf32>,
      %add3A_2217 = arith.addf %scan3A_2190, %gather3A_2216 : vector<16xf32>
      %get3A_2218 = arith.index_cast %add3A_2198 : i32 to index
      %get3A_2219 = arith.constant 64 : index
      %get3A_2220 = tpu.vector_load %arg7[%get3A_2218, %get3A_2219] {strides = array<i32>} : memref<200x128xi32, #tpu.memory_space<vmem>>, vector<16xi32>,
      %gather3A_2221 = tpu.vector_load_idx %arg6[%get3A_2220] : memref<1000xf32, #tpu.memory_space<vmem>>[vector<16xi32>], vector<16xf32>,
      %add3A_2222 = arith.addf %scan3A_2191, %gather3A_2221 : vector<16xf32>
      %get3A_2223 = arith.index_cast %add3A_2198 : i32 to index
      %get3A_2224 = arith.constant 80 : index
      %get3A_2225 = tpu.vector_load %arg7[%get3A_2223, %get3A_2224] {strides = array<i32>} : memref<200x128xi32, #tpu.memory_space<vmem>>, vector<16xi32>,
      %gather3A_2226 = tpu.vector_load_idx %arg6[%get3A_2225] : memref<1000xf32, #tpu.memory_space<vmem>>[vector<16xi32>], vector<16xf32>,
      %add3A_2227 = arith.addf %scan3A_2192, %gather3A_2226 : vector<16xf32>
      %get3A_2228 = arith.index_cast %add3A_2198 : i32 to index
      %get3A_2229 = arith.constant 96 : index
      %get3A_2230 = tpu.vector_load %arg7[%get3A_2228, %get3A_2229] {strides = array<i32>} : memref<200x128xi32, #tpu.memory_space<vmem>>, vector<16xi32>,
      %gather3A_2231 = tpu.vector_load_idx %arg6[%get3A_2230] : memref<1000xf32, #tpu.memory_space<vmem>>[vector<16xi32>], vector<16xf32>,
      %add3A_2232 = arith.addf %scan3A_2193, %gather3A_2231 : vector<16xf32>
      %get3A_2233 = arith.index_cast %add3A_2198 : i32 to index
      %get3A_2234 = arith.constant 112 : index
      %get3A_2235 = tpu.vector_load %arg7[%get3A_2233, %get3A_2234] {strides = array<i32>} : memref<200x128xi32, #tpu.memory_space<vmem>>, vector<16xi32>,
      %gather3A_2236 = tpu.vector_load_idx %arg6[%get3A_2235] : memref<1000xf32, #tpu.memory_space<vmem>>[vector<16xi32>], vector<16xf32>,
      %add3A_2237 = arith.addf %scan3A_2194, %gather3A_2236 : vector<16xf32>
      %mul3A_2238 = arith.constant 8 : i32
      %mul3A_2239 = arith.muli %scan3A_2186, %mul3A_2238 : i32
      %add3A_2240 = arith.constant 1 : i32
      %add3A_2241 = arith.addi %mul3A_2239, %add3A_2240 : i32
      %get3A_2242 = arith.index_cast %add3A_2241 : i32 to index
      %get3A_2243 = arith.constant 0 : index
      %get3A_2244 = tpu.vector_load %arg7[%get3A_2242, %get3A_2243] {strides = array<i32>} : memref<200x128xi32, #tpu.memory_space<vmem>>, vector<16xi32>,
      %gather3A_2245 = tpu.vector_load_idx %arg6[%get3A_2244] : memref<1000xf32, #tpu.memory_space<vmem>>[vector<16xi32>], vector<16xf32>,
      %add3A_2246 = arith.addf %add3A_2202, %gather3A_2245 : vector<16xf32>
      %get3A_2247 = arith.index_cast %add3A_2241 : i32 to index
      %get3A_2248 = arith.constant 16 : index
      %get3A_2249 = tpu.vector_load %arg7[%get3A_2247, %get3A_2248] {strides = array<i32>} : memref<200x128xi32, #tpu.memory_space<vmem>>, vector<16xi32>,
      %gather3A_2250 = tpu.vector_load_idx %arg6[%get3A_2249] : memref<1000xf32, #tpu.memory_space<vmem>>[vector<16xi32>], vector<16xf32>,
      %add3A_2251 = arith.addf %add3A_2207, %gather3A_2250 : vector<16xf32>
      %get3A_2252 = arith.index_cast %add3A_2241 : i32 to index
      %get3A_2253 = arith.constant 32 : index
      %get3A_2254 = tpu.vector_load %arg7[%get3A_2252, %get3A_2253] {strides = array<i32>} : memref<200x128xi32, #tpu.memory_space<vmem>>, vector<16xi32>,
      %gather3A_2255 = tpu.vector_load_idx %arg6[%get3A_2254] : memref<1000xf32, #tpu.memory_space<vmem>>[vector<16xi32>], vector<16xf32>,
      %add3A_2256 = arith.addf %add3A_2212, %gather3A_2255 : vector<16xf32>
      %get3A_2257 = arith.index_cast %add3A_2241 : i32 to index
      %get3A_2258 = arith.constant 48 : index
      %get3A_2259 = tpu.vector_load %arg7[%get3A_2257, %get3A_2258] {strides = array<i32>} : memref<200x128xi32, #tpu.memory_space<vmem>>, vector<16xi32>,
      %gather3A_2260 = tpu.vector_load_idx %arg6[%get3A_2259] : memref<1000xf32, #tpu.memory_space<vmem>>[vector<16xi32>], vector<16xf32>,
      %add3A_2261 = arith.addf %add3A_2217, %gather3A_2260 : vector<16xf32>
      %get3A_2262 = arith.index_cast %add3A_2241 : i32 to index
      %get3A_2263 = arith.constant 64 : index
      %get3A_2264 = tpu.vector_load %arg7[%get3A_2262, %get3A_2263] {strides = array<i32>} : memref<200x128xi32, #tpu.memory_space<vmem>>, vector<16xi32>,
      %gather3A_2265 = tpu.vector_load_idx %arg6[%get3A_2264] : memref<1000xf32, #tpu.memory_space<vmem>>[vector<16xi32>], vector<16xf32>,
      %add3A_2266 = arith.addf %add3A_2222, %gather3A_2265 : vector<16xf32>
      %get3A_2267 = arith.index_cast %add3A_2241 : i32 to index
      %get3A_2268 = arith.constant 80 : index
      %get3A_2269 = tpu.vector_load %arg7[%get3A_2267, %get3A_2268] {strides = array<i32>} : memref<200x128xi32, #tpu.memory_space<vmem>>, vector<16xi32>,
      %gather3A_2270 = tpu.vector_load_idx %arg6[%get3A_2269] : memref<1000xf32, #tpu.memory_space<vmem>>[vector<16xi32>], vector<16xf32>,
      %add3A_2271 = arith.addf %add3A_2227, %gather3A_2270 : vector<16xf32>
      %get3A_2272 = arith.index_cast %add3A_2241 : i32 to index
      %get3A_2273 = arith.constant 96 : index
      %get3A_2274 = tpu.vector_load %arg7[%get3A_2272, %get3A_2273] {strides = array<i32>} : memref<200x128xi32, #tpu.memory_space<vmem>>, vector<16xi32>,
      %gather3A_2275 = tpu.vector_load_idx %arg6[%get3A_2274] : memref<1000xf32, #tpu.memory_space<vmem>>[vector<16xi32>], vector<16xf32>,
      %add3A_2276 = arith.addf %add3A_2232, %gather3A_2275 : vector<16xf32>
      %get3A_2277 = arith.index_cast %add3A_2241 : i32 to index
      %get3A_2278 = arith.constant 112 : index
      %get3A_2279 = tpu.vector_load %arg7[%get3A_2277, %get3A_2278] {strides = array<i32>} : memref<200x128xi32, #tpu.memory_space<vmem>>, vector<16xi32>,
      %gather3A_2280 = tpu.vector_load_idx %arg6[%get3A_2279] : memref<1000xf32, #tpu.memory_space<vmem>>[vector<16xi32>], vector<16xf32>,
      %add3A_2281 = arith.addf %add3A_2237, %gather3A_2280 : vector<16xf32>
      %mul3A_2282 = arith.constant 8 : i32
      %mul3A_2283 = arith.muli %scan3A_2186, %mul3A_2282 : i32
      %add3A_2284 = arith.constant 2 : i32
      %add3A_2285 = arith.addi %mul3A_2283, %add3A_2284 : i32
      %get3A_2286 = arith.index_cast %add3A_2285 : i32 to index
      %get3A_2287 = arith.constant 0 : index
      %get3A_2288 = tpu.vector_load %arg7[%get3A_2286, %get3A_2287] {strides = array<i32>} : memref<200x128xi32, #tpu.memory_space<vmem>>, vector<16xi32>,
      %gather3A_2289 = tpu.vector_load_idx %arg6[%get3A_2288] : memref<1000xf32, #tpu.memory_space<vmem>>[vector<16xi32>], vector<16xf32>,
      %add3A_2290 = arith.addf %add3A_2246, %gather3A_2289 : vector<16xf32>
      %get3A_2291 = arith.index_cast %add3A_2285 : i32 to index
      %get3A_2292 = arith.constant 16 : index
      %get3A_2293 = tpu.vector_load %arg7[%get3A_2291, %get3A_2292] {strides = array<i32>} : memref<200x128xi32, #tpu.memory_space<vmem>>, vector<16xi32>,
      %gather3A_2294 = tpu.vector_load_idx %arg6[%get3A_2293] : memref<1000xf32, #tpu.memory_space<vmem>>[vector<16xi32>], vector<16xf32>,
      %add3A_2295 = arith.addf %add3A_2251, %gather3A_2294 : vector<16xf32>
      %get3A_2296 = arith.index_cast %add3A_2285 : i32 to index
      %get3A_2297 = arith.constant 32 : index
      %get3A_2298 = tpu.vector_load %arg7[%get3A_2296, %get3A_2297] {strides = array<i32>} : memref<200x128xi32, #tpu.memory_space<vmem>>, vector<16xi32>,
      %gather3A_2299 = tpu.vector_load_idx %arg6[%get3A_2298] : memref<1000xf32, #tpu.memory_space<vmem>>[vector<16xi32>], vector<16xf32>,
      %add3A_2300 = arith.addf %add3A_2256, %gather3A_2299 : vector<16xf32>
      %get3A_2301 = arith.index_cast %add3A_2285 : i32 to index
      %get3A_2302 = arith.constant 48 : index
      %get3A_2303 = tpu.vector_load %arg7[%get3A_2301, %get3A_2302] {strides = array<i32>} : memref<200x128xi32, #tpu.memory_space<vmem>>, vector<16xi32>,
      %gather3A_2304 = tpu.vector_load_idx %arg6[%get3A_2303] : memref<1000xf32, #tpu.memory_space<vmem>>[vector<16xi32>], vector<16xf32>,
      %add3A_2305 = arith.addf %add3A_2261, %gather3A_2304 : vector<16xf32>
      %get3A_2306 = arith.index_cast %add3A_2285 : i32 to index
      %get3A_2307 = arith.constant 64 : index
      %get3A_2308 = tpu.vector_load %arg7[%get3A_2306, %get3A_2307] {strides = array<i32>} : memref<200x128xi32, #tpu.memory_space<vmem>>, vector<16xi32>,
      %gather3A_2309 = tpu.vector_load_idx %arg6[%get3A_2308] : memref<1000xf32, #tpu.memory_space<vmem>>[vector<16xi32>], vector<16xf32>,
      %add3A_2310 = arith.addf %add3A_2266, %gather3A_2309 : vector<16xf32>
      %get3A_2311 = arith.index_cast %add3A_2285 : i32 to index
      %get3A_2312 = arith.constant 80 : index
      %get3A_2313 = tpu.vector_load %arg7[%get3A_2311, %get3A_2312] {strides = array<i32>} : memref<200x128xi32, #tpu.memory_space<vmem>>, vector<16xi32>,
      %gather3A_2314 = tpu.vector_load_idx %arg6[%get3A_2313] : memref<1000xf32, #tpu.memory_space<vmem>>[vector<16xi32>], vector<16xf32>,
      %add3A_2315 = arith.addf %add3A_2271, %gather3A_2314 : vector<16xf32>
      %get3A_2316 = arith.index_cast %add3A_2285 : i32 to index
      %get3A_2317 = arith.constant 96 : index
      %get3A_2318 = tpu.vector_load %arg7[%get3A_2316, %get3A_2317] {strides = array<i32>} : memref<200x128xi32, #tpu.memory_space<vmem>>, vector<16xi32>,
      %gather3A_2319 = tpu.vector_load_idx %arg6[%get3A_2318] : memref<1000xf32, #tpu.memory_space<vmem>>[vector<16xi32>], vector<16xf32>,
      %add3A_2320 = arith.addf %add3A_2276, %gather3A_2319 : vector<16xf32>
      %get3A_2321 = arith.index_cast %add3A_2285 : i32 to index
      %get3A_2322 = arith.constant 112 : index
      %get3A_2323 = tpu.vector_load %arg7[%get3A_2321, %get3A_2322] {strides = array<i32>} : memref<200x128xi32, #tpu.memory_space<vmem>>, vector<16xi32>,
      %gather3A_2324 = tpu.vector_load_idx %arg6[%get3A_2323] : memref<1000xf32, #tpu.memory_space<vmem>>[vector<16xi32>], vector<16xf32>,
      %add3A_2325 = arith.addf %add3A_2281, %gather3A_2324 : vector<16xf32>
      %mul3A_2326 = arith.constant 8 : i32
      %mul3A_2327 = arith.muli %scan3A_2186, %mul3A_2326 : i32
      %add3A_2328 = arith.constant 3 : i32
      %add3A_2329 = arith.addi %mul3A_2327, %add3A_2328 : i32
      %get3A_2330 = arith.index_cast %add3A_2329 : i32 to index
      %get3A_2331 = arith.constant 0 : index
      %get3A_2332 = tpu.vector_load %arg7[%get3A_2330, %get3A_2331] {strides = array<i32>} : memref<200x128xi32, #tpu.memory_space<vmem>>, vector<16xi32>,
      %gather3A_2333 = tpu.vector_load_idx %arg6[%get3A_2332] : memref<1000xf32, #tpu.memory_space<vmem>>[vector<16xi32>], vector<16xf32>,
      %add3A_2334 = arith.addf %add3A_2290, %gather3A_2333 : vector<16xf32>
      %get3A_2335 = arith.index_cast %add3A_2329 : i32 to index
      %get3A_2336 = arith.constant 16 : index
      %get3A_2337 = tpu.vector_load %arg7[%get3A_2335, %get3A_2336] {strides = array<i32>} : memref<200x128xi32, #tpu.memory_space<vmem>>, vector<16xi32>,
      %gather3A_2338 = tpu.vector_load_idx %arg6[%get3A_2337] : memref<1000xf32, #tpu.memory_space<vmem>>[vector<16xi32>], vector<16xf32>,
      %add3A_2339 = arith.addf %add3A_2295, %gather3A_2338 : vector<16xf32>
      %get3A_2340 = arith.index_cast %add3A_2329 : i32 to index
      %get3A_2341 = arith.constant 32 : index
      %get3A_2342 = tpu.vector_load %arg7[%get3A_2340, %get3A_2341] {strides = array<i32>} : memref<200x128xi32, #tpu.memory_space<vmem>>, vector<16xi32>,
      %gather3A_2343 = tpu.vector_load_idx %arg6[%get3A_2342] : memref<1000xf32, #tpu.memory_space<vmem>>[vector<16xi32>], vector<16xf32>,
      %add3A_2344 = arith.addf %add3A_2300, %gather3A_2343 : vector<16xf32>
      %get3A_2345 = arith.index_cast %add3A_2329 : i32 to index
      %get3A_2346 = arith.constant 48 : index
      %get3A_2347 = tpu.vector_load %arg7[%get3A_2345, %get3A_2346] {strides = array<i32>} : memref<200x128xi32, #tpu.memory_space<vmem>>, vector<16xi32>,
      %gather3A_2348 = tpu.vector_load_idx %arg6[%get3A_2347] : memref<1000xf32, #tpu.memory_space<vmem>>[vector<16xi32>], vector<16xf32>,
      %add3A_2349 = arith.addf %add3A_2305, %gather3A_2348 : vector<16xf32>
      %get3A_2350 = arith.index_cast %add3A_2329 : i32 to index
      %get3A_2351 = arith.constant 64 : index
      %get3A_2352 = tpu.vector_load %arg7[%get3A_2350, %get3A_2351] {strides = array<i32>} : memref<200x128xi32, #tpu.memory_space<vmem>>, vector<16xi32>,
      %gather3A_2353 = tpu.vector_load_idx %arg6[%get3A_2352] : memref<1000xf32, #tpu.memory_space<vmem>>[vector<16xi32>], vector<16xf32>,
      %add3A_2354 = arith.addf %add3A_2310, %gather3A_2353 : vector<16xf32>
      %get3A_2355 = arith.index_cast %add3A_2329 : i32 to index
      %get3A_2356 = arith.constant 80 : index
      %get3A_2357 = tpu.vector_load %arg7[%get3A_2355, %get3A_2356] {strides = array<i32>} : memref<200x128xi32, #tpu.memory_space<vmem>>, vector<16xi32>,
      %gather3A_2358 = tpu.vector_load_idx %arg6[%get3A_2357] : memref<1000xf32, #tpu.memory_space<vmem>>[vector<16xi32>], vector<16xf32>,
      %add3A_2359 = arith.addf %add3A_2315, %gather3A_2358 : vector<16xf32>
      %get3A_2360 = arith.index_cast %add3A_2329 : i32 to index
      %get3A_2361 = arith.constant 96 : index
      %get3A_2362 = tpu.vector_load %arg7[%get3A_2360, %get3A_2361] {strides = array<i32>} : memref<200x128xi32, #tpu.memory_space<vmem>>, vector<16xi32>,
      %gather3A_2363 = tpu.vector_load_idx %arg6[%get3A_2362] : memref<1000xf32, #tpu.memory_space<vmem>>[vector<16xi32>], vector<16xf32>,
      %add3A_2364 = arith.addf %add3A_2320, %gather3A_2363 : vector<16xf32>
      %get3A_2365 = arith.index_cast %add3A_2329 : i32 to index
      %get3A_2366 = arith.constant 112 : index
      %get3A_2367 = tpu.vector_load %arg7[%get3A_2365, %get3A_2366] {strides = array<i32>} : memref<200x128xi32, #tpu.memory_space<vmem>>, vector<16xi32>,
      %gather3A_2368 = tpu.vector_load_idx %arg6[%get3A_2367] : memref<1000xf32, #tpu.memory_space<vmem>>[vector<16xi32>], vector<16xf32>,
      %add3A_2369 = arith.addf %add3A_2325, %gather3A_2368 : vector<16xf32>
      %mul3A_2370 = arith.constant 8 : i32
      %mul3A_2371 = arith.muli %scan3A_2186, %mul3A_2370 : i32
      %add3A_2372 = arith.constant 4 : i32
      %add3A_2373 = arith.addi %mul3A_2371, %add3A_2372 : i32
      %get3A_2374 = arith.index_cast %add3A_2373 : i32 to index
      %get3A_2375 = arith.constant 0 : index
      %get3A_2376 = tpu.vector_load %arg7[%get3A_2374, %get3A_2375] {strides = array<i32>} : memref<200x128xi32, #tpu.memory_space<vmem>>, vector<16xi32>,
      %gather3A_2377 = tpu.vector_load_idx %arg6[%get3A_2376] : memref<1000xf32, #tpu.memory_space<vmem>>[vector<16xi32>], vector<16xf32>,
      %add3A_2378 = arith.addf %add3A_2334, %gather3A_2377 : vector<16xf32>
      %get3A_2379 = arith.index_cast %add3A_2373 : i32 to index
      %get3A_2380 = arith.constant 16 : index
      %get3A_2381 = tpu.vector_load %arg7[%get3A_2379, %get3A_2380] {strides = array<i32>} : memref<200x128xi32, #tpu.memory_space<vmem>>, vector<16xi32>,
      %gather3A_2382 = tpu.vector_load_idx %arg6[%get3A_2381] : memref<1000xf32, #tpu.memory_space<vmem>>[vector<16xi32>], vector<16xf32>,
      %add3A_2383 = arith.addf %add3A_2339, %gather3A_2382 : vector<16xf32>
      %get3A_2384 = arith.index_cast %add3A_2373 : i32 to index
      %get3A_2385 = arith.constant 32 : index
      %get3A_2386 = tpu.vector_load %arg7[%get3A_2384, %get3A_2385] {strides = array<i32>} : memref<200x128xi32, #tpu.memory_space<vmem>>, vector<16xi32>,
      %gather3A_2387 = tpu.vector_load_idx %arg6[%get3A_2386] : memref<1000xf32, #tpu.memory_space<vmem>>[vector<16xi32>], vector<16xf32>,
      %add3A_2388 = arith.addf %add3A_2344, %gather3A_2387 : vector<16xf32>
      %get3A_2389 = arith.index_cast %add3A_2373 : i32 to index
      %get3A_2390 = arith.constant 48 : index
      %get3A_2391 = tpu.vector_load %arg7[%get3A_2389, %get3A_2390] {strides = array<i32>} : memref<200x128xi32, #tpu.memory_space<vmem>>, vector<16xi32>,
      %gather3A_2392 = tpu.vector_load_idx %arg6[%get3A_2391] : memref<1000xf32, #tpu.memory_space<vmem>>[vector<16xi32>], vector<16xf32>,
      %add3A_2393 = arith.addf %add3A_2349, %gather3A_2392 : vector<16xf32>
      %get3A_2394 = arith.index_cast %add3A_2373 : i32 to index
      %get3A_2395 = arith.constant 64 : index
      %get3A_2396 = tpu.vector_load %arg7[%get3A_2394, %get3A_2395] {strides = array<i32>} : memref<200x128xi32, #tpu.memory_space<vmem>>, vector<16xi32>,
      %gather3A_2397 = tpu.vector_load_idx %arg6[%get3A_2396] : memref<1000xf32, #tpu.memory_space<vmem>>[vector<16xi32>], vector<16xf32>,
      %add3A_2398 = arith.addf %add3A_2354, %gather3A_2397 : vector<16xf32>
      %get3A_2399 = arith.index_cast %add3A_2373 : i32 to index
      %get3A_2400 = arith.constant 80 : index
      %get3A_2401 = tpu.vector_load %arg7[%get3A_2399, %get3A_2400] {strides = array<i32>} : memref<200x128xi32, #tpu.memory_space<vmem>>, vector<16xi32>,
      %gather3A_2402 = tpu.vector_load_idx %arg6[%get3A_2401] : memref<1000xf32, #tpu.memory_space<vmem>>[vector<16xi32>], vector<16xf32>,
      %add3A_2403 = arith.addf %add3A_2359, %gather3A_2402 : vector<16xf32>
      %get3A_2404 = arith.index_cast %add3A_2373 : i32 to index
      %get3A_2405 = arith.constant 96 : index
      %get3A_2406 = tpu.vector_load %arg7[%get3A_2404, %get3A_2405] {strides = array<i32>} : memref<200x128xi32, #tpu.memory_space<vmem>>, vector<16xi32>,
      %gather3A_2407 = tpu.vector_load_idx %arg6[%get3A_2406] : memref<1000xf32, #tpu.memory_space<vmem>>[vector<16xi32>], vector<16xf32>,
      %add3A_2408 = arith.addf %add3A_2364, %gather3A_2407 : vector<16xf32>
      %get3A_2409 = arith.index_cast %add3A_2373 : i32 to index
      %get3A_2410 = arith.constant 112 : index
      %get3A_2411 = tpu.vector_load %arg7[%get3A_2409, %get3A_2410] {strides = array<i32>} : memref<200x128xi32, #tpu.memory_space<vmem>>, vector<16xi32>,
      %gather3A_2412 = tpu.vector_load_idx %arg6[%get3A_2411] : memref<1000xf32, #tpu.memory_space<vmem>>[vector<16xi32>], vector<16xf32>,
      %add3A_2413 = arith.addf %add3A_2369, %gather3A_2412 : vector<16xf32>
      %mul3A_2414 = arith.constant 8 : i32
      %mul3A_2415 = arith.muli %scan3A_2186, %mul3A_2414 : i32
      %add3A_2416 = arith.constant 5 : i32
      %add3A_2417 = arith.addi %mul3A_2415, %add3A_2416 : i32
      %get3A_2418 = arith.index_cast %add3A_2417 : i32 to index
      %get3A_2419 = arith.constant 0 : index
      %get3A_2420 = tpu.vector_load %arg7[%get3A_2418, %get3A_2419] {strides = array<i32>} : memref<200x128xi32, #tpu.memory_space<vmem>>, vector<16xi32>,
      %gather3A_2421 = tpu.vector_load_idx %arg6[%get3A_2420] : memref<1000xf32, #tpu.memory_space<vmem>>[vector<16xi32>], vector<16xf32>,
      %add3A_2422 = arith.addf %add3A_2378, %gather3A_2421 : vector<16xf32>
      %get3A_2423 = arith.index_cast %add3A_2417 : i32 to index
      %get3A_2424 = arith.constant 16 : index
      %get3A_2425 = tpu.vector_load %arg7[%get3A_2423, %get3A_2424] {strides = array<i32>} : memref<200x128xi32, #tpu.memory_space<vmem>>, vector<16xi32>,
      %gather3A_2426 = tpu.vector_load_idx %arg6[%get3A_2425] : memref<1000xf32, #tpu.memory_space<vmem>>[vector<16xi32>], vector<16xf32>,
      %add3A_2427 = arith.addf %add3A_2383, %gather3A_2426 : vector<16xf32>
      %get3A_2428 = arith.index_cast %add3A_2417 : i32 to index
      %get3A_2429 = arith.constant 32 : index
      %get3A_2430 = tpu.vector_load %arg7[%get3A_2428, %get3A_2429] {strides = array<i32>} : memref<200x128xi32, #tpu.memory_space<vmem>>, vector<16xi32>,
      %gather3A_2431 = tpu.vector_load_idx %arg6[%get3A_2430] : memref<1000xf32, #tpu.memory_space<vmem>>[vector<16xi32>], vector<16xf32>,
      %add3A_2432 = arith.addf %add3A_2388, %gather3A_2431 : vector<16xf32>
      %get3A_2433 = arith.index_cast %add3A_2417 : i32 to index
      %get3A_2434 = arith.constant 48 : index
      %get3A_2435 = tpu.vector_load %arg7[%get3A_2433, %get3A_2434] {strides = array<i32>} : memref<200x128xi32, #tpu.memory_space<vmem>>, vector<16xi32>,
      %gather3A_2436 = tpu.vector_load_idx %arg6[%get3A_2435] : memref<1000xf32, #tpu.memory_space<vmem>>[vector<16xi32>], vector<16xf32>,
      %add3A_2437 = arith.addf %add3A_2393, %gather3A_2436 : vector<16xf32>
      %get3A_2438 = arith.index_cast %add3A_2417 : i32 to index
      %get3A_2439 = arith.constant 64 : index
      %get3A_2440 = tpu.vector_load %arg7[%get3A_2438, %get3A_2439] {strides = array<i32>} : memref<200x128xi32, #tpu.memory_space<vmem>>, vector<16xi32>,
      %gather3A_2441 = tpu.vector_load_idx %arg6[%get3A_2440] : memref<1000xf32, #tpu.memory_space<vmem>>[vector<16xi32>], vector<16xf32>,
      %add3A_2442 = arith.addf %add3A_2398, %gather3A_2441 : vector<16xf32>
      %get3A_2443 = arith.index_cast %add3A_2417 : i32 to index
      %get3A_2444 = arith.constant 80 : index
      %get3A_2445 = tpu.vector_load %arg7[%get3A_2443, %get3A_2444] {strides = array<i32>} : memref<200x128xi32, #tpu.memory_space<vmem>>, vector<16xi32>,
      %gather3A_2446 = tpu.vector_load_idx %arg6[%get3A_2445] : memref<1000xf32, #tpu.memory_space<vmem>>[vector<16xi32>], vector<16xf32>,
      %add3A_2447 = arith.addf %add3A_2403, %gather3A_2446 : vector<16xf32>
      %get3A_2448 = arith.index_cast %add3A_2417 : i32 to index
      %get3A_2449 = arith.constant 96 : index
      %get3A_2450 = tpu.vector_load %arg7[%get3A_2448, %get3A_2449] {strides = array<i32>} : memref<200x128xi32, #tpu.memory_space<vmem>>, vector<16xi32>,
      %gather3A_2451 = tpu.vector_load_idx %arg6[%get3A_2450] : memref<1000xf32, #tpu.memory_space<vmem>>[vector<16xi32>], vector<16xf32>,
      %add3A_2452 = arith.addf %add3A_2408, %gather3A_2451 : vector<16xf32>
      %get3A_2453 = arith.index_cast %add3A_2417 : i32 to index
      %get3A_2454 = arith.constant 112 : index
      %get3A_2455 = tpu.vector_load %arg7[%get3A_2453, %get3A_2454] {strides = array<i32>} : memref<200x128xi32, #tpu.memory_space<vmem>>, vector<16xi32>,
      %gather3A_2456 = tpu.vector_load_idx %arg6[%get3A_2455] : memref<1000xf32, #tpu.memory_space<vmem>>[vector<16xi32>], vector<16xf32>,
      %add3A_2457 = arith.addf %add3A_2413, %gather3A_2456 : vector<16xf32>
      %mul3A_2458 = arith.constant 8 : i32
      %mul3A_2459 = arith.muli %scan3A_2186, %mul3A_2458 : i32
      %add3A_2460 = arith.constant 6 : i32
      %add3A_2461 = arith.addi %mul3A_2459, %add3A_2460 : i32
      %get3A_2462 = arith.index_cast %add3A_2461 : i32 to index
      %get3A_2463 = arith.constant 0 : index
      %get3A_2464 = tpu.vector_load %arg7[%get3A_2462, %get3A_2463] {strides = array<i32>} : memref<200x128xi32, #tpu.memory_space<vmem>>, vector<16xi32>,
      %gather3A_2465 = tpu.vector_load_idx %arg6[%get3A_2464] : memref<1000xf32, #tpu.memory_space<vmem>>[vector<16xi32>], vector<16xf32>,
      %add3A_2466 = arith.addf %add3A_2422, %gather3A_2465 : vector<16xf32>
      %get3A_2467 = arith.index_cast %add3A_2461 : i32 to index
      %get3A_2468 = arith.constant 16 : index
      %get3A_2469 = tpu.vector_load %arg7[%get3A_2467, %get3A_2468] {strides = array<i32>} : memref<200x128xi32, #tpu.memory_space<vmem>>, vector<16xi32>,
      %gather3A_2470 = tpu.vector_load_idx %arg6[%get3A_2469] : memref<1000xf32, #tpu.memory_space<vmem>>[vector<16xi32>], vector<16xf32>,
      %add3A_2471 = arith.addf %add3A_2427, %gather3A_2470 : vector<16xf32>
      %get3A_2472 = arith.index_cast %add3A_2461 : i32 to index
      %get3A_2473 = arith.constant 32 : index
      %get3A_2474 = tpu.vector_load %arg7[%get3A_2472, %get3A_2473] {strides = array<i32>} : memref<200x128xi32, #tpu.memory_space<vmem>>, vector<16xi32>,
      %gather3A_2475 = tpu.vector_load_idx %arg6[%get3A_2474] : memref<1000xf32, #tpu.memory_space<vmem>>[vector<16xi32>], vector<16xf32>,
      %add3A_2476 = arith.addf %add3A_2432, %gather3A_2475 : vector<16xf32>
      %get3A_2477 = arith.index_cast %add3A_2461 : i32 to index
      %get3A_2478 = arith.constant 48 : index
      %get3A_2479 = tpu.vector_load %arg7[%get3A_2477, %get3A_2478] {strides = array<i32>} : memref<200x128xi32, #tpu.memory_space<vmem>>, vector<16xi32>,
      %gather3A_2480 = tpu.vector_load_idx %arg6[%get3A_2479] : memref<1000xf32, #tpu.memory_space<vmem>>[vector<16xi32>], vector<16xf32>,
      %add3A_2481 = arith.addf %add3A_2437, %gather3A_2480 : vector<16xf32>
      %get3A_2482 = arith.index_cast %add3A_2461 : i32 to index
      %get3A_2483 = arith.constant 64 : index
      %get3A_2484 = tpu.vector_load %arg7[%get3A_2482, %get3A_2483] {strides = array<i32>} : memref<200x128xi32, #tpu.memory_space<vmem>>, vector<16xi32>,
      %gather3A_2485 = tpu.vector_load_idx %arg6[%get3A_2484] : memref<1000xf32, #tpu.memory_space<vmem>>[vector<16xi32>], vector<16xf32>,
      %add3A_2486 = arith.addf %add3A_2442, %gather3A_2485 : vector<16xf32>
      %get3A_2487 = arith.index_cast %add3A_2461 : i32 to index
      %get3A_2488 = arith.constant 80 : index
      %get3A_2489 = tpu.vector_load %arg7[%get3A_2487, %get3A_2488] {strides = array<i32>} : memref<200x128xi32, #tpu.memory_space<vmem>>, vector<16xi32>,
      %gather3A_2490 = tpu.vector_load_idx %arg6[%get3A_2489] : memref<1000xf32, #tpu.memory_space<vmem>>[vector<16xi32>], vector<16xf32>,
      %add3A_2491 = arith.addf %add3A_2447, %gather3A_2490 : vector<16xf32>
      %get3A_2492 = arith.index_cast %add3A_2461 : i32 to index
      %get3A_2493 = arith.constant 96 : index
      %get3A_2494 = tpu.vector_load %arg7[%get3A_2492, %get3A_2493] {strides = array<i32>} : memref<200x128xi32, #tpu.memory_space<vmem>>, vector<16xi32>,
      %gather3A_2495 = tpu.vector_load_idx %arg6[%get3A_2494] : memref<1000xf32, #tpu.memory_space<vmem>>[vector<16xi32>], vector<16xf32>,
      %add3A_2496 = arith.addf %add3A_2452, %gather3A_2495 : vector<16xf32>
      %get3A_2497 = arith.index_cast %add3A_2461 : i32 to index
      %get3A_2498 = arith.constant 112 : index
      %get3A_2499 = tpu.vector_load %arg7[%get3A_2497, %get3A_2498] {strides = array<i32>} : memref<200x128xi32, #tpu.memory_space<vmem>>, vector<16xi32>,
      %gather3A_2500 = tpu.vector_load_idx %arg6[%get3A_2499] : memref<1000xf32, #tpu.memory_space<vmem>>[vector<16xi32>], vector<16xf32>,
      %add3A_2501 = arith.addf %add3A_2457, %gather3A_2500 : vector<16xf32>
      %mul3A_2502 = arith.constant 8 : i32
      %mul3A_2503 = arith.muli %scan3A_2186, %mul3A_2502 : i32
      %add3A_2504 = arith.constant 7 : i32
      %add3A_2505 = arith.addi %mul3A_2503, %add3A_2504 : i32
      %get3A_2506 = arith.index_cast %add3A_2505 : i32 to index
      %get3A_2507 = arith.constant 0 : index
      %get3A_2508 = tpu.vector_load %arg7[%get3A_2506, %get3A_2507] {strides = array<i32>} : memref<200x128xi32, #tpu.memory_space<vmem>>, vector<16xi32>,
      %gather3A_2509 = tpu.vector_load_idx %arg6[%get3A_2508] : memref<1000xf32, #tpu.memory_space<vmem>>[vector<16xi32>], vector<16xf32>,
      %add3A_2510 = arith.addf %add3A_2466, %gather3A_2509 : vector<16xf32>
      %get3A_2511 = arith.index_cast %add3A_2505 : i32 to index
      %get3A_2512 = arith.constant 16 : index
      %get3A_2513 = tpu.vector_load %arg7[%get3A_2511, %get3A_2512] {strides = array<i32>} : memref<200x128xi32, #tpu.memory_space<vmem>>, vector<16xi32>,
      %gather3A_2514 = tpu.vector_load_idx %arg6[%get3A_2513] : memref<1000xf32, #tpu.memory_space<vmem>>[vector<16xi32>], vector<16xf32>,
      %add3A_2515 = arith.addf %add3A_2471, %gather3A_2514 : vector<16xf32>
      %get3A_2516 = arith.index_cast %add3A_2505 : i32 to index
      %get3A_2517 = arith.constant 32 : index
      %get3A_2518 = tpu.vector_load %arg7[%get3A_2516, %get3A_2517] {strides = array<i32>} : memref<200x128xi32, #tpu.memory_space<vmem>>, vector<16xi32>,
      %gather3A_2519 = tpu.vector_load_idx %arg6[%get3A_2518] : memref<1000xf32, #tpu.memory_space<vmem>>[vector<16xi32>], vector<16xf32>,
      %add3A_2520 = arith.addf %add3A_2476, %gather3A_2519 : vector<16xf32>
      %get3A_2521 = arith.index_cast %add3A_2505 : i32 to index
      %get3A_2522 = arith.constant 48 : index
      %get3A_2523 = tpu.vector_load %arg7[%get3A_2521, %get3A_2522] {strides = array<i32>} : memref<200x128xi32, #tpu.memory_space<vmem>>, vector<16xi32>,
      %gather3A_2524 = tpu.vector_load_idx %arg6[%get3A_2523] : memref<1000xf32, #tpu.memory_space<vmem>>[vector<16xi32>], vector<16xf32>,
      %add3A_2525 = arith.addf %add3A_2481, %gather3A_2524 : vector<16xf32>
      %get3A_2526 = arith.index_cast %add3A_2505 : i32 to index
      %get3A_2527 = arith.constant 64 : index
      %get3A_2528 = tpu.vector_load %arg7[%get3A_2526, %get3A_2527] {strides = array<i32>} : memref<200x128xi32, #tpu.memory_space<vmem>>, vector<16xi32>,
      %gather3A_2529 = tpu.vector_load_idx %arg6[%get3A_2528] : memref<1000xf32, #tpu.memory_space<vmem>>[vector<16xi32>], vector<16xf32>,
      %add3A_2530 = arith.addf %add3A_2486, %gather3A_2529 : vector<16xf32>
      %get3A_2531 = arith.index_cast %add3A_2505 : i32 to index
      %get3A_2532 = arith.constant 80 : index
      %get3A_2533 = tpu.vector_load %arg7[%get3A_2531, %get3A_2532] {strides = array<i32>} : memref<200x128xi32, #tpu.memory_space<vmem>>, vector<16xi32>,
      %gather3A_2534 = tpu.vector_load_idx %arg6[%get3A_2533] : memref<1000xf32, #tpu.memory_space<vmem>>[vector<16xi32>], vector<16xf32>,
      %add3A_2535 = arith.addf %add3A_2491, %gather3A_2534 : vector<16xf32>
      %get3A_2536 = arith.index_cast %add3A_2505 : i32 to index
      %get3A_2537 = arith.constant 96 : index
      %get3A_2538 = tpu.vector_load %arg7[%get3A_2536, %get3A_2537] {strides = array<i32>} : memref<200x128xi32, #tpu.memory_space<vmem>>, vector<16xi32>,
      %gather3A_2539 = tpu.vector_load_idx %arg6[%get3A_2538] : memref<1000xf32, #tpu.memory_space<vmem>>[vector<16xi32>], vector<16xf32>,
      %add3A_2540 = arith.addf %add3A_2496, %gather3A_2539 : vector<16xf32>
      %get3A_2541 = arith.index_cast %add3A_2505 : i32 to index
      %get3A_2542 = arith.constant 112 : index
      %get3A_2543 = tpu.vector_load %arg7[%get3A_2541, %get3A_2542] {strides = array<i32>} : memref<200x128xi32, #tpu.memory_space<vmem>>, vector<16xi32>,
      %gather3A_2544 = tpu.vector_load_idx %arg6[%get3A_2543] : memref<1000xf32, #tpu.memory_space<vmem>>[vector<16xi32>], vector<16xf32>,
      %add3A_2545 = arith.addf %add3A_2501, %gather3A_2544 : vector<16xf32>
      scf.yield %add3A_2510, %add3A_2515, %add3A_2520, %add3A_2525, %add3A_2530, %add3A_2535, %add3A_2540, %add3A_2545 : vector<16xf32>, vector<16xf32>, vector<16xf32>, vector<16xf32>, vector<16xf32>, vector<16xf32>, vector<16xf32>, vector<16xf32>
    }
    %scan3A_1899 = arith.constant 25 : i32
    %mul3A_1900 = arith.constant 5.000000e-03 : f32
    %mul3A_1901 = vector.broadcast %mul3A_1900 : f32 to vector<16xf32>
    %mul3A_1902 = arith.mulf %scan3A_1898#0, %mul3A_1901 : vector<16xf32>
    %add3A_1903 = vector.broadcast %squeeze3A : f32 to vector<16xf32>
    %add3A_1904 = arith.addf %mul3A_1902, %add3A_1903 : vector<16xf32>
    %neg3A_1905 = arith.constant 0.000000e+00 : f32
    %neg3A_1906 = vector.broadcast %neg3A_1905 : f32 to vector<16xf32>
    %neg3A_1907 = arith.subf %neg3A_1906, %add3A_1904 : vector<16xf32>
    %exp3A_1908 = math.exp %neg3A_1907 : vector<16xf32>
    %add3A_1909 = arith.constant 1.000000e+00 : f32
    %add3A_1910 = vector.broadcast %add3A_1909 : f32 to vector<16xf32>
    %add3A_1911 = arith.addf %add3A_1910, %exp3A_1908 : vector<16xf32>
    %div3A_1912 = arith.constant 1.000000e+00 : f32
    %div3A_1913 = vector.broadcast %div3A_1912 : f32 to vector<16xf32>
    %div3A_1914 = arith.divf %div3A_1913, %add3A_1911 : vector<16xf32>
    %swap3A_1915 = arith.constant 256 : index
    %swap3A_1916 = tpu.vector_load %arg9[%swap3A_1915] {strides = array<i32>} : memref<512xf32, #tpu.memory_space<vmem>>, vector<16xf32>,
    tpu.vector_store %arg9[%swap3A_1915], %div3A_1914 {strides = array<i32>} : memref<512xf32, #tpu.memory_space<vmem>>, vector<16xf32>,
    %mul3A_1917 = arith.constant 5.000000e-03 : f32
    %mul3A_1918 = vector.broadcast %mul3A_1917 : f32 to vector<16xf32>
    %mul3A_1919 = arith.mulf %scan3A_1898#1, %mul3A_1918 : vector<16xf32>
    %add3A_1920 = vector.broadcast %squeeze3A : f32 to vector<16xf32>
    %add3A_1921 = arith.addf %mul3A_1919, %add3A_1920 : vector<16xf32>
    %neg3A_1922 = arith.constant 0.000000e+00 : f32
    %neg3A_1923 = vector.broadcast %neg3A_1922 : f32 to vector<16xf32>
    %neg3A_1924 = arith.subf %neg3A_1923, %add3A_1921 : vector<16xf32>
    %exp3A_1925 = math.exp %neg3A_1924 : vector<16xf32>
    %add3A_1926 = arith.constant 1.000000e+00 : f32
    %add3A_1927 = vector.broadcast %add3A_1926 : f32 to vector<16xf32>
    %add3A_1928 = arith.addf %add3A_1927, %exp3A_1925 : vector<16xf32>
    %div3A_1929 = arith.constant 1.000000e+00 : f32
    %div3A_1930 = vector.broadcast %div3A_1929 : f32 to vector<16xf32>
    %div3A_1931 = arith.divf %div3A_1930, %add3A_1928 : vector<16xf32>
    %swap3A_1932 = arith.constant 272 : index
    %swap3A_1933 = tpu.vector_load %arg9[%swap3A_1932] {strides = array<i32>} : memref<512xf32, #tpu.memory_space<vmem>>, vector<16xf32>,
    tpu.vector_store %arg9[%swap3A_1932], %div3A_1931 {strides = array<i32>} : memref<512xf32, #tpu.memory_space<vmem>>, vector<16xf32>,
    %mul3A_1934 = arith.constant 5.000000e-03 : f32
    %mul3A_1935 = vector.broadcast %mul3A_1934 : f32 to vector<16xf32>
    %mul3A_1936 = arith.mulf %scan3A_1898#2, %mul3A_1935 : vector<16xf32>
    %add3A_1937 = vector.broadcast %squeeze3A : f32 to vector<16xf32>
    %add3A_1938 = arith.addf %mul3A_1936, %add3A_1937 : vector<16xf32>
    %neg3A_1939 = arith.constant 0.000000e+00 : f32
    %neg3A_1940 = vector.broadcast %neg3A_1939 : f32 to vector<16xf32>
    %neg3A_1941 = arith.subf %neg3A_1940, %add3A_1938 : vector<16xf32>
    %exp3A_1942 = math.exp %neg3A_1941 : vector<16xf32>
    %add3A_1943 = arith.constant 1.000000e+00 : f32
    %add3A_1944 = vector.broadcast %add3A_1943 : f32 to vector<16xf32>
    %add3A_1945 = arith.addf %add3A_1944, %exp3A_1942 : vector<16xf32>
    %div3A_1946 = arith.constant 1.000000e+00 : f32
    %div3A_1947 = vector.broadcast %div3A_1946 : f32 to vector<16xf32>
    %div3A_1948 = arith.divf %div3A_1947, %add3A_1945 : vector<16xf32>
    %swap3A_1949 = arith.constant 288 : index
    %swap3A_1950 = tpu.vector_load %arg9[%swap3A_1949] {strides = array<i32>} : memref<512xf32, #tpu.memory_space<vmem>>, vector<16xf32>,
    tpu.vector_store %arg9[%swap3A_1949], %div3A_1948 {strides = array<i32>} : memref<512xf32, #tpu.memory_space<vmem>>, vector<16xf32>,
    %mul3A_1951 = arith.constant 5.000000e-03 : f32
    %mul3A_1952 = vector.broadcast %mul3A_1951 : f32 to vector<16xf32>
    %mul3A_1953 = arith.mulf %scan3A_1898#3, %mul3A_1952 : vector<16xf32>
    %add3A_1954 = vector.broadcast %squeeze3A : f32 to vector<16xf32>
    %add3A_1955 = arith.addf %mul3A_1953, %add3A_1954 : vector<16xf32>
    %neg3A_1956 = arith.constant 0.000000e+00 : f32
    %neg3A_1957 = vector.broadcast %neg3A_1956 : f32 to vector<16xf32>
    %neg3A_1958 = arith.subf %neg3A_1957, %add3A_1955 : vector<16xf32>
    %exp3A_1959 = math.exp %neg3A_1958 : vector<16xf32>
    %add3A_1960 = arith.constant 1.000000e+00 : f32
    %add3A_1961 = vector.broadcast %add3A_1960 : f32 to vector<16xf32>
    %add3A_1962 = arith.addf %add3A_1961, %exp3A_1959 : vector<16xf32>
    %div3A_1963 = arith.constant 1.000000e+00 : f32
    %div3A_1964 = vector.broadcast %div3A_1963 : f32 to vector<16xf32>
    %div3A_1965 = arith.divf %div3A_1964, %add3A_1962 : vector<16xf32>
    %swap3A_1966 = arith.constant 304 : index
    %swap3A_1967 = tpu.vector_load %arg9[%swap3A_1966] {strides = array<i32>} : memref<512xf32, #tpu.memory_space<vmem>>, vector<16xf32>,
    tpu.vector_store %arg9[%swap3A_1966], %div3A_1965 {strides = array<i32>} : memref<512xf32, #tpu.memory_space<vmem>>, vector<16xf32>,
    %mul3A_1968 = arith.constant 5.000000e-03 : f32
    %mul3A_1969 = vector.broadcast %mul3A_1968 : f32 to vector<16xf32>
    %mul3A_1970 = arith.mulf %scan3A_1898#4, %mul3A_1969 : vector<16xf32>
    %add3A_1971 = vector.broadcast %squeeze3A : f32 to vector<16xf32>
    %add3A_1972 = arith.addf %mul3A_1970, %add3A_1971 : vector<16xf32>
    %neg3A_1973 = arith.constant 0.000000e+00 : f32
    %neg3A_1974 = vector.broadcast %neg3A_1973 : f32 to vector<16xf32>
    %neg3A_1975 = arith.subf %neg3A_1974, %add3A_1972 : vector<16xf32>
    %exp3A_1976 = math.exp %neg3A_1975 : vector<16xf32>
    %add3A_1977 = arith.constant 1.000000e+00 : f32
    %add3A_1978 = vector.broadcast %add3A_1977 : f32 to vector<16xf32>
    %add3A_1979 = arith.addf %add3A_1978, %exp3A_1976 : vector<16xf32>
    %div3A_1980 = arith.constant 1.000000e+00 : f32
    %div3A_1981 = vector.broadcast %div3A_1980 : f32 to vector<16xf32>
    %div3A_1982 = arith.divf %div3A_1981, %add3A_1979 : vector<16xf32>
    %swap3A_1983 = arith.constant 320 : index
    %swap3A_1984 = tpu.vector_load %arg9[%swap3A_1983] {strides = array<i32>} : memref<512xf32, #tpu.memory_space<vmem>>, vector<16xf32>,
    tpu.vector_store %arg9[%swap3A_1983], %div3A_1982 {strides = array<i32>} : memref<512xf32, #tpu.memory_space<vmem>>, vector<16xf32>,
    %mul3A_1985 = arith.constant 5.000000e-03 : f32
    %mul3A_1986 = vector.broadcast %mul3A_1985 : f32 to vector<16xf32>
    %mul3A_1987 = arith.mulf %scan3A_1898#5, %mul3A_1986 : vector<16xf32>
    %add3A_1988 = vector.broadcast %squeeze3A : f32 to vector<16xf32>
    %add3A_1989 = arith.addf %mul3A_1987, %add3A_1988 : vector<16xf32>
    %neg3A_1990 = arith.constant 0.000000e+00 : f32
    %neg3A_1991 = vector.broadcast %neg3A_1990 : f32 to vector<16xf32>
    %neg3A_1992 = arith.subf %neg3A_1991, %add3A_1989 : vector<16xf32>
    %exp3A_1993 = math.exp %neg3A_1992 : vector<16xf32>
    %add3A_1994 = arith.constant 1.000000e+00 : f32
    %add3A_1995 = vector.broadcast %add3A_1994 : f32 to vector<16xf32>
    %add3A_1996 = arith.addf %add3A_1995, %exp3A_1993 : vector<16xf32>
    %div3A_1997 = arith.constant 1.000000e+00 : f32
    %div3A_1998 = vector.broadcast %div3A_1997 : f32 to vector<16xf32>
    %div3A_1999 = arith.divf %div3A_1998, %add3A_1996 : vector<16xf32>
    %swap3A_2000 = arith.constant 336 : index
    %swap3A_2001 = tpu.vector_load %arg9[%swap3A_2000] {strides = array<i32>} : memref<512xf32, #tpu.memory_space<vmem>>, vector<16xf32>,
    tpu.vector_store %arg9[%swap3A_2000], %div3A_1999 {strides = array<i32>} : memref<512xf32, #tpu.memory_space<vmem>>, vector<16xf32>,
    %mul3A_2002 = arith.constant 5.000000e-03 : f32
    %mul3A_2003 = vector.broadcast %mul3A_2002 : f32 to vector<16xf32>
    %mul3A_2004 = arith.mulf %scan3A_1898#6, %mul3A_2003 : vector<16xf32>
    %add3A_2005 = vector.broadcast %squeeze3A : f32 to vector<16xf32>
    %add3A_2006 = arith.addf %mul3A_2004, %add3A_2005 : vector<16xf32>
    %neg3A_2007 = arith.constant 0.000000e+00 : f32
    %neg3A_2008 = vector.broadcast %neg3A_2007 : f32 to vector<16xf32>
    %neg3A_2009 = arith.subf %neg3A_2008, %add3A_2006 : vector<16xf32>
    %exp3A_2010 = math.exp %neg3A_2009 : vector<16xf32>
    %add3A_2011 = arith.constant 1.000000e+00 : f32
    %add3A_2012 = vector.broadcast %add3A_2011 : f32 to vector<16xf32>
    %add3A_2013 = arith.addf %add3A_2012, %exp3A_2010 : vector<16xf32>
    %div3A_2014 = arith.constant 1.000000e+00 : f32
    %div3A_2015 = vector.broadcast %div3A_2014 : f32 to vector<16xf32>
    %div3A_2016 = arith.divf %div3A_2015, %add3A_2013 : vector<16xf32>
    %swap3A_2017 = arith.constant 352 : index
    %swap3A_2018 = tpu.vector_load %arg9[%swap3A_2017] {strides = array<i32>} : memref<512xf32, #tpu.memory_space<vmem>>, vector<16xf32>,
    tpu.vector_store %arg9[%swap3A_2017], %div3A_2016 {strides = array<i32>} : memref<512xf32, #tpu.memory_space<vmem>>, vector<16xf32>,
    %mul3A_2019 = arith.constant 5.000000e-03 : f32
    %mul3A_2020 = vector.broadcast %mul3A_2019 : f32 to vector<16xf32>
    %mul3A_2021 = arith.mulf %scan3A_1898#7, %mul3A_2020 : vector<16xf32>
    %add3A_2022 = vector.broadcast %squeeze3A : f32 to vector<16xf32>
    %add3A_2023 = arith.addf %mul3A_2021, %add3A_2022 : vector<16xf32>
    %neg3A_2024 = arith.constant 0.000000e+00 : f32
    %neg3A_2025 = vector.broadcast %neg3A_2024 : f32 to vector<16xf32>
    %neg3A_2026 = arith.subf %neg3A_2025, %add3A_2023 : vector<16xf32>
    %exp3A_2027 = math.exp %neg3A_2026 : vector<16xf32>
    %add3A_2028 = arith.constant 1.000000e+00 : f32
    %add3A_2029 = vector.broadcast %add3A_2028 : f32 to vector<16xf32>
    %add3A_2030 = arith.addf %add3A_2029, %exp3A_2027 : vector<16xf32>
    %div3A_2031 = arith.constant 1.000000e+00 : f32
    %div3A_2032 = vector.broadcast %div3A_2031 : f32 to vector<16xf32>
    %div3A_2033 = arith.divf %div3A_2032, %add3A_2030 : vector<16xf32>
    %swap3A_2034 = arith.constant 368 : index
    %swap3A_2035 = tpu.vector_load %arg9[%swap3A_2034] {strides = array<i32>} : memref<512xf32, #tpu.memory_space<vmem>>, vector<16xf32>,
    tpu.vector_store %arg9[%swap3A_2034], %div3A_2033 {strides = array<i32>} : memref<512xf32, #tpu.memory_space<vmem>>, vector<16xf32>,
    %dma_wait3A_2036 = arith.constant 0 : i32
    %dma_wait3A_2037 = tpu.memref_slice %arg4[%dma_wait3A_2036, %mul3A_1887] : memref<200x16384xi32, #tpu.memory_space<hbm>> -> memref<200x128xi32, #tpu.memory_space<hbm>>
    %dma_wait3A_2038 = arith.constant 0 : i32
    %dma_wait3A_2039 = tpu.memref_slice %arg4[%dma_wait3A_2038, %mul3A_1887] : memref<200x16384xi32, #tpu.memory_space<hbm>> -> memref<200x128xi32, #tpu.memory_space<hbm>>
    tpu.wait_dma2 semaphore(%arg15 : memref<!tpu.dma_semaphore, #tpu.memory_space<semaphore_mem>>) src(%dma_wait3A_2039 : memref<200x128xi32, #tpu.memory_space<hbm>>) dst(%arg8 : memref<200x128xi32, #tpu.memory_space<vmem>>)
    %broadcast_in_dim3A_2040 = arith.constant 0.000000e+00 : f32
    %broadcast_in_dim3A_2041 = vector.broadcast %broadcast_in_dim3A_2040 : f32 to vector<16xf32>
    %scan3A_2042 = arith.constant 0 : i32
    %scan3A_2043 = arith.constant 25 : i32
    %scan3A_2044 = arith.addi %scan3A_2042, %scan3A_2043 : i32
    %scan3A_2045 = arith.constant 1 : i32
    %scan3A_2046:8 = scf.for %scan3A_2186 = %scan3A_2042 to %scan3A_2044 step %scan3A_2045 iter_args(%scan3A_2187 = %broadcast_in_dim3A_2041, %scan3A_2188 = %broadcast_in_dim3A_2041, %scan3A_2189 = %broadcast_in_dim3A_2041, %scan3A_2190 = %broadcast_in_dim3A_2041, %scan3A_2191 = %broadcast_in_dim3A_2041, %scan3A_2192 = %broadcast_in_dim3A_2041, %scan3A_2193 = %broadcast_in_dim3A_2041, %scan3A_2194 = %broadcast_in_dim3A_2041) -> (vector<16xf32>, vector<16xf32>, vector<16xf32>, vector<16xf32>, vector<16xf32>, vector<16xf32>, vector<16xf32>, vector<16xf32>)  : i32 {
      %mul3A_2195 = arith.constant 8 : i32
      %mul3A_2196 = arith.muli %scan3A_2186, %mul3A_2195 : i32
      %add3A_2197 = arith.constant 0 : i32
      %add3A_2198 = arith.addi %mul3A_2196, %add3A_2197 : i32
      %get3A_2199 = arith.index_cast %add3A_2198 : i32 to index
      %get3A_2200 = arith.constant 0 : index
      %get3A_2201 = tpu.vector_load %arg8[%get3A_2199, %get3A_2200] {strides = array<i32>} : memref<200x128xi32, #tpu.memory_space<vmem>>, vector<16xi32>,
      %gather3A = tpu.vector_load_idx %arg6[%get3A_2201] : memref<1000xf32, #tpu.memory_space<vmem>>[vector<16xi32>], vector<16xf32>,
      %add3A_2202 = arith.addf %scan3A_2187, %gather3A : vector<16xf32>
      %get3A_2203 = arith.index_cast %add3A_2198 : i32 to index
      %get3A_2204 = arith.constant 16 : index
      %get3A_2205 = tpu.vector_load %arg8[%get3A_2203, %get3A_2204] {strides = array<i32>} : memref<200x128xi32, #tpu.memory_space<vmem>>, vector<16xi32>,
      %gather3A_2206 = tpu.vector_load_idx %arg6[%get3A_2205] : memref<1000xf32, #tpu.memory_space<vmem>>[vector<16xi32>], vector<16xf32>,
      %add3A_2207 = arith.addf %scan3A_2188, %gather3A_2206 : vector<16xf32>
      %get3A_2208 = arith.index_cast %add3A_2198 : i32 to index
      %get3A_2209 = arith.constant 32 : index
      %get3A_2210 = tpu.vector_load %arg8[%get3A_2208, %get3A_2209] {strides = array<i32>} : memref<200x128xi32, #tpu.memory_space<vmem>>, vector<16xi32>,
      %gather3A_2211 = tpu.vector_load_idx %arg6[%get3A_2210] : memref<1000xf32, #tpu.memory_space<vmem>>[vector<16xi32>], vector<16xf32>,
      %add3A_2212 = arith.addf %scan3A_2189, %gather3A_2211 : vector<16xf32>
      %get3A_2213 = arith.index_cast %add3A_2198 : i32 to index
      %get3A_2214 = arith.constant 48 : index
      %get3A_2215 = tpu.vector_load %arg8[%get3A_2213, %get3A_2214] {strides = array<i32>} : memref<200x128xi32, #tpu.memory_space<vmem>>, vector<16xi32>,
      %gather3A_2216 = tpu.vector_load_idx %arg6[%get3A_2215] : memref<1000xf32, #tpu.memory_space<vmem>>[vector<16xi32>], vector<16xf32>,
      %add3A_2217 = arith.addf %scan3A_2190, %gather3A_2216 : vector<16xf32>
      %get3A_2218 = arith.index_cast %add3A_2198 : i32 to index
      %get3A_2219 = arith.constant 64 : index
      %get3A_2220 = tpu.vector_load %arg8[%get3A_2218, %get3A_2219] {strides = array<i32>} : memref<200x128xi32, #tpu.memory_space<vmem>>, vector<16xi32>,
      %gather3A_2221 = tpu.vector_load_idx %arg6[%get3A_2220] : memref<1000xf32, #tpu.memory_space<vmem>>[vector<16xi32>], vector<16xf32>,
      %add3A_2222 = arith.addf %scan3A_2191, %gather3A_2221 : vector<16xf32>
      %get3A_2223 = arith.index_cast %add3A_2198 : i32 to index
      %get3A_2224 = arith.constant 80 : index
      %get3A_2225 = tpu.vector_load %arg8[%get3A_2223, %get3A_2224] {strides = array<i32>} : memref<200x128xi32, #tpu.memory_space<vmem>>, vector<16xi32>,
      %gather3A_2226 = tpu.vector_load_idx %arg6[%get3A_2225] : memref<1000xf32, #tpu.memory_space<vmem>>[vector<16xi32>], vector<16xf32>,
      %add3A_2227 = arith.addf %scan3A_2192, %gather3A_2226 : vector<16xf32>
      %get3A_2228 = arith.index_cast %add3A_2198 : i32 to index
      %get3A_2229 = arith.constant 96 : index
      %get3A_2230 = tpu.vector_load %arg8[%get3A_2228, %get3A_2229] {strides = array<i32>} : memref<200x128xi32, #tpu.memory_space<vmem>>, vector<16xi32>,
      %gather3A_2231 = tpu.vector_load_idx %arg6[%get3A_2230] : memref<1000xf32, #tpu.memory_space<vmem>>[vector<16xi32>], vector<16xf32>,
      %add3A_2232 = arith.addf %scan3A_2193, %gather3A_2231 : vector<16xf32>
      %get3A_2233 = arith.index_cast %add3A_2198 : i32 to index
      %get3A_2234 = arith.constant 112 : index
      %get3A_2235 = tpu.vector_load %arg8[%get3A_2233, %get3A_2234] {strides = array<i32>} : memref<200x128xi32, #tpu.memory_space<vmem>>, vector<16xi32>,
      %gather3A_2236 = tpu.vector_load_idx %arg6[%get3A_2235] : memref<1000xf32, #tpu.memory_space<vmem>>[vector<16xi32>], vector<16xf32>,
      %add3A_2237 = arith.addf %scan3A_2194, %gather3A_2236 : vector<16xf32>
      %mul3A_2238 = arith.constant 8 : i32
      %mul3A_2239 = arith.muli %scan3A_2186, %mul3A_2238 : i32
      %add3A_2240 = arith.constant 1 : i32
      %add3A_2241 = arith.addi %mul3A_2239, %add3A_2240 : i32
      %get3A_2242 = arith.index_cast %add3A_2241 : i32 to index
      %get3A_2243 = arith.constant 0 : index
      %get3A_2244 = tpu.vector_load %arg8[%get3A_2242, %get3A_2243] {strides = array<i32>} : memref<200x128xi32, #tpu.memory_space<vmem>>, vector<16xi32>,
      %gather3A_2245 = tpu.vector_load_idx %arg6[%get3A_2244] : memref<1000xf32, #tpu.memory_space<vmem>>[vector<16xi32>], vector<16xf32>,
      %add3A_2246 = arith.addf %add3A_2202, %gather3A_2245 : vector<16xf32>
      %get3A_2247 = arith.index_cast %add3A_2241 : i32 to index
      %get3A_2248 = arith.constant 16 : index
      %get3A_2249 = tpu.vector_load %arg8[%get3A_2247, %get3A_2248] {strides = array<i32>} : memref<200x128xi32, #tpu.memory_space<vmem>>, vector<16xi32>,
      %gather3A_2250 = tpu.vector_load_idx %arg6[%get3A_2249] : memref<1000xf32, #tpu.memory_space<vmem>>[vector<16xi32>], vector<16xf32>,
      %add3A_2251 = arith.addf %add3A_2207, %gather3A_2250 : vector<16xf32>
      %get3A_2252 = arith.index_cast %add3A_2241 : i32 to index
      %get3A_2253 = arith.constant 32 : index
      %get3A_2254 = tpu.vector_load %arg8[%get3A_2252, %get3A_2253] {strides = array<i32>} : memref<200x128xi32, #tpu.memory_space<vmem>>, vector<16xi32>,
      %gather3A_2255 = tpu.vector_load_idx %arg6[%get3A_2254] : memref<1000xf32, #tpu.memory_space<vmem>>[vector<16xi32>], vector<16xf32>,
      %add3A_2256 = arith.addf %add3A_2212, %gather3A_2255 : vector<16xf32>
      %get3A_2257 = arith.index_cast %add3A_2241 : i32 to index
      %get3A_2258 = arith.constant 48 : index
      %get3A_2259 = tpu.vector_load %arg8[%get3A_2257, %get3A_2258] {strides = array<i32>} : memref<200x128xi32, #tpu.memory_space<vmem>>, vector<16xi32>,
      %gather3A_2260 = tpu.vector_load_idx %arg6[%get3A_2259] : memref<1000xf32, #tpu.memory_space<vmem>>[vector<16xi32>], vector<16xf32>,
      %add3A_2261 = arith.addf %add3A_2217, %gather3A_2260 : vector<16xf32>
      %get3A_2262 = arith.index_cast %add3A_2241 : i32 to index
      %get3A_2263 = arith.constant 64 : index
      %get3A_2264 = tpu.vector_load %arg8[%get3A_2262, %get3A_2263] {strides = array<i32>} : memref<200x128xi32, #tpu.memory_space<vmem>>, vector<16xi32>,
      %gather3A_2265 = tpu.vector_load_idx %arg6[%get3A_2264] : memref<1000xf32, #tpu.memory_space<vmem>>[vector<16xi32>], vector<16xf32>,
      %add3A_2266 = arith.addf %add3A_2222, %gather3A_2265 : vector<16xf32>
      %get3A_2267 = arith.index_cast %add3A_2241 : i32 to index
      %get3A_2268 = arith.constant 80 : index
      %get3A_2269 = tpu.vector_load %arg8[%get3A_2267, %get3A_2268] {strides = array<i32>} : memref<200x128xi32, #tpu.memory_space<vmem>>, vector<16xi32>,
      %gather3A_2270 = tpu.vector_load_idx %arg6[%get3A_2269] : memref<1000xf32, #tpu.memory_space<vmem>>[vector<16xi32>], vector<16xf32>,
      %add3A_2271 = arith.addf %add3A_2227, %gather3A_2270 : vector<16xf32>
      %get3A_2272 = arith.index_cast %add3A_2241 : i32 to index
      %get3A_2273 = arith.constant 96 : index
      %get3A_2274 = tpu.vector_load %arg8[%get3A_2272, %get3A_2273] {strides = array<i32>} : memref<200x128xi32, #tpu.memory_space<vmem>>, vector<16xi32>,
      %gather3A_2275 = tpu.vector_load_idx %arg6[%get3A_2274] : memref<1000xf32, #tpu.memory_space<vmem>>[vector<16xi32>], vector<16xf32>,
      %add3A_2276 = arith.addf %add3A_2232, %gather3A_2275 : vector<16xf32>
      %get3A_2277 = arith.index_cast %add3A_2241 : i32 to index
      %get3A_2278 = arith.constant 112 : index
      %get3A_2279 = tpu.vector_load %arg8[%get3A_2277, %get3A_2278] {strides = array<i32>} : memref<200x128xi32, #tpu.memory_space<vmem>>, vector<16xi32>,
      %gather3A_2280 = tpu.vector_load_idx %arg6[%get3A_2279] : memref<1000xf32, #tpu.memory_space<vmem>>[vector<16xi32>], vector<16xf32>,
      %add3A_2281 = arith.addf %add3A_2237, %gather3A_2280 : vector<16xf32>
      %mul3A_2282 = arith.constant 8 : i32
      %mul3A_2283 = arith.muli %scan3A_2186, %mul3A_2282 : i32
      %add3A_2284 = arith.constant 2 : i32
      %add3A_2285 = arith.addi %mul3A_2283, %add3A_2284 : i32
      %get3A_2286 = arith.index_cast %add3A_2285 : i32 to index
      %get3A_2287 = arith.constant 0 : index
      %get3A_2288 = tpu.vector_load %arg8[%get3A_2286, %get3A_2287] {strides = array<i32>} : memref<200x128xi32, #tpu.memory_space<vmem>>, vector<16xi32>,
      %gather3A_2289 = tpu.vector_load_idx %arg6[%get3A_2288] : memref<1000xf32, #tpu.memory_space<vmem>>[vector<16xi32>], vector<16xf32>,
      %add3A_2290 = arith.addf %add3A_2246, %gather3A_2289 : vector<16xf32>
      %get3A_2291 = arith.index_cast %add3A_2285 : i32 to index
      %get3A_2292 = arith.constant 16 : index
      %get3A_2293 = tpu.vector_load %arg8[%get3A_2291, %get3A_2292] {strides = array<i32>} : memref<200x128xi32, #tpu.memory_space<vmem>>, vector<16xi32>,
      %gather3A_2294 = tpu.vector_load_idx %arg6[%get3A_2293] : memref<1000xf32, #tpu.memory_space<vmem>>[vector<16xi32>], vector<16xf32>,
      %add3A_2295 = arith.addf %add3A_2251, %gather3A_2294 : vector<16xf32>
      %get3A_2296 = arith.index_cast %add3A_2285 : i32 to index
      %get3A_2297 = arith.constant 32 : index
      %get3A_2298 = tpu.vector_load %arg8[%get3A_2296, %get3A_2297] {strides = array<i32>} : memref<200x128xi32, #tpu.memory_space<vmem>>, vector<16xi32>,
      %gather3A_2299 = tpu.vector_load_idx %arg6[%get3A_2298] : memref<1000xf32, #tpu.memory_space<vmem>>[vector<16xi32>], vector<16xf32>,
      %add3A_2300 = arith.addf %add3A_2256, %gather3A_2299 : vector<16xf32>
      %get3A_2301 = arith.index_cast %add3A_2285 : i32 to index
      %get3A_2302 = arith.constant 48 : index
      %get3A_2303 = tpu.vector_load %arg8[%get3A_2301, %get3A_2302] {strides = array<i32>} : memref<200x128xi32, #tpu.memory_space<vmem>>, vector<16xi32>,
      %gather3A_2304 = tpu.vector_load_idx %arg6[%get3A_2303] : memref<1000xf32, #tpu.memory_space<vmem>>[vector<16xi32>], vector<16xf32>,
      %add3A_2305 = arith.addf %add3A_2261, %gather3A_2304 : vector<16xf32>
      %get3A_2306 = arith.index_cast %add3A_2285 : i32 to index
      %get3A_2307 = arith.constant 64 : index
      %get3A_2308 = tpu.vector_load %arg8[%get3A_2306, %get3A_2307] {strides = array<i32>} : memref<200x128xi32, #tpu.memory_space<vmem>>, vector<16xi32>,
      %gather3A_2309 = tpu.vector_load_idx %arg6[%get3A_2308] : memref<1000xf32, #tpu.memory_space<vmem>>[vector<16xi32>], vector<16xf32>,
      %add3A_2310 = arith.addf %add3A_2266, %gather3A_2309 : vector<16xf32>
      %get3A_2311 = arith.index_cast %add3A_2285 : i32 to index
      %get3A_2312 = arith.constant 80 : index
      %get3A_2313 = tpu.vector_load %arg8[%get3A_2311, %get3A_2312] {strides = array<i32>} : memref<200x128xi32, #tpu.memory_space<vmem>>, vector<16xi32>,
      %gather3A_2314 = tpu.vector_load_idx %arg6[%get3A_2313] : memref<1000xf32, #tpu.memory_space<vmem>>[vector<16xi32>], vector<16xf32>,
      %add3A_2315 = arith.addf %add3A_2271, %gather3A_2314 : vector<16xf32>
      %get3A_2316 = arith.index_cast %add3A_2285 : i32 to index
      %get3A_2317 = arith.constant 96 : index
      %get3A_2318 = tpu.vector_load %arg8[%get3A_2316, %get3A_2317] {strides = array<i32>} : memref<200x128xi32, #tpu.memory_space<vmem>>, vector<16xi32>,
      %gather3A_2319 = tpu.vector_load_idx %arg6[%get3A_2318] : memref<1000xf32, #tpu.memory_space<vmem>>[vector<16xi32>], vector<16xf32>,
      %add3A_2320 = arith.addf %add3A_2276, %gather3A_2319 : vector<16xf32>
      %get3A_2321 = arith.index_cast %add3A_2285 : i32 to index
      %get3A_2322 = arith.constant 112 : index
      %get3A_2323 = tpu.vector_load %arg8[%get3A_2321, %get3A_2322] {strides = array<i32>} : memref<200x128xi32, #tpu.memory_space<vmem>>, vector<16xi32>,
      %gather3A_2324 = tpu.vector_load_idx %arg6[%get3A_2323] : memref<1000xf32, #tpu.memory_space<vmem>>[vector<16xi32>], vector<16xf32>,
      %add3A_2325 = arith.addf %add3A_2281, %gather3A_2324 : vector<16xf32>
      %mul3A_2326 = arith.constant 8 : i32
      %mul3A_2327 = arith.muli %scan3A_2186, %mul3A_2326 : i32
      %add3A_2328 = arith.constant 3 : i32
      %add3A_2329 = arith.addi %mul3A_2327, %add3A_2328 : i32
      %get3A_2330 = arith.index_cast %add3A_2329 : i32 to index
      %get3A_2331 = arith.constant 0 : index
      %get3A_2332 = tpu.vector_load %arg8[%get3A_2330, %get3A_2331] {strides = array<i32>} : memref<200x128xi32, #tpu.memory_space<vmem>>, vector<16xi32>,
      %gather3A_2333 = tpu.vector_load_idx %arg6[%get3A_2332] : memref<1000xf32, #tpu.memory_space<vmem>>[vector<16xi32>], vector<16xf32>,
      %add3A_2334 = arith.addf %add3A_2290, %gather3A_2333 : vector<16xf32>
      %get3A_2335 = arith.index_cast %add3A_2329 : i32 to index
      %get3A_2336 = arith.constant 16 : index
      %get3A_2337 = tpu.vector_load %arg8[%get3A_2335, %get3A_2336] {strides = array<i32>} : memref<200x128xi32, #tpu.memory_space<vmem>>, vector<16xi32>,
      %gather3A_2338 = tpu.vector_load_idx %arg6[%get3A_2337] : memref<1000xf32, #tpu.memory_space<vmem>>[vector<16xi32>], vector<16xf32>,
      %add3A_2339 = arith.addf %add3A_2295, %gather3A_2338 : vector<16xf32>
      %get3A_2340 = arith.index_cast %add3A_2329 : i32 to index
      %get3A_2341 = arith.constant 32 : index
      %get3A_2342 = tpu.vector_load %arg8[%get3A_2340, %get3A_2341] {strides = array<i32>} : memref<200x128xi32, #tpu.memory_space<vmem>>, vector<16xi32>,
      %gather3A_2343 = tpu.vector_load_idx %arg6[%get3A_2342] : memref<1000xf32, #tpu.memory_space<vmem>>[vector<16xi32>], vector<16xf32>,
      %add3A_2344 = arith.addf %add3A_2300, %gather3A_2343 : vector<16xf32>
      %get3A_2345 = arith.index_cast %add3A_2329 : i32 to index
      %get3A_2346 = arith.constant 48 : index
      %get3A_2347 = tpu.vector_load %arg8[%get3A_2345, %get3A_2346] {strides = array<i32>} : memref<200x128xi32, #tpu.memory_space<vmem>>, vector<16xi32>,
      %gather3A_2348 = tpu.vector_load_idx %arg6[%get3A_2347] : memref<1000xf32, #tpu.memory_space<vmem>>[vector<16xi32>], vector<16xf32>,
      %add3A_2349 = arith.addf %add3A_2305, %gather3A_2348 : vector<16xf32>
      %get3A_2350 = arith.index_cast %add3A_2329 : i32 to index
      %get3A_2351 = arith.constant 64 : index
      %get3A_2352 = tpu.vector_load %arg8[%get3A_2350, %get3A_2351] {strides = array<i32>} : memref<200x128xi32, #tpu.memory_space<vmem>>, vector<16xi32>,
      %gather3A_2353 = tpu.vector_load_idx %arg6[%get3A_2352] : memref<1000xf32, #tpu.memory_space<vmem>>[vector<16xi32>], vector<16xf32>,
      %add3A_2354 = arith.addf %add3A_2310, %gather3A_2353 : vector<16xf32>
      %get3A_2355 = arith.index_cast %add3A_2329 : i32 to index
      %get3A_2356 = arith.constant 80 : index
      %get3A_2357 = tpu.vector_load %arg8[%get3A_2355, %get3A_2356] {strides = array<i32>} : memref<200x128xi32, #tpu.memory_space<vmem>>, vector<16xi32>,
      %gather3A_2358 = tpu.vector_load_idx %arg6[%get3A_2357] : memref<1000xf32, #tpu.memory_space<vmem>>[vector<16xi32>], vector<16xf32>,
      %add3A_2359 = arith.addf %add3A_2315, %gather3A_2358 : vector<16xf32>
      %get3A_2360 = arith.index_cast %add3A_2329 : i32 to index
      %get3A_2361 = arith.constant 96 : index
      %get3A_2362 = tpu.vector_load %arg8[%get3A_2360, %get3A_2361] {strides = array<i32>} : memref<200x128xi32, #tpu.memory_space<vmem>>, vector<16xi32>,
      %gather3A_2363 = tpu.vector_load_idx %arg6[%get3A_2362] : memref<1000xf32, #tpu.memory_space<vmem>>[vector<16xi32>], vector<16xf32>,
      %add3A_2364 = arith.addf %add3A_2320, %gather3A_2363 : vector<16xf32>
      %get3A_2365 = arith.index_cast %add3A_2329 : i32 to index
      %get3A_2366 = arith.constant 112 : index
      %get3A_2367 = tpu.vector_load %arg8[%get3A_2365, %get3A_2366] {strides = array<i32>} : memref<200x128xi32, #tpu.memory_space<vmem>>, vector<16xi32>,
      %gather3A_2368 = tpu.vector_load_idx %arg6[%get3A_2367] : memref<1000xf32, #tpu.memory_space<vmem>>[vector<16xi32>], vector<16xf32>,
      %add3A_2369 = arith.addf %add3A_2325, %gather3A_2368 : vector<16xf32>
      %mul3A_2370 = arith.constant 8 : i32
      %mul3A_2371 = arith.muli %scan3A_2186, %mul3A_2370 : i32
      %add3A_2372 = arith.constant 4 : i32
      %add3A_2373 = arith.addi %mul3A_2371, %add3A_2372 : i32
      %get3A_2374 = arith.index_cast %add3A_2373 : i32 to index
      %get3A_2375 = arith.constant 0 : index
      %get3A_2376 = tpu.vector_load %arg8[%get3A_2374, %get3A_2375] {strides = array<i32>} : memref<200x128xi32, #tpu.memory_space<vmem>>, vector<16xi32>,
      %gather3A_2377 = tpu.vector_load_idx %arg6[%get3A_2376] : memref<1000xf32, #tpu.memory_space<vmem>>[vector<16xi32>], vector<16xf32>,
      %add3A_2378 = arith.addf %add3A_2334, %gather3A_2377 : vector<16xf32>
      %get3A_2379 = arith.index_cast %add3A_2373 : i32 to index
      %get3A_2380 = arith.constant 16 : index
      %get3A_2381 = tpu.vector_load %arg8[%get3A_2379, %get3A_2380] {strides = array<i32>} : memref<200x128xi32, #tpu.memory_space<vmem>>, vector<16xi32>,
      %gather3A_2382 = tpu.vector_load_idx %arg6[%get3A_2381] : memref<1000xf32, #tpu.memory_space<vmem>>[vector<16xi32>], vector<16xf32>,
      %add3A_2383 = arith.addf %add3A_2339, %gather3A_2382 : vector<16xf32>
      %get3A_2384 = arith.index_cast %add3A_2373 : i32 to index
      %get3A_2385 = arith.constant 32 : index
      %get3A_2386 = tpu.vector_load %arg8[%get3A_2384, %get3A_2385] {strides = array<i32>} : memref<200x128xi32, #tpu.memory_space<vmem>>, vector<16xi32>,
      %gather3A_2387 = tpu.vector_load_idx %arg6[%get3A_2386] : memref<1000xf32, #tpu.memory_space<vmem>>[vector<16xi32>], vector<16xf32>,
      %add3A_2388 = arith.addf %add3A_2344, %gather3A_2387 : vector<16xf32>
      %get3A_2389 = arith.index_cast %add3A_2373 : i32 to index
      %get3A_2390 = arith.constant 48 : index
      %get3A_2391 = tpu.vector_load %arg8[%get3A_2389, %get3A_2390] {strides = array<i32>} : memref<200x128xi32, #tpu.memory_space<vmem>>, vector<16xi32>,
      %gather3A_2392 = tpu.vector_load_idx %arg6[%get3A_2391] : memref<1000xf32, #tpu.memory_space<vmem>>[vector<16xi32>], vector<16xf32>,
      %add3A_2393 = arith.addf %add3A_2349, %gather3A_2392 : vector<16xf32>
      %get3A_2394 = arith.index_cast %add3A_2373 : i32 to index
      %get3A_2395 = arith.constant 64 : index
      %get3A_2396 = tpu.vector_load %arg8[%get3A_2394, %get3A_2395] {strides = array<i32>} : memref<200x128xi32, #tpu.memory_space<vmem>>, vector<16xi32>,
      %gather3A_2397 = tpu.vector_load_idx %arg6[%get3A_2396] : memref<1000xf32, #tpu.memory_space<vmem>>[vector<16xi32>], vector<16xf32>,
      %add3A_2398 = arith.addf %add3A_2354, %gather3A_2397 : vector<16xf32>
      %get3A_2399 = arith.index_cast %add3A_2373 : i32 to index
      %get3A_2400 = arith.constant 80 : index
      %get3A_2401 = tpu.vector_load %arg8[%get3A_2399, %get3A_2400] {strides = array<i32>} : memref<200x128xi32, #tpu.memory_space<vmem>>, vector<16xi32>,
      %gather3A_2402 = tpu.vector_load_idx %arg6[%get3A_2401] : memref<1000xf32, #tpu.memory_space<vmem>>[vector<16xi32>], vector<16xf32>,
      %add3A_2403 = arith.addf %add3A_2359, %gather3A_2402 : vector<16xf32>
      %get3A_2404 = arith.index_cast %add3A_2373 : i32 to index
      %get3A_2405 = arith.constant 96 : index
      %get3A_2406 = tpu.vector_load %arg8[%get3A_2404, %get3A_2405] {strides = array<i32>} : memref<200x128xi32, #tpu.memory_space<vmem>>, vector<16xi32>,
      %gather3A_2407 = tpu.vector_load_idx %arg6[%get3A_2406] : memref<1000xf32, #tpu.memory_space<vmem>>[vector<16xi32>], vector<16xf32>,
      %add3A_2408 = arith.addf %add3A_2364, %gather3A_2407 : vector<16xf32>
      %get3A_2409 = arith.index_cast %add3A_2373 : i32 to index
      %get3A_2410 = arith.constant 112 : index
      %get3A_2411 = tpu.vector_load %arg8[%get3A_2409, %get3A_2410] {strides = array<i32>} : memref<200x128xi32, #tpu.memory_space<vmem>>, vector<16xi32>,
      %gather3A_2412 = tpu.vector_load_idx %arg6[%get3A_2411] : memref<1000xf32, #tpu.memory_space<vmem>>[vector<16xi32>], vector<16xf32>,
      %add3A_2413 = arith.addf %add3A_2369, %gather3A_2412 : vector<16xf32>
      %mul3A_2414 = arith.constant 8 : i32
      %mul3A_2415 = arith.muli %scan3A_2186, %mul3A_2414 : i32
      %add3A_2416 = arith.constant 5 : i32
      %add3A_2417 = arith.addi %mul3A_2415, %add3A_2416 : i32
      %get3A_2418 = arith.index_cast %add3A_2417 : i32 to index
      %get3A_2419 = arith.constant 0 : index
      %get3A_2420 = tpu.vector_load %arg8[%get3A_2418, %get3A_2419] {strides = array<i32>} : memref<200x128xi32, #tpu.memory_space<vmem>>, vector<16xi32>,
      %gather3A_2421 = tpu.vector_load_idx %arg6[%get3A_2420] : memref<1000xf32, #tpu.memory_space<vmem>>[vector<16xi32>], vector<16xf32>,
      %add3A_2422 = arith.addf %add3A_2378, %gather3A_2421 : vector<16xf32>
      %get3A_2423 = arith.index_cast %add3A_2417 : i32 to index
      %get3A_2424 = arith.constant 16 : index
      %get3A_2425 = tpu.vector_load %arg8[%get3A_2423, %get3A_2424] {strides = array<i32>} : memref<200x128xi32, #tpu.memory_space<vmem>>, vector<16xi32>,
      %gather3A_2426 = tpu.vector_load_idx %arg6[%get3A_2425] : memref<1000xf32, #tpu.memory_space<vmem>>[vector<16xi32>], vector<16xf32>,
      %add3A_2427 = arith.addf %add3A_2383, %gather3A_2426 : vector<16xf32>
      %get3A_2428 = arith.index_cast %add3A_2417 : i32 to index
      %get3A_2429 = arith.constant 32 : index
      %get3A_2430 = tpu.vector_load %arg8[%get3A_2428, %get3A_2429] {strides = array<i32>} : memref<200x128xi32, #tpu.memory_space<vmem>>, vector<16xi32>,
      %gather3A_2431 = tpu.vector_load_idx %arg6[%get3A_2430] : memref<1000xf32, #tpu.memory_space<vmem>>[vector<16xi32>], vector<16xf32>,
      %add3A_2432 = arith.addf %add3A_2388, %gather3A_2431 : vector<16xf32>
      %get3A_2433 = arith.index_cast %add3A_2417 : i32 to index
      %get3A_2434 = arith.constant 48 : index
      %get3A_2435 = tpu.vector_load %arg8[%get3A_2433, %get3A_2434] {strides = array<i32>} : memref<200x128xi32, #tpu.memory_space<vmem>>, vector<16xi32>,
      %gather3A_2436 = tpu.vector_load_idx %arg6[%get3A_2435] : memref<1000xf32, #tpu.memory_space<vmem>>[vector<16xi32>], vector<16xf32>,
      %add3A_2437 = arith.addf %add3A_2393, %gather3A_2436 : vector<16xf32>
      %get3A_2438 = arith.index_cast %add3A_2417 : i32 to index
      %get3A_2439 = arith.constant 64 : index
      %get3A_2440 = tpu.vector_load %arg8[%get3A_2438, %get3A_2439] {strides = array<i32>} : memref<200x128xi32, #tpu.memory_space<vmem>>, vector<16xi32>,
      %gather3A_2441 = tpu.vector_load_idx %arg6[%get3A_2440] : memref<1000xf32, #tpu.memory_space<vmem>>[vector<16xi32>], vector<16xf32>,
      %add3A_2442 = arith.addf %add3A_2398, %gather3A_2441 : vector<16xf32>
      %get3A_2443 = arith.index_cast %add3A_2417 : i32 to index
      %get3A_2444 = arith.constant 80 : index
      %get3A_2445 = tpu.vector_load %arg8[%get3A_2443, %get3A_2444] {strides = array<i32>} : memref<200x128xi32, #tpu.memory_space<vmem>>, vector<16xi32>,
      %gather3A_2446 = tpu.vector_load_idx %arg6[%get3A_2445] : memref<1000xf32, #tpu.memory_space<vmem>>[vector<16xi32>], vector<16xf32>,
      %add3A_2447 = arith.addf %add3A_2403, %gather3A_2446 : vector<16xf32>
      %get3A_2448 = arith.index_cast %add3A_2417 : i32 to index
      %get3A_2449 = arith.constant 96 : index
      %get3A_2450 = tpu.vector_load %arg8[%get3A_2448, %get3A_2449] {strides = array<i32>} : memref<200x128xi32, #tpu.memory_space<vmem>>, vector<16xi32>,
      %gather3A_2451 = tpu.vector_load_idx %arg6[%get3A_2450] : memref<1000xf32, #tpu.memory_space<vmem>>[vector<16xi32>], vector<16xf32>,
      %add3A_2452 = arith.addf %add3A_2408, %gather3A_2451 : vector<16xf32>
      %get3A_2453 = arith.index_cast %add3A_2417 : i32 to index
      %get3A_2454 = arith.constant 112 : index
      %get3A_2455 = tpu.vector_load %arg8[%get3A_2453, %get3A_2454] {strides = array<i32>} : memref<200x128xi32, #tpu.memory_space<vmem>>, vector<16xi32>,
      %gather3A_2456 = tpu.vector_load_idx %arg6[%get3A_2455] : memref<1000xf32, #tpu.memory_space<vmem>>[vector<16xi32>], vector<16xf32>,
      %add3A_2457 = arith.addf %add3A_2413, %gather3A_2456 : vector<16xf32>
      %mul3A_2458 = arith.constant 8 : i32
      %mul3A_2459 = arith.muli %scan3A_2186, %mul3A_2458 : i32
      %add3A_2460 = arith.constant 6 : i32
      %add3A_2461 = arith.addi %mul3A_2459, %add3A_2460 : i32
      %get3A_2462 = arith.index_cast %add3A_2461 : i32 to index
      %get3A_2463 = arith.constant 0 : index
      %get3A_2464 = tpu.vector_load %arg8[%get3A_2462, %get3A_2463] {strides = array<i32>} : memref<200x128xi32, #tpu.memory_space<vmem>>, vector<16xi32>,
      %gather3A_2465 = tpu.vector_load_idx %arg6[%get3A_2464] : memref<1000xf32, #tpu.memory_space<vmem>>[vector<16xi32>], vector<16xf32>,
      %add3A_2466 = arith.addf %add3A_2422, %gather3A_2465 : vector<16xf32>
      %get3A_2467 = arith.index_cast %add3A_2461 : i32 to index
      %get3A_2468 = arith.constant 16 : index
      %get3A_2469 = tpu.vector_load %arg8[%get3A_2467, %get3A_2468] {strides = array<i32>} : memref<200x128xi32, #tpu.memory_space<vmem>>, vector<16xi32>,
      %gather3A_2470 = tpu.vector_load_idx %arg6[%get3A_2469] : memref<1000xf32, #tpu.memory_space<vmem>>[vector<16xi32>], vector<16xf32>,
      %add3A_2471 = arith.addf %add3A_2427, %gather3A_2470 : vector<16xf32>
      %get3A_2472 = arith.index_cast %add3A_2461 : i32 to index
      %get3A_2473 = arith.constant 32 : index
      %get3A_2474 = tpu.vector_load %arg8[%get3A_2472, %get3A_2473] {strides = array<i32>} : memref<200x128xi32, #tpu.memory_space<vmem>>, vector<16xi32>,
      %gather3A_2475 = tpu.vector_load_idx %arg6[%get3A_2474] : memref<1000xf32, #tpu.memory_space<vmem>>[vector<16xi32>], vector<16xf32>,
      %add3A_2476 = arith.addf %add3A_2432, %gather3A_2475 : vector<16xf32>
      %get3A_2477 = arith.index_cast %add3A_2461 : i32 to index
      %get3A_2478 = arith.constant 48 : index
      %get3A_2479 = tpu.vector_load %arg8[%get3A_2477, %get3A_2478] {strides = array<i32>} : memref<200x128xi32, #tpu.memory_space<vmem>>, vector<16xi32>,
      %gather3A_2480 = tpu.vector_load_idx %arg6[%get3A_2479] : memref<1000xf32, #tpu.memory_space<vmem>>[vector<16xi32>], vector<16xf32>,
      %add3A_2481 = arith.addf %add3A_2437, %gather3A_2480 : vector<16xf32>
      %get3A_2482 = arith.index_cast %add3A_2461 : i32 to index
      %get3A_2483 = arith.constant 64 : index
      %get3A_2484 = tpu.vector_load %arg8[%get3A_2482, %get3A_2483] {strides = array<i32>} : memref<200x128xi32, #tpu.memory_space<vmem>>, vector<16xi32>,
      %gather3A_2485 = tpu.vector_load_idx %arg6[%get3A_2484] : memref<1000xf32, #tpu.memory_space<vmem>>[vector<16xi32>], vector<16xf32>,
      %add3A_2486 = arith.addf %add3A_2442, %gather3A_2485 : vector<16xf32>
      %get3A_2487 = arith.index_cast %add3A_2461 : i32 to index
      %get3A_2488 = arith.constant 80 : index
      %get3A_2489 = tpu.vector_load %arg8[%get3A_2487, %get3A_2488] {strides = array<i32>} : memref<200x128xi32, #tpu.memory_space<vmem>>, vector<16xi32>,
      %gather3A_2490 = tpu.vector_load_idx %arg6[%get3A_2489] : memref<1000xf32, #tpu.memory_space<vmem>>[vector<16xi32>], vector<16xf32>,
      %add3A_2491 = arith.addf %add3A_2447, %gather3A_2490 : vector<16xf32>
      %get3A_2492 = arith.index_cast %add3A_2461 : i32 to index
      %get3A_2493 = arith.constant 96 : index
      %get3A_2494 = tpu.vector_load %arg8[%get3A_2492, %get3A_2493] {strides = array<i32>} : memref<200x128xi32, #tpu.memory_space<vmem>>, vector<16xi32>,
      %gather3A_2495 = tpu.vector_load_idx %arg6[%get3A_2494] : memref<1000xf32, #tpu.memory_space<vmem>>[vector<16xi32>], vector<16xf32>,
      %add3A_2496 = arith.addf %add3A_2452, %gather3A_2495 : vector<16xf32>
      %get3A_2497 = arith.index_cast %add3A_2461 : i32 to index
      %get3A_2498 = arith.constant 112 : index
      %get3A_2499 = tpu.vector_load %arg8[%get3A_2497, %get3A_2498] {strides = array<i32>} : memref<200x128xi32, #tpu.memory_space<vmem>>, vector<16xi32>,
      %gather3A_2500 = tpu.vector_load_idx %arg6[%get3A_2499] : memref<1000xf32, #tpu.memory_space<vmem>>[vector<16xi32>], vector<16xf32>,
      %add3A_2501 = arith.addf %add3A_2457, %gather3A_2500 : vector<16xf32>
      %mul3A_2502 = arith.constant 8 : i32
      %mul3A_2503 = arith.muli %scan3A_2186, %mul3A_2502 : i32
      %add3A_2504 = arith.constant 7 : i32
      %add3A_2505 = arith.addi %mul3A_2503, %add3A_2504 : i32
      %get3A_2506 = arith.index_cast %add3A_2505 : i32 to index
      %get3A_2507 = arith.constant 0 : index
      %get3A_2508 = tpu.vector_load %arg8[%get3A_2506, %get3A_2507] {strides = array<i32>} : memref<200x128xi32, #tpu.memory_space<vmem>>, vector<16xi32>,
      %gather3A_2509 = tpu.vector_load_idx %arg6[%get3A_2508] : memref<1000xf32, #tpu.memory_space<vmem>>[vector<16xi32>], vector<16xf32>,
      %add3A_2510 = arith.addf %add3A_2466, %gather3A_2509 : vector<16xf32>
      %get3A_2511 = arith.index_cast %add3A_2505 : i32 to index
      %get3A_2512 = arith.constant 16 : index
      %get3A_2513 = tpu.vector_load %arg8[%get3A_2511, %get3A_2512] {strides = array<i32>} : memref<200x128xi32, #tpu.memory_space<vmem>>, vector<16xi32>,
      %gather3A_2514 = tpu.vector_load_idx %arg6[%get3A_2513] : memref<1000xf32, #tpu.memory_space<vmem>>[vector<16xi32>], vector<16xf32>,
      %add3A_2515 = arith.addf %add3A_2471, %gather3A_2514 : vector<16xf32>
      %get3A_2516 = arith.index_cast %add3A_2505 : i32 to index
      %get3A_2517 = arith.constant 32 : index
      %get3A_2518 = tpu.vector_load %arg8[%get3A_2516, %get3A_2517] {strides = array<i32>} : memref<200x128xi32, #tpu.memory_space<vmem>>, vector<16xi32>,
      %gather3A_2519 = tpu.vector_load_idx %arg6[%get3A_2518] : memref<1000xf32, #tpu.memory_space<vmem>>[vector<16xi32>], vector<16xf32>,
      %add3A_2520 = arith.addf %add3A_2476, %gather3A_2519 : vector<16xf32>
      %get3A_2521 = arith.index_cast %add3A_2505 : i32 to index
      %get3A_2522 = arith.constant 48 : index
      %get3A_2523 = tpu.vector_load %arg8[%get3A_2521, %get3A_2522] {strides = array<i32>} : memref<200x128xi32, #tpu.memory_space<vmem>>, vector<16xi32>,
      %gather3A_2524 = tpu.vector_load_idx %arg6[%get3A_2523] : memref<1000xf32, #tpu.memory_space<vmem>>[vector<16xi32>], vector<16xf32>,
      %add3A_2525 = arith.addf %add3A_2481, %gather3A_2524 : vector<16xf32>
      %get3A_2526 = arith.index_cast %add3A_2505 : i32 to index
      %get3A_2527 = arith.constant 64 : index
      %get3A_2528 = tpu.vector_load %arg8[%get3A_2526, %get3A_2527] {strides = array<i32>} : memref<200x128xi32, #tpu.memory_space<vmem>>, vector<16xi32>,
      %gather3A_2529 = tpu.vector_load_idx %arg6[%get3A_2528] : memref<1000xf32, #tpu.memory_space<vmem>>[vector<16xi32>], vector<16xf32>,
      %add3A_2530 = arith.addf %add3A_2486, %gather3A_2529 : vector<16xf32>
      %get3A_2531 = arith.index_cast %add3A_2505 : i32 to index
      %get3A_2532 = arith.constant 80 : index
      %get3A_2533 = tpu.vector_load %arg8[%get3A_2531, %get3A_2532] {strides = array<i32>} : memref<200x128xi32, #tpu.memory_space<vmem>>, vector<16xi32>,
      %gather3A_2534 = tpu.vector_load_idx %arg6[%get3A_2533] : memref<1000xf32, #tpu.memory_space<vmem>>[vector<16xi32>], vector<16xf32>,
      %add3A_2535 = arith.addf %add3A_2491, %gather3A_2534 : vector<16xf32>
      %get3A_2536 = arith.index_cast %add3A_2505 : i32 to index
      %get3A_2537 = arith.constant 96 : index
      %get3A_2538 = tpu.vector_load %arg8[%get3A_2536, %get3A_2537] {strides = array<i32>} : memref<200x128xi32, #tpu.memory_space<vmem>>, vector<16xi32>,
      %gather3A_2539 = tpu.vector_load_idx %arg6[%get3A_2538] : memref<1000xf32, #tpu.memory_space<vmem>>[vector<16xi32>], vector<16xf32>,
      %add3A_2540 = arith.addf %add3A_2496, %gather3A_2539 : vector<16xf32>
      %get3A_2541 = arith.index_cast %add3A_2505 : i32 to index
      %get3A_2542 = arith.constant 112 : index
      %get3A_2543 = tpu.vector_load %arg8[%get3A_2541, %get3A_2542] {strides = array<i32>} : memref<200x128xi32, #tpu.memory_space<vmem>>, vector<16xi32>,
      %gather3A_2544 = tpu.vector_load_idx %arg6[%get3A_2543] : memref<1000xf32, #tpu.memory_space<vmem>>[vector<16xi32>], vector<16xf32>,
      %add3A_2545 = arith.addf %add3A_2501, %gather3A_2544 : vector<16xf32>
      scf.yield %add3A_2510, %add3A_2515, %add3A_2520, %add3A_2525, %add3A_2530, %add3A_2535, %add3A_2540, %add3A_2545 : vector<16xf32>, vector<16xf32>, vector<16xf32>, vector<16xf32>, vector<16xf32>, vector<16xf32>, vector<16xf32>, vector<16xf32>
    }
    %scan3A_2047 = arith.constant 25 : i32
    %mul3A_2048 = arith.constant 5.000000e-03 : f32
    %mul3A_2049 = vector.broadcast %mul3A_2048 : f32 to vector<16xf32>
    %mul3A_2050 = arith.mulf %scan3A_2046#0, %mul3A_2049 : vector<16xf32>
    %add3A_2051 = vector.broadcast %squeeze3A : f32 to vector<16xf32>
    %add3A_2052 = arith.addf %mul3A_2050, %add3A_2051 : vector<16xf32>
    %neg3A_2053 = arith.constant 0.000000e+00 : f32
    %neg3A_2054 = vector.broadcast %neg3A_2053 : f32 to vector<16xf32>
    %neg3A_2055 = arith.subf %neg3A_2054, %add3A_2052 : vector<16xf32>
    %exp3A_2056 = math.exp %neg3A_2055 : vector<16xf32>
    %add3A_2057 = arith.constant 1.000000e+00 : f32
    %add3A_2058 = vector.broadcast %add3A_2057 : f32 to vector<16xf32>
    %add3A_2059 = arith.addf %add3A_2058, %exp3A_2056 : vector<16xf32>
    %div3A_2060 = arith.constant 1.000000e+00 : f32
    %div3A_2061 = vector.broadcast %div3A_2060 : f32 to vector<16xf32>
    %div3A_2062 = arith.divf %div3A_2061, %add3A_2059 : vector<16xf32>
    %swap3A_2063 = arith.constant 384 : index
    %swap3A_2064 = tpu.vector_load %arg9[%swap3A_2063] {strides = array<i32>} : memref<512xf32, #tpu.memory_space<vmem>>, vector<16xf32>,
    tpu.vector_store %arg9[%swap3A_2063], %div3A_2062 {strides = array<i32>} : memref<512xf32, #tpu.memory_space<vmem>>, vector<16xf32>,
    %mul3A_2065 = arith.constant 5.000000e-03 : f32
    %mul3A_2066 = vector.broadcast %mul3A_2065 : f32 to vector<16xf32>
    %mul3A_2067 = arith.mulf %scan3A_2046#1, %mul3A_2066 : vector<16xf32>
    %add3A_2068 = vector.broadcast %squeeze3A : f32 to vector<16xf32>
    %add3A_2069 = arith.addf %mul3A_2067, %add3A_2068 : vector<16xf32>
    %neg3A_2070 = arith.constant 0.000000e+00 : f32
    %neg3A_2071 = vector.broadcast %neg3A_2070 : f32 to vector<16xf32>
    %neg3A_2072 = arith.subf %neg3A_2071, %add3A_2069 : vector<16xf32>
    %exp3A_2073 = math.exp %neg3A_2072 : vector<16xf32>
    %add3A_2074 = arith.constant 1.000000e+00 : f32
    %add3A_2075 = vector.broadcast %add3A_2074 : f32 to vector<16xf32>
    %add3A_2076 = arith.addf %add3A_2075, %exp3A_2073 : vector<16xf32>
    %div3A_2077 = arith.constant 1.000000e+00 : f32
    %div3A_2078 = vector.broadcast %div3A_2077 : f32 to vector<16xf32>
    %div3A_2079 = arith.divf %div3A_2078, %add3A_2076 : vector<16xf32>
    %swap3A_2080 = arith.constant 400 : index
    %swap3A_2081 = tpu.vector_load %arg9[%swap3A_2080] {strides = array<i32>} : memref<512xf32, #tpu.memory_space<vmem>>, vector<16xf32>,
    tpu.vector_store %arg9[%swap3A_2080], %div3A_2079 {strides = array<i32>} : memref<512xf32, #tpu.memory_space<vmem>>, vector<16xf32>,
    %mul3A_2082 = arith.constant 5.000000e-03 : f32
    %mul3A_2083 = vector.broadcast %mul3A_2082 : f32 to vector<16xf32>
    %mul3A_2084 = arith.mulf %scan3A_2046#2, %mul3A_2083 : vector<16xf32>
    %add3A_2085 = vector.broadcast %squeeze3A : f32 to vector<16xf32>
    %add3A_2086 = arith.addf %mul3A_2084, %add3A_2085 : vector<16xf32>
    %neg3A_2087 = arith.constant 0.000000e+00 : f32
    %neg3A_2088 = vector.broadcast %neg3A_2087 : f32 to vector<16xf32>
    %neg3A_2089 = arith.subf %neg3A_2088, %add3A_2086 : vector<16xf32>
    %exp3A_2090 = math.exp %neg3A_2089 : vector<16xf32>
    %add3A_2091 = arith.constant 1.000000e+00 : f32
    %add3A_2092 = vector.broadcast %add3A_2091 : f32 to vector<16xf32>
    %add3A_2093 = arith.addf %add3A_2092, %exp3A_2090 : vector<16xf32>
    %div3A_2094 = arith.constant 1.000000e+00 : f32
    %div3A_2095 = vector.broadcast %div3A_2094 : f32 to vector<16xf32>
    %div3A_2096 = arith.divf %div3A_2095, %add3A_2093 : vector<16xf32>
    %swap3A_2097 = arith.constant 416 : index
    %swap3A_2098 = tpu.vector_load %arg9[%swap3A_2097] {strides = array<i32>} : memref<512xf32, #tpu.memory_space<vmem>>, vector<16xf32>,
    tpu.vector_store %arg9[%swap3A_2097], %div3A_2096 {strides = array<i32>} : memref<512xf32, #tpu.memory_space<vmem>>, vector<16xf32>,
    %mul3A_2099 = arith.constant 5.000000e-03 : f32
    %mul3A_2100 = vector.broadcast %mul3A_2099 : f32 to vector<16xf32>
    %mul3A_2101 = arith.mulf %scan3A_2046#3, %mul3A_2100 : vector<16xf32>
    %add3A_2102 = vector.broadcast %squeeze3A : f32 to vector<16xf32>
    %add3A_2103 = arith.addf %mul3A_2101, %add3A_2102 : vector<16xf32>
    %neg3A_2104 = arith.constant 0.000000e+00 : f32
    %neg3A_2105 = vector.broadcast %neg3A_2104 : f32 to vector<16xf32>
    %neg3A_2106 = arith.subf %neg3A_2105, %add3A_2103 : vector<16xf32>
    %exp3A_2107 = math.exp %neg3A_2106 : vector<16xf32>
    %add3A_2108 = arith.constant 1.000000e+00 : f32
    %add3A_2109 = vector.broadcast %add3A_2108 : f32 to vector<16xf32>
    %add3A_2110 = arith.addf %add3A_2109, %exp3A_2107 : vector<16xf32>
    %div3A_2111 = arith.constant 1.000000e+00 : f32
    %div3A_2112 = vector.broadcast %div3A_2111 : f32 to vector<16xf32>
    %div3A_2113 = arith.divf %div3A_2112, %add3A_2110 : vector<16xf32>
    %swap3A_2114 = arith.constant 432 : index
    %swap3A_2115 = tpu.vector_load %arg9[%swap3A_2114] {strides = array<i32>} : memref<512xf32, #tpu.memory_space<vmem>>, vector<16xf32>,
    tpu.vector_store %arg9[%swap3A_2114], %div3A_2113 {strides = array<i32>} : memref<512xf32, #tpu.memory_space<vmem>>, vector<16xf32>,
    %mul3A_2116 = arith.constant 5.000000e-03 : f32
    %mul3A_2117 = vector.broadcast %mul3A_2116 : f32 to vector<16xf32>
    %mul3A_2118 = arith.mulf %scan3A_2046#4, %mul3A_2117 : vector<16xf32>
    %add3A_2119 = vector.broadcast %squeeze3A : f32 to vector<16xf32>
    %add3A_2120 = arith.addf %mul3A_2118, %add3A_2119 : vector<16xf32>
    %neg3A_2121 = arith.constant 0.000000e+00 : f32
    %neg3A_2122 = vector.broadcast %neg3A_2121 : f32 to vector<16xf32>
    %neg3A_2123 = arith.subf %neg3A_2122, %add3A_2120 : vector<16xf32>
    %exp3A_2124 = math.exp %neg3A_2123 : vector<16xf32>
    %add3A_2125 = arith.constant 1.000000e+00 : f32
    %add3A_2126 = vector.broadcast %add3A_2125 : f32 to vector<16xf32>
    %add3A_2127 = arith.addf %add3A_2126, %exp3A_2124 : vector<16xf32>
    %div3A_2128 = arith.constant 1.000000e+00 : f32
    %div3A_2129 = vector.broadcast %div3A_2128 : f32 to vector<16xf32>
    %div3A_2130 = arith.divf %div3A_2129, %add3A_2127 : vector<16xf32>
    %swap3A_2131 = arith.constant 448 : index
    %swap3A_2132 = tpu.vector_load %arg9[%swap3A_2131] {strides = array<i32>} : memref<512xf32, #tpu.memory_space<vmem>>, vector<16xf32>,
    tpu.vector_store %arg9[%swap3A_2131], %div3A_2130 {strides = array<i32>} : memref<512xf32, #tpu.memory_space<vmem>>, vector<16xf32>,
    %mul3A_2133 = arith.constant 5.000000e-03 : f32
    %mul3A_2134 = vector.broadcast %mul3A_2133 : f32 to vector<16xf32>
    %mul3A_2135 = arith.mulf %scan3A_2046#5, %mul3A_2134 : vector<16xf32>
    %add3A_2136 = vector.broadcast %squeeze3A : f32 to vector<16xf32>
    %add3A_2137 = arith.addf %mul3A_2135, %add3A_2136 : vector<16xf32>
    %neg3A_2138 = arith.constant 0.000000e+00 : f32
    %neg3A_2139 = vector.broadcast %neg3A_2138 : f32 to vector<16xf32>
    %neg3A_2140 = arith.subf %neg3A_2139, %add3A_2137 : vector<16xf32>
    %exp3A_2141 = math.exp %neg3A_2140 : vector<16xf32>
    %add3A_2142 = arith.constant 1.000000e+00 : f32
    %add3A_2143 = vector.broadcast %add3A_2142 : f32 to vector<16xf32>
    %add3A_2144 = arith.addf %add3A_2143, %exp3A_2141 : vector<16xf32>
    %div3A_2145 = arith.constant 1.000000e+00 : f32
    %div3A_2146 = vector.broadcast %div3A_2145 : f32 to vector<16xf32>
    %div3A_2147 = arith.divf %div3A_2146, %add3A_2144 : vector<16xf32>
    %swap3A_2148 = arith.constant 464 : index
    %swap3A_2149 = tpu.vector_load %arg9[%swap3A_2148] {strides = array<i32>} : memref<512xf32, #tpu.memory_space<vmem>>, vector<16xf32>,
    tpu.vector_store %arg9[%swap3A_2148], %div3A_2147 {strides = array<i32>} : memref<512xf32, #tpu.memory_space<vmem>>, vector<16xf32>,
    %mul3A_2150 = arith.constant 5.000000e-03 : f32
    %mul3A_2151 = vector.broadcast %mul3A_2150 : f32 to vector<16xf32>
    %mul3A_2152 = arith.mulf %scan3A_2046#6, %mul3A_2151 : vector<16xf32>
    %add3A_2153 = vector.broadcast %squeeze3A : f32 to vector<16xf32>
    %add3A_2154 = arith.addf %mul3A_2152, %add3A_2153 : vector<16xf32>
    %neg3A_2155 = arith.constant 0.000000e+00 : f32
    %neg3A_2156 = vector.broadcast %neg3A_2155 : f32 to vector<16xf32>
    %neg3A_2157 = arith.subf %neg3A_2156, %add3A_2154 : vector<16xf32>
    %exp3A_2158 = math.exp %neg3A_2157 : vector<16xf32>
    %add3A_2159 = arith.constant 1.000000e+00 : f32
    %add3A_2160 = vector.broadcast %add3A_2159 : f32 to vector<16xf32>
    %add3A_2161 = arith.addf %add3A_2160, %exp3A_2158 : vector<16xf32>
    %div3A_2162 = arith.constant 1.000000e+00 : f32
    %div3A_2163 = vector.broadcast %div3A_2162 : f32 to vector<16xf32>
    %div3A_2164 = arith.divf %div3A_2163, %add3A_2161 : vector<16xf32>
    %swap3A_2165 = arith.constant 480 : index
    %swap3A_2166 = tpu.vector_load %arg9[%swap3A_2165] {strides = array<i32>} : memref<512xf32, #tpu.memory_space<vmem>>, vector<16xf32>,
    tpu.vector_store %arg9[%swap3A_2165], %div3A_2164 {strides = array<i32>} : memref<512xf32, #tpu.memory_space<vmem>>, vector<16xf32>,
    %mul3A_2167 = arith.constant 5.000000e-03 : f32
    %mul3A_2168 = vector.broadcast %mul3A_2167 : f32 to vector<16xf32>
    %mul3A_2169 = arith.mulf %scan3A_2046#7, %mul3A_2168 : vector<16xf32>
    %add3A_2170 = vector.broadcast %squeeze3A : f32 to vector<16xf32>
    %add3A_2171 = arith.addf %mul3A_2169, %add3A_2170 : vector<16xf32>
    %neg3A_2172 = arith.constant 0.000000e+00 : f32
    %neg3A_2173 = vector.broadcast %neg3A_2172 : f32 to vector<16xf32>
    %neg3A_2174 = arith.subf %neg3A_2173, %add3A_2171 : vector<16xf32>
    %exp3A_2175 = math.exp %neg3A_2174 : vector<16xf32>
    %add3A_2176 = arith.constant 1.000000e+00 : f32
    %add3A_2177 = vector.broadcast %add3A_2176 : f32 to vector<16xf32>
    %add3A_2178 = arith.addf %add3A_2177, %exp3A_2175 : vector<16xf32>
    %div3A_2179 = arith.constant 1.000000e+00 : f32
    %div3A_2180 = vector.broadcast %div3A_2179 : f32 to vector<16xf32>
    %div3A_2181 = arith.divf %div3A_2180, %add3A_2178 : vector<16xf32>
    %swap3A_2182 = arith.constant 496 : index
    %swap3A_2183 = tpu.vector_load %arg9[%swap3A_2182] {strides = array<i32>} : memref<512xf32, #tpu.memory_space<vmem>>, vector<16xf32>,
    tpu.vector_store %arg9[%swap3A_2182], %div3A_2181 {strides = array<i32>} : memref<512xf32, #tpu.memory_space<vmem>>, vector<16xf32>,
    %mul3A_2184 = arith.constant 512 : i32
    %mul3A_2185 = arith.muli %add3A, %mul3A_2184 : i32
    "tpu.region"() ({
      %run_scoped3A = tpu.sem_alloc : memref<!tpu.dma_semaphore, #tpu.memory_space<semaphore_mem>>
      %dma_start3A_2186 = tpu.memref_slice %arg5[%mul3A_2185] : memref<16384xf32, #tpu.memory_space<hbm>> -> memref<512xf32, #tpu.memory_space<hbm>>
      %dma_start3A_2187 = tpu.memref_slice %arg5[%mul3A_2185] : memref<16384xf32, #tpu.memory_space<hbm>> -> memref<512xf32, #tpu.memory_space<hbm>>
      tpu.enqueue_dma source(%arg9 : memref<512xf32, #tpu.memory_space<vmem>>) target(%dma_start3A_2187 : memref<512xf32, #tpu.memory_space<hbm>>) target_semaphore(%run_scoped3A : memref<!tpu.dma_semaphore, #tpu.memory_space<semaphore_mem>>)
      %dma_wait3A_2188 = tpu.memref_slice %arg5[%mul3A_2185] : memref<16384xf32, #tpu.memory_space<hbm>> -> memref<512xf32, #tpu.memory_space<hbm>>
      %dma_wait3A_2189 = tpu.memref_slice %arg5[%mul3A_2185] : memref<16384xf32, #tpu.memory_space<hbm>> -> memref<512xf32, #tpu.memory_space<hbm>>
      tpu.wait_dma2 semaphore(%run_scoped3A : memref<!tpu.dma_semaphore, #tpu.memory_space<semaphore_mem>>) src(%arg9 : memref<512xf32, #tpu.memory_space<vmem>>) dst(%dma_wait3A_2189 : memref<512xf32, #tpu.memory_space<hbm>>)
      tpu.yield
    }) : () -> ()
    return
  }
}

</mosaic_0001>

<sc_bundles>
// kernel: kernel.3.cloned.1.call-start
scs
__scs_entry_jumppad:
0x0: {  	(pc) =	sbr.rel $0x88, $3  }
0x1: {  	(tag) =	ssettag $0x0;
	lr =	simm.s32 $0x1  }
0x2: {  	[smem:$0x3F9D] =	sst lr;
	_ =	strace $0xD0000000  }
0x3: {  	_ = 	snop  }
0x4: {  	_ = 	snop  }
0x5: {  	_ = 	snop  }
0x6: {  	_ = 	snop  }
0x7: {  	_ = 	snop  }
__scs_overlays_trampoline_lowered:
0x8: {  	[smem:$0x3FAC] =	sst s0  }
0x9: {  	[smem:$0x3FAD] =	sst s1  }
0xa: {  	[smem:$0x3FAE] =	sst s2  }
0xb: {  	[smem:$0x3FAF] =	sst s3  }
0xc: {  	[smem:$0x3FB0] =	sst s4  }
0xd: {  	[smem:$0x3FB1] =	sst s5  }
0xe: {  	[smem:$0x3FB2] =	sst s6  }
0xf: {  	[smem:$0x3FB3] =	sst s7  }
0x10: {  	[smem:$0x3FB4] =	sst s8  }
0x11: {  	[smem:$0x3FB5] =	sst s9;
	s0 =	simm.s32 @!p0 $0x0  }
0x12: {  	s1 =	sld [smem:$0x3F9B];
	s0 =	simm.s32 @p0 $0x1  }
0x13: {  	[smem:$0x3FB6] =	sst s0;
	s0 =	simm.s32 @!p1 $0x0  }
0x14: {  	s2 =	sld [smem:$0x3F9A];
	s0 =	simm.s32 @p1 $0x1  }
0x15: {  	[smem:$0x3FB7] =	sst s0;
	s0 =	simm.s32 @!p2 $0x0  }
0x16: {  	s3 =	sld [smem:$0x3FDB];
	s0 =	simm.s32 @p2 $0x1  }
0x17: {  	s4 =	simm.s32 $0x1BF5;
	[smem:$0x3FB9] =	sst s0  }
0x18: {  	s0 =	sld [smem:$0x3F9C];
	_ =	swait.ge [sflag:s4], $0x0  }
0x19: {  	s7 =	sld [smem:$0x3F9D]  }
0x1a: {  	s8 =	sadd.s32 $0xFFFFE003, lr  }
0x1b: {  	s9 =	sadd.s32 $0xFFFFFEF7, lr;
	s5 =	simm.s32 $0xFFFFFFFF;
	p2 =	slt.u32 s8, $0xFFFFF086  }
0x1c: {  	p1 =	slt.u32 s9, $0xF7A;
	s5 =	simm.s32 @!p2 $0x0  }
0x1d: {  	s5 =	simm.s32 @p1 $0x1;
	p0 =	seq.s32 s7, s2  }
0x1e: {  	s7 =	smul.u32 @!p0 $0xF7A, s2;
	p2 =	seq.s32 @!p0 s5, $0x0  }
0x1f: {  	s9 =	smul.u32 $0xF7A, s1;
	s8 =	simm.s32 @!p0 $0x1BF5;
	p2 =	por !p2, p0  }
0x20: {  	[sflag:s8] =	ssyncset.s32 @!p0 $0xFFFFF086;
	s6 =	sadd.s32 @!p0 s3, s7;
	s7 =	simm.s32 @!p0 $0x108  }
0x21: {  	s3 =	sadd.s32 s3, s9;
	s6 =	sadd.s32 @!p0 $0x88, s6;
	s7 =	simm.s32 @p2 $0x1082  }
0x22: {  	[simem:s7], [sflag:s8] =	dma.local @!p0 [hbm:s6], $0xF7A  }
0x23: {  	s9 =	sor.u32 $0xD0000000, s2;
	s6 =	simm.s32 $0x108;
	_ =	swait.ge @!p0 [sflag:s8], $0x0  }
0x24: {  	s3 =	sadd.s32 $0x88, s3;
	s6 =	simm.s32 @!p1 $0x1082;
	[sflag:s4] =	ssyncset.s32 $0xFFFFF086  }
0x25: {  	[simem:s6], [sflag:s4] =	dma.local [hbm:s3], $0xF7A  }
0x26: {  	[smem:$0x3F9D] =	sst s1;
	(tag) =	ssettag s2;
	_ =	strace s9  }
0x27: {  	s1 =	sld [smem:$0x3FAD]  }
0x28: {  	s2 =	sld [smem:$0x3FAE]  }
0x29: {  	s4 =	sld [smem:$0x3FB0]  }
0x2a: {  	p0 =	seq.s32 s5, $0x0;
	s5 =	sld [smem:$0x3FB1]  }
0x2b: {  	s6 =	sld [smem:$0x3FB2]  }
0x2c: {  	s7 =	sld [smem:$0x3FB3]  }
0x2d: {  	s3 =	simm.s32 $0x108;
	s8 =	sld [smem:$0x3FB4]  }
0x2e: {  	s3 =	simm.s32 @!p0 $0x1082;
	s9 =	sld [smem:$0x3FB5]  }
0x2f: {  	lr =	sadd.s32 s0, s3;
	s0 =	sld [smem:$0x3FAC]  }
0x30: {  	s3 =	sld [smem:$0x3FAF]  }
0x31: {  	[smem:$0x3FB8] =	sst s10  }
0x32: {  	s10 =	sld [smem:$0x3FB6];
	_ =	sdelay $0x3  }
0x33: {  	p0 =	seq.s32 s10, $0x1;
	s10 =	sld [smem:$0x3FB8];
	_ =	sdelay $0x3  }
0x34: {  	[smem:$0x3FB8] =	sst s10  }
0x35: {  	s10 =	sld [smem:$0x3FB7];
	_ =	sdelay $0x3  }
0x36: {  	p1 =	seq.s32 s10, $0x1;
	s10 =	sld [smem:$0x3FB8];
	_ =	sdelay $0x3  }
0x37: {  	[smem:$0x3FB8] =	sst s10  }
0x38: {  	s10 =	sld [smem:$0x3FB9]  }
0x39: {  	_ = 	snop;
	(pc) =	sbr.ind lr, $3  }
0x3a: {  	_ = 	snop  }
0x3b: {  	_ = 	snop  }
0x3c: {  	p2 =	seq.s32 s10, $0x1;
	s10 =	sld [smem:$0x3FB8]  }
0x3d: {  	_ =	shalt  }
0x3e: {  	_ =	shalt  }
0x3f: {  	_ =	shalt  }
0x40: {  	_ =	shalt  }
0x41: {  	_ =	shalt  }
0x42: {  	_ =	shalt  }
0x43: {  	_ =	shalt  }
0x44: {  	_ =	shalt  }
0x45: {  	_ =	shalt  }
0x46: {  	_ =	shalt  }
0x47: {  	_ =	shalt  }
0x48: {  	_ =	shalt  }
0x49: {  	_ =	shalt  }
0x4a: {  	_ =	shalt  }
0x4b: {  	_ =	shalt  }
0x4c: {  	_ =	shalt  }
0x4d: {  	_ =	shalt  }
0x4e: {  	_ =	shalt  }
0x4f: {  	_ =	shalt  }
0x50: {  	_ =	shalt  }
0x51: {  	_ =	shalt  }
0x52: {  	_ =	shalt  }
0x53: {  	_ =	shalt  }
0x54: {  	_ =	shalt  }
0x55: {  	_ =	shalt  }
0x56: {  	_ =	shalt  }
0x57: {  	_ =	shalt  }
0x58: {  	_ =	shalt  }
0x59: {  	_ =	shalt  }
0x5a: {  	_ =	shalt  }
0x5b: {  	_ =	shalt  }
0x5c: {  	_ =	shalt  }
0x5d: {  	_ =	shalt  }
0x5e: {  	_ =	shalt  }
0x5f: {  	_ =	shalt  }
0x60: {  	_ =	shalt  }
0x61: {  	_ =	shalt  }
0x62: {  	_ =	shalt  }
0x63: {  	_ =	shalt  }
0x64: {  	_ =	shalt  }
0x65: {  	_ =	shalt  }
0x66: {  	_ =	shalt  }
0x67: {  	_ =	shalt  }
0x68: {  	_ =	shalt  }
0x69: {  	_ =	shalt  }
0x6a: {  	_ =	shalt  }
0x6b: {  	_ =	shalt  }
0x6c: {  	_ =	shalt  }
0x6d: {  	_ =	shalt  }
0x6e: {  	_ =	shalt  }
0x6f: {  	_ =	shalt  }
0x70: {  	_ =	shalt  }
0x71: {  	_ =	shalt  }
0x72: {  	_ =	shalt  }
0x73: {  	_ =	shalt  }
0x74: {  	_ =	shalt  }
0x75: {  	_ =	shalt  }
0x76: {  	_ =	shalt  }
0x77: {  	_ =	shalt  }
0x78: {  	_ =	shalt  }
0x79: {  	_ =	shalt  }
0x7a: {  	_ =	shalt  }
0x7b: {  	_ =	shalt  }
0x7c: {  	_ =	shalt  }
0x7d: {  	_ =	shalt  }
0x7e: {  	_ =	shalt  }
0x7f: {  	_ =	shalt  }
0x80: {  	_ =	shalt  }
0x81: {  	_ =	shalt  }
0x82: {  	_ =	shalt  }
0x83: {  	_ =	shalt  }
0x84: {  	_ =	shalt  }
0x85: {  	_ =	shalt  }
0x86: {  	_ =	shalt  }
0x87: {  	_ =	shalt  }
.Lfunc_end0:
.L_simem_size_0:
called_computation_lowered:
.L_overlay_start_0:
0x88: {  	s2 =	sld [smem:$0x3FD9]  }
0x89: {  	s3 =	sld [smem:$0x3FFE];
	_ =	sdelay $0x1  }
0x8a: {  	s1 =	srdreg.scid  }
0x8b: {  	s0 =	sand.u32 $0x1, s1  }
0x8c: {  	s17 =	sshll.u32 s0, $0xA;
	s2 =	sadd.s32 s3, s2  }
0x8d: {  	s2 =	sadd.s32 s2, s17  }
0x8e: {  	[smem:$0x3FC4] =	sst s2  }
0x8f: {  	_ = 	snop  }
0x90: {  	s2 =	sld [smem:$0x3FC9]  }
0x91: {  	s18 =	sld [smem:$0x3FD0];
	(tm) =	ssettm $0x1  }
0x92: {  	s4 =	sld [smem:$0x3FFB];
	_ =	sdelay $0x3  }
0x93: {  	_ =	strace s4  }
0x94: {  	s4 =	sld [smem:$0x3FFC];
	_ =	sdelay $0x3  }
0x95: {  	_ =	strace s4  }
0x96: {  	s4 =	sld [smem:$0x3FFD];
	_ =	sdelay $0x3  }
0x97: {  	_ =	strace s4  }
0x98: {  	_ =	strace $0x8FFFFFFF  }
0x99: {  	s19 =	sld [smem:$0x3FDB];
	_ =	sdelay $0x1  }
0x9a: {  	s5 =	simm.s32 $_scs_section_size  }
0x9b: {  	s6 =	simm.s32 $_size__tile_overlayer_lowered;
	s7 =	simm.s32 $_tile_overlayer_lowered  }
0x9c: {  	s22 =	simm.s32 $0x1BFF;
	s21 =	sshll.u32 s7, $0x1;
	s4 =	sadd.s32 s5, s19  }
0x9d: {  	s8 =	simm.s32 $0x0;
	s20 =	sshll.u32 s6, $0x1;
	s6 =	sadd.s32 s21, s4  }
0x9e: {  	[timem:s8], [sflag:s22] =	dma.local [hbm:s6], s20  }
0x9f: {  	_ =	swait.ge [sflag:s22], s20  }
0xa0: {  	s5 =	ssub.s32 $0x0, s20;
	[sflag:s22] =	ssyncset.done $0x0  }
0xa1: {  	[sflag:s22] =	ssyncadd.s32 s5;
	_ =	sdelay $0x1  }
0xa2: {  	s23 =	simm.s32 $0x1B8B  }
0xa3: {  	_ =	swait.ge [sflag:s23], $0x1  }
0xa4: {  	[sflag:s23] =	ssyncset.done $0x0  }
0xa5: {  	s25 =	simm.s32 $0x1B8E;
	s24 =	sld [smem:$0x3FFE];
	[sflag:s23] =	ssyncadd.s32 $0xFFFFFFFF  }
0xa6: {  	s26 =	simm.s32 $execute0_lowered;
	[smem:$0x3FD2] =	sst s25  }
0xa7: {  	s6 =	sshll.u32 s26, $0x1;
	_ =	strace $0x80000046;
	[dreg:$0x1] =	wrdreg $0xFFFFFFFF  }
0xa8: {  	s28 =	simm.s32 $_size_execute0_lowered;
	s4 =	sadd.s32 s4, s6;
	[dreg:$0x0] =	wrdreg $0x0  }
0xa9: {  	s6 =	sshll.u32 s28, $0x1;
	[dreg:$0x2] =	wrdreg s4  }
0xaa: {  	[dreg:$0x3] =	wrdreg s6  }
0xab: {  	[dreg:$0x4] =	wrdreg $0xC0  }
0xac: {  	_ =	task [dreg:s8], $0x5FFFF  }
0xad: {  	[dreg:$0x1] =	wrdreg $0xFFFFFFFF  }
0xae: {  	[dreg:$0x0] =	wrdreg $0x60  }
0xaf: {  	[dreg:$0x2] =	wrdreg s24  }
0xb0: {  	[dreg:$0x3] =	wrdreg s2  }
0xb1: {  	[dreg:$0x4] =	wrdreg s18  }
0xb2: {  	[dreg:$0x5] =	wrdreg $0xDF000  }
0xb3: {  	[dreg:$0x6] =	wrdreg $0x9  }
0xb4: {  	_ =	task.clear_ibuf [dreg:s8], $0x7FFFF;
	_ =	strace $0x90000046  }
0xb5: {  	s29 =	simm.s32 $0x9;
	_ =	strace $0x80000048  }
0xb6: {  	_ =	swait.ge [sflag:s29], $0x1  }
0xb7: {  	[sflag:s29] =	ssyncadd.s32 $0xFFFFFFFF  }
0xb8: {  	_ =	strace $0x90000048  }
0xb9: {  	_ =	sfence  }
0xba: {  	s30 =	sld [smem:$0x0];
	_ =	sdelay $0x2  }
0xbb: {  	s31 =	sshll.u32 s1, $0xD;
	s1 =	sshrl.u32 s1, $0x2  }
0xbc: {  	s3 =	sand.u32 $0x4000, s31;
	s1 =	sadd.s32 s1, s30  }
0xbd: {  	s0 =	sor.u32 s3, s0;
	s1 =	sshll.u32 s1, $0x11  }
0xbe: {  	s0 =	sor.u32 s1, s0  }
0xbf: {  	s0 =	sadd.s32 $0x8F2B, s0  }
0xc0: {  	[sflag:s0] =	ssyncadd.remote.s32 $0x1  }
0xc1: {  	_ =	sfence.sel $0xFFFF  }
0xc2: {  	[dreg:$0x0] =	wrdreg $0xFFFFFFFF;
	(pc) =	sbr.abs _section_cstart, $3  }
0xc3: {  	[dreg:$0x1] =	wrdreg $0xFFFFFFFF  }
0xc4: {  	_ =	task.clear_ibuf [dreg:s8], $0x2FFFF;
	_ =	strace $0x9FFFFFFF  }
0xc5: {  	(tm) =	ssettm $0x7FFFFFFF  }
tec
execute0_lowered:
.L_overlay_start_1:
0x0: {  	(tag) =	ssettag $0x1  }
0x1: {  	s4 =	rddreg [dreg:$0x0]  }
0x2: {  	s5 =	rddreg [dreg:$0x1]  }
0x3: {  	s11 =	rddreg [dreg:$0x2]  }
0x4: {  	s2 =	rddreg [dreg:$0x3]  }
0x5: {  	s0 =	rddreg [dreg:$0x4];
	s3 =	simm.s32 $0x0  }
0x6: {  	s1 =	stileid.u32;
	s29 =	srdreg.scid;
	s14 =	simm.s32 $0x400  }
0x7: {  	s15 =	simm.s32 $0xDE00;
	s16 =	simm.s32 $0x3;
	s17 =	simm.s32 $0xCE00  }
0x8: {  	s18 =	simm.s32 $0xDE80;
	s19 =	simm.s32 $0x1;
	s20 =	simm.s32 $0x6800  }
0x9: {  	s21 =	simm.s32 $0x2;
	s22 =	simm.s32 $0xCC00;
	s23 =	simm.s32 $0x0  }
0xa: {  	[smem:$0x7FF] =	sst s3;
	s6 =	sshll.u32 s1, $0x6;
	s9 =	sshll.u32 s1, $0x1  }
0xb: {  	_ =	strace $0x80000047;
	s7 =	smin.u32 s6, $0x3A8;
	s6 =	sand.u32 $0x1, s29  }
0xc: {  	s8 =	sshll.u32 s7, $0x3;
	s10 =	ssub.s32 $0x2, s6;
	s9 =	sor.u32 s6, s9  }
0xd: {  	vm0 =	vmmov $0x1;
	vm1 =	vmmov $0x3;
	vm2 =	vmmov $0x7;
	s7 =	sadd.s32 s7, s2;
	s8 =	sadd.s32 s8, s4;
	s4 =	sadd.s32 $0x2400, s4  }
0xe: {  	vm3 =	vmmov $0xf;
	vm4 =	vmmov $0x1f;
	vm5 =	vmmov $0x3f;
	s30 =	sshrl.u32 s10, $0x1;
	s12 =	sshll.u32 s9, $0x9;
	s31 =	sshll.u32 s9, $0x6  }
0xf: {  	vm6 =	vmmov $0x7f;
	vm7 =	vmmov $0xff;
	vm8 =	vmmov $0x1ff;
	s13 =	ssub.s32 s10, s30;
	s5 =	sadd.s32 s5, s12;
	s6 =	sadd.s32 $0x400, s8  }
0x10: {  	vm9 =	vmmov $0x3ff;
	vm10 =	vmmov $0x7ff;
	vm11 =	vmmov $0xfff;
	s11 =	sadd.s32 s11, s31;
	s8 =	sadd.s32 $0x80, s5;
	s9 =	sadd.s32 $0x100, s5  }
0x11: {  	vm12 =	vmmov $0x1fff;
	vm13 =	vmmov $0x3fff;
	vm14 =	vmmov $0x7fff;
	s10 =	sadd.s32 $0x180, s5;
	s12 =	smax.u32 s13, $0x1;
	s13 =	simm.s32 $0x20000  }
.LBB2_1:
0x12: {  	[tilespmem:s14], [sflag:$0x1] =	stream.strided.gather [hbm4b:s5+s14], $0x6400, s13, s14, $0x38;
	[tilespmem:$0xDF40] =	vst v63  }
0x13: {  	_ = 	snop  }
0x14: {  	[tilespmem:s15], [sflag:$0x3] =	stream.linear.gather [hbm4b:s4+s3], $0x80, $0x38;
	[tilespmem:$0xDF40] =	vst v63  }
0x15: {  	_ =	swait.ge [sflag:s16], $0x80  }
0x16: {  	[sflag:s16] =	ssyncset.done $0x0  }
0x17: {  	[sflag:s16] =	ssyncadd.s32 $0xFFFFFF80  }
0x18: {  	[tilespmem:s17], [sflag:$0x3] =	stream.linear.gather [hbm4b:s6+s3], $0x1000, $0x38;
	[tilespmem:$0xDF40] =	vst v63  }
0x19: {  	_ =	swait.ge [sflag:s16], $0x1000  }
0x1a: {  	[sflag:s16] =	ssyncset.done $0x0  }
0x1b: {  	[sflag:s16] =	ssyncadd.s32 $0xFFFFF000  }
0x1c: {  	v0 =	vld [tilespmem:$0xDE40];
	_ =	sdelay $0x4  }
0x1d: {  	[tilespmem:$0x1FCA0] =	vst v0;
	v0 =	vld [tilespmem:$0xD1A0];
	_ =	sdelay $0x4  }
0x1e: {  	[tilespmem:$0x1FCD0] =	vst v0;
	v0 =	vld [tilespmem:$0xD1B0];
	_ =	sdelay $0x4  }
0x1f: {  	[tilespmem:$0x1FCE0] =	vst v0;
	v0 =	vld [tilespmem:$0xD1C0];
	_ =	sdelay $0x4  }
0x20: {  	[tilespmem:$0x1FCB0] =	vst v0;
	v0 =	vld [tilespmem:$0xD1D0];
	_ =	sdelay $0x4  }
0x21: {  	[tilespmem:$0x1FCC0] =	vst v0;
	v0 =	vld [tilespmem:$0xD1E0];
	_ =	sdelay $0x4  }
0x22: {  	[tilespmem:$0x1FCF0] =	vst v0;
	v0 =	vld [tilespmem:$0xD1F0];
	_ =	sdelay $0x3  }
0x23: {  	v3 =	vld [tilespmem:$0xDE00]  }
0x24: {  	[tilespmem:$0x1FD00] =	vst v0;
	v0 =	vld [tilespmem:$0xD200]  }
0x25: {  	v4 =	vld [tilespmem:$0xDE10]  }
0x26: {  	v2 =	vld [tilespmem:$0xDE20]  }
0x27: {  	v1 =	vld [tilespmem:$0xDE30]  }
0x28: {  	v13 =	vld [tilespmem:$0xCE00]  }
0x29: {  	[tilespmem:$0x1FD10] =	vst v0;
	v0 =	vld [tilespmem:$0xD210]  }
0x2a: {  	v15 =	vld [tilespmem:$0xCE10]  }
0x2b: {  	v17 =	vld [tilespmem:$0xCE20]  }
0x2c: {  	v18 =	vld [tilespmem:$0xCE30]  }
0x2d: {  	v19 =	vld [tilespmem:$0xCE40]  }
0x2e: {  	[tilespmem:$0x1FD20] =	vst v0;
	v0 =	vld [tilespmem:$0xD220]  }
0x2f: {  	v20 =	vld [tilespmem:$0xCE50]  }
0x30: {  	v21 =	vld [tilespmem:$0xCE60]  }
0x31: {  	v22 =	vld [tilespmem:$0xCE70]  }
0x32: {  	v24 =	vld [tilespmem:$0xCE80]  }
0x33: {  	[tilespmem:$0x1FD50] =	vst v0;
	v0 =	vld [tilespmem:$0xD230]  }
0x34: {  	v25 =	vld [tilespmem:$0xCE90]  }
0x35: {  	v26 =	vld [tilespmem:$0xCEA0]  }
0x36: {  	v27 =	vld [tilespmem:$0xCEB0]  }
0x37: {  	v28 =	vld [tilespmem:$0xCEC0]  }
0x38: {  	[tilespmem:$0x1FDB0] =	vst v0;
	v0 =	vld [tilespmem:$0xD240]  }
0x39: {  	v29 =	vld [tilespmem:$0xCED0]  }
0x3a: {  	v31 =	vld [tilespmem:$0xCEE0]  }
0x3b: {  	v32 =	vld [tilespmem:$0xCEF0]  }
0x3c: {  	v8 =	vld [tilespmem:$0xCF00]  }
0x3d: {  	[tilespmem:$0x1FD30] =	vst v0;
	v0 =	vld [tilespmem:$0xD250]  }
0x3e: {  	v5 =	vld [tilespmem:$0xCF10]  }
0x3f: {  	v10 =	vld [tilespmem:$0xCF20]  }
0x40: {  	v34 =	vld [tilespmem:$0xCF30]  }
0x41: {  	v6 =	vld [tilespmem:$0xCF40]  }
0x42: {  	[tilespmem:$0x1FD40] =	vst v0;
	v0 =	vld [tilespmem:$0xD260]  }
0x43: {  	v7 =	vld [tilespmem:$0xCF50]  }
0x44: {  	v11 =	vld [tilespmem:$0xCF60]  }
0x45: {  	v35 =	vld [tilespmem:$0xCF70]  }
0x46: {  	v16 =	vld [tilespmem:$0xCF80]  }
0x47: {  	[tilespmem:$0x1FD60] =	vst v0;
	v0 =	vld [tilespmem:$0xD270]  }
0x48: {  	v23 =	vld [tilespmem:$0xCF90]  }
0x49: {  	v30 =	vld [tilespmem:$0xCFA0]  }
0x4a: {  	v36 =	vld [tilespmem:$0xCFB0]  }
0x4b: {  	v12 =	vld [tilespmem:$0xCFC0]  }
0x4c: {  	[tilespmem:$0x1FDD0] =	vst v0;
	v0 =	vld [tilespmem:$0xD280]  }
0x4d: {  	v14 =	vld [tilespmem:$0xCFD0]  }
0x4e: {  	v33 =	vld [tilespmem:$0xCFE0]  }
0x4f: {  	v37 =	vld [tilespmem:$0xCFF0]  }
0x50: {  	v40 =	vld [tilespmem:$0xD000]  }
0x51: {  	[tilespmem:$0x1FD70] =	vst v0;
	v0 =	vld [tilespmem:$0xD290]  }
0x52: {  	v41 =	vld [tilespmem:$0xD010]  }
0x53: {  	v44 =	vld [tilespmem:$0xD020]  }
0x54: {  	v42 =	vld [tilespmem:$0xD030]  }
0x55: {  	v38 =	vld [tilespmem:$0xD040]  }
0x56: {  	[tilespmem:$0x1FD80] =	vst v0;
	v0 =	vld [tilespmem:$0xD2A0]  }
0x57: {  	v39 =	vld [tilespmem:$0xD050]  }
0x58: {  	v45 =	vld [tilespmem:$0xD060]  }
0x59: {  	v43 =	vld [tilespmem:$0xD070]  }
0x5a: {  	v48 =	vld [tilespmem:$0xD080]  }
0x5b: {  	[tilespmem:$0x1FDC0] =	vst v0;
	v0 =	vld [tilespmem:$0xD2B0]  }
0x5c: {  	v47 =	vld [tilespmem:$0xD090]  }
0x5d: {  	v49 =	vld [tilespmem:$0xD0A0]  }
0x5e: {  	v56 =	vld [tilespmem:$0xD0B0]  }
0x5f: {  	v46 =	vld [tilespmem:$0xD0C0]  }
0x60: {  	[tilespmem:$0x1FDF0] =	vst v0;
	v0 =	vld [tilespmem:$0xD2C0]  }
0x61: {  	v63 =	vld [tilespmem:$0xD0D0]  }
0x62: {  	v50 =	vld [tilespmem:$0xD0E0]  }
0x63: {  	v57 =	vld [tilespmem:$0xD0F0]  }
0x64: {  	v51 =	vld [tilespmem:$0xD100]  }
0x65: {  	[tilespmem:$0x1FD90] =	vst v0;
	v0 =	vld [tilespmem:$0xD2D0]  }
0x66: {  	v53 =	vld [tilespmem:$0xD110]  }
0x67: {  	v54 =	vld [tilespmem:$0xD120]  }
0x68: {  	v58 =	vld [tilespmem:$0xD130]  }
0x69: {  	v52 =	vld [tilespmem:$0xD140]  }
0x6a: {  	[tilespmem:$0x1FDA0] =	vst v0;
	v0 =	vld [tilespmem:$0xD2E0]  }
0x6b: {  	v62 =	vld [tilespmem:$0xD150]  }
0x6c: {  	v55 =	vld [tilespmem:$0xD160]  }
0x6d: {  	v59 =	vld [tilespmem:$0xD170]  }
0x6e: {  	v60 =	vld [tilespmem:$0xD180]  }
0x6f: {  	v61 =	vld [tilespmem:$0xD190];
	[tilespmem:$0x1FDE0] =	vst v0  }
0x70: {  	v9 =	vld [tilespmem:$0xD310];
	_ =	sdelay $0x4  }
0x71: {  	[tilespmem:$0x1FE20] =	vst v9;
	v9 =	vld [tilespmem:$0xD320];
	_ =	sdelay $0x1  }
0x72: {  	v0 =	vld [tilespmem:$0xD2F0];
	_ =	sdelay $0x2  }
0x73: {  	[tilespmem:$0x1FE30] =	vst v9;
	v9 =	vld [tilespmem:$0xD330];
	_ =	sdelay $0x1  }
0x74: {  	[tilespmem:$0x1FE00] =	vst v0;
	v0 =	vld [tilespmem:$0xD300];
	_ =	sdelay $0x2  }
0x75: {  	[tilespmem:$0x1FE40] =	vst v9;
	v9 =	vld [tilespmem:$0xD340];
	_ =	sdelay $0x1  }
0x76: {  	v13 =	vmul.f32 v13, v3;
	[tilespmem:$0x1FE10] =	vst v0;
	v0 =	vmul.f32 v15, v4  }
0x77: {  	v19 =	vmul.f32 v19, v3;
	v20 =	vmul.f32 v20, v4  }
0x78: {  	v18 =	vmul.f32 v18, v1;
	v0 =	vadd.f32 v0, v13  }
0x79: {  	v13 =	vmul.f32 v17, v2;
	v17 =	vadd.f32 v20, v19;
	v19 =	vmul.f32 v21, v2;
	[tilespmem:$0x1FE50] =	vst v9;
	v9 =	vld [tilespmem:$0xD360]  }
0x7a: {  	v6 =	vmul.f32 v6, v3;
	v7 =	vmul.f32 v7, v4  }
0x7b: {  	v8 =	vmul.f32 v8, v3;
	v17 =	vadd.f32 v19, v17;
	v19 =	vmul.f32 v22, v1  }
0x7c: {  	v5 =	vmul.f32 v5, v4;
	v6 =	vadd.f32 v7, v6;
	v0 =	vadd.f32 v13, v0  }
0x7d: {  	v22 =	vmul.f32 v29, v4;
	v21 =	vadd.f32 v19, v17;
	v17 =	vmul.f32 v28, v3  }
0x7e: {  	v7 =	vmul.f32 v11, v2;
	v11 =	vld [tilespmem:$0xD3E0];
	[tilespmem:$0x1FE60] =	vst v9;
	v9 =	vadd.f32 v18, v0;
	v18 =	vmul.f32 v24, v3  }
0x7f: {  	v22 =	vadd.f32 v22, v17;
	v24 =	vmul.f32 v26, v2;
	v26 =	vmul.f32 v31, v2  }
0x80: {  	v5 =	vadd.f32 v5, v8;
	v8 =	vmul.f32 v10, v2;
	v20 =	vmul.f32 v25, v4  }
0x81: {  	v25 =	vmul.f32 v27, v1;
	v27 =	vmul.f32 v32, v1;
	v26 =	vadd.f32 v26, v22  }
0x82: {  	v5 =	vadd.f32 v8, v5  }
0x83: {  	v8 =	vmul.f32 v16, v3;
	[tilespmem:$0x1FE70] =	vst v11;
	v11 =	vmul.f32 v23, v4;
	v10 =	vadd.f32 v27, v26;
	v26 =	vld [tilespmem:$0xD470]  }
0x84: {  	v6 =	vadd.f32 v7, v6;
	v7 =	vmul.f32 v12, v3  }
0x85: {  	v12 =	vmul.f32 v14, v4;
	v14 =	vmul.f32 v30, v2;
	v8 =	vadd.f32 v11, v8;
	_ =	sdelay $0x1  }
0x86: {  	v8 =	vadd.f32 v14, v8;
	v14 =	vld [tilespmem:$0xD430]  }
0x87: {  	[tilespmem:$0x1FEC0] =	vst v26;
	v26 =	vld [tilespmem:$0xD4A0];
	_ =	sdelay $0x3  }
0x88: {  	[tilespmem:$0x1FE90] =	vst v14;
	v14 =	vld [tilespmem:$0xD440]  }
0x89: {  	v11 =	vmul.f32 v34, v1;
	[tilespmem:$0x1FED0] =	vst v26;
	v26 =	vld [tilespmem:$0xD4C0];
	_ =	sdelay $0x1  }
0x8a: {  	v5 =	vadd.f32 v11, v5;
	v11 =	vmul.f32 v36, v1  }
0x8b: {  	v23 =	vld [tilespmem:$0xD460]  }
0x8c: {  	v8 =	vadd.f32 v11, v8;
	v11 =	vmul.f32 v40, v3;
	[tilespmem:$0x1FEA0] =	vst v14;
	v14 =	vmul.f32 v41, v4  }
0x8d: {  	[tilespmem:$0x1FEE0] =	vst v26;
	v26 =	vld [tilespmem:$0xD4E0]  }
0x8e: {  	v11 =	vadd.f32 v14, v11;
	v14 =	vmul.f32 v44, v2  }
0x8f: {  	v47 =	vmul.f32 v47, v4  }
0x90: {  	[tilespmem:$0x1FEB0] =	vst v23;
	v23 =	vmul.f32 v42, v1;
	v11 =	vadd.f32 v14, v11;
	v14 =	vmul.f32 v48, v3  }
0x91: {  	v16 =	vld [tilespmem:$0xD3F0]  }
0x92: {  	v11 =	vadd.f32 v23, v11;
	v14 =	vadd.f32 v47, v14;
	v23 =	vmul.f32 v49, v2;
	[tilespmem:$0x1FEF0] =	vst v26;
	v26 =	vld [tilespmem:$0xD4F0]  }
0x93: {  	v52 =	vmul.f32 v52, v3  }
0x94: {  	v18 =	vadd.f32 v20, v18;
	v14 =	vadd.f32 v23, v14;
	v23 =	vmul.f32 v51, v3  }
0x95: {  	v51 =	vmul.f32 v53, v4;
	v53 =	vmul.f32 v62, v4  }
0x96: {  	[tilespmem:$0x1FE80] =	vst v16;
	v18 =	vadd.f32 v24, v18  }
0x97: {  	v16 =	vmul.f32 v33, v2;
	v33 =	vmul.f32 v55, v2;
	v42 =	vadd.f32 v53, v52;
	[tilespmem:$0x1FF10] =	vst v26;
	v26 =	vld [tilespmem:$0xD520]  }
0x98: {  	v7 =	vadd.f32 v12, v7;
	(xrf2) =	vadd.scan.msk.f32 $0xffff, v9;
	v0 =	vadd.f32 v25, v18  }
0x99: {  	v12 =	vmul.f32 v35, v1;
	v35 =	vmul.f32 v59, v1;
	(xrf2) =	vadd.scan.msk.f32 $0xffff, v21;
	v21 =	vadd.f32 v33, v42  }
0x9a: {  	v56 =	vmul.f32 v56, v1;
	(xrf2) =	vadd.scan.msk.f32 $0xffff, v0  }
0x9b: {  	v62 =	vmul.f32 v54, v2;
	v23 =	vadd.f32 v51, v23;
	(xrf2) =	vadd.scan.msk.f32 $0xffff, v10;
	v10 =	vadd.f32 v35, v21;
	v21 =	vld [tilespmem:$0x1FCB0]  }
0x9c: {  	[tilespmem:$0x1FF00] =	vst v26;
	v26 =	vld [tilespmem:$0x1FCC0]  }
0x9d: {  	v9 =	vadd.f32 v56, v14;
	v14 =	vadd.f32 v62, v23;
	v23 =	vmul.f32 v58, v1  }
0x9e: {  	v6 =	vadd.f32 v12, v6;
	v12 =	vmul.f32 v37, v1;
	v7 =	vadd.f32 v16, v7  }
0x9f: {  	v0 =	vadd.f32 v23, v14;
	v14 =	vmul.f32 v60, v3;
	v23 =	vmul.f32 v61, v4  }
0xa0: {  	v7 =	vadd.f32 v12, v7;
	v12 =	vmul.f32 v38, v3  }
0xa1: {  	(xrf2) =	vadd.scan.msk.f32 $0xffff, v5;
	v5 =	vadd.f32 v23, v14;
	v14 =	vld [tilespmem:$0x1FCD0];
	v21 =	vmul.f32 v21, v3;
	v38 =	vmul.f32 v26, v4  }
0xa2: {  	v37 =	vld [tilespmem:$0xD4B0]  }
0xa3: {  	(xrf2) =	vadd.scan.msk.f32 $0xffff, v6;
	v6 =	vadd.f32 v38, v21;
	v21 =	vld [tilespmem:$0x1FCF0]  }
0xa4: {  	v59 =	vld [tilespmem:$0xD670];
	v16 =	vmul.f32 v39, v4  }
0xa5: {  	v30 =	vld [tilespmem:$0xD6E0]  }
0xa6: {  	v12 =	vadd.f32 v16, v12;
	v16 =	vmul.f32 v45, v2;
	(xrf2) =	vadd.scan.msk.f32 $0xffff, v8;
	v8 =	vld [tilespmem:$0x1FD10];
	v14 =	vmul.f32 v14, v2  }
0xa7: {  	v45 =	vmul.f32 v43, v1;
	(xrf2) =	vadd.scan.msk.f32 $0xffff, v7;
	v7 =	vld [tilespmem:$0x1FD30]  }
0xa8: {  	v12 =	vadd.f32 v16, v12;
	v5 =	vadd.f32 v14, v5;
	v14 =	vld [tilespmem:$0x1FD20];
	v21 =	vmul.f32 v21, v2  }
0xa9: {  	v16 =	vmul.f32 v46, v3;
	(xrf2) =	vadd.scan.msk.f32 $0xffff, v11;
	v11 =	vld [tilespmem:$0x1FD50]  }
0xaa: {  	v12 =	vadd.f32 v45, v12;
	v48 =	vmul.f32 v63, v4;
	v6 =	vadd.f32 v21, v6;
	v21 =	vld [tilespmem:$0x1FD40]  }
0xab: {  	v55 =	vld [tilespmem:$0xD5C0]  }
0xac: {  	v50 =	vmul.f32 v50, v2;
	v16 =	vadd.f32 v48, v16;
	(xrf2) =	vadd.scan.msk.f32 $0xffff, v12;
	v12 =	vld [tilespmem:$0x1FD60]  }
0xad: {  	v34 =	vld [tilespmem:$0xD480];
	v8 =	vmul.f32 v8, v3;
	v14 =	vmul.f32 v14, v4  }
0xae: {  	v36 =	vld [tilespmem:$0xD490];
	v63 =	vmul.f32 v57, v1;
	v16 =	vadd.f32 v50, v16;
	v7 =	vmul.f32 v7, v3  }
0xaf: {  	v23 =	vld [tilespmem:$0x1FCE0];
	v11 =	vmul.f32 v11, v2;
	v8 =	vadd.f32 v14, v8;
	v21 =	vmul.f32 v21, v4  }
0xb0: {  	v16 =	vadd.f32 v63, v16;
	(xrf2) =	vadd.scan.msk.f32 $0xffff, v9;
	v9 =	vld [tilespmem:$0x1FD70]  }
0xb1: {  	v12 =	vmul.f32 v12, v2;
	v8 =	vadd.f32 v11, v8;
	v11 =	vld [tilespmem:$0x1FD80];
	v7 =	vadd.f32 v21, v7  }
0xb2: {  	v14, _, _ =	vpop (xrf2);
	(xrf2) =	vadd.scan.msk.f32 $0xffff, v16;
	v16 =	vld [tilespmem:$0x1FDA0]  }
0xb3: {  	v7 =	vadd.f32 v12, v7;
	v12 =	vld [tilespmem:$0x1FD90]  }
0xb4: {  	v15 =	vld [tilespmem:$0xD370]  }
0xb5: {  	v40 =	vld [tilespmem:$0xD4D0]  }
0xb6: {  	v43 =	vld [tilespmem:$0xD530];
	v23 =	vmul.f32 v23, v1  }
0xb7: {  	v32 =	vld [tilespmem:$0xD410];
	v9 =	vmul.f32 v9, v3;
	v11 =	vmul.f32 v11, v4  }
0xb8: {  	v16 =	vmul.f32 v16, v4;
	v26 =	vld [tilespmem:$0x1FD00];
	v12 =	vmul.f32 v12, v3  }
0xb9: {  	v21, _, _ =	vpop (xrf2);
	(xrf2) =	vadd.scan.msk.f32 $0xffff, v0;
	v0 =	vadd.f32 v11, v9;
	v9 =	vld [tilespmem:$0x1FDB0]  }
0xba: {  	v5 =	vadd.f32 v23, v5;
	v23, _, _ =	vpop (xrf2);
	(xrf2) =	vadd.scan.msk.f32 $0xffff, v10;
	v10 =	vadd.f32 v16, v12;
	v12 =	vld [tilespmem:$0x1FDD0]  }
0xbb: {  	v16 =	vld [tilespmem:$0x1FDE0]  }
0xbc: {  	v46 =	vld [tilespmem:$0xD510]  }
0xbd: {  	v13 =	vld [tilespmem:$0xD350]  }
0xbe: {  	v29 =	vld [tilespmem:$0xD6C0];
	v39 =	vmul.f32 v26, v1;
	v9 =	vmul.f32 v9, v1  }
0xbf: {  	v11 =	vld [tilespmem:$0x1FDC0]  }
0xc0: {  	v45 =	vld [tilespmem:$0xD560];
	v6 =	vadd.f32 v39, v6;
	v12 =	vmul.f32 v12, v1;
	v16 =	vmul.f32 v16, v2  }
0xc1: {  	v42, _, _ =	vpop (xrf2);
	(xrf2) =	vadd.scan.msk.f32 $0xffff, v5;
	v5 =	vadd.f32 v9, v8;
	v8 =	vld [tilespmem:$0x1FDF0]  }
0xc2: {  	v9, _, _ =	vpop (xrf2);
	(xrf2) =	vadd.scan.msk.f32 $0xffff, v6;
	v6 =	vadd.f32 v12, v7;
	v7 =	vadd.f32 v16, v10;
	v10 =	vld [tilespmem:$0x1FE00]  }
0xc3: {  	v19 =	vld [tilespmem:$0xD380]  }
0xc4: {  	v28 =	vld [tilespmem:$0xD3B0];
	v11 =	vmul.f32 v11, v2  }
0xc5: {  	v17 =	vld [tilespmem:$0xD3A0]  }
0xc6: {  	v41 =	vld [tilespmem:$0xD500];
	v0 =	vadd.f32 v11, v0;
	v8 =	vmul.f32 v8, v1  }
0xc7: {  	v44 =	vld [tilespmem:$0xD540];
	v10 =	vmul.f32 v10, v1  }
0xc8: {  	v57 =	vld [tilespmem:$0xD630];
	v0 =	vadd.f32 v8, v0;
	v8 =	vbroadcast v21, $0xF  }
0xc9: {  	v31 =	vld [tilespmem:$0xD400];
	v11, _, _ =	vpop (xrf2);
	(xrf2) =	vadd.scan.msk.f32 $0xffff, v5;
	v5 =	vbroadcast v14, $0xF  }
0xca: {  	v48 =	vld [tilespmem:$0xD550];
	v12, _, _ =	vpop (xrf2);
	(xrf2) =	vadd.scan.msk.f32 $0xffff, v6;
	v6 =	vadd.f32 v10, v7;
	v7 =	vbroadcast v23, $0xF  }
0xcb: {  	v47 =	vld [tilespmem:$0xD570];
	v5 =	vsel vm0, v5, v8;
	v10, _, _ =	vpop (xrf2);
	(xrf2) =	vadd.scan.msk.f32 $0xffff, v0;
	v0 =	vbroadcast v42, $0xF  }
0xcc: {  	v49 =	vld [tilespmem:$0xD5B0];
	v5 =	vsel vm1, v5, v7;
	v8, _, _ =	vpop (xrf2);
	(xrf2) =	vadd.scan.msk.f32 $0xffff, v6;
	v6 =	vbroadcast v9, $0xF  }
0xcd: {  	v20 =	vld [tilespmem:$0xD390];
	v0 =	vsel vm2, v5, v0;
	v5 =	vbroadcast v11, $0xF  }
0xce: {  	v22 =	vld [tilespmem:$0xD3C0];
	v0 =	vsel vm3, v0, v6;
	v6 =	vbroadcast v12, $0xF  }
0xcf: {  	v50 =	vld [tilespmem:$0xD580];
	v7, _, _ =	vpop (xrf2);
	v0 =	vsel vm4, v0, v5;
	v5 =	vbroadcast v10, $0xF  }
0xd0: {  	v54 =	vld [tilespmem:$0xD5E0];
	v9, _, _ =	vpop (xrf2);
	v0 =	vsel vm5, v0, v6;
	v6 =	vbroadcast v8, $0xF  }
0xd1: {  	v24 =	vld [tilespmem:$0xD3D0];
	v12, _, _ =	vpop (xrf2);
	v0 =	vsel vm6, v0, v5;
	v5 =	vbroadcast v7, $0xF  }
0xd2: {  	v52 =	vld [tilespmem:$0xD590];
	v21, _, _ =	vpop (xrf2);
	v0 =	vsel vm7, v0, v6;
	v6 =	vbroadcast v9, $0xF  }
0xd3: {  	v51 =	vld [tilespmem:$0xD5A0];
	v8, _, _ =	vpop (xrf2);
	v0 =	vsel vm8, v0, v5;
	v5 =	vbroadcast v12, $0xF  }
0xd4: {  	v56 =	vld [tilespmem:$0xD5D0];
	v7, _, _ =	vpop (xrf2);
	v12 =	vbroadcast v21, $0xF;
	v0 =	vsel vm9, v0, v6  }
0xd5: {  	v53 =	vld [tilespmem:$0xD5F0];
	[tilespmem:$0x1FF40] =	vst v7;
	v7, _, _ =	vpop (xrf2);
	v0 =	vsel vm10, v0, v5  }
0xd6: {  	v63 =	vld [tilespmem:$0xD620];
	v9, _, _ =	vpop (xrf2);
	v0 =	vsel vm11, v0, v12  }
0xd7: {  	v6, _, _ =	vpop (xrf2);
	[tilespmem:$0x1FF50] =	vst v0;
	v0 =	vld [tilespmem:$0x1FE10]  }
0xd8: {  	v5 =	vbroadcast v9, $0xF;
	v9 =	vbroadcast v6, $0xF;
	v6 =	vld [tilespmem:$0x1FE20]  }
0xd9: {  	v27 =	vld [tilespmem:$0xD690]  }
0xda: {  	v18 =	vld [tilespmem:$0xD420]  }
0xdb: {  	v25 =	vld [tilespmem:$0xD450]  }
0xdc: {  	v58 =	vld [tilespmem:$0xD660]  }
0xdd: {  	v0 =	vmul.f32 v0, v3;
	v23 =	vmul.f32 v6, v4;
	v6 =	vld [tilespmem:$0x1FE40]  }
0xde: {  	v33 =	vld [tilespmem:$0xD680]  }
0xdf: {  	v21, _, _ =	vpop (xrf2);
	v9 =	vsel vm0, v5, v9;
	v5 =	vadd.f32 v23, v0;
	v0 =	vld [tilespmem:$0x1FE30]  }
0xe0: {  	v26 =	vld [tilespmem:$0xD6D0];
	v12, _, _ =	vpop (xrf2);
	v21 =	vbroadcast v21, $0xF  }
0xe1: {  	v62 =	vld [tilespmem:$0xD6B0];
	[tilespmem:$0x1FF30] =	vst v8;
	v8 =	vbroadcast v12, $0xF  }
0xe2: {  	[tilespmem:$0x1FF60] =	vst v7;
	v21 =	vsel vm1, v9, v21;
	v7 =	vmul.f32 v6, v1;
	v6 =	vld [tilespmem:$0x1FE50]  }
0xe3: {  	v60 =	vld [tilespmem:$0xD600];
	v8 =	vsel vm2, v21, v8  }
0xe4: {  	[tilespmem:$0x1FF20] =	vst v8;
	v8 =	vld [tilespmem:$0x1FE60];
	v0 =	vmul.f32 v0, v2  }
0xe5: {  	v29 =	vmul.f32 v29, v3;
	v61 =	vld [tilespmem:$0xD640];
	v26 =	vmul.f32 v26, v4  }
0xe6: {  	v19 =	vmul.f32 v19, v3;
	v35 =	vld [tilespmem:$0xD6A0];
	v0 =	vadd.f32 v0, v5;
	v5 =	vmul.f32 v20, v4  }
0xe7: {  	v13 =	vmul.f32 v13, v4;
	v38 =	vld [tilespmem:$0xD6F0];
	v26 =	vadd.f32 v26, v29;
	v6 =	vmul.f32 v6, v3  }
0xe8: {  	v39 =	vld [tilespmem:$0xD610];
	v9 =	vadd.f32 v7, v0;
	v5 =	vadd.f32 v5, v19;
	v7 =	vmul.f32 v17, v2  }
0xe9: {  	v29 =	vmul.f32 v30, v2;
	v30 =	vld [tilespmem:$0xD960];
	v21 =	vmul.f32 v8, v2;
	v6 =	vadd.f32 v13, v6  }
0xea: {  	v24 =	vmul.f32 v24, v4;
	v14 =	vld [tilespmem:$0xD710];
	v8 =	vadd.f32 v7, v5  }
0xeb: {  	v16 =	vld [tilespmem:$0xD730];
	v5 =	vmul.f32 v28, v1;
	v6 =	vadd.f32 v21, v6;
	v21 =	vmul.f32 v22, v3  }
0xec: {  	v0 =	vld [tilespmem:$0x1FE70]  }
0xed: {  	v10 =	vadd.f32 v5, v8;
	v5 =	vld [tilespmem:$0x1FE90];
	v24 =	vadd.f32 v24, v21;
	v21 =	vmul.f32 v15, v1  }
0xee: {  	v42 =	vld [tilespmem:$0xD650];
	v7 =	vmul.f32 v31, v3;
	v31 =	vmul.f32 v32, v4  }
0xef: {  	v21 =	vadd.f32 v21, v6;
	v6 =	vld [tilespmem:$0x1FE80]  }
0xf0: {  	v18 =	vmul.f32 v18, v2;
	v23 =	vld [tilespmem:$0xD700];
	v31 =	vadd.f32 v31, v7  }
0xf1: {  	v20 =	vld [tilespmem:$0xD720]  }
0xf2: {  	v0 =	vmul.f32 v0, v2;
	v8 =	vadd.f32 v18, v31;
	v31 =	vmul.f32 v5, v1;
	v5 =	vld [tilespmem:$0x1FEC0]  }
0xf3: {  	v17 =	vld [tilespmem:$0xD740]  }
0xf4: {  	v19 =	vld [tilespmem:$0xD750];
	v0 =	vadd.f32 v0, v24;
	v6 =	vmul.f32 v6, v1  }
0xf5: {  	v13 =	vld [tilespmem:$0xD800]  }
0xf6: {  	v11 =	vadd.f32 v6, v0;
	v0 =	vld [tilespmem:$0x1FEA0]  }
0xf7: {  	v7 =	vmul.f32 v5, v1;
	v5 =	vld [tilespmem:$0x1FED0]  }
0xf8: {  	v32 =	vld [tilespmem:$0xD770]  }
0xf9: {  	v28 =	vld [tilespmem:$0xD7B0]  }
0xfa: {  	v36 =	vmul.f32 v36, v4;
	v22 =	vld [tilespmem:$0xD760];
	v12 =	vadd.f32 v31, v8;
	v31 =	vmul.f32 v34, v3  }
0xfb: {  	v25 =	vmul.f32 v25, v4;
	v15 =	vld [tilespmem:$0xD780]  }
0xfc: {  	v18 =	vld [tilespmem:$0xD7A0];
	v31 =	vadd.f32 v36, v31;
	v0 =	vmul.f32 v0, v3;
	v5 =	vmul.f32 v5, v2  }
0xfd: {  	v24 =	vld [tilespmem:$0xD790]  }
0xfe: {  	(xrf2) =	vadd.scan.msk.f32 $0xffff, v9;
	v8 =	vmul.f32 v37, v1;
	v6 =	vadd.f32 v25, v0;
	v0 =	vld [tilespmem:$0x1FEB0];
	v5 =	vadd.f32 v5, v31  }
0xff: {  	(xrf2) =	vadd.scan.msk.f32 $0xffff, v21;
	v21 =	vmul.f32 v50, v3;
	v50 =	vmul.f32 v52, v4;
	v34 =	vld [tilespmem:$0xD7C0]  }
0x100: {  	v52 =	vmul.f32 v45, v2;
	v9 =	vadd.f32 v8, v5;
	v8 =	vld [tilespmem:$0x1FF00]  }
0x101: {  	v45 =	vmul.f32 v47, v1;
	v47 =	vmul.f32 v51, v2;
	v37 =	vld [tilespmem:$0xD7E0];
	v21 =	vadd.f32 v50, v21  }
0x102: {  	v46 =	vmul.f32 v46, v4;
	v36 =	vld [tilespmem:$0xD7F0]  }
0x103: {  	v21 =	vadd.f32 v47, v21;
	v47 =	vld [tilespmem:$0xD890];
	v31 =	vmul.f32 v41, v3;
	v0 =	vmul.f32 v0, v2  }
0x104: {  	v40 =	vmul.f32 v40, v4;
	v44 =	vmul.f32 v44, v3;
	v25 =	vld [tilespmem:$0xD7D0]  }
0x105: {  	v5 =	vadd.f32 v46, v31;
	v0 =	vadd.f32 v0, v6;
	v6 =	vld [tilespmem:$0x1FEE0];
	v8 =	vmul.f32 v8, v2  }
0x106: {  	v48 =	vmul.f32 v48, v4;
	v49 =	vmul.f32 v49, v1;
	v41 =	vld [tilespmem:$0xD830]  }
0x107: {  	v31 =	vmul.f32 v43, v1;
	v0 =	vadd.f32 v7, v0;
	v7 =	vld [tilespmem:$0x1FEF0];
	v43 =	vadd.f32 v8, v5  }
0x108: {  	v54 =	vmul.f32 v54, v2;
	v27 =	vmul.f32 v27, v4;
	v46 =	vld [tilespmem:$0xD820]  }
0x109: {  	v50 =	vmul.f32 v56, v4;
	v8 =	vld [tilespmem:$0xD840];
	v43 =	vadd.f32 v31, v43;
	v31 =	vadd.f32 v48, v44  }
0x10a: {  	v5 =	vld [tilespmem:$0xD850];
	v44 =	vmul.f32 v55, v3;
	v6 =	vmul.f32 v6, v3  }
0x10b: {  	v60 =	vmul.f32 v60, v3;
	v39 =	vmul.f32 v39, v4;
	v48 =	vld [tilespmem:$0xD870];
	v31 =	vadd.f32 v52, v31  }
0x10c: {  	v55 =	vld [tilespmem:$0xD880];
	v52 =	vadd.f32 v50, v44;
	v6 =	vadd.f32 v40, v6;
	v7 =	vmul.f32 v7, v2  }
0x10d: {  	v44 =	vld [tilespmem:$0xD8A0];
	v56 =	vadd.f32 v45, v31;
	v31 =	vadd.f32 v39, v60;
	v45 =	vmul.f32 v63, v2  }
0x10e: {  	v50 =	vld [tilespmem:$0xD8B0];
	v60 =	vadd.f32 v49, v21;
	v21 =	vadd.f32 v54, v52;
	v49 =	vmul.f32 v53, v1  }
0x10f: {  	v51 =	vmul.f32 v57, v1;
	v6 =	vadd.f32 v7, v6;
	v7 =	vld [tilespmem:$0x1FF10];
	v31 =	vadd.f32 v45, v31  }
0x110: {  	v58 =	vmul.f32 v58, v2;
	v35 =	vmul.f32 v35, v2;
	v40 =	vld [tilespmem:$0xD810];
	v57 =	vadd.f32 v49, v21  }
0x111: {  	(xrf2) =	vadd.scan.msk.f32 $0xffff, v10;
	v39 =	vld [tilespmem:$0xD8C0];
	v21 =	vmul.f32 v61, v3;
	v61 =	vadd.f32 v51, v31;
	v31 =	vmul.f32 v33, v3  }
0x112: {  	v14 =	vmul.f32 v14, v4;
	v42 =	vmul.f32 v42, v4;
	(xrf2) =	vadd.scan.msk.f32 $0xffff, v11;
	v53 =	vld [tilespmem:$0xD910]  }
0x113: {  	v15 =	vmul.f32 v15, v3;
	(xrf2) =	vadd.scan.msk.f32 $0xffff, v12;
	v12 =	vmul.f32 v62, v1;
	v54, _, _ =	vpop (xrf2);
	v52 =	vld [tilespmem:$0xD920];
	v27 =	vadd.f32 v27, v31  }
0x114: {  	v63 =	vbroadcast v54, $0xF;
	v54 =	vld [tilespmem:$0xD8D0];
	v7 =	vmul.f32 v7, v1  }
0x115: {  	v45 =	vld [tilespmem:$0xD8E0];
	v33, _, _ =	vpop (xrf2);
	v21 =	vadd.f32 v42, v21;
	v11 =	vadd.f32 v35, v27;
	v27 =	vmul.f32 v23, v3  }
0x116: {  	(xrf2) =	vadd.scan.msk.f32 $0xffff, v0;
	v49 =	vld [tilespmem:$0xD900];
	v42 =	vbroadcast v33, $0xF;
	v31 =	vmul.f32 v59, v1;
	v7 =	vadd.f32 v7, v6  }
0x117: {  	(xrf2) =	vadd.scan.msk.f32 $0xffff, v9;
	v51 =	vld [tilespmem:$0xD8F0];
	v10 =	vadd.f32 v58, v21;
	v0 =	vadd.f32 v14, v27;
	v14 =	vmul.f32 v20, v2  }
0x118: {  	v33 =	vld [tilespmem:$0xD990];
	v9 =	vadd.f32 v12, v11;
	v11 =	vadd.f32 v29, v26;
	v12 =	vmul.f32 v38, v1;
	(xrf2) =	vadd.scan.msk.f32 $0xffff, v7  }
0x119: {  	v21 =	vld [tilespmem:$0xD930];
	(xrf2) =	vadd.scan.msk.f32 $0xffff, v43;
	v7 =	vadd.f32 v14, v0;
	v14 =	vmul.f32 v16, v1;
	v16 =	vmul.f32 v17, v3  }
0x11a: {  	v6 =	vld [tilespmem:$0xD860];
	v11 =	vadd.f32 v12, v11;
	v12 =	vmul.f32 v19, v4;
	(xrf2) =	vadd.scan.msk.f32 $0xffff, v56;
	v19 =	vmul.f32 v24, v4  }
0x11b: {  	v23 =	vld [tilespmem:$0xD940];
	v10 =	vadd.f32 v31, v10;
	v17 =	vmul.f32 v22, v2;
	v22 =	vmul.f32 v25, v4;
	(xrf2) =	vadd.scan.msk.f32 $0xffff, v60  }
0x11c: {  	v31 =	vld [tilespmem:$0xD950];
	v12 =	vadd.f32 v12, v16;
	(xrf2) =	vadd.scan.msk.f32 $0xffff, v57;
	v15 =	vadd.f32 v19, v15;
	v19 =	vmul.f32 v34, v3  }
0x11d: {  	v35 =	vld [tilespmem:$0xDAB0];
	v16 =	vmul.f32 v32, v1;
	(xrf2) =	vadd.scan.msk.f32 $0xffff, v61  }
0x11e: {  	v20 =	vld [tilespmem:$0xD970];
	v24, _, _ =	vpop (xrf2);
	v12 =	vadd.f32 v17, v12;
	(xrf2) =	vadd.scan.msk.f32 $0xffff, v10;
	v19 =	vadd.f32 v22, v19;
	v22 =	vmul.f32 v37, v2  }
0x11f: {  	v38 =	vld [tilespmem:$0xDA90];
	v26, _, _ =	vpop (xrf2);
	(xrf2) =	vadd.scan.msk.f32 $0xffff, v9  }
0x120: {  	v27, _, _ =	vpop (xrf2);
	(xrf2) =	vadd.scan.msk.f32 $0xffff, v11;
	v11 =	vadd.f32 v16, v12;
	v12 =	vadd.f32 v22, v19;
	v19 =	vld [tilespmem:$0x1FF20]  }
0x121: {  	v18 =	vmul.f32 v18, v2;
	v43 =	vld [tilespmem:$0xDAF0]  }
0x122: {  	v28 =	vmul.f32 v28, v1;
	v0 =	vld [tilespmem:$0xD980];
	v25 =	vmul.f32 v40, v4  }
0x123: {  	v40 =	vld [tilespmem:$0xDAA0];
	v23 =	vmul.f32 v23, v3;
	v7 =	vadd.f32 v14, v7;
	v18 =	vadd.f32 v18, v15  }
0x124: {  	v31 =	vmul.f32 v31, v4;
	v14 =	vld [tilespmem:$0xD9A0];
	v16 =	vmul.f32 v36, v1  }
0x125: {  	v34 =	vld [tilespmem:$0xD9B0];
	v29, _, _ =	vpop (xrf2);
	v17 =	vmul.f32 v13, v3;
	(xrf2) =	vadd.scan.msk.f32 $0xffff, v7;
	v7 =	vadd.f32 v28, v18;
	v28 =	vsel vm3, v19, v63  }
0x126: {  	v23 =	vadd.f32 v31, v23;
	v31 =	vld [tilespmem:$0xDB90];
	v22, _, _ =	vpop (xrf2);
	(xrf2) =	vadd.scan.msk.f32 $0xffff, v11;
	v11 =	vadd.f32 v16, v12  }
0x127: {  	v13 =	vld [tilespmem:$0xD9C0];
	v17 =	vadd.f32 v25, v17;
	v25 =	vmul.f32 v46, v2;
	v46, _, _ =	vpop (xrf2);
	(xrf2) =	vadd.scan.msk.f32 $0xffff, v7  }
0x128: {  	v8 =	vmul.f32 v8, v3;
	v5 =	vmul.f32 v5, v4;
	v12 =	vsel vm4, v28, v42;
	v28, _, _ =	vpop (xrf2);
	(xrf2) =	vadd.scan.msk.f32 $0xffff, v11;
	v11 =	vld [tilespmem:$0x1FF40]  }
0x129: {  	v26 =	vbroadcast v26, $0xF;
	v10 =	vld [tilespmem:$0xD9D0];
	v18 =	vadd.f32 v25, v17;
	v25 =	vmul.f32 v41, v1  }
0x12a: {  	v24 =	vbroadcast v24, $0xF;
	v15 =	vld [tilespmem:$0xD9E0]  }
0x12b: {  	v5 =	vadd.f32 v5, v8;
	v16 =	vld [tilespmem:$0x1FF30];
	v7 =	vadd.f32 v25, v18  }
0x12c: {  	v6 =	vmul.f32 v6, v2;
	v37 =	vld [tilespmem:$0xDA80];
	v12 =	vsel vm5, v12, v24;
	v24 =	vbroadcast v27, $0xF;
	v27, _, _ =	vpop (xrf2)  }
0x12d: {  	v56 =	vbroadcast v11, $0xF;
	v11 =	vsel vm6, v12, v26;
	v12 =	vbroadcast v29, $0xF;
	v26, _, _ =	vpop (xrf2);
	(xrf2) =	vadd.scan.msk.f32 $0xffff, v7;
	v7 =	vld [tilespmem:$0x1FF50]  }
0x12e: {  	v30 =	vmul.f32 v30, v2;
	v9 =	vld [tilespmem:$0xD9F0];
	v24 =	vsel vm7, v11, v24  }
0x12f: {  	v5 =	vadd.f32 v6, v5;
	v6 =	vmul.f32 v48, v1;
	v24 =	vsel vm8, v24, v12;
	v12 =	vld [tilespmem:$0x1FF60]  }
0x130: {  	v53 =	vmul.f32 v53, v4;
	v23 =	vadd.f32 v30, v23;
	v30 =	vld [tilespmem:$0xDBB0];
	v25 =	vbroadcast v16, $0xF  }
0x131: {  	v21 =	vmul.f32 v21, v1;
	v20 =	vmul.f32 v20, v1;
	v5 =	vadd.f32 v6, v5;
	v36 =	vld [tilespmem:$0xDA60]  }
0x132: {  	v6 =	vmul.f32 v39, v3;
	v17 =	vld [tilespmem:$0xDA00];
	v22 =	vbroadcast v22, $0xF;
	v11, _, _ =	vpop (xrf2);
	v7 =	vsel vm12, v7, v25  }
0x133: {  	v41 =	vld [tilespmem:$0xDAD0];
	v13 =	vmul.f32 v13, v3;
	v32 =	vbroadcast v46, $0xF;
	v57, _, _ =	vpop (xrf2);
	v7 =	vsel vm13, v7, v56  }
0x134: {  	v18 =	vld [tilespmem:$0xDA20];
	v12 =	vsel vm14, v7, v12;
	v7 =	vsel vm9, v24, v22;
	v22 =	vbroadcast v28, $0xF;
	v24, _, _ =	vpop (xrf2)  }
0x135: {  	v10 =	vmul.f32 v10, v4;
	v46 =	vld [tilespmem:$0xDB00];
	v63 =	vmul.f32 v54, v4;
	v7 =	vsel vm10, v7, v32;
	v59, _, _ =	vpop (xrf2)  }
0x136: {  	v19 =	vld [tilespmem:$0xDA10];
	v7 =	vsel vm11, v7, v22;
	v22 =	vbroadcast v27, $0xF;
	v27 =	vbroadcast v59, $0xF  }
0x137: {  	v54 =	vld [tilespmem:$0xDB40];
	v58 =	vbroadcast v57, $0xF;
	v24 =	vbroadcast v24, $0xF  }
0x138: {  	v10 =	vadd.f32 v10, v13;
	v13 =	vmul.f32 v15, v2;
	v15 =	vld [tilespmem:$0xDBD0];
	v6 =	vadd.f32 v63, v6;
	v60, _, _ =	vpop (xrf2)  }
0x139: {  	v42 =	vld [tilespmem:$0xDAE0];
	v26 =	vbroadcast v26, $0xF;
	v24 =	vsel vm0, v58, v24;
	v61 =	vbroadcast v60, $0xF;
	v62, _, _ =	vpop (xrf2)  }
0x13a: {  	v16 =	vld [tilespmem:$0xDA30];
	v7 =	vsel vm12, v7, v22;
	v22 =	vsel vm1, v24, v27;
	v24 =	vbroadcast v62, $0xF;
	v27, _, _ =	vpop (xrf2)  }
0x13b: {  	v63 =	vld [tilespmem:$0xDBA0];
	v7 =	vsel vm13, v7, v26;
	v22 =	vsel vm2, v22, v61;
	v26 =	vbroadcast v27, $0xF  }
0x13c: {  	v0 =	vmul.f32 v0, v3;
	v10 =	vadd.f32 v13, v10;
	v13 =	vld [tilespmem:$0xDBF0];
	v22 =	vsel vm3, v22, v24;
	v27, _, _ =	vpop (xrf2)  }
0x13d: {  	v14 =	vmul.f32 v14, v2;
	v29 =	vld [tilespmem:$0xDA40];
	v22 =	vsel vm4, v22, v26;
	v26 =	vbroadcast v27, $0xF  }
0x13e: {  	v34 =	vmul.f32 v34, v1;
	v31 =	vmul.f32 v31, v4;
	v25 =	vld [tilespmem:$0xDA50]  }
0x13f: {  	v57 =	vld [tilespmem:$0xDB50];
	v8 =	vsel vm5, v22, v26;
	v22 =	vmul.f32 v55, v3;
	v26 =	vmul.f32 v47, v4  }
0x140: {  	v9 =	vmul.f32 v9, v1;
	v15 =	vmul.f32 v15, v4;
	v28 =	vld [tilespmem:$0xDA70]  }
0x141: {  	v16 =	vmul.f32 v16, v1;
	v32 =	vld [tilespmem:$0xDAC0];
	v22 =	vadd.f32 v26, v22;
	v26 =	vmul.f32 v44, v2  }
0x142: {  	v9 =	vadd.f32 v9, v10;
	v13 =	vmul.f32 v13, v1;
	(xrf2) =	vadd.scan.msk.f32 $0xffff, v5;
	v5 =	vmul.f32 v30, v1;
	v30 =	vld [tilespmem:$0xDD30]  }
0x143: {  	v10 =	vmul.f32 v29, v3;
	v60 =	vld [tilespmem:$0xDB60];
	v22 =	vadd.f32 v26, v22;
	v26 =	vmul.f32 v49, v3  }
0x144: {  	v20 =	vadd.f32 v20, v23;
	v56 =	vmul.f32 v45, v2;
	v59 =	vmul.f32 v52, v2;
	v52 =	vld [tilespmem:$0xDC70]  }
0x145: {  	v29 =	vmul.f32 v38, v4;
	v23 =	vmul.f32 v25, v4;
	v61 =	vld [tilespmem:$0xDB70];
	v26 =	vadd.f32 v53, v26  }
0x146: {  	v6 =	vadd.f32 v56, v6;
	v56 =	vmul.f32 v43, v1;
	v58 =	vmul.f32 v51, v1;
	v25 =	vld [tilespmem:$0xDC10]  }
0x147: {  	v62 =	vld [tilespmem:$0xDB80];
	v10 =	vadd.f32 v23, v10;
	v23 =	vmul.f32 v36, v2;
	v26 =	vadd.f32 v59, v26  }
0x148: {  	v6 =	vadd.f32 v58, v6;
	v36 =	vld [tilespmem:$0xDC30];
	v28 =	vmul.f32 v28, v1;
	v24, _, _ =	vpop (xrf2);
	v58 =	vmul.f32 v60, v2  }
0x149: {  	v60 =	vld [tilespmem:$0xDCC0];
	v24 =	vbroadcast v24, $0xF;
	v27, _, _ =	vpop (xrf2);
	v21 =	vadd.f32 v21, v26;
	v26 =	vmul.f32 v33, v4  }
0x14a: {  	v27 =	vbroadcast v27, $0xF;
	v39 =	vmul.f32 v61, v1;
	v61 =	vld [tilespmem:$0xDCD0]  }
0x14b: {  	v55 =	vmul.f32 v50, v1;
	v50 =	vld [tilespmem:$0xDC50];
	v8 =	vsel vm6, v8, v24;
	v0 =	vadd.f32 v26, v0  }
0x14c: {  	v10 =	vadd.f32 v23, v10;
	v23 =	vmul.f32 v32, v3;
	v24 =	vld [tilespmem:$0xDB10];
	v8 =	vsel vm7, v8, v27  }
0x14d: {  	v27 =	vld [tilespmem:$0xDB20];
	v0 =	vadd.f32 v14, v0;
	v14 =	vmul.f32 v17, v3;
	v17 =	vmul.f32 v19, v4  }
0x14e: {  	v25 =	vmul.f32 v25, v4;
	v44 =	vld [tilespmem:$0xDB30];
	v49 =	vmul.f32 v41, v4  }
0x14f: {  	v10 =	vadd.f32 v28, v10;
	v26 =	vld [tilespmem:$0xDBC0];
	v14 =	vadd.f32 v17, v14;
	v17 =	vmul.f32 v18, v2  }
0x150: {  	v28 =	vmul.f32 v42, v2;
	v22 =	vadd.f32 v55, v22;
	v23 =	vadd.f32 v49, v23;
	v53 =	vld [tilespmem:$0xDC80]  }
0x151: {  	v24 =	vmul.f32 v24, v4;
	v18 =	vld [tilespmem:$0xDC00];
	v14 =	vadd.f32 v17, v14;
	v17 =	vmul.f32 v37, v3  }
0x152: {  	v23 =	vadd.f32 v28, v23;
	v28 =	vmul.f32 v54, v3;
	v54 =	vmul.f32 v57, v4;
	v19 =	vld [tilespmem:$0xDBE0]  }
0x153: {  	v0 =	vadd.f32 v34, v0;
	v34 =	vld [tilespmem:$0xDC20];
	v17 =	vadd.f32 v29, v17;
	v29 =	vmul.f32 v40, v2  }
0x154: {  	v55 =	vld [tilespmem:$0xDC90];
	v57 =	vmul.f32 v44, v1;
	v28 =	vadd.f32 v54, v28;
	v26 =	vmul.f32 v26, v3  }
0x155: {  	v37 =	vld [tilespmem:$0xDC40];
	v14 =	vadd.f32 v16, v14;
	v16 =	vadd.f32 v29, v17;
	v17 =	vmul.f32 v35, v1  }
0x156: {  	v59 =	vld [tilespmem:$0xDCB0];
	v23 =	vadd.f32 v56, v23;
	v15 =	vadd.f32 v15, v26;
	v18 =	vmul.f32 v18, v3  }
0x157: {  	v19 =	vmul.f32 v19, v2;
	v29 =	vld [tilespmem:$0xDC60];
	v16 =	vadd.f32 v17, v16;
	v17 =	vmul.f32 v46, v3  }
0x158: {  	(xrf2) =	vadd.scan.msk.f32 $0xffff, v22;
	v28 =	vadd.f32 v58, v28;
	v26 =	vld [tilespmem:$0xDD10];
	v22 =	vmul.f32 v34, v2;
	v18 =	vadd.f32 v25, v18  }
0x159: {  	(xrf2) =	vadd.scan.msk.f32 $0xffff, v6;
	v6 =	vadd.f32 v19, v15;
	v25 =	vld [tilespmem:$0xDD20];
	v17 =	vadd.f32 v24, v17;
	v24 =	vmul.f32 v27, v2  }
0x15a: {  	v19 =	vmul.f32 v50, v4;
	v15 =	vmul.f32 v37, v3;
	v18 =	vadd.f32 v22, v18;
	v22 =	vld [tilespmem:$0xDD40]  }
0x15b: {  	(xrf2) =	vadd.scan.msk.f32 $0xffff, v21;
	v21 =	vmul.f32 v36, v1;
	v27 =	vld [tilespmem:$0xDCA0];
	v17 =	vadd.f32 v24, v17;
	v24 =	vmul.f32 v62, v3  }
0x15c: {  	(xrf2) =	vadd.scan.msk.f32 $0xffff, v20;
	v6 =	vadd.f32 v13, v6;
	v13 =	vadd.f32 v19, v15;
	v15 =	vmul.f32 v29, v2;
	v62 =	vld [tilespmem:$0xDCE0]  }
0x15d: {  	v20 =	vmul.f32 v55, v4;
	(xrf2) =	vadd.scan.msk.f32 $0xffff, v0;
	v19 =	vld [tilespmem:$0xDD50];
	v24 =	vadd.f32 v31, v24;
	v31 =	vmul.f32 v63, v2  }
0x15e: {  	(xrf2) =	vadd.scan.msk.f32 $0xffff, v9;
	v0 =	vadd.f32 v21, v18;
	v18 =	vmul.f32 v53, v3;
	v9 =	vadd.f32 v15, v13;
	v63 =	vld [tilespmem:$0xDCF0]  }
0x15f: {  	v13 =	vmul.f32 v60, v3;
	v15 =	vmul.f32 v61, v4;
	v24 =	vadd.f32 v31, v24;
	v31 =	vld [tilespmem:$0xDD00]  }
0x160: {  	v28 =	vadd.f32 v39, v28;
	(xrf2) =	vadd.scan.msk.f32 $0xffff, v14;
	v21 =	vld [tilespmem:$0xDD60];
	v18 =	vadd.f32 v20, v18;
	v20 =	vmul.f32 v27, v2  }
0x161: {  	v14 =	vmul.f32 v52, v1;
	(xrf2) =	vadd.scan.msk.f32 $0xffff, v10;
	v29 =	vld [tilespmem:$0xDD90];
	v13 =	vadd.f32 v15, v13;
	v15 =	vmul.f32 v62, v2  }
0x162: {  	v10 =	vmul.f32 v59, v1;
	(xrf2) =	vadd.scan.msk.f32 $0xffff, v16;
	v27 =	vld [tilespmem:$0xDD80];
	v16 =	vadd.f32 v20, v18;
	v20 =	vmul.f32 v26, v4  }
0x163: {  	v9 =	vadd.f32 v14, v9;
	v26 =	vld [tilespmem:$0xDDA0];
	v13 =	vadd.f32 v15, v13;
	v14 =	vmul.f32 v63, v1  }
0x164: {  	v17 =	vadd.f32 v57, v17;
	v5 =	vadd.f32 v5, v24;
	v24 =	vld [tilespmem:$0xDD70];
	v18 =	vmul.f32 v31, v3;
	v31, _, _ =	vpop (xrf2)  }
0x165: {  	v19 =	vmul.f32 v19, v4;
	v15 =	vld [tilespmem:$0xDDC0];
	(xrf2) =	vadd.scan.msk.f32 $0xffff, v23;
	v13 =	vadd.f32 v14, v13;
	v14 =	vmul.f32 v22, v3;
	v23, _, _ =	vpop (xrf2)  }
0x166: {  	v10 =	vadd.f32 v10, v16;
	v22 =	vld [tilespmem:$0xDDB0];
	(xrf2) =	vadd.scan.msk.f32 $0xffff, v17;
	v17 =	vmul.f32 v25, v2;
	v16 =	vadd.f32 v20, v18;
	v20, _, _ =	vpop (xrf2)  }
0x167: {  	v18 =	vld [tilespmem:$0xDDD0];
	(xrf2) =	vadd.scan.msk.f32 $0xffff, v28;
	v14 =	vadd.f32 v19, v14;
	v25, _, _ =	vpop (xrf2)  }
0x168: {  	(xrf2) =	vadd.scan.msk.f32 $0xffff, v5;
	v5 =	vadd.f32 v17, v16;
	v16 =	vmul.f32 v27, v3;
	v17 =	vmul.f32 v29, v4;
	v28, _, _ =	vpop (xrf2)  }
0x169: {  	v19 =	vmul.f32 v21, v2;
	v27 =	vld [tilespmem:$0xDDE0];
	(xrf2) =	vadd.scan.msk.f32 $0xffff, v6;
	v6 =	vmul.f32 v30, v1;
	v21, _, _ =	vpop (xrf2)  }
0x16a: {  	v3 =	vmul.f32 v15, v3;
	(xrf2) =	vadd.scan.msk.f32 $0xffff, v0;
	v16 =	vadd.f32 v17, v16;
	v17 =	vmul.f32 v26, v2;
	v26, _, _ =	vpop (xrf2)  }
0x16b: {  	v0 =	vmul.f32 v24, v1;
	v24 =	vld [tilespmem:$0xDDF0];
	(xrf2) =	vadd.scan.msk.f32 $0xffff, v9;
	v9 =	vadd.f32 v19, v14;
	v5 =	vadd.f32 v6, v5;
	v14, _, _ =	vpop (xrf2)  }
0x16c: {  	v4 =	vmul.f32 v18, v4;
	(xrf2) =	vadd.scan.msk.f32 $0xffff, v10;
	v10 =	vmul.f32 v22, v1;
	v6 =	vadd.f32 v17, v16;
	v15, _, _ =	vpop (xrf2)  }
0x16d: {  	(xrf2) =	vadd.scan.msk.f32 $0xffff, v13;
	v0 =	vadd.f32 v0, v9;
	v9 =	vbroadcast v15, $0xF  }
0x16e: {  	v3 =	vadd.f32 v4, v3;
	v2 =	vmul.f32 v27, v2;
	v13, _, _ =	vpop (xrf2);
	(xrf2) =	vadd.scan.msk.f32 $0xffff, v5;
	v5 =	vadd.f32 v10, v6  }
0x16f: {  	v4 =	vbroadcast v14, $0xF  }
0x170: {  	v6 =	vbroadcast v13, $0xF;
	v1 =	vmul.f32 v24, v1;
	v10, _, _ =	vpop (xrf2);
	(xrf2) =	vadd.scan.msk.f32 $0xffff, v0;
	v0 =	vadd.f32 v2, v3  }
0x171: {  	v3 =	vsel vm0, v4, v9;
	v4 =	vbroadcast v10, $0xF;
	v9, _, _ =	vpop (xrf2)  }
0x172: {  	v3 =	vsel vm1, v3, v6;
	(xrf2) =	vadd.scan.msk.f32 $0xffff, v5;
	v0 =	vadd.f32 v1, v0;
	v5, _, _ =	vpop (xrf2);
	v6 =	vbroadcast v9, $0xF  }
0x173: {  	v3 =	vsel vm2, v3, v4;
	v4 =	vbroadcast v5, $0xF  }
0x174: {  	v2 =	vbroadcast v31, $0xF;
	v1, _, _ =	vpop (xrf2);
	v3 =	vsel vm3, v3, v6  }
0x175: {  	v1 =	vbroadcast v1, $0xF;
	v5, _, _ =	vpop (xrf2);
	v3 =	vsel vm4, v3, v4  }
0x176: {  	v2 =	vsel vm8, v8, v2;
	(xrf2) =	vadd.scan.msk.f32 $0xffff, v0;
	v0, _, _ =	vpop (xrf2);
	v4 =	vbroadcast v5, $0xF  }
0x177: {  	v8 =	vbroadcast v25, $0xF;
	v5, _, _ =	vpop (xrf2);
	v1 =	vsel vm5, v3, v1;
	v0 =	vbroadcast v0, $0xF  }
0x178: {  	v9 =	vbroadcast v23, $0xF;
	v1 =	vsel vm6, v1, v4;
	v4 =	vbroadcast v5, $0xF;
	v3, _, _ =	vpop (xrf2)  }
0x179: {  	v6 =	vbroadcast v20, $0xF;
	v0 =	vsel vm7, v1, v0;
	v5, _, _ =	vpop (xrf2);
	v1 =	vbroadcast v3, $0xF  }
0x17a: {  	v2 =	vsel vm9, v2, v9;
	v0 =	vsel vm8, v0, v4;
	v3, _, _ =	vpop (xrf2);
	v4 =	vbroadcast v5, $0xF  }
0x17b: {  	v2 =	vsel vm10, v2, v6;
	v5, _, _ =	vpop (xrf2);
	v0 =	vsel vm9, v0, v1;
	v1 =	vbroadcast v3, $0xF  }
0x17c: {  	v6 =	vbroadcast v28, $0xF;
	v2 =	vsel vm11, v2, v8;
	v3, _, _ =	vpop (xrf2);
	v0 =	vsel vm10, v0, v4  }
0x17d: {  	v8 =	vbroadcast v21, $0xF;
	v0 =	vsel vm11, v0, v1;
	v1 =	vbroadcast v3, $0xF  }
0x17e: {  	v2 =	vsel vm12, v2, v6;
	v4 =	vbroadcast v5, $0xF  }
0x17f: {  	v2 =	vsel vm13, v2, v8  }
0x180: {  	[tilespmem:$0xDE80] =	vst v12;
	v2 =	vsel vm14, v2, v26;
	v0 =	vsel vm12, v0, v4  }
0x181: {  	[tilespmem:$0xDEA0] =	vst v2;
	v3 =	vsel vm14, v7, v11;
	v0 =	vsel vm13, v0, v1;
	v1, _, _ =	vpop (xrf2)  }
0x182: {  	[tilespmem:$0xDE90] =	vst v3;
	v0 =	vsel vm14, v0, v1  }
0x183: {  	[tilespmem:$0xDEB0] =	vst v0  }
0x184: {  	[spmem:s7] =	stream.linear.scatter [tilespmem:s18], [sflag:$0x3], $0x40, $0x38;
	[tilespmem:$0xDF40] =	vst v63  }
0x185: {  	_ =	swait.ge [sflag:s16], $0x40  }
0x186: {  	[sflag:s16] =	ssyncset.done $0x0  }
0x187: {  	[sflag:s16] =	ssyncadd.s32 $0xFFFFFFC0  }
0x188: {  	[bflag:$0x0] =	sbarrier.arrive $0xFFFF  }
0x189: {  	[tilespmem:s3], [sflag:$0x3] =	stream.linear.gather [spmem:s2], $0x400, $0x38;
	[tilespmem:$0xDF40] =	vst v63  }
0x18a: {  	_ =	swait.ge [sflag:s16], $0x400  }
0x18b: {  	[sflag:s16] =	ssyncset.done $0x0  }
0x18c: {  	[sflag:s16] =	ssyncadd.s32 $0xFFFFFC00  }
0x18d: {  	_ =	swait.ge [sflag:s19], $0x6400  }
0x18e: {  	[sflag:s19] =	ssyncset.done $0x0  }
0x18f: {  	s24 =	simm.s32 $0x0;
	[sflag:s19] =	ssyncadd.s32 $0xFFFF9C00  }
0x190: {  	[tilespmem:s20], [sflag:$0x2] =	stream.strided.gather [hbm4b:s8+s14], $0x6400, s13, s14, $0x38;
	[tilespmem:$0xDF40] =	vst v63  }
0x191: {  	v0 =	vld [tilespmem:s24+$0x780]  }
0x192: {  	v15 =	vld [tilespmem:s24+$0x790]  }
0x193: {  	v19 =	vld [tilespmem:s24+$0x7A0]  }
0x194: {  	v35 =	vld [tilespmem:s24+$0x7B0]  }
0x195: {  	v42 =	vld [tilespmem:s24+$0x7C0]  }
0x196: {  	v45 =	vld [tilespmem:s24+$0x7D0]  }
0x197: {  	v1 =	vld [tilespmem:s24+$0x7E0]  }
0x198: {  	v13 =	vld [tilespmem:s24+$0x7F0]  }
0x199: {  	v46 =	vld [tilespmem:s24+$0x700]  }
0x19a: {  	v20 =	vld [tilespmem:s24+$0x710]  }
0x19b: {  	v23 =	vld [tilespmem:s24+$0x720]  }
0x19c: {  	v25 =	vld [tilespmem:s24+$0x730]  }
0x19d: {  	v49 =	vld [tilespmem:s24+$0x740]  }
0x19e: {  	v51 =	vld [tilespmem:s24+$0x750]  }
0x19f: {  	v55 =	vld [tilespmem:s24+$0x680]  }
0x1a0: {  	v56 =	vld [tilespmem:s24+$0x690]  }
0x1a1: {  	v32 =	vld [tilespmem:s24+$0x6A0]  }
0x1a2: {  	v33 =	vld [tilespmem:s24+$0x6B0]  }
0x1a3: {  	v34 =	vld [tilespmem:s24+$0x6C0]  }
0x1a4: {  	v38 =	vld [tilespmem:s24+$0x6D0]  }
0x1a5: {  	v40 =	vld [tilespmem:s24+$0x600]  }
0x1a6: {  	v50 =	vld [tilespmem:s24+$0x610]  }
0x1a7: {  	v52 =	vld [tilespmem:s24+$0x620]  }
0x1a8: {  	v53 =	vld [tilespmem:s24+$0x630]  }
0x1a9: {  	v54 =	vld [tilespmem:s24+$0x640]  }
0x1aa: {  	v58 =	vld [tilespmem:s24+$0x650]  }
0x1ab: {  	v8 =	vld [tilespmem:s24+$0x660]  }
0x1ac: {  	v59 =	vld [tilespmem:s24+$0x580]  }
0x1ad: {  	v60 =	vld [tilespmem:s24+$0x590]  }
0x1ae: {  	v7 =	vld [tilespmem:s24+$0x5A0]  }
0x1af: {  	v4 =	vld [tilespmem:s24+$0x5B0]  }
0x1b0: {  	v5 =	vld [tilespmem:s24+$0x5C0]  }
0x1b1: {  	v18 =	vld [tilespmem:s24+$0x5D0]  }
0x1b2: {  	v9 =	vld [tilespmem:s24+$0x5E0]  }
0x1b3: {  	v61 =	vld [tilespmem:s24+$0x500]  }
0x1b4: {  	v62 =	vld [tilespmem:s24+$0x510]  }
0x1b5: {  	v2 =	vld [tilespmem:s24+$0x530]  }
0x1b6: {  	v30 =	vld [tilespmem:s24+$0x540]  }
0x1b7: {  	v24 =	vld [tilespmem:s24+$0x550]  }
0x1b8: {  	v11 =	vld [tilespmem:s24+$0x560]  }
0x1b9: {  	v3 =	vld [tilespmem:s24+$0x570]  }
0x1ba: {  	v10 =	vld [tilespmem:s24+$0x480]  }
0x1bb: {  	v12 =	vld [tilespmem:s24+$0x490]  }
0x1bc: {  	v14 =	vld [tilespmem:s24+$0x4A0]  }
0x1bd: {  	v16 =	vld [tilespmem:s24+$0x4B0]  }
0x1be: {  	v37 =	vld [tilespmem:s24+$0x4C0]  }
0x1bf: {  	v31 =	vld [tilespmem:s24+$0x4D0]  }
0x1c0: {  	v22 =	vld [tilespmem:s24+$0x4E0]  }
0x1c1: {  	v17 =	vld [tilespmem:s24+$0x4F0]  }
0x1c2: {  	v26 =	vld [tilespmem:s24+$0x400]  }
0x1c3: {  	v27 =	vld [tilespmem:s24+$0x410]  }
0x1c4: {  	v28 =	vld [tilespmem:s24+$0x420]  }
0x1c5: {  	v29 =	vld [tilespmem:s24+$0x430]  }
0x1c6: {  	v41 =	vld [tilespmem:s24+$0x440]  }
0x1c7: {  	v36 =	vld [tilespmem:s24+$0x450]  }
0x1c8: {  	[tilespmem:$0x1FF70] =	vst v1;
	v1 =	vld [tilespmem:s24+$0x760]  }
0x1c9: {  	v44 =	vld.idx.msk [tilespmem:v0+s3+$0x0], $0xffff  }
0x1ca: {  	v43 =	vld.idx.msk [tilespmem:v15+s3+$0x0], $0xffff  }
0x1cb: {  	v39 =	vld.idx.msk [tilespmem:v19+s3+$0x0], $0xffff  }
0x1cc: {  	v35 =	vld.idx.msk [tilespmem:v35+s3+$0x0], $0xffff  }
0x1cd: {  	v19 =	vld.idx.msk [tilespmem:v42+s3+$0x0], $0xffff  }
0x1ce: {  	v0 =	vld.idx.msk [tilespmem:v45+s3+$0x0], $0xffff  }
0x1cf: {  	v48 =	vld.idx.msk [tilespmem:v46+s3+$0x0], $0xffff  }
0x1d0: {  	v47 =	vld.idx.msk [tilespmem:v20+s3+$0x0], $0xffff  }
0x1d1: {  	v45 =	vld.idx.msk [tilespmem:v23+s3+$0x0], $0xffff  }
0x1d2: {  	v42 =	vld.idx.msk [tilespmem:v25+s3+$0x0], $0xffff  }
0x1d3: {  	v15 =	vld.idx.msk [tilespmem:v49+s3+$0x0], $0xffff  }
0x1d4: {  	v20 =	vld.idx.msk [tilespmem:v51+s3+$0x0], $0xffff  }
0x1d5: {  	v51 =	vld.idx.msk [tilespmem:v56+s3+$0x0], $0xffff  }
0x1d6: {  	[tilespmem:$0x1FF80] =	vst v1;
	v1 =	vld [tilespmem:s24+$0x770]  }
0x1d7: {  	v49 =	vld.idx.msk [tilespmem:v32+s3+$0x0], $0xffff  }
0x1d8: {  	v46 =	vld.idx.msk [tilespmem:v33+s3+$0x0], $0xffff  }
0x1d9: {  	v32 =	vld.idx.msk [tilespmem:v34+s3+$0x0], $0xffff  }
0x1da: {  	v25 =	vld.idx.msk [tilespmem:v38+s3+$0x0], $0xffff  }
0x1db: {  	[tilespmem:$0x1FF90] =	vst v1;
	v1 =	vld [tilespmem:s24+$0x6E0]  }
0x1dc: {  	v57 =	vld.idx.msk [tilespmem:v40+s3+$0x0], $0xffff  }
0x1dd: {  	v56 =	vld.idx.msk [tilespmem:v50+s3+$0x0], $0xffff  }
0x1de: {  	v50 =	vld.idx.msk [tilespmem:v53+s3+$0x0], $0xffff  }
0x1df: {  	v38 =	vld.idx.msk [tilespmem:v54+s3+$0x0], $0xffff  }
0x1e0: {  	[tilespmem:$0x1FFA0] =	vst v1;
	v1 =	vld [tilespmem:s24+$0x6F0]  }
0x1e1: {  	v33 =	vld.idx.msk [tilespmem:v58+s3+$0x0], $0xffff  }
0x1e2: {  	v59 =	vld.idx.msk [tilespmem:v59+s3+$0x0], $0xffff  }
0x1e3: {  	v58 =	vld.idx.msk [tilespmem:v60+s3+$0x0], $0xffff  }
0x1e4: {  	v63 =	vld.idx.msk [tilespmem:v61+s3+$0x0], $0xffff  }
0x1e5: {  	[tilespmem:$0x1FFB0] =	vst v1;
	v1 =	vld [tilespmem:s24+$0x670]  }
0x1e6: {  	v60 =	vld.idx.msk [tilespmem:v62+s3+$0x0], $0xffff  }
0x1e7: {  	v10 =	vld.idx.msk [tilespmem:v10+s3+$0x0], $0xffff  }
0x1e8: {  	v12 =	vld.idx.msk [tilespmem:v12+s3+$0x0], $0xffff  }
0x1e9: {  	v26 =	vld.idx.msk [tilespmem:v26+s3+$0x0], $0xffff  }
0x1ea: {  	[tilespmem:$0x1FFC0] =	vst v1;
	v1 =	vld [tilespmem:s24+$0x5F0]  }
0x1eb: {  	v40 =	vld.idx.msk [tilespmem:v27+s3+$0x0], $0xffff  }
0x1ec: {  	v29 =	vld.idx.msk [tilespmem:v29+s3+$0x0], $0xffff  }
0x1ed: {  	v62 =	vld.idx.msk [tilespmem:v16+s3+$0x0], $0xffff  }
0x1ee: {  	v61 =	vld.idx.msk [tilespmem:v2+s3+$0x0], $0xffff  }
0x1ef: {  	[tilespmem:$0x1FFD0] =	vst v1;
	v1 =	vld [tilespmem:s24+$0x520]  }
0x1f0: {  	v34 =	vld [tilespmem:s24+$0x470]  }
0x1f1: {  	v54 =	vld.idx.msk [tilespmem:v7+s3+$0x0], $0xffff  }
0x1f2: {  	[tilespmem:$0x1FFF0] =	vst v0;
	v0 =	vld.idx.msk [tilespmem:v55+s3+$0x0], $0xffff  }
0x1f3: {  	v55 =	vld.idx.msk [tilespmem:v52+s3+$0x0], $0xffff  }
0x1f4: {  	v52 =	vld.idx.msk [tilespmem:v28+s3+$0x0], $0xffff  }
0x1f5: {  	v6 =	vimm.f32 $0.0e+00;
	v28 =	vld.idx.msk [tilespmem:v14+s3+$0x0], $0xffff  }
0x1f6: {  	v14 =	vadd.f32 v40, v6;
	v40 =	vld [tilespmem:s24+$0x460]  }
0x1f7: {  	v7 =	vimm.f32 $0.0e+00;
	v27 =	vld.idx.msk [tilespmem:v1+s3+$0x0], $0xffff;
	v1 =	vadd.f32 v26, v6  }
0x1f8: {  	v29 =	vadd.f32 v29, v6;
	v53 =	vadd.f32 v12, v14;
	v14 =	vimm.f32 $0.0e+00;
	v26 =	vld.idx.msk [tilespmem:v4+s3+$0x0], $0xffff  }
0x1f9: {  	[tilespmem:$0x1FFE0] =	vst v3;
	s24 =	simm.s32 $0x1000;
	v2 =	vadd.f32 v10, v1;
	v1 =	vadd.f32 v52, v6;
	v52 =	vld.idx.msk [tilespmem:v5+s3+$0x0], $0xffff;
	v10 =	vimm.f32 $0.0e+00  }
.LBB2_2:
0x1fa: {  	_ =	sdelay $0x1  }
0x1fb: {  	v21 =	vld.idx.msk [tilespmem:v18+s3+$0x0], $0xffff  }
0x1fc: {  	v18 =	vld.idx.msk [tilespmem:v17+s3+$0x0], $0xffff  }
0x1fd: {  	v17 =	vld.idx.msk [tilespmem:v11+s3+$0x0], $0xffff  }
0x1fe: {  	v11 =	vld.idx.msk [tilespmem:v9+s3+$0x0], $0xffff  }
0x1ff: {  	v3 =	vld [tilespmem:$0x1FFD0]  }
0x200: {  	v8 =	vld.idx.msk [tilespmem:v8+s3+$0x0], $0xffff;
	s25 =	sshra.s32 s24, $0x2  }
0x201: {  	v2 =	vadd.f32 v63, v2;
	v23 =	vld [tilespmem:s25+$0x5E0]  }
0x202: {  	v16 =	vld [tilespmem:s25+$0x420]  }
0x203: {  	v2 =	vadd.f32 v59, v2;
	v59 =	vld [tilespmem:s25+$0x610]  }
0x204: {  	v30 =	vld.idx.msk [tilespmem:v30+s3+$0x0], $0xffff  }
0x205: {  	v24 =	vld.idx.msk [tilespmem:v24+s3+$0x0], $0xffff  }
0x206: {  	v31 =	vld.idx.msk [tilespmem:v31+s3+$0x0], $0xffff  }
0x207: {  	v36 =	vld.idx.msk [tilespmem:v36+s3+$0x0], $0xffff  }
0x208: {  	v63 =	vld.idx.msk [tilespmem:v40+s3+$0x0], $0xffff  }
0x209: {  	v34 =	vld.idx.msk [tilespmem:v34+s3+$0x0], $0xffff  }
0x20a: {  	v1 =	vadd.f32 v28, v1;
	v22 =	vld.idx.msk [tilespmem:v22+s3+$0x0], $0xffff  }
0x20b: {  	v28 =	vadd.f32 v62, v29;
	v29 =	vadd.f32 v60, v53;
	v60 =	vld [tilespmem:s25+$0x620]  }
0x20c: {  	v62 =	vld [tilespmem:s25+$0x640]  }
0x20d: {  	v53 =	vld [tilespmem:s25+$0x5B0]  }
0x20e: {  	v40 =	vld [tilespmem:s25+$0x460]  }
0x20f: {  	v2 =	vadd.f32 v57, v2;
	v57 =	vld [tilespmem:s25+$0x6D0]  }
0x210: {  	v1 =	vadd.f32 v27, v1;
	v27 =	vadd.f32 v61, v28;
	v28 =	vld.idx.msk [tilespmem:v37+s3+$0x0], $0xffff  }
0x211: {  	v29 =	vadd.f32 v58, v29;
	v58 =	vld [tilespmem:s25+$0x600]  }
0x212: {  	v61 =	vld [tilespmem:s25+$0x630]  }
0x213: {  	v37 =	vld [tilespmem:s25+$0x4C0]  }
0x214: {  	v26 =	vadd.f32 v26, v27;
	v27 =	vld.idx.msk [tilespmem:v41+s3+$0x0], $0xffff  }
0x215: {  	v9 =	vld.idx.msk [tilespmem:v3+s3+$0x0], $0xffff  }
0x216: {  	v3 =	vld [tilespmem:$0x1FFC0]  }
0x217: {  	v29 =	vadd.f32 v56, v29;
	v56 =	vld [tilespmem:s25+$0x6C0]  }
0x218: {  	v1 =	vadd.f32 v54, v1;
	v54 =	vld [tilespmem:s25+$0x5A0]  }
0x219: {  	v41 =	vld [tilespmem:s25+$0x440]  }
0x21a: {  	v12 =	vadd.f32 v63, v10;
	v63 =	vld [tilespmem:s25+$0x650]  }
0x21b: {  	v10 =	vadd.f32 v34, v14;
	v14 =	vld [tilespmem:s25+$0x410]  }
0x21c: {  	v34 =	vld [tilespmem:s25+$0x470]  }
0x21d: {  	v26 =	vadd.f32 v50, v26;
	v50 =	vld [tilespmem:s25+$0x6A0]  }
0x21e: {  	v0 =	vadd.f32 v0, v2;
	v1 =	vadd.f32 v55, v1;
	v55 =	vld [tilespmem:s25+$0x6B0]  }
0x21f: {  	v12 =	vadd.f32 v22, v12;
	v22 =	vld [tilespmem:s25+$0x4E0]  }
0x220: {  	v0 =	vadd.f32 v48, v0;
	v10 =	vadd.f32 v18, v10;
	v18 =	vld [tilespmem:s25+$0x4F0]  }
0x221: {  	v2 =	vadd.f32 v51, v29;
	v26 =	vadd.f32 v46, v26;
	v46 =	vld [tilespmem:s25+$0x680]  }
0x222: {  	v0 =	vadd.f32 v44, v0;
	v1 =	vadd.f32 v49, v1;
	v49 =	vld [tilespmem:s25+$0x690]  }
0x223: {  	v2 =	vadd.f32 v47, v2;
	v12 =	vadd.f32 v17, v12;
	v17 =	vld [tilespmem:s25+$0x430]  }
0x224: {  	v29 =	vadd.f32 v42, v26;
	v42 =	vld [tilespmem:s25+$0x7C0]  }
0x225: {  	[tilespmem:$0x1FC40] =	vst v0;
	v0 =	vadd.f32 v43, v2;
	v26 =	vld [tilespmem:s25+$0x660]  }
0x226: {  	v2 =	vadd.f32 v36, v7;
	v36 =	vld [tilespmem:s25+$0x450]  }
0x227: {  	[tilespmem:$0x1FC50] =	vst v0;
	v0 =	vld [tilespmem:$0x1FFE0]  }
0x228: {  	v1 =	vadd.f32 v45, v1;
	v7 =	vld.idx.msk [tilespmem:v3+s3+$0x0], $0xffff  }
0x229: {  	v3 =	vld [tilespmem:$0x1FFA0]  }
0x22a: {  	v1 =	vadd.f32 v39, v1;
	v2 =	vadd.f32 v31, v2;
	v31 =	vld [tilespmem:s25+$0x4D0]  }
0x22b: {  	v54 =	vld.idx.msk [tilespmem:v54+s3+$0x0], $0xffff  }
0x22c: {  	[tilespmem:$0x1FC60] =	vst v1;
	v1 =	vadd.f32 v35, v29;
	v35 =	vld [tilespmem:s25+$0x7B0]  }
0x22d: {  	v29 =	vld [tilespmem:s25+$0x7F0]  }
0x22e: {  	v2 =	vadd.f32 v24, v2;
	v24 =	vld [tilespmem:s25+$0x550]  }
0x22f: {  	[tilespmem:$0x1FC70] =	vst v1;
	v1 =	vadd.f32 v27, v6;
	v27 =	vld [tilespmem:s25+$0x720]  }
0x230: {  	v2 =	vadd.f32 v21, v2;
	v21 =	vld [tilespmem:s25+$0x560]  }
0x231: {  	v51 =	vld.idx.msk [tilespmem:v49+s3+$0x0], $0xffff  }
0x232: {  	v49 =	vld.idx.msk [tilespmem:v50+s3+$0x0], $0xffff  }
0x233: {  	v50 =	vld.idx.msk [tilespmem:v61+s3+$0x0], $0xffff  }
0x234: {  	v1 =	vadd.f32 v28, v1;
	v28 =	vld [tilespmem:s25+$0x730]  }
0x235: {  	v2 =	vadd.f32 v33, v2;
	v33 =	vld [tilespmem:s25+$0x740]  }
0x236: {  	v0 =	vld.idx.msk [tilespmem:v0+s3+$0x0], $0xffff  }
0x237: {  	v6 =	vld.idx.msk [tilespmem:v3+s3+$0x0], $0xffff  }
0x238: {  	v3 =	vld [tilespmem:$0x1FFB0]  }
0x239: {  	v1 =	vadd.f32 v30, v1;
	v2 =	vadd.f32 v25, v2;
	v25 =	vld [tilespmem:s25+$0x790]  }
0x23a: {  	v30 =	vld [tilespmem:s25+$0x540]  }
0x23b: {  	v1 =	vadd.f32 v52, v1;
	v52 =	vld [tilespmem:s25+$0x5C0]  }
0x23c: {  	v2 =	vadd.f32 v20, v2;
	v20 =	vld [tilespmem:s25+$0x5D0]  }
0x23d: {  	v35 =	vld.idx.msk [tilespmem:v35+s3+$0x0], $0xffff  }
0x23e: {  	v1 =	vadd.f32 v38, v1;
	v38 =	vld [tilespmem:s25+$0x750]  }
0x23f: {  	v45 =	vld.idx.msk [tilespmem:v27+s3+$0x0], $0xffff  }
0x240: {  	v0 =	vadd.f32 v0, v10;
	v10 =	vadd.f32 v11, v12;
	v11 =	vld [tilespmem:s25+$0x4A0]  }
0x241: {  	v12 =	vld [tilespmem:s25+$0x4B0]  }
0x242: {  	v1 =	vadd.f32 v32, v1;
	v32 =	vld [tilespmem:s25+$0x7A0]  }
0x243: {  	v0 =	vadd.f32 v9, v0;
	v9 =	vld [tilespmem:$0x1FF70]  }
0x244: {  	v8 =	vadd.f32 v8, v10;
	v10 =	vld.idx.msk [tilespmem:v13+s3+$0x0], $0xffff  }
0x245: {  	v13 =	vld [tilespmem:s25+$0x400]  }
0x246: {  	v5 =	vld.idx.msk [tilespmem:v3+s3+$0x0], $0xffff  }
0x247: {  	v3 =	vld [tilespmem:$0x1FF80]  }
0x248: {  	v1 =	vadd.f32 v15, v1;
	v15 =	vld [tilespmem:s25+$0x7D0]  }
0x249: {  	v43 =	vld.idx.msk [tilespmem:v25+s3+$0x0], $0xffff  }
0x24a: {  	v25 =	vld.idx.msk [tilespmem:v57+s3+$0x0], $0xffff  }
0x24b: {  	v57 =	vld.idx.msk [tilespmem:v58+s3+$0x0], $0xffff  }
0x24c: {  	v7 =	vadd.f32 v7, v0;
	v0 =	vld [tilespmem:s25+$0x780]  }
0x24d: {  	v6 =	vadd.f32 v6, v8;
	v8 =	vld [tilespmem:s25+$0x530]  }
0x24e: {  	v1 =	vadd.f32 v19, v1;
	v19 =	vld.idx.msk [tilespmem:v42+s3+$0x0], $0xffff  }
0x24f: {  	v42 =	vld.idx.msk [tilespmem:v28+s3+$0x0], $0xffff  }
0x250: {  	v52 =	vld.idx.msk [tilespmem:v52+s3+$0x0], $0xffff  }
0x251: {  	[tilespmem:$0x1FC80] =	vst v1;
	v1 =	vld [tilespmem:$0x1FFF0]  }
0x252: {  	v27 =	vld.idx.msk [tilespmem:v38+s3+$0x0], $0xffff  }
0x253: {  	v38 =	vld.idx.msk [tilespmem:v62+s3+$0x0], $0xffff  }
0x254: {  	v4 =	vld.idx.msk [tilespmem:v3+s3+$0x0], $0xffff  }
0x255: {  	v3 =	vld [tilespmem:$0x1FF90]  }
0x256: {  	v5 =	vadd.f32 v5, v7;
	v7 =	vld [tilespmem:s25+$0x520]  }
0x257: {  	v28 =	vld.idx.msk [tilespmem:v11+s3+$0x0], $0xffff  }
0x258: {  	v62 =	vld.idx.msk [tilespmem:v12+s3+$0x0], $0xffff  }
0x259: {  	v39 =	vld.idx.msk [tilespmem:v32+s3+$0x0], $0xffff  }
0x25a: {  	v32 =	vld.idx.msk [tilespmem:v56+s3+$0x0], $0xffff  }
0x25b: {  	v9 =	vld.idx.msk [tilespmem:v9+s3+$0x0], $0xffff  }
0x25c: {  	v44 =	vld.idx.msk [tilespmem:v0+s3+$0x0], $0xffff  }
0x25d: {  	v3 =	vld.idx.msk [tilespmem:v3+s3+$0x0], $0xffff  }
0x25e: {  	v0 =	vld.idx.msk [tilespmem:v15+s3+$0x0], $0xffff  }
0x25f: {  	v1 =	vadd.f32 v1, v2;
	v2 =	vld [tilespmem:s25+$0x710]  }
0x260: {  	v15 =	vld.idx.msk [tilespmem:v33+s3+$0x0], $0xffff;
	v4 =	vadd.f32 v4, v6  }
0x261: {  	v33 =	vld.idx.msk [tilespmem:v63+s3+$0x0], $0xffff  }
0x262: {  	[tilespmem:$0x1FC90] =	vst v1;
	v6 =	vld [tilespmem:s25+$0x510];
	v1 =	vadd.f32 v9, v4;
	v3 =	vadd.f32 v3, v5  }
0x263: {  	[tilespmem:$0x1FFF0] =	vst v0;
	v0 =	vld.idx.msk [tilespmem:v46+s3+$0x0], $0xffff  }
0x264: {  	[tilespmem:$0x1FC20] =	vst v1;
	v1 =	vadd.f32 v10, v3;
	v3 =	vld [tilespmem:s25+$0x760]  }
0x265: {  	v46 =	vld.idx.msk [tilespmem:v55+s3+$0x0], $0xffff  }
0x266: {  	v55 =	vld.idx.msk [tilespmem:v60+s3+$0x0], $0xffff  }
0x267: {  	[tilespmem:$0x1FC30] =	vst v1;
	v1 =	vld [tilespmem:s25+$0x7E0]  }
0x268: {  	v4 =	vld [tilespmem:s25+$0x590]  }
0x269: {  	[tilespmem:$0x1FF80] =	vst v3;
	v3 =	vld [tilespmem:s25+$0x770]  }
0x26a: {  	v9 =	vld [tilespmem:s25+$0x570]  }
0x26b: {  	v5 =	vld [tilespmem:s25+$0x5F0]  }
0x26c: {  	[tilespmem:$0x1FF70] =	vst v1;
	v1 =	vld [tilespmem:s25+$0x700]  }
0x26d: {  	v60 =	vld.idx.msk [tilespmem:v6+s3+$0x0], $0xffff  }
0x26e: {  	[tilespmem:$0x1FF90] =	vst v3;
	v3 =	vld [tilespmem:s25+$0x6E0]  }
0x26f: {  	v6 =	vld.idx.msk [tilespmem:v17+s3+$0x0], $0xffff  }
0x270: {  	v17 =	vmov v18;
	v18 =	vmov v20;
	v20 =	vmov v27;
	v27 =	vld.idx.msk [tilespmem:v7+s3+$0x0], $0xffff  }
0x271: {  	v7 =	vld [tilespmem:$0x1FC40]  }
0x272: {  	[tilespmem:$0x1FFD0] =	vst v5;
	v5 =	vld [tilespmem:s25+$0x500]  }
0x273: {  	[tilespmem:$0x1FFA0] =	vst v3;
	v3 =	vld [tilespmem:s25+$0x6F0]  }
0x274: {  	v48 =	vld.idx.msk [tilespmem:v1+s3+$0x0], $0xffff  }
0x275: {  	v1 =	vld.idx.msk [tilespmem:v13+s3+$0x0], $0xffff  }
0x276: {  	[tilespmem:$0x1FFE0] =	vst v9;
	v9 =	vld [tilespmem:s25+$0x480]  }
0x277: {  	v58 =	vld.idx.msk [tilespmem:v4+s3+$0x0], $0xffff  }
0x278: {  	[tilespmem:$0x1FFB0] =	vst v3;
	v3 =	vld [tilespmem:s25+$0x670]  }
0x279: {  	v4 =	vld.idx.msk [tilespmem:v14+s3+$0x0], $0xffff  }
0x27a: {  	v7 =	vadd.f32 v1, v7;
	v1 =	vld [tilespmem:$0x1FC50]  }
0x27b: {  	v10 =	vld [tilespmem:s25+$0x490]  }
0x27c: {  	v63 =	vld.idx.msk [tilespmem:v5+s3+$0x0], $0xffff  }
0x27d: {  	[tilespmem:$0x1FFC0] =	vst v3;
	v3 =	vld [tilespmem:s25+$0x580]  }
0x27e: {  	v5 =	vld.idx.msk [tilespmem:v16+s3+$0x0], $0xffff  }
0x27f: {  	v4 =	vadd.f32 v4, v1;
	v1 =	vld [tilespmem:$0x1FC60]  }
0x280: {  	v56 =	vld.idx.msk [tilespmem:v59+s3+$0x0], $0xffff  }
0x281: {  	v61 =	vld.idx.msk [tilespmem:v8+s3+$0x0], $0xffff  }
0x282: {  	v47 =	vld.idx.msk [tilespmem:v2+s3+$0x0], $0xffff  }
0x283: {  	v2 =	vld.idx.msk [tilespmem:v9+s3+$0x0], $0xffff  }
0x284: {  	v1 =	vadd.f32 v5, v1;
	v5 =	vld [tilespmem:$0x1FC70]  }
0x285: {  	v59 =	vld.idx.msk [tilespmem:v3+s3+$0x0], $0xffff  }
0x286: {  	p0 =	sne.s32 s24, $0x18000;
	v3 =	vld.idx.msk [tilespmem:v10+s3+$0x0], $0xffff  }
.Ltmp0:
0x287: {  	v8 =	vmov v26;
	v26 =	vld.idx.msk [tilespmem:v53+s3+$0x0], $0xffff;
	(pc) =	sbr.rel @p0 .LBB2_2-.Ltmp0, $4  }
0x288: {  	v14 =	vld [tilespmem:$0x1FC30]  }
0x289: {  	v2 =	vadd.f32 v2, v7;
	v7 =	vld [tilespmem:$0x1FC90]  }
0x28a: {  	v10 =	vld [tilespmem:$0x1FC20]  }
0x28b: {  	s24 =	sadd.s32 $0x1000, s24;
	v11 =	vmovc v21;
	v9 =	vmovc v23;
	v13 =	vmov v29;
	v29 =	vadd.f32 v6, v5;
	v6 =	vld [tilespmem:$0x1FC80];
	v53 =	vadd.f32 v3, v4  }
0x28c: {  	v2 =	vadd.f32 v63, v2;
	_ =	sdelay $0x1  }
0x28d: {  	v2 =	vadd.f32 v59, v2;
	_ =	sdelay $0x1  }
0x28e: {  	v2 =	vadd.f32 v57, v2;
	_ =	sdelay $0x1  }
0x28f: {  	v0 =	vadd.f32 v0, v2  }
0x290: {  	v2 =	vld [tilespmem:$0x1FCA0]  }
0x291: {  	v0 =	vadd.f32 v48, v0;
	_ =	sdelay $0x1  }
0x292: {  	v0 =	vadd.f32 v44, v0;
	_ =	sdelay $0x1  }
0x293: {  	v12 =	vbroadcast v2, $0x0;
	v0 =	vmul.f32 $4.999999890e-03, v0  }
0x294: {  	v2 =	vadd.f32 v60, v53  }
0x295: {  	v0 =	vadd.f32 v0, v12  }
0x296: {  	v2 =	vadd.f32 v58, v2  }
0x297: {  	v0 =	vsub.f32 $0.0e+00, v0  }
0x298: {  	v2 =	vadd.f32 v56, v2  }
0x299: {  	v0 =	vmul.f32 $1.442695020e+00, v0  }
0x29a: {  	v2 =	vadd.f32 v51, v2  }
0x29b: {  	(erf) = vpow2.f32 v0  }
0x29c: {  	v0 =	vadd.f32 v47, v2;
	_ =	sdelay $0x1  }
0x29d: {  	v0 =	vadd.f32 v43, v0  }
0x29e: {  	v1 =	vadd.f32 v28, v1  }
0x29f: {  	v0 =	vmul.f32 $4.999999890e-03, v0  }
0x2a0: {  	v1 =	vadd.f32 v27, v1  }
0x2a1: {  	v0 =	vadd.f32 v0, v12  }
0x2a2: {  	v1 =	vadd.f32 v54, v1  }
0x2a3: {  	v0 =	vsub.f32 $0.0e+00, v0;
	v2 =	vpop (erf)  }
0x2a4: {  	v1 =	vadd.f32 v55, v1;
	v2 =	vadd.f32 $1.000000000e+00, v2  }
0x2a5: {  	v0 =	vmul.f32 $1.442695020e+00, v0  }
0x2a6: {  	v1 =	vadd.f32 v49, v1;
	(erf) = vrcp.f32 v2  }
0x2a7: {  	(erf) = vpow2.f32 v0  }
0x2a8: {  	v0 =	vadd.f32 v45, v1;
	_ =	sdelay $0x1  }
0x2a9: {  	v0 =	vadd.f32 v39, v0  }
0x2aa: {  	v1 =	vadd.f32 v62, v29  }
0x2ab: {  	v0 =	vmul.f32 $4.999999890e-03, v0  }
0x2ac: {  	v1 =	vadd.f32 v61, v1  }
0x2ad: {  	v0 =	vadd.f32 v0, v12  }
0x2ae: {  	v1 =	vadd.f32 v26, v1;
	v2 =	vpop (erf)  }
0x2af: {  	v0 =	vsub.f32 $0.0e+00, v0;
	v3 =	vpop (erf)  }
0x2b0: {  	v4 =	vld.idx.msk [tilespmem:v41+s3+$0x0], $0xffff;
	v1 =	vadd.f32 v50, v1;
	v3 =	vadd.f32 $1.000000000e+00, v3  }
0x2b1: {  	v0 =	vmul.f32 $1.442695020e+00, v0  }
0x2b2: {  	v5 =	vld.idx.msk [tilespmem:v37+s3+$0x0], $0xffff;
	v1 =	vadd.f32 v46, v1;
	(erf) = vrcp.f32 v3  }
0x2b3: {  	(erf) = vpow2.f32 v0  }
0x2b4: {  	v1 =	vadd.f32 v42, v1  }
0x2b5: {  	v3 =	vadd.f32 v4, v6  }
0x2b6: {  	v1 =	vadd.f32 v35, v1;
	v0 =	vld.idx.msk [tilespmem:v30+s3+$0x0], $0xffff  }
0x2b7: {  	v3 =	vadd.f32 v5, v3  }
0x2b8: {  	v1 =	vmul.f32 $4.999999890e-03, v1;
	_ =	sdelay $0x1  }
0x2b9: {  	v1 =	vadd.f32 v1, v12  }
0x2ba: {  	v0 =	vadd.f32 v0, v3;
	v3 =	vpop (erf)  }
0x2bb: {  	v1 =	vsub.f32 $0.0e+00, v1;
	v4 =	vpop (erf)  }
0x2bc: {  	v5 =	vld.idx.msk [tilespmem:v36+s3+$0x0], $0xffff;
	v0 =	vadd.f32 v52, v0;
	v4 =	vadd.f32 $1.000000000e+00, v4  }
0x2bd: {  	v1 =	vmul.f32 $1.442695020e+00, v1  }
0x2be: {  	v6 =	vld.idx.msk [tilespmem:v31+s3+$0x0], $0xffff;
	v0 =	vadd.f32 v38, v0;
	(erf) = vrcp.f32 v4  }
0x2bf: {  	(erf) = vpow2.f32 v1  }
0x2c0: {  	v0 =	vadd.f32 v32, v0  }
0x2c1: {  	v4 =	vadd.f32 v5, v7;
	v1 =	vld.idx.msk [tilespmem:v24+s3+$0x0], $0xffff  }
0x2c2: {  	v0 =	vadd.f32 v15, v0  }
0x2c3: {  	v5 =	vld.idx.msk [tilespmem:v18+s3+$0x0], $0xffff;
	v4 =	vadd.f32 v6, v4  }
0x2c4: {  	v0 =	vadd.f32 v19, v0;
	_ =	sdelay $0x1  }
0x2c5: {  	v6 =	vld.idx.msk [tilespmem:v40+s3+$0x0], $0xffff;
	v0 =	vmul.f32 $4.999999890e-03, v0;
	v1 =	vadd.f32 v1, v4  }
0x2c6: {  	v4 =	vpop (erf)  }
0x2c7: {  	v0 =	vadd.f32 v0, v12;
	v1 =	vadd.f32 v5, v1;
	v5 =	vpop (erf)  }
0x2c8: {  	v5 =	vadd.f32 $1.000000000e+00, v5  }
0x2c9: {  	v0 =	vsub.f32 $0.0e+00, v0  }
0x2ca: {  	v1 =	vadd.f32 v33, v1;
	(erf) = vrcp.f32 v5;
	v5 =	vadd.f32 v6, v10;
	v6 =	vld.idx.msk [tilespmem:v9+s3+$0x0], $0xffff  }
0x2cb: {  	v0 =	vmul.f32 $1.442695020e+00, v0;
	v9 =	vld [tilespmem:$0x1FFF0]  }
0x2cc: {  	v7 =	vld.idx.msk [tilespmem:v22+s3+$0x0], $0xffff;
	v1 =	vadd.f32 v25, v1  }
0x2cd: {  	(erf) = vpow2.f32 v0  }
0x2ce: {  	v0 =	vld.idx.msk [tilespmem:v11+s3+$0x0], $0xffff;
	v1 =	vadd.f32 v20, v1;
	_ =	sdelay $0x1  }
0x2cf: {  	v1 =	vadd.f32 v9, v1  }
0x2d0: {  	v5 =	vadd.f32 v7, v5  }
0x2d1: {  	v7 =	vld.idx.msk [tilespmem:v8+s3+$0x0], $0xffff;
	v1 =	vmul.f32 $4.999999890e-03, v1  }
0x2d2: {  	v0 =	vadd.f32 v0, v5  }
0x2d3: {  	v1 =	vadd.f32 v1, v12  }
0x2d4: {  	v0 =	vadd.f32 v6, v0;
	v6 =	vpop (erf)  }
0x2d5: {  	v5 =	vld [tilespmem:$0x1FFA0];
	v9 =	vpop (erf);
	v1 =	vsub.f32 $0.0e+00, v1  }
0x2d6: {  	v0 =	vadd.f32 v7, v0;
	v7 =	vadd.f32 $1.000000000e+00, v9  }
0x2d7: {  	v8 =	vld [tilespmem:$0x1FF80];
	v1 =	vmul.f32 $1.442695020e+00, v1  }
0x2d8: {  	(erf) = vrcp.f32 v7  }
0x2d9: {  	(erf) = vpow2.f32 v1;
	v1 =	vld [tilespmem:$0x1FFE0];
	_ =	sdelay $0x1  }
0x2da: {  	v9 =	vld [tilespmem:$0x1FF70]  }
0x2db: {  	v10 =	vld.idx.msk [tilespmem:v34+s3+$0x0], $0xffff  }
0x2dc: {  	v5 =	vld.idx.msk [tilespmem:v5+s3+$0x0], $0xffff  }
0x2dd: {  	v11 =	vld.idx.msk [tilespmem:v17+s3+$0x0], $0xffff  }
0x2de: {  	v8 =	vld.idx.msk [tilespmem:v8+s3+$0x0], $0xffff;
	_ =	sdelay $0x1  }
0x2df: {  	v1 =	vld.idx.msk [tilespmem:v1+s3+$0x0], $0xffff  }
0x2e0: {  	v7 =	vld [tilespmem:$0x1FFD0];
	v0 =	vadd.f32 v5, v0;
	v5 =	vadd.f32 v10, v14  }
0x2e1: {  	v9 =	vld.idx.msk [tilespmem:v9+s3+$0x0], $0xffff  }
0x2e2: {  	v0 =	vadd.f32 v8, v0;
	v5 =	vadd.f32 v11, v5;
	v8 =	vld [tilespmem:$0x1FFC0];
	_ =	sdelay $0x1  }
0x2e3: {  	v1 =	vadd.f32 v1, v5;
	v5 =	vld [tilespmem:$0x1FFB0];
	_ =	sdelay $0x1  }
0x2e4: {  	v0 =	vadd.f32 v9, v0;
	v9 =	vld [tilespmem:$0x1FF90];
	_ =	sdelay $0x1  }
0x2e5: {  	v7 =	vld.idx.msk [tilespmem:v7+s3+$0x0], $0xffff;
	_ =	sdelay $0x1  }
0x2e6: {  	v0 =	vmul.f32 $4.999999890e-03, v0;
	v8 =	vld.idx.msk [tilespmem:v8+s3+$0x0], $0xffff;
	_ =	sdelay $0x1  }
0x2e7: {  	v0 =	vadd.f32 v0, v12;
	v5 =	vld.idx.msk [tilespmem:v5+s3+$0x0], $0xffff  }
0x2e8: {  	v1 =	vadd.f32 v7, v1;
	v7 =	vpop (erf)  }
0x2e9: {  	v0 =	vsub.f32 $0.0e+00, v0;
	v10 =	vpop (erf);
	v9 =	vld.idx.msk [tilespmem:v9+s3+$0x0], $0xffff  }
0x2ea: {  	v1 =	vadd.f32 v8, v1;
	v8 =	vadd.f32 $1.000000000e+00, v10  }
0x2eb: {  	v0 =	vmul.f32 $1.442695020e+00, v0;
	v10 =	vld.idx.msk [tilespmem:v13+s3+$0x0], $0xffff  }
0x2ec: {  	(erf) = vrcp.f32 v8;
	v1 =	vadd.f32 v5, v1  }
0x2ed: {  	(erf) = vpow2.f32 v0  }
0x2ee: {  	v0 =	vadd.f32 v9, v1;
	_ =	sdelay $0x1  }
0x2ef: {  	v0 =	vadd.f32 v10, v0;
	_ =	sdelay $0x1  }
0x2f0: {  	v0 =	vmul.f32 $4.999999890e-03, v0;
	_ =	sdelay $0x1  }
0x2f1: {  	v0 =	vadd.f32 v0, v12  }
0x2f2: {  	v1 =	vpop (erf)  }
0x2f3: {  	v5 =	vpop (erf);
	v0 =	vsub.f32 $0.0e+00, v0  }
0x2f4: {  	v5 =	vadd.f32 $1.000000000e+00, v5  }
0x2f5: {  	v0 =	vmul.f32 $1.442695020e+00, v0  }
0x2f6: {  	(erf) = vrcp.f32 v5  }
0x2f7: {  	(erf) = vpow2.f32 v0;
	_ =	sdelay $0x7  }
0x2f8: {  	v0 =	vpop (erf)  }
0x2f9: {  	v5 =	vpop (erf)  }
0x2fa: {  	v5 =	vadd.f32 $1.000000000e+00, v5;
	_ =	sdelay $0x1  }
0x2fb: {  	(erf) = vrcp.f32 v5;
	_ =	sdelay $0x1  }
0x2fc: {  	[tilespmem:$0x1FB80] =	vst v12  }
0x2fd: {  	[tilespmem:$0xCC00] =	vst v2  }
0x2fe: {  	[tilespmem:$0xCC10] =	vst v3  }
0x2ff: {  	[tilespmem:$0xCC20] =	vst v4  }
0x300: {  	[tilespmem:$0xCC30] =	vst v6  }
0x301: {  	[tilespmem:$0xCC40] =	vst v7  }
0x302: {  	[tilespmem:$0xCC50] =	vst v1  }
0x303: {  	[tilespmem:$0xCC60] =	vst v0;
	v0 =	vpop (erf)  }
0x304: {  	[tilespmem:$0xCC70] =	vst v0  }
0x305: {  	_ =	swait.ge [sflag:s21], $0x6400  }
0x306: {  	[sflag:s21] =	ssyncset.done $0x0  }
0x307: {  	s24 =	simm.s32 $0x0;
	[sflag:s21] =	ssyncadd.s32 $0xFFFF9C00  }
0x308: {  	[tilespmem:s14], [sflag:$0x1] =	stream.strided.gather [hbm4b:s9+s14], $0x6400, s13, s14, $0x38;
	[tilespmem:$0xDF40] =	vst v63  }
0x309: {  	v0 =	vld [tilespmem:s24+$0x6B80]  }
0x30a: {  	v15 =	vld [tilespmem:s24+$0x6B90]  }
0x30b: {  	v3 =	vld [tilespmem:s24+$0x6BA0]  }
0x30c: {  	v35 =	vld [tilespmem:s24+$0x6BB0]  }
0x30d: {  	v42 =	vld [tilespmem:s24+$0x6BC0]  }
0x30e: {  	v45 =	vld [tilespmem:s24+$0x6BD0]  }
0x30f: {  	v1 =	vld [tilespmem:s24+$0x6BE0]  }
0x310: {  	v13 =	vld [tilespmem:s24+$0x6BF0]  }
0x311: {  	v46 =	vld [tilespmem:s24+$0x6B00]  }
0x312: {  	v20 =	vld [tilespmem:s24+$0x6B10]  }
0x313: {  	v23 =	vld [tilespmem:s24+$0x6B20]  }
0x314: {  	v25 =	vld [tilespmem:s24+$0x6B30]  }
0x315: {  	v49 =	vld [tilespmem:s24+$0x6B40]  }
0x316: {  	v51 =	vld [tilespmem:s24+$0x6B50]  }
0x317: {  	v53 =	vld [tilespmem:s24+$0x6A80]  }
0x318: {  	v56 =	vld [tilespmem:s24+$0x6A90]  }
0x319: {  	v32 =	vld [tilespmem:s24+$0x6AA0]  }
0x31a: {  	v33 =	vld [tilespmem:s24+$0x6AB0]  }
0x31b: {  	v34 =	vld [tilespmem:s24+$0x6AC0]  }
0x31c: {  	v38 =	vld [tilespmem:s24+$0x6AD0]  }
0x31d: {  	v40 =	vld [tilespmem:s24+$0x6A00]  }
0x31e: {  	v50 =	vld [tilespmem:s24+$0x6A10]  }
0x31f: {  	v52 =	vld [tilespmem:s24+$0x6A20]  }
0x320: {  	v54 =	vld [tilespmem:s24+$0x6A30]  }
0x321: {  	v55 =	vld [tilespmem:s24+$0x6A40]  }
0x322: {  	v59 =	vld [tilespmem:s24+$0x6A50]  }
0x323: {  	v8 =	vld [tilespmem:s24+$0x6A60]  }
0x324: {  	v60 =	vld [tilespmem:s24+$0x6980]  }
0x325: {  	v61 =	vld [tilespmem:s24+$0x6990]  }
0x326: {  	v21 =	vld [tilespmem:s24+$0x69A0]  }
0x327: {  	v5 =	vld [tilespmem:s24+$0x69B0]  }
0x328: {  	v7 =	vld [tilespmem:s24+$0x69C0]  }
0x329: {  	v18 =	vld [tilespmem:s24+$0x69D0]  }
0x32a: {  	v9 =	vld [tilespmem:s24+$0x69E0]  }
0x32b: {  	v62 =	vld [tilespmem:s24+$0x6900]  }
0x32c: {  	v63 =	vld [tilespmem:s24+$0x6910]  }
0x32d: {  	v2 =	vld [tilespmem:s24+$0x6930]  }
0x32e: {  	v30 =	vld [tilespmem:s24+$0x6940]  }
0x32f: {  	v24 =	vld [tilespmem:s24+$0x6950]  }
0x330: {  	v11 =	vld [tilespmem:s24+$0x6960]  }
0x331: {  	v4 =	vld [tilespmem:s24+$0x6970]  }
0x332: {  	v10 =	vld [tilespmem:s24+$0x6880]  }
0x333: {  	v12 =	vld [tilespmem:s24+$0x6890]  }
0x334: {  	v14 =	vld [tilespmem:s24+$0x68A0]  }
0x335: {  	v16 =	vld [tilespmem:s24+$0x68B0]  }
0x336: {  	v37 =	vld [tilespmem:s24+$0x68C0]  }
0x337: {  	v31 =	vld [tilespmem:s24+$0x68D0]  }
0x338: {  	v22 =	vld [tilespmem:s24+$0x68E0]  }
0x339: {  	v17 =	vld [tilespmem:s24+$0x68F0]  }
0x33a: {  	v26 =	vld [tilespmem:s24+$0x6800]  }
0x33b: {  	v27 =	vld [tilespmem:s24+$0x6810]  }
0x33c: {  	v28 =	vld [tilespmem:s24+$0x6820]  }
0x33d: {  	v29 =	vld [tilespmem:s24+$0x6830]  }
0x33e: {  	v41 =	vld [tilespmem:s24+$0x6840]  }
0x33f: {  	v36 =	vld [tilespmem:s24+$0x6850]  }
0x340: {  	[tilespmem:$0x1FB90] =	vst v1;
	v1 =	vld [tilespmem:s24+$0x6B60]  }
0x341: {  	v44 =	vld.idx.msk [tilespmem:v0+s3+$0x0], $0xffff  }
0x342: {  	v43 =	vld.idx.msk [tilespmem:v15+s3+$0x0], $0xffff  }
0x343: {  	v39 =	vld.idx.msk [tilespmem:v3+s3+$0x0], $0xffff  }
0x344: {  	v35 =	vld.idx.msk [tilespmem:v35+s3+$0x0], $0xffff  }
0x345: {  	v19 =	vld.idx.msk [tilespmem:v42+s3+$0x0], $0xffff  }
0x346: {  	v0 =	vld.idx.msk [tilespmem:v45+s3+$0x0], $0xffff  }
0x347: {  	v48 =	vld.idx.msk [tilespmem:v46+s3+$0x0], $0xffff  }
0x348: {  	v47 =	vld.idx.msk [tilespmem:v20+s3+$0x0], $0xffff  }
0x349: {  	v45 =	vld.idx.msk [tilespmem:v23+s3+$0x0], $0xffff  }
0x34a: {  	v42 =	vld.idx.msk [tilespmem:v25+s3+$0x0], $0xffff  }
0x34b: {  	v23 =	vld.idx.msk [tilespmem:v49+s3+$0x0], $0xffff  }
0x34c: {  	v20 =	vld.idx.msk [tilespmem:v51+s3+$0x0], $0xffff  }
0x34d: {  	[tilespmem:$0x1FBA0] =	vst v1;
	v1 =	vld [tilespmem:s24+$0x6B70]  }
0x34e: {  	v53 =	vld.idx.msk [tilespmem:v53+s3+$0x0], $0xffff  }
0x34f: {  	v51 =	vld.idx.msk [tilespmem:v56+s3+$0x0], $0xffff  }
0x350: {  	v49 =	vld.idx.msk [tilespmem:v32+s3+$0x0], $0xffff  }
0x351: {  	v46 =	vld.idx.msk [tilespmem:v33+s3+$0x0], $0xffff  }
0x352: {  	[tilespmem:$0x1FBB0] =	vst v1;
	v1 =	vld [tilespmem:s24+$0x6AE0]  }
0x353: {  	v32 =	vld.idx.msk [tilespmem:v34+s3+$0x0], $0xffff  }
0x354: {  	v15 =	vld.idx.msk [tilespmem:v38+s3+$0x0], $0xffff  }
0x355: {  	v58 =	vld.idx.msk [tilespmem:v40+s3+$0x0], $0xffff  }
0x356: {  	v57 =	vld.idx.msk [tilespmem:v50+s3+$0x0], $0xffff  }
0x357: {  	[tilespmem:$0x1FBC0] =	vst v1;
	v1 =	vld [tilespmem:s24+$0x6AF0]  }
0x358: {  	v56 =	vld.idx.msk [tilespmem:v52+s3+$0x0], $0xffff  }
0x359: {  	v50 =	vld.idx.msk [tilespmem:v54+s3+$0x0], $0xffff  }
0x35a: {  	v38 =	vld.idx.msk [tilespmem:v55+s3+$0x0], $0xffff  }
0x35b: {  	v33 =	vld.idx.msk [tilespmem:v59+s3+$0x0], $0xffff  }
0x35c: {  	[tilespmem:$0x1FBD0] =	vst v1;
	v1 =	vld [tilespmem:s24+$0x6A70]  }
0x35d: {  	v60 =	vld.idx.msk [tilespmem:v60+s3+$0x0], $0xffff  }
0x35e: {  	v59 =	vld.idx.msk [tilespmem:v61+s3+$0x0], $0xffff  }
0x35f: {  	v61 =	vld.idx.msk [tilespmem:v63+s3+$0x0], $0xffff  }
0x360: {  	v10 =	vld.idx.msk [tilespmem:v10+s3+$0x0], $0xffff  }
0x361: {  	[tilespmem:$0x1FBE0] =	vst v1;
	v1 =	vld [tilespmem:s24+$0x69F0]  }
0x362: {  	v12 =	vld.idx.msk [tilespmem:v12+s3+$0x0], $0xffff  }
0x363: {  	v26 =	vld.idx.msk [tilespmem:v26+s3+$0x0], $0xffff  }
0x364: {  	v40 =	vld.idx.msk [tilespmem:v27+s3+$0x0], $0xffff  }
0x365: {  	v52 =	vld.idx.msk [tilespmem:v28+s3+$0x0], $0xffff  }
0x366: {  	[tilespmem:$0x1FBF0] =	vst v1;
	v1 =	vld [tilespmem:s24+$0x6920]  }
0x367: {  	v29 =	vld.idx.msk [tilespmem:v29+s3+$0x0], $0xffff  }
0x368: {  	v28 =	vld.idx.msk [tilespmem:v14+s3+$0x0], $0xffff  }
0x369: {  	v63 =	vld.idx.msk [tilespmem:v16+s3+$0x0], $0xffff  }
0x36a: {  	v34 =	vld [tilespmem:s24+$0x6870]  }
0x36b: {  	v55 =	vld.idx.msk [tilespmem:v21+s3+$0x0], $0xffff  }
0x36c: {  	[tilespmem:$0x1FC10] =	vst v0;
	v0 =	vld.idx.msk [tilespmem:v62+s3+$0x0], $0xffff  }
0x36d: {  	v6 =	vimm.f32 $0.0e+00;
	v62 =	vld.idx.msk [tilespmem:v2+s3+$0x0], $0xffff  }
0x36e: {  	v14 =	vadd.f32 v40, v6;
	v27 =	vld.idx.msk [tilespmem:v1+s3+$0x0], $0xffff;
	v1 =	vadd.f32 v26, v6  }
0x36f: {  	v40 =	vld [tilespmem:s24+$0x6860];
	v29 =	vadd.f32 v29, v6  }
0x370: {  	v54 =	vadd.f32 v12, v14;
	v14 =	vimm.f32 $0.0e+00;
	v26 =	vld.idx.msk [tilespmem:v5+s3+$0x0], $0xffff;
	v2 =	vadd.f32 v10, v1  }
0x371: {  	[tilespmem:$0x1FC00] =	vst v4;
	s24 =	simm.s32 $0x1000;
	v1 =	vadd.f32 v52, v6;
	v52 =	vld.idx.msk [tilespmem:v7+s3+$0x0], $0xffff;
	v7 =	vimm.f32 $0.0e+00;
	v10 =	vimm.f32 $0.0e+00  }
.LBB2_4:
0x372: {  	_ =	sdelay $0x2  }
0x373: {  	v21 =	vld.idx.msk [tilespmem:v18+s3+$0x0], $0xffff  }
0x374: {  	v24 =	vld.idx.msk [tilespmem:v24+s3+$0x0], $0xffff  }
0x375: {  	v22 =	vld.idx.msk [tilespmem:v22+s3+$0x0], $0xffff  }
0x376: {  	v18 =	vld.idx.msk [tilespmem:v17+s3+$0x0], $0xffff  }
0x377: {  	v17 =	vld.idx.msk [tilespmem:v11+s3+$0x0], $0xffff  }
0x378: {  	v11 =	vld.idx.msk [tilespmem:v9+s3+$0x0], $0xffff  }
0x379: {  	v3 =	vld [tilespmem:$0x1FBF0]  }
0x37a: {  	v8 =	vld.idx.msk [tilespmem:v8+s3+$0x0], $0xffff;
	s25 =	sshra.s32 s24, $0x2  }
0x37b: {  	v0 =	vadd.f32 v0, v2;
	v2 =	vadd.f32 v61, v54;
	v61 =	vld [tilespmem:s25+$0x6A20]  }
0x37c: {  	v54 =	vld [tilespmem:s25+$0x69B0]  }
0x37d: {  	v25 =	vld [tilespmem:s25+$0x6950]  }
0x37e: {  	v16 =	vld [tilespmem:s25+$0x6810]  }
0x37f: {  	v2 =	vadd.f32 v59, v2;
	v59 =	vld [tilespmem:s25+$0x6A00]  }
0x380: {  	v0 =	vadd.f32 v60, v0;
	v60 =	vld [tilespmem:s25+$0x6A10]  }
0x381: {  	v30 =	vld.idx.msk [tilespmem:v30+s3+$0x0], $0xffff  }
0x382: {  	v31 =	vld.idx.msk [tilespmem:v31+s3+$0x0], $0xffff  }
0x383: {  	v36 =	vld.idx.msk [tilespmem:v36+s3+$0x0], $0xffff  }
0x384: {  	v1 =	vadd.f32 v28, v1;
	v28 =	vadd.f32 v63, v29;
	v63 =	vld.idx.msk [tilespmem:v40+s3+$0x0], $0xffff  }
0x385: {  	v34 =	vld.idx.msk [tilespmem:v34+s3+$0x0], $0xffff  }
0x386: {  	v40 =	vld [tilespmem:s25+$0x6860]  }
0x387: {  	v2 =	vadd.f32 v57, v2;
	v57 =	vld [tilespmem:s25+$0x6AC0]  }
0x388: {  	v0 =	vadd.f32 v58, v0;
	v58 =	vld [tilespmem:s25+$0x6AD0]  }
0x389: {  	v1 =	vadd.f32 v27, v1;
	v27 =	vadd.f32 v62, v28;
	v28 =	vld.idx.msk [tilespmem:v37+s3+$0x0], $0xffff  }
0x38a: {  	v62 =	vld [tilespmem:s25+$0x6A30]  }
0x38b: {  	v37 =	vld [tilespmem:s25+$0x68C0]  }
0x38c: {  	v26 =	vadd.f32 v26, v27;
	v27 =	vld.idx.msk [tilespmem:v41+s3+$0x0], $0xffff  }
0x38d: {  	v9 =	vld.idx.msk [tilespmem:v3+s3+$0x0], $0xffff  }
0x38e: {  	v3 =	vld [tilespmem:$0x1FBE0]  }
0x38f: {  	v1 =	vadd.f32 v55, v1;
	v55 =	vld [tilespmem:s25+$0x69A0]  }
0x390: {  	v41 =	vld [tilespmem:s25+$0x6840]  }
0x391: {  	v12 =	vadd.f32 v63, v10;
	v63 =	vld [tilespmem:s25+$0x6A40]  }
0x392: {  	v10 =	vadd.f32 v34, v14;
	v14 =	vld [tilespmem:s25+$0x6800]  }
0x393: {  	v34 =	vld [tilespmem:s25+$0x6870]  }
0x394: {  	v26 =	vadd.f32 v50, v26;
	v50 =	vld [tilespmem:s25+$0x6AA0]  }
0x395: {  	v0 =	vadd.f32 v53, v0;
	v1 =	vadd.f32 v56, v1;
	v56 =	vld [tilespmem:s25+$0x6AB0]  }
0x396: {  	v2 =	vadd.f32 v51, v2;
	v12 =	vadd.f32 v22, v12;
	v22 =	vld [tilespmem:s25+$0x68F0]  }
0x397: {  	v0 =	vadd.f32 v48, v0;
	v10 =	vadd.f32 v18, v10;
	v18 =	vld [tilespmem:s25+$0x6830]  }
0x398: {  	v2 =	vadd.f32 v47, v2;
	v26 =	vadd.f32 v46, v26;
	v46 =	vld [tilespmem:s25+$0x6A80]  }
0x399: {  	v0 =	vadd.f32 v44, v0;
	v1 =	vadd.f32 v49, v1;
	v49 =	vld [tilespmem:s25+$0x6A90]  }
0x39a: {  	v12 =	vadd.f32 v17, v12;
	v17 =	vld [tilespmem:s25+$0x6820]  }
0x39b: {  	[tilespmem:$0x1FB20] =	vst v0;
	v0 =	vadd.f32 v43, v2;
	v2 =	vadd.f32 v36, v7;
	v36 =	vld [tilespmem:s25+$0x6850]  }
0x39c: {  	v29 =	vadd.f32 v42, v26;
	v42 =	vld [tilespmem:s25+$0x6BC0]  }
0x39d: {  	v26 =	vld [tilespmem:s25+$0x6A60]  }
0x39e: {  	[tilespmem:$0x1FB30] =	vst v0;
	v0 =	vld [tilespmem:$0x1FC00]  }
0x39f: {  	v2 =	vadd.f32 v31, v2;
	v31 =	vld [tilespmem:s25+$0x68D0]  }
0x3a0: {  	v1 =	vadd.f32 v45, v1;
	v7 =	vld.idx.msk [tilespmem:v3+s3+$0x0], $0xffff  }
0x3a1: {  	v3 =	vld [tilespmem:$0x1FBC0]  }
0x3a2: {  	v1 =	vadd.f32 v39, v1;
	v39 =	vld [tilespmem:s25+$0x6B90]  }
0x3a3: {  	v55 =	vld.idx.msk [tilespmem:v55+s3+$0x0], $0xffff  }
0x3a4: {  	v2 =	vadd.f32 v24, v2;
	v24 =	vld [tilespmem:s25+$0x68E0]  }
0x3a5: {  	[tilespmem:$0x1FB40] =	vst v1;
	v1 =	vadd.f32 v35, v29;
	v35 =	vld [tilespmem:s25+$0x6BB0]  }
0x3a6: {  	v2 =	vadd.f32 v21, v2;
	v21 =	vld [tilespmem:s25+$0x69E0]  }
0x3a7: {  	[tilespmem:$0x1FB50] =	vst v1;
	v1 =	vadd.f32 v27, v6;
	v27 =	vld [tilespmem:s25+$0x6B30]  }
0x3a8: {  	v53 =	vld.idx.msk [tilespmem:v46+s3+$0x0], $0xffff  }
0x3a9: {  	v51 =	vld.idx.msk [tilespmem:v49+s3+$0x0], $0xffff  }
0x3aa: {  	v49 =	vld.idx.msk [tilespmem:v50+s3+$0x0], $0xffff  }
0x3ab: {  	v46 =	vld.idx.msk [tilespmem:v56+s3+$0x0], $0xffff  }
0x3ac: {  	v56 =	vld.idx.msk [tilespmem:v61+s3+$0x0], $0xffff  }
0x3ad: {  	v50 =	vld.idx.msk [tilespmem:v62+s3+$0x0], $0xffff  }
0x3ae: {  	v2 =	vadd.f32 v33, v2;
	v33 =	vld [tilespmem:s25+$0x6B80]  }
0x3af: {  	v1 =	vadd.f32 v28, v1;
	v28 =	vld [tilespmem:s25+$0x6B40]  }
0x3b0: {  	v0 =	vld.idx.msk [tilespmem:v0+s3+$0x0], $0xffff  }
0x3b1: {  	v6 =	vld.idx.msk [tilespmem:v3+s3+$0x0], $0xffff  }
0x3b2: {  	v3 =	vld [tilespmem:$0x1FBD0]  }
0x3b3: {  	v2 =	vadd.f32 v15, v2;
	v15 =	vld [tilespmem:s25+$0x6BD0]  }
0x3b4: {  	v1 =	vadd.f32 v30, v1;
	v30 =	vld [tilespmem:s25+$0x6940]  }
0x3b5: {  	v43 =	vld.idx.msk [tilespmem:v39+s3+$0x0], $0xffff  }
0x3b6: {  	v2 =	vadd.f32 v20, v2;
	v20 =	vld [tilespmem:s25+$0x6960]  }
0x3b7: {  	v1 =	vadd.f32 v52, v1;
	v52 =	vld [tilespmem:s25+$0x69C0]  }
0x3b8: {  	v35 =	vld.idx.msk [tilespmem:v35+s3+$0x0], $0xffff  }
0x3b9: {  	v1 =	vadd.f32 v38, v1;
	v38 =	vld [tilespmem:s25+$0x6B50]  }
0x3ba: {  	v5 =	vld.idx.msk [tilespmem:v3+s3+$0x0], $0xffff  }
0x3bb: {  	v3 =	vld [tilespmem:$0x1FBA0]  }
0x3bc: {  	v0 =	vadd.f32 v0, v10;
	v10 =	vadd.f32 v11, v12;
	v11 =	vld [tilespmem:s25+$0x6890]  }
0x3bd: {  	v12 =	vld [tilespmem:s25+$0x68A0]  }
0x3be: {  	v44 =	vld.idx.msk [tilespmem:v33+s3+$0x0], $0xffff  }
0x3bf: {  	v0 =	vadd.f32 v9, v0;
	v9 =	vld [tilespmem:$0x1FB90]  }
0x3c0: {  	v1 =	vadd.f32 v32, v1;
	v32 =	vld [tilespmem:s25+$0x6BA0]  }
0x3c1: {  	v8 =	vadd.f32 v8, v10;
	v10 =	vld [tilespmem:s25+$0x6970]  }
0x3c2: {  	v15 =	vld.idx.msk [tilespmem:v15+s3+$0x0], $0xffff  }
0x3c3: {  	v4 =	vld.idx.msk [tilespmem:v3+s3+$0x0], $0xffff  }
0x3c4: {  	v3 =	vld [tilespmem:$0x1FBB0]  }
0x3c5: {  	v0 =	vadd.f32 v7, v0;
	v7 =	vld.idx.msk [tilespmem:v13+s3+$0x0], $0xffff  }
0x3c6: {  	v1 =	vadd.f32 v23, v1;
	v23 =	vld [tilespmem:s25+$0x69D0]  }
0x3c7: {  	v6 =	vadd.f32 v6, v8;
	v8 =	vld [tilespmem:s25+$0x6920]  }
0x3c8: {  	v13 =	vld [tilespmem:s25+$0x68B0]  }
0x3c9: {  	v1 =	vadd.f32 v19, v1;
	v19 =	vld.idx.msk [tilespmem:v42+s3+$0x0], $0xffff  }
0x3ca: {  	v42 =	vld.idx.msk [tilespmem:v27+s3+$0x0], $0xffff  }
0x3cb: {  	v27 =	vld.idx.msk [tilespmem:v28+s3+$0x0], $0xffff  }
0x3cc: {  	v3 =	vld.idx.msk [tilespmem:v3+s3+$0x0], $0xffff  }
0x3cd: {  	v52 =	vld.idx.msk [tilespmem:v52+s3+$0x0], $0xffff  }
0x3ce: {  	[tilespmem:$0x1FC00] =	vst v10;
	v10 =	vld [tilespmem:s25+$0x6880]  }
0x3cf: {  	[tilespmem:$0x1FB60] =	vst v1;
	v1 =	vld [tilespmem:$0x1FC10];
	v0 =	vadd.f32 v5, v0  }
0x3d0: {  	[tilespmem:$0x1FC10] =	vst v15;
	v15 =	vld.idx.msk [tilespmem:v58+s3+$0x0], $0xffff  }
0x3d1: {  	v0 =	vadd.f32 v3, v0;
	v3 =	vld [tilespmem:s25+$0x6B60]  }
0x3d2: {  	v58 =	vld.idx.msk [tilespmem:v59+s3+$0x0], $0xffff  }
0x3d3: {  	v28 =	vld.idx.msk [tilespmem:v12+s3+$0x0], $0xffff  }
0x3d4: {  	v5 =	vld [tilespmem:s25+$0x6990]  }
0x3d5: {  	v9 =	vld.idx.msk [tilespmem:v9+s3+$0x0], $0xffff  }
0x3d6: {  	[tilespmem:$0x1FBA0] =	vst v3;
	v3 =	vld [tilespmem:s25+$0x6B70]  }
0x3d7: {  	v39 =	vld.idx.msk [tilespmem:v32+s3+$0x0], $0xffff  }
0x3d8: {  	v32 =	vld.idx.msk [tilespmem:v57+s3+$0x0], $0xffff  }
0x3d9: {  	v57 =	vld.idx.msk [tilespmem:v60+s3+$0x0], $0xffff  }
0x3da: {  	v1 =	vadd.f32 v1, v2;
	v2 =	vld [tilespmem:s25+$0x6B20]  }
0x3db: {  	[tilespmem:$0x1FBB0] =	vst v3;
	v3 =	vld [tilespmem:s25+$0x6AE0]  }
0x3dc: {  	[tilespmem:$0x1FB70] =	vst v1;
	v1 =	vld [tilespmem:s25+$0x6B10]  }
0x3dd: {  	v4 =	vadd.f32 v4, v6;
	v6 =	vld [tilespmem:s25+$0x69F0]  }
0x3de: {  	v59 =	vld.idx.msk [tilespmem:v5+s3+$0x0], $0xffff  }
0x3df: {  	v5 =	vld.idx.msk [tilespmem:v17+s3+$0x0], $0xffff  }
0x3e0: {  	[tilespmem:$0x1FBC0] =	vst v3;
	v3 =	vld [tilespmem:s25+$0x6AF0]  }
0x3e1: {  	v29 =	vadd.f32 v9, v4;
	v4 =	vld [tilespmem:s25+$0x6A70]  }
0x3e2: {  	v9 =	vld [tilespmem:s25+$0x6930];
	v0 =	vadd.f32 v7, v0  }
0x3e3: {  	v7 =	vld [tilespmem:s25+$0x6910]  }
0x3e4: {  	[tilespmem:$0x1FB00] =	vst v0;
	v0 =	vld [tilespmem:s25+$0x6BE0]  }
0x3e5: {  	[tilespmem:$0x1FBD0] =	vst v3;
	v3 =	vld [tilespmem:s25+$0x6A50]  }
0x3e6: {  	v45 =	vld.idx.msk [tilespmem:v2+s3+$0x0], $0xffff  }
0x3e7: {  	v47 =	vld.idx.msk [tilespmem:v1+s3+$0x0], $0xffff  }
0x3e8: {  	v1 =	vld.idx.msk [tilespmem:v38+s3+$0x0], $0xffff  }
0x3e9: {  	[tilespmem:$0x1FBE0] =	vst v4;
	v4 =	vld [tilespmem:s25+$0x6980]  }
0x3ea: {  	[tilespmem:$0x1FB90] =	vst v0;
	v0 =	vld [tilespmem:s25+$0x6BF0]  }
0x3eb: {  	v61 =	vld.idx.msk [tilespmem:v7+s3+$0x0], $0xffff  }
0x3ec: {  	v7 =	vld [tilespmem:$0x1FB20]  }
0x3ed: {  	v33 =	vld.idx.msk [tilespmem:v3+s3+$0x0], $0xffff  }
0x3ee: {  	v3 =	vld.idx.msk [tilespmem:v11+s3+$0x0], $0xffff  }
0x3ef: {  	v11 =	vmov v20;
	v20 =	vmov v1;
	v1 =	vld.idx.msk [tilespmem:v14+s3+$0x0], $0xffff  }
0x3f0: {  	[tilespmem:$0x1FBF0] =	vst v6;
	v6 =	vld [tilespmem:s25+$0x6900]  }
0x3f1: {  	v60 =	vld.idx.msk [tilespmem:v4+s3+$0x0], $0xffff  }
0x3f2: {  	v4 =	vld.idx.msk [tilespmem:v16+s3+$0x0], $0xffff  }
0x3f3: {  	[tilespmem:$0x1FB10] =	vst v0;
	v0 =	vld [tilespmem:s25+$0x6B00]  }
0x3f4: {  	v7 =	vadd.f32 v1, v7;
	v1 =	vld [tilespmem:$0x1FB30]  }
0x3f5: {  	v2 =	vld.idx.msk [tilespmem:v10+s3+$0x0], $0xffff  }
0x3f6: {  	v38 =	vld.idx.msk [tilespmem:v63+s3+$0x0], $0xffff  }
0x3f7: {  	v63 =	vld.idx.msk [tilespmem:v13+s3+$0x0], $0xffff  }
0x3f8: {  	v62 =	vld.idx.msk [tilespmem:v9+s3+$0x0], $0xffff  }
0x3f9: {  	v4 =	vadd.f32 v4, v1;
	v1 =	vld [tilespmem:$0x1FB40]  }
0x3fa: {  	v13 =	vld [tilespmem:$0x1FB10]  }
0x3fb: {  	v48 =	vld.idx.msk [tilespmem:v0+s3+$0x0], $0xffff  }
0x3fc: {  	v0 =	vld.idx.msk [tilespmem:v6+s3+$0x0], $0xffff  }
0x3fd: {  	v6 =	vld.idx.msk [tilespmem:v18+s3+$0x0], $0xffff  }
0x3fe: {  	p0 =	sne.s32 s24, $0x18000;
	v1 =	vadd.f32 v5, v1;
	v5 =	vld [tilespmem:$0x1FB50]  }
.Ltmp1:
0x3ff: {  	v18 =	vmov v23;
	v23 =	vmov v27;
	v27 =	vld.idx.msk [tilespmem:v8+s3+$0x0], $0xffff;
	(pc) =	sbr.rel @p0 .LBB2_4-.Ltmp1, $4  }
0x400: {  	v8 =	vmov v26;
	v26 =	vld.idx.msk [tilespmem:v54+s3+$0x0], $0xffff  }
0x401: {  	v14 =	vld [tilespmem:$0x1FB00]  }
0x402: {  	v17 =	vmov v22;
	v22 =	vmov v24;
	v2 =	vadd.f32 v2, v7;
	v7 =	vld [tilespmem:$0x1FB70]  }
0x403: {  	s24 =	sadd.s32 $0x1000, s24;
	v24 =	vmovc v25;
	v10 =	vmovc v29;
	v9 =	vmov v21;
	v54 =	vadd.f32 v3, v4;
	v29 =	vadd.f32 v6, v5;
	v6 =	vld [tilespmem:$0x1FB60]  }
0x404: {  	v0 =	vadd.f32 v0, v2;
	_ =	sdelay $0x1  }
0x405: {  	v0 =	vadd.f32 v60, v0;
	_ =	sdelay $0x1  }
0x406: {  	v0 =	vadd.f32 v58, v0;
	_ =	sdelay $0x1  }
0x407: {  	v0 =	vadd.f32 v53, v0;
	_ =	sdelay $0x1  }
0x408: {  	v0 =	vadd.f32 v48, v0  }
0x409: {  	v12 =	vld [tilespmem:$0x1FB80]  }
0x40a: {  	v0 =	vadd.f32 v44, v0;
	_ =	sdelay $0x1  }
0x40b: {  	v0 =	vmul.f32 $4.999999890e-03, v0  }
0x40c: {  	v2 =	vadd.f32 v61, v54  }
0x40d: {  	v0 =	vadd.f32 v0, v12  }
0x40e: {  	v2 =	vadd.f32 v59, v2  }
0x40f: {  	v0 =	vsub.f32 $0.0e+00, v0  }
0x410: {  	v2 =	vadd.f32 v57, v2  }
0x411: {  	v0 =	vmul.f32 $1.442695020e+00, v0  }
0x412: {  	v2 =	vadd.f32 v51, v2  }
0x413: {  	(erf) = vpow2.f32 v0  }
0x414: {  	v0 =	vadd.f32 v47, v2;
	_ =	sdelay $0x1  }
0x415: {  	v0 =	vadd.f32 v43, v0  }
0x416: {  	v1 =	vadd.f32 v28, v1  }
0x417: {  	v0 =	vmul.f32 $4.999999890e-03, v0  }
0x418: {  	v1 =	vadd.f32 v27, v1  }
0x419: {  	v0 =	vadd.f32 v0, v12  }
0x41a: {  	v1 =	vadd.f32 v55, v1  }
0x41b: {  	v0 =	vsub.f32 $0.0e+00, v0;
	v2 =	vpop (erf)  }
0x41c: {  	v1 =	vadd.f32 v56, v1;
	v2 =	vadd.f32 $1.000000000e+00, v2  }
0x41d: {  	v0 =	vmul.f32 $1.442695020e+00, v0  }
0x41e: {  	v1 =	vadd.f32 v49, v1;
	(erf) = vrcp.f32 v2  }
0x41f: {  	(erf) = vpow2.f32 v0  }
0x420: {  	v0 =	vadd.f32 v45, v1;
	_ =	sdelay $0x1  }
0x421: {  	v0 =	vadd.f32 v39, v0  }
0x422: {  	v1 =	vadd.f32 v63, v29  }
0x423: {  	v0 =	vmul.f32 $4.999999890e-03, v0  }
0x424: {  	v1 =	vadd.f32 v62, v1  }
0x425: {  	v0 =	vadd.f32 v0, v12  }
0x426: {  	v1 =	vadd.f32 v26, v1;
	v2 =	vpop (erf)  }
0x427: {  	v0 =	vsub.f32 $0.0e+00, v0;
	v3 =	vpop (erf)  }
0x428: {  	v4 =	vld.idx.msk [tilespmem:v41+s3+$0x0], $0xffff;
	v1 =	vadd.f32 v50, v1;
	v3 =	vadd.f32 $1.000000000e+00, v3  }
0x429: {  	v0 =	vmul.f32 $1.442695020e+00, v0  }
0x42a: {  	v5 =	vld.idx.msk [tilespmem:v37+s3+$0x0], $0xffff;
	v1 =	vadd.f32 v46, v1;
	(erf) = vrcp.f32 v3  }
0x42b: {  	(erf) = vpow2.f32 v0  }
0x42c: {  	v1 =	vadd.f32 v42, v1  }
0x42d: {  	v3 =	vadd.f32 v4, v6  }
0x42e: {  	v1 =	vadd.f32 v35, v1;
	v0 =	vld.idx.msk [tilespmem:v30+s3+$0x0], $0xffff  }
0x42f: {  	v3 =	vadd.f32 v5, v3  }
0x430: {  	v1 =	vmul.f32 $4.999999890e-03, v1;
	_ =	sdelay $0x1  }
0x431: {  	v1 =	vadd.f32 v1, v12  }
0x432: {  	v0 =	vadd.f32 v0, v3;
	v3 =	vpop (erf)  }
0x433: {  	v1 =	vsub.f32 $0.0e+00, v1;
	v4 =	vpop (erf)  }
0x434: {  	v5 =	vld.idx.msk [tilespmem:v36+s3+$0x0], $0xffff;
	v0 =	vadd.f32 v52, v0;
	v4 =	vadd.f32 $1.000000000e+00, v4  }
0x435: {  	v1 =	vmul.f32 $1.442695020e+00, v1  }
0x436: {  	v6 =	vld.idx.msk [tilespmem:v31+s3+$0x0], $0xffff;
	v0 =	vadd.f32 v38, v0;
	(erf) = vrcp.f32 v4  }
0x437: {  	(erf) = vpow2.f32 v1  }
0x438: {  	v0 =	vadd.f32 v32, v0  }
0x439: {  	v4 =	vadd.f32 v5, v7;
	v1 =	vld.idx.msk [tilespmem:v24+s3+$0x0], $0xffff  }
0x43a: {  	v0 =	vadd.f32 v23, v0  }
0x43b: {  	v5 =	vld.idx.msk [tilespmem:v18+s3+$0x0], $0xffff;
	v4 =	vadd.f32 v6, v4  }
0x43c: {  	v0 =	vadd.f32 v19, v0;
	_ =	sdelay $0x1  }
0x43d: {  	v6 =	vld.idx.msk [tilespmem:v40+s3+$0x0], $0xffff;
	v0 =	vmul.f32 $4.999999890e-03, v0;
	v1 =	vadd.f32 v1, v4  }
0x43e: {  	v4 =	vpop (erf)  }
0x43f: {  	v0 =	vadd.f32 v0, v12;
	v1 =	vadd.f32 v5, v1;
	v5 =	vpop (erf)  }
0x440: {  	v5 =	vadd.f32 $1.000000000e+00, v5  }
0x441: {  	v0 =	vsub.f32 $0.0e+00, v0  }
0x442: {  	v1 =	vadd.f32 v33, v1;
	(erf) = vrcp.f32 v5;
	v5 =	vadd.f32 v6, v10;
	v6 =	vld.idx.msk [tilespmem:v9+s3+$0x0], $0xffff  }
0x443: {  	v0 =	vmul.f32 $1.442695020e+00, v0;
	v9 =	vld [tilespmem:$0x1FC10]  }
0x444: {  	v7 =	vld.idx.msk [tilespmem:v22+s3+$0x0], $0xffff;
	v1 =	vadd.f32 v15, v1  }
0x445: {  	(erf) = vpow2.f32 v0  }
0x446: {  	v0 =	vld.idx.msk [tilespmem:v11+s3+$0x0], $0xffff;
	v1 =	vadd.f32 v20, v1;
	_ =	sdelay $0x1  }
0x447: {  	v1 =	vadd.f32 v9, v1  }
0x448: {  	v5 =	vadd.f32 v7, v5  }
0x449: {  	v7 =	vld.idx.msk [tilespmem:v8+s3+$0x0], $0xffff;
	v1 =	vmul.f32 $4.999999890e-03, v1  }
0x44a: {  	v0 =	vadd.f32 v0, v5  }
0x44b: {  	v1 =	vadd.f32 v1, v12  }
0x44c: {  	v0 =	vadd.f32 v6, v0;
	v6 =	vpop (erf)  }
0x44d: {  	v5 =	vld [tilespmem:$0x1FBC0];
	v9 =	vpop (erf);
	v1 =	vsub.f32 $0.0e+00, v1  }
0x44e: {  	v0 =	vadd.f32 v7, v0;
	v7 =	vadd.f32 $1.000000000e+00, v9  }
0x44f: {  	v8 =	vld [tilespmem:$0x1FBA0];
	v1 =	vmul.f32 $1.442695020e+00, v1  }
0x450: {  	(erf) = vrcp.f32 v7  }
0x451: {  	(erf) = vpow2.f32 v1;
	v1 =	vld [tilespmem:$0x1FC00];
	_ =	sdelay $0x1  }
0x452: {  	v9 =	vld [tilespmem:$0x1FB90]  }
0x453: {  	v10 =	vld.idx.msk [tilespmem:v34+s3+$0x0], $0xffff  }
0x454: {  	v5 =	vld.idx.msk [tilespmem:v5+s3+$0x0], $0xffff  }
0x455: {  	v11 =	vld.idx.msk [tilespmem:v17+s3+$0x0], $0xffff  }
0x456: {  	v8 =	vld.idx.msk [tilespmem:v8+s3+$0x0], $0xffff;
	_ =	sdelay $0x1  }
0x457: {  	v1 =	vld.idx.msk [tilespmem:v1+s3+$0x0], $0xffff  }
0x458: {  	v7 =	vld [tilespmem:$0x1FBF0];
	v0 =	vadd.f32 v5, v0;
	v5 =	vadd.f32 v10, v14  }
0x459: {  	v9 =	vld.idx.msk [tilespmem:v9+s3+$0x0], $0xffff  }
0x45a: {  	v0 =	vadd.f32 v8, v0;
	v5 =	vadd.f32 v11, v5;
	v8 =	vld [tilespmem:$0x1FBE0];
	_ =	sdelay $0x1  }
0x45b: {  	v1 =	vadd.f32 v1, v5;
	v5 =	vld [tilespmem:$0x1FBD0];
	_ =	sdelay $0x1  }
0x45c: {  	v0 =	vadd.f32 v9, v0;
	v9 =	vld [tilespmem:$0x1FBB0];
	_ =	sdelay $0x1  }
0x45d: {  	v7 =	vld.idx.msk [tilespmem:v7+s3+$0x0], $0xffff;
	_ =	sdelay $0x1  }
0x45e: {  	v0 =	vmul.f32 $4.999999890e-03, v0;
	v8 =	vld.idx.msk [tilespmem:v8+s3+$0x0], $0xffff;
	_ =	sdelay $0x1  }
0x45f: {  	v0 =	vadd.f32 v0, v12;
	v5 =	vld.idx.msk [tilespmem:v5+s3+$0x0], $0xffff  }
0x460: {  	v1 =	vadd.f32 v7, v1;
	v7 =	vpop (erf)  }
0x461: {  	v0 =	vsub.f32 $0.0e+00, v0;
	v10 =	vpop (erf);
	v9 =	vld.idx.msk [tilespmem:v9+s3+$0x0], $0xffff  }
0x462: {  	v1 =	vadd.f32 v8, v1;
	v8 =	vadd.f32 $1.000000000e+00, v10  }
0x463: {  	v0 =	vmul.f32 $1.442695020e+00, v0;
	v10 =	vld.idx.msk [tilespmem:v13+s3+$0x0], $0xffff  }
0x464: {  	(erf) = vrcp.f32 v8;
	v1 =	vadd.f32 v5, v1  }
0x465: {  	(erf) = vpow2.f32 v0  }
0x466: {  	v0 =	vadd.f32 v9, v1;
	_ =	sdelay $0x1  }
0x467: {  	v0 =	vadd.f32 v10, v0;
	_ =	sdelay $0x1  }
0x468: {  	v0 =	vmul.f32 $4.999999890e-03, v0;
	_ =	sdelay $0x1  }
0x469: {  	v0 =	vadd.f32 v0, v12  }
0x46a: {  	v1 =	vpop (erf)  }
0x46b: {  	v5 =	vpop (erf);
	v0 =	vsub.f32 $0.0e+00, v0  }
0x46c: {  	v5 =	vadd.f32 $1.000000000e+00, v5  }
0x46d: {  	v0 =	vmul.f32 $1.442695020e+00, v0  }
0x46e: {  	(erf) = vrcp.f32 v5  }
0x46f: {  	(erf) = vpow2.f32 v0;
	_ =	sdelay $0x7  }
0x470: {  	v0 =	vpop (erf)  }
0x471: {  	v5 =	vpop (erf)  }
0x472: {  	v5 =	vadd.f32 $1.000000000e+00, v5;
	_ =	sdelay $0x1  }
0x473: {  	(erf) = vrcp.f32 v5;
	_ =	sdelay $0x2  }
0x474: {  	[tilespmem:$0xCC80] =	vst v2  }
0x475: {  	[tilespmem:$0xCC90] =	vst v3  }
0x476: {  	[tilespmem:$0xCCA0] =	vst v4  }
0x477: {  	[tilespmem:$0xCCB0] =	vst v6  }
0x478: {  	[tilespmem:$0xCCC0] =	vst v7  }
0x479: {  	[tilespmem:$0xCCD0] =	vst v1  }
0x47a: {  	[tilespmem:$0xCCE0] =	vst v0;
	v0 =	vpop (erf)  }
0x47b: {  	[tilespmem:$0xCCF0] =	vst v0  }
0x47c: {  	_ =	swait.ge [sflag:s19], $0x6400  }
0x47d: {  	[sflag:s19] =	ssyncset.done $0x0  }
0x47e: {  	s24 =	simm.s32 $0x0;
	[sflag:s19] =	ssyncadd.s32 $0xFFFF9C00  }
0x47f: {  	[tilespmem:s20], [sflag:$0x2] =	stream.strided.gather [hbm4b:s10+s14], $0x6400, s13, s14, $0x38;
	[tilespmem:$0xDF40] =	vst v63  }
0x480: {  	v0 =	vld [tilespmem:s24+$0x780]  }
0x481: {  	v16 =	vld [tilespmem:s24+$0x790]  }
0x482: {  	v3 =	vld [tilespmem:s24+$0x7A0]  }
0x483: {  	v37 =	vld [tilespmem:s24+$0x7B0]  }
0x484: {  	v42 =	vld [tilespmem:s24+$0x7C0]  }
0x485: {  	v45 =	vld [tilespmem:s24+$0x7D0]  }
0x486: {  	v1 =	vld [tilespmem:s24+$0x7E0]  }
0x487: {  	v13 =	vld [tilespmem:s24+$0x7F0]  }
0x488: {  	v46 =	vld [tilespmem:s24+$0x700]  }
0x489: {  	v20 =	vld [tilespmem:s24+$0x710]  }
0x48a: {  	v23 =	vld [tilespmem:s24+$0x720]  }
0x48b: {  	v25 =	vld [tilespmem:s24+$0x730]  }
0x48c: {  	v49 =	vld [tilespmem:s24+$0x740]  }
0x48d: {  	v51 =	vld [tilespmem:s24+$0x750]  }
0x48e: {  	v53 =	vld [tilespmem:s24+$0x680]  }
0x48f: {  	v56 =	vld [tilespmem:s24+$0x690]  }
0x490: {  	v33 =	vld [tilespmem:s24+$0x6A0]  }
0x491: {  	v57 =	vld [tilespmem:s24+$0x6B0]  }
0x492: {  	v35 =	vld [tilespmem:s24+$0x6C0]  }
0x493: {  	v39 =	vld [tilespmem:s24+$0x6D0]  }
0x494: {  	v50 =	vld [tilespmem:s24+$0x600]  }
0x495: {  	v52 =	vld [tilespmem:s24+$0x610]  }
0x496: {  	v54 =	vld [tilespmem:s24+$0x620]  }
0x497: {  	v55 =	vld [tilespmem:s24+$0x630]  }
0x498: {  	v59 =	vld [tilespmem:s24+$0x640]  }
0x499: {  	v60 =	vld [tilespmem:s24+$0x650]  }
0x49a: {  	v8 =	vld [tilespmem:s24+$0x660]  }
0x49b: {  	v61 =	vld [tilespmem:s24+$0x580]  }
0x49c: {  	v62 =	vld [tilespmem:s24+$0x590]  }
0x49d: {  	v21 =	vld [tilespmem:s24+$0x5A0]  }
0x49e: {  	v7 =	vld [tilespmem:s24+$0x5B0]  }
0x49f: {  	v5 =	vld [tilespmem:s24+$0x5C0]  }
0x4a0: {  	v18 =	vld [tilespmem:s24+$0x5D0]  }
0x4a1: {  	v9 =	vld [tilespmem:s24+$0x5E0]  }
0x4a2: {  	v63 =	vld [tilespmem:s24+$0x500]  }
0x4a3: {  	v2 =	vld [tilespmem:s24+$0x520]  }
0x4a4: {  	v10 =	vld [tilespmem:s24+$0x530]  }
0x4a5: {  	v31 =	vld [tilespmem:s24+$0x540]  }
0x4a6: {  	v24 =	vld [tilespmem:s24+$0x550]  }
0x4a7: {  	v11 =	vld [tilespmem:s24+$0x560]  }
0x4a8: {  	v4 =	vld [tilespmem:s24+$0x570]  }
0x4a9: {  	v12 =	vld [tilespmem:s24+$0x480]  }
0x4aa: {  	v14 =	vld [tilespmem:s24+$0x490]  }
0x4ab: {  	v15 =	vld [tilespmem:s24+$0x4A0]  }
0x4ac: {  	v26 =	vld [tilespmem:s24+$0x4B0]  }
0x4ad: {  	v38 =	vld [tilespmem:s24+$0x4C0]  }
0x4ae: {  	v32 =	vld [tilespmem:s24+$0x4D0]  }
0x4af: {  	v22 =	vld [tilespmem:s24+$0x4E0]  }
0x4b0: {  	v17 =	vld [tilespmem:s24+$0x4F0]  }
0x4b1: {  	v27 =	vld [tilespmem:s24+$0x400]  }
0x4b2: {  	v28 =	vld [tilespmem:s24+$0x410]  }
0x4b3: {  	v29 =	vld [tilespmem:s24+$0x420]  }
0x4b4: {  	v34 =	vld [tilespmem:s24+$0x430]  }
0x4b5: {  	v41 =	vld [tilespmem:s24+$0x440]  }
0x4b6: {  	v36 =	vld [tilespmem:s24+$0x450]  }
0x4b7: {  	[tilespmem:$0x1FA70] =	vst v1;
	v1 =	vld [tilespmem:s24+$0x760]  }
0x4b8: {  	v30 =	vld [tilespmem:s24+$0x460]  }
0x4b9: {  	v44 =	vld.idx.msk [tilespmem:v0+s3+$0x0], $0xffff  }
0x4ba: {  	v43 =	vld.idx.msk [tilespmem:v16+s3+$0x0], $0xffff  }
0x4bb: {  	v40 =	vld.idx.msk [tilespmem:v3+s3+$0x0], $0xffff  }
0x4bc: {  	[tilespmem:$0x1FA80] =	vst v1;
	v1 =	vld [tilespmem:s24+$0x770]  }
0x4bd: {  	v37 =	vld.idx.msk [tilespmem:v37+s3+$0x0], $0xffff  }
0x4be: {  	v19 =	vld.idx.msk [tilespmem:v42+s3+$0x0], $0xffff  }
0x4bf: {  	v0 =	vld.idx.msk [tilespmem:v45+s3+$0x0], $0xffff  }
0x4c0: {  	v48 =	vld.idx.msk [tilespmem:v46+s3+$0x0], $0xffff  }
0x4c1: {  	[tilespmem:$0x1FA90] =	vst v1;
	v1 =	vld [tilespmem:s24+$0x6E0]  }
0x4c2: {  	v47 =	vld.idx.msk [tilespmem:v20+s3+$0x0], $0xffff  }
0x4c3: {  	v45 =	vld.idx.msk [tilespmem:v23+s3+$0x0], $0xffff  }
0x4c4: {  	v42 =	vld.idx.msk [tilespmem:v25+s3+$0x0], $0xffff  }
0x4c5: {  	v23 =	vld.idx.msk [tilespmem:v49+s3+$0x0], $0xffff  }
0x4c6: {  	[tilespmem:$0x1FAA0] =	vst v1;
	v1 =	vld [tilespmem:s24+$0x6F0]  }
0x4c7: {  	v20 =	vld.idx.msk [tilespmem:v51+s3+$0x0], $0xffff  }
0x4c8: {  	v53 =	vld.idx.msk [tilespmem:v53+s3+$0x0], $0xffff  }
0x4c9: {  	v51 =	vld.idx.msk [tilespmem:v56+s3+$0x0], $0xffff  }
0x4ca: {  	v49 =	vld.idx.msk [tilespmem:v33+s3+$0x0], $0xffff  }
0x4cb: {  	[tilespmem:$0x1FAB0] =	vst v1;
	v1 =	vld [tilespmem:s24+$0x670]  }
0x4cc: {  	v46 =	vld.idx.msk [tilespmem:v57+s3+$0x0], $0xffff  }
0x4cd: {  	v33 =	vld.idx.msk [tilespmem:v35+s3+$0x0], $0xffff  }
0x4ce: {  	v16 =	vld.idx.msk [tilespmem:v39+s3+$0x0], $0xffff  }
0x4cf: {  	v58 =	vld.idx.msk [tilespmem:v50+s3+$0x0], $0xffff  }
0x4d0: {  	[tilespmem:$0x1FAC0] =	vst v1;
	v1 =	vld [tilespmem:s24+$0x5F0]  }
0x4d1: {  	v57 =	vld.idx.msk [tilespmem:v52+s3+$0x0], $0xffff  }
0x4d2: {  	v56 =	vld.idx.msk [tilespmem:v54+s3+$0x0], $0xffff  }
0x4d3: {  	v50 =	vld.idx.msk [tilespmem:v55+s3+$0x0], $0xffff  }
0x4d4: {  	v39 =	vld.idx.msk [tilespmem:v59+s3+$0x0], $0xffff  }
0x4d5: {  	[tilespmem:$0x1FAD0] =	vst v1;
	v1 =	vld [tilespmem:s24+$0x510]  }
0x4d6: {  	v35 =	vld.idx.msk [tilespmem:v60+s3+$0x0], $0xffff  }
0x4d7: {  	v60 =	vld.idx.msk [tilespmem:v61+s3+$0x0], $0xffff  }
0x4d8: {  	v59 =	vld.idx.msk [tilespmem:v62+s3+$0x0], $0xffff  }
0x4d9: {  	v52 =	vld.idx.msk [tilespmem:v28+s3+$0x0], $0xffff  }
0x4da: {  	v29 =	vld.idx.msk [tilespmem:v29+s3+$0x0], $0xffff  }
0x4db: {  	v54 =	vld.idx.msk [tilespmem:v34+s3+$0x0], $0xffff  }
0x4dc: {  	v28 =	vld.idx.msk [tilespmem:v15+s3+$0x0], $0xffff  }
0x4dd: {  	v61 =	vld.idx.msk [tilespmem:v1+s3+$0x0], $0xffff  }
0x4de: {  	v1 =	vld.idx.msk [tilespmem:v12+s3+$0x0], $0xffff  }
0x4df: {  	v12 =	vld.idx.msk [tilespmem:v14+s3+$0x0], $0xffff  }
0x4e0: {  	v14 =	vld.idx.msk [tilespmem:v27+s3+$0x0], $0xffff  }
0x4e1: {  	v62 =	vld.idx.msk [tilespmem:v10+s3+$0x0], $0xffff  }
0x4e2: {  	v34 =	vld [tilespmem:s24+$0x470]  }
0x4e3: {  	[tilespmem:$0x1FAF0] =	vst v0;
	v0 =	vld.idx.msk [tilespmem:v63+s3+$0x0], $0xffff  }
0x4e4: {  	v6 =	vimm.f32 $0.0e+00;
	v63 =	vld.idx.msk [tilespmem:v26+s3+$0x0], $0xffff  }
0x4e5: {  	v27 =	vld.idx.msk [tilespmem:v2+s3+$0x0], $0xffff;
	v2 =	vadd.f32 v14, v6  }
0x4e6: {  	v10 =	vadd.f32 v52, v6;
	v26 =	vld.idx.msk [tilespmem:v7+s3+$0x0], $0xffff;
	v7 =	vimm.f32 $0.0e+00  }
0x4e7: {  	v55 =	vld.idx.msk [tilespmem:v21+s3+$0x0], $0xffff;
	v14 =	vimm.f32 $0.0e+00;
	v2 =	vadd.f32 v1, v2;
	v1 =	vadd.f32 v29, v6  }
0x4e8: {  	[tilespmem:$0x1FAE0] =	vst v4;
	v52 =	vld.idx.msk [tilespmem:v5+s3+$0x0], $0xffff;
	s24 =	simm.s32 $0x1000;
	v29 =	vadd.f32 v54, v6;
	v54 =	vadd.f32 v12, v10;
	v10 =	vimm.f32 $0.0e+00  }
.LBB2_6:
0x4e9: {  	_ =	sdelay $0x2  }
0x4ea: {  	v21 =	vld.idx.msk [tilespmem:v18+s3+$0x0], $0xffff  }
0x4eb: {  	v24 =	vld.idx.msk [tilespmem:v24+s3+$0x0], $0xffff  }
0x4ec: {  	v22 =	vld.idx.msk [tilespmem:v22+s3+$0x0], $0xffff  }
0x4ed: {  	v18 =	vld.idx.msk [tilespmem:v17+s3+$0x0], $0xffff  }
0x4ee: {  	v17 =	vld.idx.msk [tilespmem:v11+s3+$0x0], $0xffff  }
0x4ef: {  	v11 =	vld.idx.msk [tilespmem:v9+s3+$0x0], $0xffff  }
0x4f0: {  	v3 =	vld [tilespmem:$0x1FAD0]  }
0x4f1: {  	v8 =	vld.idx.msk [tilespmem:v8+s3+$0x0], $0xffff;
	s25 =	sshra.s32 s24, $0x2  }
0x4f2: {  	v0 =	vadd.f32 v0, v2;
	v2 =	vadd.f32 v61, v54;
	v61 =	vld [tilespmem:s25+$0x620]  }
0x4f3: {  	v54 =	vld [tilespmem:s25+$0x5B0]  }
0x4f4: {  	v25 =	vld [tilespmem:s25+$0x550]  }
0x4f5: {  	v15 =	vld [tilespmem:s25+$0x410]  }
0x4f6: {  	v2 =	vadd.f32 v59, v2;
	v59 =	vld [tilespmem:s25+$0x600]  }
0x4f7: {  	v0 =	vadd.f32 v60, v0;
	v60 =	vld [tilespmem:s25+$0x610]  }
0x4f8: {  	v31 =	vld.idx.msk [tilespmem:v31+s3+$0x0], $0xffff  }
0x4f9: {  	v32 =	vld.idx.msk [tilespmem:v32+s3+$0x0], $0xffff  }
0x4fa: {  	v36 =	vld.idx.msk [tilespmem:v36+s3+$0x0], $0xffff  }
0x4fb: {  	v30 =	vld.idx.msk [tilespmem:v30+s3+$0x0], $0xffff  }
0x4fc: {  	v34 =	vld.idx.msk [tilespmem:v34+s3+$0x0], $0xffff  }
0x4fd: {  	v1 =	vadd.f32 v28, v1;
	v28 =	vadd.f32 v63, v29;
	v63 =	vld [tilespmem:s25+$0x640]  }
0x4fe: {  	v2 =	vadd.f32 v57, v2;
	v57 =	vld [tilespmem:s25+$0x6C0]  }
0x4ff: {  	v0 =	vadd.f32 v58, v0;
	v58 =	vld [tilespmem:s25+$0x6D0]  }
0x500: {  	v1 =	vadd.f32 v27, v1;
	v27 =	vadd.f32 v62, v28;
	v28 =	vld.idx.msk [tilespmem:v38+s3+$0x0], $0xffff  }
0x501: {  	v62 =	vld [tilespmem:s25+$0x630]  }
0x502: {  	v38 =	vld [tilespmem:s25+$0x4C0]  }
0x503: {  	v26 =	vadd.f32 v26, v27;
	v27 =	vld.idx.msk [tilespmem:v41+s3+$0x0], $0xffff  }
0x504: {  	v9 =	vld.idx.msk [tilespmem:v3+s3+$0x0], $0xffff  }
0x505: {  	v3 =	vld [tilespmem:$0x1FAC0]  }
0x506: {  	v1 =	vadd.f32 v55, v1;
	v55 =	vld [tilespmem:s25+$0x5A0]  }
0x507: {  	v41 =	vld [tilespmem:s25+$0x440]  }
0x508: {  	v12 =	vadd.f32 v30, v10;
	v10 =	vadd.f32 v34, v14;
	v14 =	vld [tilespmem:s25+$0x400]  }
0x509: {  	v30 =	vld [tilespmem:s25+$0x460]  }
0x50a: {  	v34 =	vld [tilespmem:s25+$0x470]  }
0x50b: {  	v26 =	vadd.f32 v50, v26;
	v50 =	vld [tilespmem:s25+$0x6A0]  }
0x50c: {  	v0 =	vadd.f32 v53, v0;
	v1 =	vadd.f32 v56, v1;
	v56 =	vld [tilespmem:s25+$0x6B0]  }
0x50d: {  	v2 =	vadd.f32 v51, v2;
	v12 =	vadd.f32 v22, v12;
	v22 =	vld [tilespmem:s25+$0x4F0]  }
0x50e: {  	v0 =	vadd.f32 v48, v0;
	v10 =	vadd.f32 v18, v10;
	v18 =	vld [tilespmem:s25+$0x430]  }
0x50f: {  	v2 =	vadd.f32 v47, v2;
	v26 =	vadd.f32 v46, v26;
	v46 =	vld [tilespmem:s25+$0x680]  }
0x510: {  	v0 =	vadd.f32 v44, v0;
	v1 =	vadd.f32 v49, v1;
	v49 =	vld [tilespmem:s25+$0x690]  }
0x511: {  	v12 =	vadd.f32 v17, v12;
	v17 =	vld [tilespmem:s25+$0x420]  }
0x512: {  	[tilespmem:$0x1FA10] =	vst v0;
	v0 =	vadd.f32 v43, v2;
	v2 =	vadd.f32 v36, v7;
	v36 =	vld [tilespmem:s25+$0x450]  }
0x513: {  	v29 =	vadd.f32 v42, v26;
	v42 =	vld [tilespmem:s25+$0x7C0]  }
0x514: {  	v26 =	vld [tilespmem:s25+$0x660]  }
0x515: {  	[tilespmem:$0x1FA20] =	vst v0;
	v0 =	vld [tilespmem:$0x1FAE0]  }
0x516: {  	v2 =	vadd.f32 v32, v2;
	v32 =	vld [tilespmem:s25+$0x4D0]  }
0x517: {  	v1 =	vadd.f32 v45, v1;
	v7 =	vld.idx.msk [tilespmem:v3+s3+$0x0], $0xffff  }
0x518: {  	v3 =	vld [tilespmem:$0x1FAA0]  }
0x519: {  	v1 =	vadd.f32 v40, v1;
	v40 =	vld [tilespmem:s25+$0x790]  }
0x51a: {  	v55 =	vld.idx.msk [tilespmem:v55+s3+$0x0], $0xffff  }
0x51b: {  	v2 =	vadd.f32 v24, v2;
	v24 =	vld [tilespmem:s25+$0x4E0]  }
0x51c: {  	[tilespmem:$0x1FA30] =	vst v1;
	v1 =	vadd.f32 v37, v29;
	v37 =	vld [tilespmem:s25+$0x7B0]  }
0x51d: {  	v2 =	vadd.f32 v21, v2;
	v21 =	vld [tilespmem:s25+$0x5E0]  }
0x51e: {  	[tilespmem:$0x1FA40] =	vst v1;
	v1 =	vadd.f32 v27, v6;
	v27 =	vld [tilespmem:s25+$0x730]  }
0x51f: {  	v53 =	vld.idx.msk [tilespmem:v46+s3+$0x0], $0xffff  }
0x520: {  	v51 =	vld.idx.msk [tilespmem:v49+s3+$0x0], $0xffff  }
0x521: {  	v49 =	vld.idx.msk [tilespmem:v50+s3+$0x0], $0xffff  }
0x522: {  	v46 =	vld.idx.msk [tilespmem:v56+s3+$0x0], $0xffff  }
0x523: {  	v56 =	vld.idx.msk [tilespmem:v61+s3+$0x0], $0xffff  }
0x524: {  	v50 =	vld.idx.msk [tilespmem:v62+s3+$0x0], $0xffff  }
0x525: {  	v2 =	vadd.f32 v35, v2;
	v35 =	vld [tilespmem:s25+$0x780]  }
0x526: {  	v1 =	vadd.f32 v28, v1;
	v28 =	vld [tilespmem:s25+$0x740]  }
0x527: {  	v0 =	vld.idx.msk [tilespmem:v0+s3+$0x0], $0xffff  }
0x528: {  	v6 =	vld.idx.msk [tilespmem:v3+s3+$0x0], $0xffff  }
0x529: {  	v3 =	vld [tilespmem:$0x1FAB0]  }
0x52a: {  	v2 =	vadd.f32 v16, v2;
	v16 =	vld [tilespmem:s25+$0x7D0]  }
0x52b: {  	v1 =	vadd.f32 v31, v1;
	v31 =	vld [tilespmem:s25+$0x540]  }
0x52c: {  	v43 =	vld.idx.msk [tilespmem:v40+s3+$0x0], $0xffff  }
0x52d: {  	v2 =	vadd.f32 v20, v2;
	v20 =	vld [tilespmem:s25+$0x560]  }
0x52e: {  	v1 =	vadd.f32 v52, v1;
	v52 =	vld [tilespmem:s25+$0x5C0]  }
0x52f: {  	v37 =	vld.idx.msk [tilespmem:v37+s3+$0x0], $0xffff  }
0x530: {  	v1 =	vadd.f32 v39, v1;
	v39 =	vld [tilespmem:s25+$0x750]  }
0x531: {  	v5 =	vld.idx.msk [tilespmem:v3+s3+$0x0], $0xffff  }
0x532: {  	v3 =	vld [tilespmem:$0x1FA80]  }
0x533: {  	v0 =	vadd.f32 v0, v10;
	v10 =	vadd.f32 v11, v12;
	v11 =	vld [tilespmem:s25+$0x490]  }
0x534: {  	v12 =	vld [tilespmem:s25+$0x4A0]  }
0x535: {  	v44 =	vld.idx.msk [tilespmem:v35+s3+$0x0], $0xffff  }
0x536: {  	v0 =	vadd.f32 v9, v0;
	v9 =	vld [tilespmem:$0x1FA70]  }
0x537: {  	v1 =	vadd.f32 v33, v1;
	v33 =	vld [tilespmem:s25+$0x7A0]  }
0x538: {  	v8 =	vadd.f32 v8, v10;
	v10 =	vld [tilespmem:s25+$0x570]  }
0x539: {  	v16 =	vld.idx.msk [tilespmem:v16+s3+$0x0], $0xffff  }
0x53a: {  	v4 =	vld.idx.msk [tilespmem:v3+s3+$0x0], $0xffff  }
0x53b: {  	v3 =	vld [tilespmem:$0x1FA90]  }
0x53c: {  	v0 =	vadd.f32 v7, v0;
	v7 =	vld.idx.msk [tilespmem:v13+s3+$0x0], $0xffff  }
0x53d: {  	v1 =	vadd.f32 v23, v1;
	v23 =	vld [tilespmem:s25+$0x5D0]  }
0x53e: {  	v6 =	vadd.f32 v6, v8;
	v8 =	vld [tilespmem:s25+$0x520]  }
0x53f: {  	v13 =	vld [tilespmem:s25+$0x4B0]  }
0x540: {  	v1 =	vadd.f32 v19, v1;
	v19 =	vld.idx.msk [tilespmem:v42+s3+$0x0], $0xffff  }
0x541: {  	v42 =	vld.idx.msk [tilespmem:v27+s3+$0x0], $0xffff  }
0x542: {  	v27 =	vld.idx.msk [tilespmem:v28+s3+$0x0], $0xffff  }
0x543: {  	v3 =	vld.idx.msk [tilespmem:v3+s3+$0x0], $0xffff  }
0x544: {  	v52 =	vld.idx.msk [tilespmem:v52+s3+$0x0], $0xffff  }
0x545: {  	[tilespmem:$0x1FAE0] =	vst v10;
	v10 =	vld [tilespmem:s25+$0x480]  }
0x546: {  	[tilespmem:$0x1FA50] =	vst v1;
	v1 =	vld [tilespmem:$0x1FAF0];
	v0 =	vadd.f32 v5, v0  }
0x547: {  	[tilespmem:$0x1FAF0] =	vst v16;
	v16 =	vld.idx.msk [tilespmem:v58+s3+$0x0], $0xffff  }
0x548: {  	v0 =	vadd.f32 v3, v0;
	v3 =	vld [tilespmem:s25+$0x760]  }
0x549: {  	v58 =	vld.idx.msk [tilespmem:v59+s3+$0x0], $0xffff  }
0x54a: {  	v28 =	vld.idx.msk [tilespmem:v12+s3+$0x0], $0xffff  }
0x54b: {  	v5 =	vld [tilespmem:s25+$0x590]  }
0x54c: {  	v9 =	vld.idx.msk [tilespmem:v9+s3+$0x0], $0xffff  }
0x54d: {  	[tilespmem:$0x1FA80] =	vst v3;
	v3 =	vld [tilespmem:s25+$0x770]  }
0x54e: {  	v40 =	vld.idx.msk [tilespmem:v33+s3+$0x0], $0xffff  }
0x54f: {  	v33 =	vld.idx.msk [tilespmem:v57+s3+$0x0], $0xffff  }
0x550: {  	v57 =	vld.idx.msk [tilespmem:v60+s3+$0x0], $0xffff  }
0x551: {  	v1 =	vadd.f32 v1, v2;
	v2 =	vld [tilespmem:s25+$0x720]  }
0x552: {  	[tilespmem:$0x1FA90] =	vst v3;
	v3 =	vld [tilespmem:s25+$0x6E0]  }
0x553: {  	[tilespmem:$0x1FA60] =	vst v1;
	v1 =	vld [tilespmem:s25+$0x710]  }
0x554: {  	v4 =	vadd.f32 v4, v6;
	v6 =	vld [tilespmem:s25+$0x5F0]  }
0x555: {  	v59 =	vld.idx.msk [tilespmem:v5+s3+$0x0], $0xffff  }
0x556: {  	v5 =	vld.idx.msk [tilespmem:v17+s3+$0x0], $0xffff  }
0x557: {  	[tilespmem:$0x1FAA0] =	vst v3;
	v3 =	vld [tilespmem:s25+$0x6F0]  }
0x558: {  	v29 =	vadd.f32 v9, v4;
	v4 =	vld [tilespmem:s25+$0x670]  }
0x559: {  	v9 =	vld [tilespmem:s25+$0x530];
	v0 =	vadd.f32 v7, v0  }
0x55a: {  	v7 =	vld [tilespmem:s25+$0x510]  }
0x55b: {  	[tilespmem:$0x1F9F0] =	vst v0;
	v0 =	vld [tilespmem:s25+$0x7E0]  }
0x55c: {  	[tilespmem:$0x1FAB0] =	vst v3;
	v3 =	vld [tilespmem:s25+$0x650]  }
0x55d: {  	v45 =	vld.idx.msk [tilespmem:v2+s3+$0x0], $0xffff  }
0x55e: {  	v47 =	vld.idx.msk [tilespmem:v1+s3+$0x0], $0xffff  }
0x55f: {  	v1 =	vld.idx.msk [tilespmem:v39+s3+$0x0], $0xffff  }
0x560: {  	[tilespmem:$0x1FAC0] =	vst v4;
	v4 =	vld [tilespmem:s25+$0x580]  }
0x561: {  	[tilespmem:$0x1FA70] =	vst v0;
	v0 =	vld [tilespmem:s25+$0x7F0]  }
0x562: {  	v61 =	vld.idx.msk [tilespmem:v7+s3+$0x0], $0xffff  }
0x563: {  	v7 =	vld [tilespmem:$0x1FA10]  }
0x564: {  	v35 =	vld.idx.msk [tilespmem:v3+s3+$0x0], $0xffff  }
0x565: {  	v3 =	vld.idx.msk [tilespmem:v11+s3+$0x0], $0xffff  }
0x566: {  	v11 =	vmov v20;
	v20 =	vmov v1;
	v1 =	vld.idx.msk [tilespmem:v14+s3+$0x0], $0xffff  }
0x567: {  	[tilespmem:$0x1FAD0] =	vst v6;
	v6 =	vld [tilespmem:s25+$0x500]  }
0x568: {  	v60 =	vld.idx.msk [tilespmem:v4+s3+$0x0], $0xffff  }
0x569: {  	v4 =	vld.idx.msk [tilespmem:v15+s3+$0x0], $0xffff  }
0x56a: {  	[tilespmem:$0x1FA00] =	vst v0;
	v0 =	vld [tilespmem:s25+$0x700]  }
0x56b: {  	v7 =	vadd.f32 v1, v7;
	v1 =	vld [tilespmem:$0x1FA20]  }
0x56c: {  	v2 =	vld.idx.msk [tilespmem:v10+s3+$0x0], $0xffff  }
0x56d: {  	v39 =	vld.idx.msk [tilespmem:v63+s3+$0x0], $0xffff  }
0x56e: {  	v63 =	vld.idx.msk [tilespmem:v13+s3+$0x0], $0xffff  }
0x56f: {  	v62 =	vld.idx.msk [tilespmem:v9+s3+$0x0], $0xffff  }
0x570: {  	v4 =	vadd.f32 v4, v1;
	v1 =	vld [tilespmem:$0x1FA30]  }
0x571: {  	v13 =	vld [tilespmem:$0x1FA00]  }
0x572: {  	v48 =	vld.idx.msk [tilespmem:v0+s3+$0x0], $0xffff  }
0x573: {  	v0 =	vld.idx.msk [tilespmem:v6+s3+$0x0], $0xffff  }
0x574: {  	v6 =	vld.idx.msk [tilespmem:v18+s3+$0x0], $0xffff  }
0x575: {  	p0 =	sne.s32 s24, $0x18000;
	v1 =	vadd.f32 v5, v1;
	v5 =	vld [tilespmem:$0x1FA40]  }
.Ltmp2:
0x576: {  	v18 =	vmov v23;
	v23 =	vmov v27;
	v27 =	vld.idx.msk [tilespmem:v8+s3+$0x0], $0xffff;
	(pc) =	sbr.rel @p0 .LBB2_6-.Ltmp2, $4  }
0x577: {  	v8 =	vmov v26;
	v26 =	vld.idx.msk [tilespmem:v54+s3+$0x0], $0xffff  }
0x578: {  	v14 =	vld [tilespmem:$0x1F9F0]  }
0x579: {  	v17 =	vmov v22;
	v22 =	vmov v24;
	v2 =	vadd.f32 v2, v7;
	v7 =	vld [tilespmem:$0x1FA60]  }
0x57a: {  	s24 =	sadd.s32 $0x1000, s24;
	v24 =	vmovc v25;
	v10 =	vmovc v29;
	v9 =	vmov v21;
	v54 =	vadd.f32 v3, v4;
	v29 =	vadd.f32 v6, v5;
	v6 =	vld [tilespmem:$0x1FA50]  }
0x57b: {  	v0 =	vadd.f32 v0, v2;
	_ =	sdelay $0x1  }
0x57c: {  	v0 =	vadd.f32 v60, v0;
	_ =	sdelay $0x1  }
0x57d: {  	v0 =	vadd.f32 v58, v0;
	_ =	sdelay $0x1  }
0x57e: {  	v0 =	vadd.f32 v53, v0;
	_ =	sdelay $0x1  }
0x57f: {  	v0 =	vadd.f32 v48, v0  }
0x580: {  	v12 =	vld [tilespmem:$0x1FB80]  }
0x581: {  	v0 =	vadd.f32 v44, v0;
	_ =	sdelay $0x1  }
0x582: {  	v0 =	vmul.f32 $4.999999890e-03, v0  }
0x583: {  	v2 =	vadd.f32 v61, v54  }
0x584: {  	v0 =	vadd.f32 v0, v12  }
0x585: {  	v2 =	vadd.f32 v59, v2  }
0x586: {  	v0 =	vsub.f32 $0.0e+00, v0  }
0x587: {  	v2 =	vadd.f32 v57, v2  }
0x588: {  	v0 =	vmul.f32 $1.442695020e+00, v0  }
0x589: {  	v2 =	vadd.f32 v51, v2  }
0x58a: {  	(erf) = vpow2.f32 v0  }
0x58b: {  	v0 =	vadd.f32 v47, v2;
	_ =	sdelay $0x1  }
0x58c: {  	v0 =	vadd.f32 v43, v0  }
0x58d: {  	v1 =	vadd.f32 v28, v1  }
0x58e: {  	v0 =	vmul.f32 $4.999999890e-03, v0  }
0x58f: {  	v1 =	vadd.f32 v27, v1  }
0x590: {  	v0 =	vadd.f32 v0, v12  }
0x591: {  	v1 =	vadd.f32 v55, v1  }
0x592: {  	v0 =	vsub.f32 $0.0e+00, v0;
	v2 =	vpop (erf)  }
0x593: {  	v1 =	vadd.f32 v56, v1;
	v2 =	vadd.f32 $1.000000000e+00, v2  }
0x594: {  	v0 =	vmul.f32 $1.442695020e+00, v0  }
0x595: {  	v1 =	vadd.f32 v49, v1;
	(erf) = vrcp.f32 v2  }
0x596: {  	(erf) = vpow2.f32 v0  }
0x597: {  	v0 =	vadd.f32 v45, v1;
	_ =	sdelay $0x1  }
0x598: {  	v0 =	vadd.f32 v40, v0  }
0x599: {  	v1 =	vadd.f32 v63, v29  }
0x59a: {  	v0 =	vmul.f32 $4.999999890e-03, v0  }
0x59b: {  	v1 =	vadd.f32 v62, v1  }
0x59c: {  	v0 =	vadd.f32 v0, v12  }
0x59d: {  	v1 =	vadd.f32 v26, v1;
	v2 =	vpop (erf)  }
0x59e: {  	v0 =	vsub.f32 $0.0e+00, v0;
	v3 =	vpop (erf)  }
0x59f: {  	v4 =	vld.idx.msk [tilespmem:v41+s3+$0x0], $0xffff;
	v1 =	vadd.f32 v50, v1;
	v3 =	vadd.f32 $1.000000000e+00, v3  }
0x5a0: {  	v0 =	vmul.f32 $1.442695020e+00, v0  }
0x5a1: {  	v5 =	vld.idx.msk [tilespmem:v38+s3+$0x0], $0xffff;
	v1 =	vadd.f32 v46, v1;
	(erf) = vrcp.f32 v3  }
0x5a2: {  	(erf) = vpow2.f32 v0  }
0x5a3: {  	v1 =	vadd.f32 v42, v1  }
0x5a4: {  	v3 =	vadd.f32 v4, v6  }
0x5a5: {  	v1 =	vadd.f32 v37, v1;
	v0 =	vld.idx.msk [tilespmem:v31+s3+$0x0], $0xffff  }
0x5a6: {  	v3 =	vadd.f32 v5, v3  }
0x5a7: {  	v1 =	vmul.f32 $4.999999890e-03, v1;
	_ =	sdelay $0x1  }
0x5a8: {  	v1 =	vadd.f32 v1, v12  }
0x5a9: {  	v0 =	vadd.f32 v0, v3;
	v3 =	vpop (erf)  }
0x5aa: {  	v1 =	vsub.f32 $0.0e+00, v1;
	v4 =	vpop (erf)  }
0x5ab: {  	v5 =	vld.idx.msk [tilespmem:v36+s3+$0x0], $0xffff;
	v0 =	vadd.f32 v52, v0;
	v4 =	vadd.f32 $1.000000000e+00, v4  }
0x5ac: {  	v1 =	vmul.f32 $1.442695020e+00, v1  }
0x5ad: {  	v6 =	vld.idx.msk [tilespmem:v32+s3+$0x0], $0xffff;
	v0 =	vadd.f32 v39, v0;
	(erf) = vrcp.f32 v4  }
0x5ae: {  	(erf) = vpow2.f32 v1  }
0x5af: {  	v0 =	vadd.f32 v33, v0  }
0x5b0: {  	v4 =	vadd.f32 v5, v7;
	v1 =	vld.idx.msk [tilespmem:v24+s3+$0x0], $0xffff  }
0x5b1: {  	v0 =	vadd.f32 v23, v0  }
0x5b2: {  	v5 =	vld.idx.msk [tilespmem:v18+s3+$0x0], $0xffff;
	v4 =	vadd.f32 v6, v4  }
0x5b3: {  	v0 =	vadd.f32 v19, v0;
	_ =	sdelay $0x1  }
0x5b4: {  	v6 =	vld.idx.msk [tilespmem:v30+s3+$0x0], $0xffff;
	v0 =	vmul.f32 $4.999999890e-03, v0;
	v1 =	vadd.f32 v1, v4  }
0x5b5: {  	v4 =	vpop (erf)  }
0x5b6: {  	v0 =	vadd.f32 v0, v12;
	v1 =	vadd.f32 v5, v1;
	v5 =	vpop (erf)  }
0x5b7: {  	v5 =	vadd.f32 $1.000000000e+00, v5  }
0x5b8: {  	v0 =	vsub.f32 $0.0e+00, v0  }
0x5b9: {  	v1 =	vadd.f32 v35, v1;
	(erf) = vrcp.f32 v5;
	v5 =	vadd.f32 v6, v10;
	v6 =	vld.idx.msk [tilespmem:v9+s3+$0x0], $0xffff  }
0x5ba: {  	v0 =	vmul.f32 $1.442695020e+00, v0;
	v9 =	vld [tilespmem:$0x1FAF0]  }
0x5bb: {  	v7 =	vld.idx.msk [tilespmem:v22+s3+$0x0], $0xffff;
	v1 =	vadd.f32 v16, v1  }
0x5bc: {  	(erf) = vpow2.f32 v0  }
0x5bd: {  	v0 =	vld.idx.msk [tilespmem:v11+s3+$0x0], $0xffff;
	v1 =	vadd.f32 v20, v1;
	_ =	sdelay $0x1  }
0x5be: {  	v1 =	vadd.f32 v9, v1  }
0x5bf: {  	v5 =	vadd.f32 v7, v5  }
0x5c0: {  	v7 =	vld.idx.msk [tilespmem:v8+s3+$0x0], $0xffff;
	v1 =	vmul.f32 $4.999999890e-03, v1  }
0x5c1: {  	v0 =	vadd.f32 v0, v5  }
0x5c2: {  	v1 =	vadd.f32 v1, v12  }
0x5c3: {  	v0 =	vadd.f32 v6, v0;
	v6 =	vpop (erf)  }
0x5c4: {  	v5 =	vld [tilespmem:$0x1FAA0];
	v9 =	vpop (erf);
	v1 =	vsub.f32 $0.0e+00, v1  }
0x5c5: {  	v0 =	vadd.f32 v7, v0;
	v7 =	vadd.f32 $1.000000000e+00, v9  }
0x5c6: {  	v8 =	vld [tilespmem:$0x1FA80];
	v1 =	vmul.f32 $1.442695020e+00, v1  }
0x5c7: {  	(erf) = vrcp.f32 v7  }
0x5c8: {  	(erf) = vpow2.f32 v1;
	v1 =	vld [tilespmem:$0x1FAE0];
	_ =	sdelay $0x1  }
0x5c9: {  	v9 =	vld [tilespmem:$0x1FA70]  }
0x5ca: {  	v10 =	vld.idx.msk [tilespmem:v34+s3+$0x0], $0xffff  }
0x5cb: {  	v5 =	vld.idx.msk [tilespmem:v5+s3+$0x0], $0xffff  }
0x5cc: {  	v11 =	vld.idx.msk [tilespmem:v17+s3+$0x0], $0xffff  }
0x5cd: {  	v8 =	vld.idx.msk [tilespmem:v8+s3+$0x0], $0xffff;
	_ =	sdelay $0x1  }
0x5ce: {  	v1 =	vld.idx.msk [tilespmem:v1+s3+$0x0], $0xffff  }
0x5cf: {  	v7 =	vld [tilespmem:$0x1FAD0];
	v0 =	vadd.f32 v5, v0;
	v5 =	vadd.f32 v10, v14  }
0x5d0: {  	v9 =	vld.idx.msk [tilespmem:v9+s3+$0x0], $0xffff  }
0x5d1: {  	v0 =	vadd.f32 v8, v0;
	v5 =	vadd.f32 v11, v5;
	v8 =	vld [tilespmem:$0x1FAC0];
	_ =	sdelay $0x1  }
0x5d2: {  	v1 =	vadd.f32 v1, v5;
	v5 =	vld [tilespmem:$0x1FAB0];
	_ =	sdelay $0x1  }
0x5d3: {  	v0 =	vadd.f32 v9, v0;
	v9 =	vld [tilespmem:$0x1FA90];
	_ =	sdelay $0x1  }
0x5d4: {  	v7 =	vld.idx.msk [tilespmem:v7+s3+$0x0], $0xffff;
	_ =	sdelay $0x1  }
0x5d5: {  	v0 =	vmul.f32 $4.999999890e-03, v0;
	v8 =	vld.idx.msk [tilespmem:v8+s3+$0x0], $0xffff;
	_ =	sdelay $0x1  }
0x5d6: {  	v0 =	vadd.f32 v0, v12;
	v5 =	vld.idx.msk [tilespmem:v5+s3+$0x0], $0xffff  }
0x5d7: {  	v1 =	vadd.f32 v7, v1;
	v7 =	vpop (erf)  }
0x5d8: {  	v0 =	vsub.f32 $0.0e+00, v0;
	v10 =	vpop (erf);
	v9 =	vld.idx.msk [tilespmem:v9+s3+$0x0], $0xffff  }
0x5d9: {  	v1 =	vadd.f32 v8, v1;
	v8 =	vadd.f32 $1.000000000e+00, v10  }
0x5da: {  	v0 =	vmul.f32 $1.442695020e+00, v0;
	v10 =	vld.idx.msk [tilespmem:v13+s3+$0x0], $0xffff  }
0x5db: {  	(erf) = vrcp.f32 v8;
	v1 =	vadd.f32 v5, v1  }
0x5dc: {  	(erf) = vpow2.f32 v0  }
0x5dd: {  	v0 =	vadd.f32 v9, v1;
	_ =	sdelay $0x1  }
0x5de: {  	v0 =	vadd.f32 v10, v0;
	_ =	sdelay $0x1  }
0x5df: {  	v0 =	vmul.f32 $4.999999890e-03, v0;
	_ =	sdelay $0x1  }
0x5e0: {  	v0 =	vadd.f32 v0, v12  }
0x5e1: {  	v1 =	vpop (erf)  }
0x5e2: {  	v5 =	vpop (erf);
	v0 =	vsub.f32 $0.0e+00, v0  }
0x5e3: {  	v5 =	vadd.f32 $1.000000000e+00, v5  }
0x5e4: {  	v0 =	vmul.f32 $1.442695020e+00, v0  }
0x5e5: {  	(erf) = vrcp.f32 v5  }
0x5e6: {  	(erf) = vpow2.f32 v0;
	_ =	sdelay $0x7  }
0x5e7: {  	v0 =	vpop (erf)  }
0x5e8: {  	v5 =	vpop (erf)  }
0x5e9: {  	v5 =	vadd.f32 $1.000000000e+00, v5;
	_ =	sdelay $0x1  }
0x5ea: {  	(erf) = vrcp.f32 v5;
	_ =	sdelay $0x2  }
0x5eb: {  	[tilespmem:$0xCD00] =	vst v2  }
0x5ec: {  	[tilespmem:$0xCD10] =	vst v3  }
0x5ed: {  	[tilespmem:$0xCD20] =	vst v4  }
0x5ee: {  	[tilespmem:$0xCD30] =	vst v6  }
0x5ef: {  	[tilespmem:$0xCD40] =	vst v7  }
0x5f0: {  	[tilespmem:$0xCD50] =	vst v1  }
0x5f1: {  	[tilespmem:$0xCD60] =	vst v0;
	v0 =	vpop (erf)  }
0x5f2: {  	[tilespmem:$0xCD70] =	vst v0  }
0x5f3: {  	_ =	swait.ge [sflag:s21], $0x6400  }
0x5f4: {  	[sflag:s21] =	ssyncset.done $0x0  }
0x5f5: {  	s24 =	simm.s32 $0x0;
	[sflag:s21] =	ssyncadd.s32 $0xFFFF9C00  }
0x5f6: {  	v0 =	vld [tilespmem:s24+$0x6B80]  }
0x5f7: {  	v16 =	vld [tilespmem:s24+$0x6B90]  }
0x5f8: {  	v19 =	vld [tilespmem:s24+$0x6BA0]  }
0x5f9: {  	v38 =	vld [tilespmem:s24+$0x6BB0]  }
0x5fa: {  	v42 =	vld [tilespmem:s24+$0x6BC0]  }
0x5fb: {  	v45 =	vld [tilespmem:s24+$0x6BD0]  }
0x5fc: {  	v1 =	vld [tilespmem:s24+$0x6BE0]  }
0x5fd: {  	v13 =	vld [tilespmem:s24+$0x6BF0]  }
0x5fe: {  	v46 =	vld [tilespmem:s24+$0x6B00]  }
0x5ff: {  	v20 =	vld [tilespmem:s24+$0x6B10]  }
0x600: {  	v23 =	vld [tilespmem:s24+$0x6B20]  }
0x601: {  	v25 =	vld [tilespmem:s24+$0x6B30]  }
0x602: {  	v49 =	vld [tilespmem:s24+$0x6B40]  }
0x603: {  	v50 =	vld [tilespmem:s24+$0x6B50]  }
0x604: {  	v53 =	vld [tilespmem:s24+$0x6A80]  }
0x605: {  	v56 =	vld [tilespmem:s24+$0x6A90]  }
0x606: {  	v33 =	vld [tilespmem:s24+$0x6AA0]  }
0x607: {  	v57 =	vld [tilespmem:s24+$0x6AB0]  }
0x608: {  	v35 =	vld [tilespmem:s24+$0x6AC0]  }
0x609: {  	v39 =	vld [tilespmem:s24+$0x6AD0]  }
0x60a: {  	v51 =	vld [tilespmem:s24+$0x6A00]  }
0x60b: {  	v52 =	vld [tilespmem:s24+$0x6A10]  }
0x60c: {  	v54 =	vld [tilespmem:s24+$0x6A20]  }
0x60d: {  	v55 =	vld [tilespmem:s24+$0x6A30]  }
0x60e: {  	v59 =	vld [tilespmem:s24+$0x6A40]  }
0x60f: {  	v60 =	vld [tilespmem:s24+$0x6A50]  }
0x610: {  	v8 =	vld [tilespmem:s24+$0x6A60]  }
0x611: {  	v61 =	vld [tilespmem:s24+$0x6980]  }
0x612: {  	v62 =	vld [tilespmem:s24+$0x6990]  }
0x613: {  	v9 =	vld [tilespmem:s24+$0x69A0]  }
0x614: {  	v6 =	vld [tilespmem:s24+$0x69B0]  }
0x615: {  	v4 =	vld [tilespmem:s24+$0x69C0]  }
0x616: {  	v21 =	vld [tilespmem:s24+$0x69D0]  }
0x617: {  	v7 =	vld [tilespmem:s24+$0x69E0]  }
0x618: {  	v63 =	vld [tilespmem:s24+$0x6900]  }
0x619: {  	v2 =	vld [tilespmem:s24+$0x6920]  }
0x61a: {  	v10 =	vld [tilespmem:s24+$0x6930]  }
0x61b: {  	v31 =	vld [tilespmem:s24+$0x6940]  }
0x61c: {  	v24 =	vld [tilespmem:s24+$0x6950]  }
0x61d: {  	v17 =	vld [tilespmem:s24+$0x6960]  }
0x61e: {  	v3 =	vld [tilespmem:s24+$0x6970]  }
0x61f: {  	v12 =	vld [tilespmem:s24+$0x6880]  }
0x620: {  	v14 =	vld [tilespmem:s24+$0x6890]  }
0x621: {  	v15 =	vld [tilespmem:s24+$0x68A0]  }
0x622: {  	v26 =	vld [tilespmem:s24+$0x68B0]  }
0x623: {  	v36 =	vld [tilespmem:s24+$0x68C0]  }
0x624: {  	v32 =	vld [tilespmem:s24+$0x68D0]  }
0x625: {  	v22 =	vld [tilespmem:s24+$0x68E0]  }
0x626: {  	v18 =	vld [tilespmem:s24+$0x68F0]  }
0x627: {  	v27 =	vld [tilespmem:s24+$0x6800]  }
0x628: {  	v28 =	vld [tilespmem:s24+$0x6810]  }
0x629: {  	v29 =	vld [tilespmem:s24+$0x6820]  }
0x62a: {  	v34 =	vld [tilespmem:s24+$0x6830]  }
0x62b: {  	v41 =	vld [tilespmem:s24+$0x6840]  }
0x62c: {  	v37 =	vld [tilespmem:s24+$0x6850]  }
0x62d: {  	[tilespmem:$0x1F960] =	vst v1;
	v1 =	vld [tilespmem:s24+$0x6B60]  }
0x62e: {  	v30 =	vld [tilespmem:s24+$0x6860]  }
0x62f: {  	v44 =	vld.idx.msk [tilespmem:v0+s3+$0x0], $0xffff  }
0x630: {  	v43 =	vld.idx.msk [tilespmem:v16+s3+$0x0], $0xffff  }
0x631: {  	v40 =	vld.idx.msk [tilespmem:v19+s3+$0x0], $0xffff  }
0x632: {  	[tilespmem:$0x1F970] =	vst v1;
	v1 =	vld [tilespmem:s24+$0x6B70]  }
0x633: {  	v38 =	vld.idx.msk [tilespmem:v38+s3+$0x0], $0xffff  }
0x634: {  	v19 =	vld.idx.msk [tilespmem:v42+s3+$0x0], $0xffff  }
0x635: {  	v0 =	vld.idx.msk [tilespmem:v45+s3+$0x0], $0xffff  }
0x636: {  	v48 =	vld.idx.msk [tilespmem:v46+s3+$0x0], $0xffff  }
0x637: {  	[tilespmem:$0x1F980] =	vst v1;
	v1 =	vld [tilespmem:s24+$0x6AE0]  }
0x638: {  	v47 =	vld.idx.msk [tilespmem:v20+s3+$0x0], $0xffff  }
0x639: {  	v45 =	vld.idx.msk [tilespmem:v23+s3+$0x0], $0xffff  }
0x63a: {  	v42 =	vld.idx.msk [tilespmem:v25+s3+$0x0], $0xffff  }
0x63b: {  	v16 =	vld.idx.msk [tilespmem:v49+s3+$0x0], $0xffff  }
0x63c: {  	[tilespmem:$0x1F990] =	vst v1;
	v1 =	vld [tilespmem:s24+$0x6AF0]  }
0x63d: {  	v20 =	vld.idx.msk [tilespmem:v50+s3+$0x0], $0xffff  }
0x63e: {  	v53 =	vld.idx.msk [tilespmem:v53+s3+$0x0], $0xffff  }
0x63f: {  	v50 =	vld.idx.msk [tilespmem:v56+s3+$0x0], $0xffff  }
0x640: {  	v49 =	vld.idx.msk [tilespmem:v33+s3+$0x0], $0xffff  }
0x641: {  	[tilespmem:$0x1F9A0] =	vst v1;
	v1 =	vld [tilespmem:s24+$0x6A70]  }
0x642: {  	v46 =	vld.idx.msk [tilespmem:v57+s3+$0x0], $0xffff  }
0x643: {  	v33 =	vld.idx.msk [tilespmem:v35+s3+$0x0], $0xffff  }
0x644: {  	v25 =	vld.idx.msk [tilespmem:v39+s3+$0x0], $0xffff  }
0x645: {  	v58 =	vld.idx.msk [tilespmem:v51+s3+$0x0], $0xffff  }
0x646: {  	[tilespmem:$0x1F9B0] =	vst v1;
	v1 =	vld [tilespmem:s24+$0x69F0]  }
0x647: {  	v57 =	vld.idx.msk [tilespmem:v52+s3+$0x0], $0xffff  }
0x648: {  	v56 =	vld.idx.msk [tilespmem:v54+s3+$0x0], $0xffff  }
0x649: {  	v51 =	vld.idx.msk [tilespmem:v55+s3+$0x0], $0xffff  }
0x64a: {  	v39 =	vld.idx.msk [tilespmem:v59+s3+$0x0], $0xffff  }
0x64b: {  	[tilespmem:$0x1F9C0] =	vst v1;
	v1 =	vld [tilespmem:s24+$0x6910]  }
0x64c: {  	v35 =	vld.idx.msk [tilespmem:v60+s3+$0x0], $0xffff  }
0x64d: {  	v60 =	vld.idx.msk [tilespmem:v61+s3+$0x0], $0xffff  }
0x64e: {  	v59 =	vld.idx.msk [tilespmem:v62+s3+$0x0], $0xffff  }
0x64f: {  	v52 =	vld.idx.msk [tilespmem:v28+s3+$0x0], $0xffff  }
0x650: {  	v29 =	vld.idx.msk [tilespmem:v29+s3+$0x0], $0xffff  }
0x651: {  	v54 =	vld.idx.msk [tilespmem:v34+s3+$0x0], $0xffff  }
0x652: {  	v28 =	vld.idx.msk [tilespmem:v15+s3+$0x0], $0xffff  }
0x653: {  	v61 =	vld.idx.msk [tilespmem:v1+s3+$0x0], $0xffff  }
0x654: {  	v1 =	vld.idx.msk [tilespmem:v12+s3+$0x0], $0xffff  }
0x655: {  	v12 =	vld.idx.msk [tilespmem:v14+s3+$0x0], $0xffff  }
0x656: {  	v14 =	vld.idx.msk [tilespmem:v27+s3+$0x0], $0xffff  }
0x657: {  	v62 =	vld.idx.msk [tilespmem:v10+s3+$0x0], $0xffff  }
0x658: {  	v34 =	vld [tilespmem:s24+$0x6870]  }
0x659: {  	v55 =	vld.idx.msk [tilespmem:v9+s3+$0x0], $0xffff  }
0x65a: {  	v5 =	vimm.f32 $0.0e+00;
	[tilespmem:$0x1F9E0] =	vst v0;
	v0 =	vld.idx.msk [tilespmem:v63+s3+$0x0], $0xffff  }
0x65b: {  	v27 =	vld.idx.msk [tilespmem:v2+s3+$0x0], $0xffff;
	v2 =	vadd.f32 v14, v5  }
0x65c: {  	v9 =	vimm.f32 $0.0e+00;
	v63 =	vld.idx.msk [tilespmem:v26+s3+$0x0], $0xffff;
	v10 =	vadd.f32 v52, v5  }
0x65d: {  	v26 =	vld.idx.msk [tilespmem:v6+s3+$0x0], $0xffff;
	v6 =	vimm.f32 $0.0e+00;
	v2 =	vadd.f32 v1, v2;
	v1 =	vadd.f32 v29, v5  }
0x65e: {  	[tilespmem:$0x1F9D0] =	vst v3;
	v52 =	vld.idx.msk [tilespmem:v4+s3+$0x0], $0xffff;
	s24 =	simm.s32 $0x1000;
	v14 =	vimm.f32 $0.0e+00;
	v29 =	vadd.f32 v54, v5;
	v54 =	vadd.f32 v12, v10  }
.LBB2_8:
0x65f: {  	_ =	sdelay $0x2  }
0x660: {  	v21 =	vld.idx.msk [tilespmem:v21+s3+$0x0], $0xffff  }
0x661: {  	v22 =	vld.idx.msk [tilespmem:v22+s3+$0x0], $0xffff  }
0x662: {  	v18 =	vld.idx.msk [tilespmem:v18+s3+$0x0], $0xffff  }
0x663: {  	v17 =	vld.idx.msk [tilespmem:v17+s3+$0x0], $0xffff  }
0x664: {  	v11 =	vld.idx.msk [tilespmem:v7+s3+$0x0], $0xffff  }
0x665: {  	v3 =	vld [tilespmem:$0x1F9C0]  }
0x666: {  	v8 =	vld.idx.msk [tilespmem:v8+s3+$0x0], $0xffff;
	s25 =	sshra.s32 s24, $0x2  }
0x667: {  	v0 =	vadd.f32 v0, v2;
	v2 =	vadd.f32 v61, v54;
	v61 =	vld [tilespmem:s25+$0x6A20]  }
0x668: {  	v54 =	vld [tilespmem:s25+$0x69B0]  }
0x669: {  	v23 =	vld [tilespmem:s25+$0x68E0]  }
0x66a: {  	v15 =	vld [tilespmem:s25+$0x6810]  }
0x66b: {  	v2 =	vadd.f32 v59, v2;
	v59 =	vld [tilespmem:s25+$0x6A00]  }
0x66c: {  	v0 =	vadd.f32 v60, v0;
	v60 =	vld [tilespmem:s25+$0x6A10]  }
0x66d: {  	v31 =	vld.idx.msk [tilespmem:v31+s3+$0x0], $0xffff  }
0x66e: {  	v24 =	vld.idx.msk [tilespmem:v24+s3+$0x0], $0xffff  }
0x66f: {  	v32 =	vld.idx.msk [tilespmem:v32+s3+$0x0], $0xffff  }
0x670: {  	v1 =	vadd.f32 v28, v1;
	v28 =	vadd.f32 v63, v29;
	v63 =	vld.idx.msk [tilespmem:v37+s3+$0x0], $0xffff  }
0x671: {  	v30 =	vld.idx.msk [tilespmem:v30+s3+$0x0], $0xffff  }
0x672: {  	v34 =	vld.idx.msk [tilespmem:v34+s3+$0x0], $0xffff  }
0x673: {  	v37 =	vld [tilespmem:s25+$0x6850]  }
0x674: {  	v2 =	vadd.f32 v57, v2;
	v57 =	vld [tilespmem:s25+$0x6AC0]  }
0x675: {  	v0 =	vadd.f32 v58, v0;
	v58 =	vld [tilespmem:s25+$0x6AD0]  }
0x676: {  	v1 =	vadd.f32 v27, v1;
	v27 =	vadd.f32 v62, v28;
	v28 =	vld.idx.msk [tilespmem:v36+s3+$0x0], $0xffff  }
0x677: {  	v62 =	vld [tilespmem:s25+$0x6A30]  }
0x678: {  	v36 =	vld [tilespmem:s25+$0x68C0]  }
0x679: {  	v26 =	vadd.f32 v26, v27;
	v27 =	vld.idx.msk [tilespmem:v41+s3+$0x0], $0xffff  }
0x67a: {  	v1 =	vadd.f32 v55, v1;
	v55 =	vld [tilespmem:s25+$0x69A0]  }
0x67b: {  	v41 =	vld [tilespmem:s25+$0x6840]  }
0x67c: {  	v12 =	vadd.f32 v30, v9;
	v9 =	vld.idx.msk [tilespmem:v3+s3+$0x0], $0xffff  }
0x67d: {  	v3 =	vld [tilespmem:$0x1F9B0]  }
0x67e: {  	v10 =	vadd.f32 v34, v14;
	v14 =	vld [tilespmem:s25+$0x6800]  }
0x67f: {  	v30 =	vld [tilespmem:s25+$0x6860]  }
0x680: {  	v34 =	vld [tilespmem:s25+$0x6870]  }
0x681: {  	v0 =	vadd.f32 v53, v0;
	v26 =	vadd.f32 v51, v26;
	v51 =	vld [tilespmem:s25+$0x6AA0]  }
0x682: {  	v2 =	vadd.f32 v50, v2;
	v1 =	vadd.f32 v56, v1;
	v56 =	vld [tilespmem:s25+$0x6AB0]  }
0x683: {  	v0 =	vadd.f32 v48, v0;
	v12 =	vadd.f32 v22, v12;
	v22 =	vld [tilespmem:s25+$0x68F0]  }
0x684: {  	v2 =	vadd.f32 v47, v2;
	v10 =	vadd.f32 v18, v10;
	v18 =	vld [tilespmem:s25+$0x6830]  }
0x685: {  	v0 =	vadd.f32 v44, v0;
	v26 =	vadd.f32 v46, v26;
	v46 =	vld [tilespmem:s25+$0x6A80]  }
0x686: {  	v1 =	vadd.f32 v49, v1;
	v49 =	vld [tilespmem:s25+$0x6A90]  }
0x687: {  	[tilespmem:$0x1F8F0] =	vst v0;
	v0 =	vadd.f32 v43, v2;
	v2 =	vadd.f32 v63, v6;
	v63 =	vld [tilespmem:s25+$0x6A40]  }
0x688: {  	v12 =	vadd.f32 v17, v12;
	v17 =	vld [tilespmem:s25+$0x6820]  }
0x689: {  	v29 =	vadd.f32 v42, v26;
	v42 =	vld [tilespmem:s25+$0x6BC0]  }
0x68a: {  	v26 =	vld [tilespmem:s25+$0x6A60]  }
0x68b: {  	[tilespmem:$0x1F900] =	vst v0;
	v0 =	vld [tilespmem:$0x1F9D0]  }
0x68c: {  	v2 =	vadd.f32 v32, v2;
	v32 =	vld [tilespmem:s25+$0x68D0]  }
0x68d: {  	v1 =	vadd.f32 v45, v1;
	v55 =	vld.idx.msk [tilespmem:v55+s3+$0x0], $0xffff  }
0x68e: {  	v7 =	vld.idx.msk [tilespmem:v3+s3+$0x0], $0xffff  }
0x68f: {  	v1 =	vadd.f32 v40, v1;
	v3 =	vld [tilespmem:$0x1F990]  }
0x690: {  	v2 =	vadd.f32 v24, v2;
	v24 =	vld [tilespmem:s25+$0x6950]  }
0x691: {  	[tilespmem:$0x1F910] =	vst v1;
	v1 =	vadd.f32 v38, v29;
	v38 =	vld [tilespmem:s25+$0x6BB0]  }
0x692: {  	v2 =	vadd.f32 v21, v2;
	v21 =	vld [tilespmem:s25+$0x6960]  }
0x693: {  	[tilespmem:$0x1F930] =	vst v1;
	v1 =	vadd.f32 v27, v5;
	v27 =	vld [tilespmem:s25+$0x6B30]  }
0x694: {  	v53 =	vld.idx.msk [tilespmem:v46+s3+$0x0], $0xffff  }
0x695: {  	v50 =	vld.idx.msk [tilespmem:v49+s3+$0x0], $0xffff  }
0x696: {  	v49 =	vld.idx.msk [tilespmem:v51+s3+$0x0], $0xffff  }
0x697: {  	v46 =	vld.idx.msk [tilespmem:v56+s3+$0x0], $0xffff  }
0x698: {  	v56 =	vld.idx.msk [tilespmem:v61+s3+$0x0], $0xffff  }
0x699: {  	v51 =	vld.idx.msk [tilespmem:v62+s3+$0x0], $0xffff  }
0x69a: {  	v2 =	vadd.f32 v35, v2;
	v35 =	vld [tilespmem:s25+$0x6B80]  }
0x69b: {  	v1 =	vadd.f32 v28, v1;
	v28 =	vld [tilespmem:s25+$0x6B40]  }
0x69c: {  	v0 =	vld.idx.msk [tilespmem:v0+s3+$0x0], $0xffff  }
0x69d: {  	v2 =	vadd.f32 v25, v2;
	v25 =	vld [tilespmem:s25+$0x6B90]  }
0x69e: {  	v1 =	vadd.f32 v31, v1;
	v31 =	vld [tilespmem:s25+$0x6940]  }
0x69f: {  	v6 =	vld.idx.msk [tilespmem:v3+s3+$0x0], $0xffff  }
0x6a0: {  	v3 =	vld [tilespmem:$0x1F9A0]  }
0x6a1: {  	v2 =	vadd.f32 v20, v2;
	v20 =	vld [tilespmem:s25+$0x69D0]  }
0x6a2: {  	v1 =	vadd.f32 v52, v1;
	v52 =	vld [tilespmem:s25+$0x69E0]  }
0x6a3: {  	v38 =	vld.idx.msk [tilespmem:v38+s3+$0x0], $0xffff  }
0x6a4: {  	v1 =	vadd.f32 v39, v1;
	v39 =	vld [tilespmem:s25+$0x6B50]  }
0x6a5: {  	v0 =	vadd.f32 v0, v10;
	v10 =	vadd.f32 v11, v12;
	v11 =	vld [tilespmem:s25+$0x6890]  }
0x6a6: {  	v12 =	vld [tilespmem:s25+$0x68A0]  }
0x6a7: {  	v44 =	vld.idx.msk [tilespmem:v35+s3+$0x0], $0xffff  }
0x6a8: {  	v0 =	vadd.f32 v9, v0;
	v9 =	vld [tilespmem:$0x1F960]  }
0x6a9: {  	v1 =	vadd.f32 v33, v1;
	v33 =	vld [tilespmem:s25+$0x6BA0]  }
0x6aa: {  	v8 =	vadd.f32 v8, v10;
	v10 =	vld [tilespmem:s25+$0x6970]  }
0x6ab: {  	v43 =	vld.idx.msk [tilespmem:v25+s3+$0x0], $0xffff  }
0x6ac: {  	v25 =	vld.idx.msk [tilespmem:v58+s3+$0x0], $0xffff  }
0x6ad: {  	v5 =	vld.idx.msk [tilespmem:v3+s3+$0x0], $0xffff  }
0x6ae: {  	v3 =	vld [tilespmem:$0x1F970]  }
0x6af: {  	v58 =	vld.idx.msk [tilespmem:v59+s3+$0x0], $0xffff  }
0x6b0: {  	v0 =	vadd.f32 v7, v0;
	v7 =	vld.idx.msk [tilespmem:v13+s3+$0x0], $0xffff  }
0x6b1: {  	v1 =	vadd.f32 v16, v1;
	v16 =	vld [tilespmem:s25+$0x6BD0]  }
0x6b2: {  	v6 =	vadd.f32 v6, v8;
	v8 =	vld [tilespmem:s25+$0x6920]  }
0x6b3: {  	v13 =	vld [tilespmem:s25+$0x68B0]  }
0x6b4: {  	v1 =	vadd.f32 v19, v1;
	v19 =	vld.idx.msk [tilespmem:v42+s3+$0x0], $0xffff  }
0x6b5: {  	v42 =	vld.idx.msk [tilespmem:v27+s3+$0x0], $0xffff  }
0x6b6: {  	v4 =	vld.idx.msk [tilespmem:v3+s3+$0x0], $0xffff  }
0x6b7: {  	v3 =	vld [tilespmem:$0x1F980]  }
0x6b8: {  	[tilespmem:$0x1F9D0] =	vst v10;
	v10 =	vld [tilespmem:s25+$0x6880]  }
0x6b9: {  	[tilespmem:$0x1F920] =	vst v1;
	v1 =	vld [tilespmem:$0x1F9E0]  }
0x6ba: {  	v27 =	vld.idx.msk [tilespmem:v39+s3+$0x0], $0xffff  }
0x6bb: {  	v39 =	vld.idx.msk [tilespmem:v63+s3+$0x0], $0xffff  }
0x6bc: {  	v9 =	vld.idx.msk [tilespmem:v9+s3+$0x0], $0xffff  }
0x6bd: {  	v0 =	vadd.f32 v5, v0;
	v5 =	vld [tilespmem:s25+$0x6990]  }
0x6be: {  	v40 =	vld.idx.msk [tilespmem:v33+s3+$0x0], $0xffff  }
0x6bf: {  	v3 =	vld.idx.msk [tilespmem:v3+s3+$0x0], $0xffff  }
0x6c0: {  	v33 =	vld.idx.msk [tilespmem:v57+s3+$0x0], $0xffff  }
0x6c1: {  	v16 =	vld.idx.msk [tilespmem:v16+s3+$0x0], $0xffff  }
0x6c2: {  	v57 =	vld.idx.msk [tilespmem:v60+s3+$0x0], $0xffff  }
0x6c3: {  	v63 =	vld.idx.msk [tilespmem:v13+s3+$0x0], $0xffff  }
0x6c4: {  	v0 =	vadd.f32 v3, v0;
	v3 =	vld [tilespmem:s25+$0x6B60]  }
0x6c5: {  	v1 =	vadd.f32 v1, v2;
	v2 =	vld [tilespmem:s25+$0x6B20]  }
0x6c6: {  	[tilespmem:$0x1F9E0] =	vst v16;
	v16 =	vld.idx.msk [tilespmem:v28+s3+$0x0], $0xffff  }
0x6c7: {  	v28 =	vld.idx.msk [tilespmem:v12+s3+$0x0], $0xffff  }
0x6c8: {  	v4 =	vadd.f32 v4, v6;
	v6 =	vld [tilespmem:s25+$0x69C0]  }
0x6c9: {  	[tilespmem:$0x1F970] =	vst v3;
	v3 =	vld [tilespmem:s25+$0x6B70]  }
0x6ca: {  	v59 =	vld.idx.msk [tilespmem:v5+s3+$0x0], $0xffff  }
0x6cb: {  	v5 =	vld.idx.msk [tilespmem:v17+s3+$0x0], $0xffff  }
0x6cc: {  	v17 =	vmov v21;
	v21 =	vmov v20;
	v20 =	vmov v27;
	v27 =	vld.idx.msk [tilespmem:v8+s3+$0x0], $0xffff  }
0x6cd: {  	[tilespmem:$0x1F940] =	vst v1;
	v1 =	vadd.f32 v9, v4;
	v4 =	vld [tilespmem:s25+$0x6A70]  }
0x6ce: {  	[tilespmem:$0x1F980] =	vst v3;
	v3 =	vld [tilespmem:s25+$0x6AE0]  }
0x6cf: {  	[tilespmem:$0x1F8E0] =	vst v1;
	v1 =	vld [tilespmem:s25+$0x6B10]  }
0x6d0: {  	v8 =	vmov v26;
	v26 =	vld.idx.msk [tilespmem:v54+s3+$0x0], $0xffff  }
0x6d1: {  	[tilespmem:$0x1F950] =	vst v6;
	v6 =	vld [tilespmem:s25+$0x69F0]  }
0x6d2: {  	[tilespmem:$0x1F9B0] =	vst v4;
	v4 =	vld [tilespmem:s25+$0x6980]  }
0x6d3: {  	[tilespmem:$0x1F990] =	vst v3;
	v3 =	vld [tilespmem:s25+$0x6AF0]  }
0x6d4: {  	v29 =	vadd.f32 v7, v0;
	v7 =	vld [tilespmem:s25+$0x6910]  }
0x6d5: {  	v0 =	vld [tilespmem:s25+$0x6BE0]  }
0x6d6: {  	[tilespmem:$0x1F9C0] =	vst v6;
	v6 =	vld [tilespmem:s25+$0x6900]  }
0x6d7: {  	v47 =	vld.idx.msk [tilespmem:v1+s3+$0x0], $0xffff  }
0x6d8: {  	[tilespmem:$0x1F9A0] =	vst v3;
	v3 =	vld [tilespmem:s25+$0x6A50]  }
0x6d9: {  	v1 =	vld.idx.msk [tilespmem:v14+s3+$0x0], $0xffff  }
0x6da: {  	[tilespmem:$0x1F960] =	vst v0;
	v0 =	vld [tilespmem:s25+$0x6BF0]  }
0x6db: {  	v60 =	vld.idx.msk [tilespmem:v4+s3+$0x0], $0xffff  }
0x6dc: {  	v61 =	vld.idx.msk [tilespmem:v7+s3+$0x0], $0xffff  }
0x6dd: {  	v7 =	vld [tilespmem:$0x1F8F0]  }
0x6de: {  	v4 =	vld.idx.msk [tilespmem:v15+s3+$0x0], $0xffff  }
0x6df: {  	[tilespmem:$0x1F8D0] =	vst v0;
	v0 =	vld [tilespmem:s25+$0x6B00]  }
0x6e0: {  	v35 =	vld.idx.msk [tilespmem:v3+s3+$0x0], $0xffff  }
0x6e1: {  	v3 =	vld.idx.msk [tilespmem:v11+s3+$0x0], $0xffff  }
0x6e2: {  	v11 =	vadd.f32 v1, v7;
	v1 =	vld [tilespmem:$0x1F900]  }
0x6e3: {  	v9 =	vld [tilespmem:s25+$0x6930]  }
0x6e4: {  	v45 =	vld.idx.msk [tilespmem:v2+s3+$0x0], $0xffff  }
0x6e5: {  	v2 =	vld.idx.msk [tilespmem:v10+s3+$0x0], $0xffff  }
0x6e6: {  	v10 =	vld [tilespmem:$0x1F930]  }
0x6e7: {  	v48 =	vld.idx.msk [tilespmem:v0+s3+$0x0], $0xffff;
	v4 =	vadd.f32 v4, v1  }
0x6e8: {  	v0 =	vld.idx.msk [tilespmem:v6+s3+$0x0], $0xffff  }
0x6e9: {  	v54 =	vadd.f32 v3, v4;
	v3 =	vld [tilespmem:$0x1F950]  }
0x6ea: {  	v6 =	vld.idx.msk [tilespmem:v18+s3+$0x0], $0xffff  }
0x6eb: {  	v1 =	vld [tilespmem:$0x1F910]  }
0x6ec: {  	p0 =	sne.s32 s24, $0x18000;
	v62 =	vld.idx.msk [tilespmem:v9+s3+$0x0], $0xffff  }
.Ltmp3:
0x6ed: {  	v9 =	vld [tilespmem:$0x1F8E0];
	(pc) =	sbr.rel @p0 .LBB2_8-.Ltmp3, $4  }
0x6ee: {  	v13 =	vld [tilespmem:$0x1F8D0]  }
0x6ef: {  	v14 =	vmov v29;
	v29 =	vadd.f32 v6, v10;
	v6 =	vld [tilespmem:$0x1F940]  }
0x6f0: {  	v1 =	vadd.f32 v5, v1;
	v5 =	vld [tilespmem:$0x1F920]  }
0x6f1: {  	s24 =	sadd.s32 $0x1000, s24;
	v18 =	vmovc v22;
	v22 =	vmov v23;
	v7 =	vmov v52;
	v2 =	vadd.f32 v2, v11;
	v52 =	vld.idx.msk [tilespmem:v3+s3+$0x0], $0xffff  }
0x6f2: {  	_ = 	snop  }
0x6f3: {  	v0 =	vadd.f32 v0, v2;
	_ =	sdelay $0x1  }
0x6f4: {  	v0 =	vadd.f32 v60, v0;
	_ =	sdelay $0x1  }
0x6f5: {  	v0 =	vadd.f32 v58, v0;
	_ =	sdelay $0x1  }
0x6f6: {  	v0 =	vadd.f32 v53, v0;
	_ =	sdelay $0x1  }
0x6f7: {  	v0 =	vadd.f32 v48, v0  }
0x6f8: {  	v11 =	vld [tilespmem:$0x1FB80]  }
0x6f9: {  	v0 =	vadd.f32 v44, v0;
	_ =	sdelay $0x1  }
0x6fa: {  	v0 =	vmul.f32 $4.999999890e-03, v0  }
0x6fb: {  	v54 =	vadd.f32 v61, v54  }
0x6fc: {  	v0 =	vadd.f32 v0, v11  }
0x6fd: {  	v2 =	vadd.f32 v59, v54  }
0x6fe: {  	v0 =	vsub.f32 $0.0e+00, v0  }
0x6ff: {  	v2 =	vadd.f32 v57, v2  }
0x700: {  	v0 =	vmul.f32 $1.442695020e+00, v0  }
0x701: {  	v2 =	vadd.f32 v50, v2  }
0x702: {  	(erf) = vpow2.f32 v0  }
0x703: {  	v58 =	vadd.f32 v47, v2;
	_ =	sdelay $0x1  }
0x704: {  	v0 =	vadd.f32 v43, v58  }
0x705: {  	v1 =	vadd.f32 v28, v1  }
0x706: {  	v0 =	vmul.f32 $4.999999890e-03, v0  }
0x707: {  	v1 =	vadd.f32 v27, v1  }
0x708: {  	v0 =	vadd.f32 v0, v11  }
0x709: {  	v1 =	vadd.f32 v55, v1  }
0x70a: {  	v0 =	vsub.f32 $0.0e+00, v0;
	v59 =	vpop (erf)  }
0x70b: {  	v1 =	vadd.f32 v56, v1;
	v2 =	vadd.f32 $1.000000000e+00, v59  }
0x70c: {  	v0 =	vmul.f32 $1.442695020e+00, v0  }
0x70d: {  	v1 =	vadd.f32 v49, v1;
	(erf) = vrcp.f32 v2  }
0x70e: {  	(erf) = vpow2.f32 v0  }
0x70f: {  	v60 =	vadd.f32 v45, v1;
	_ =	sdelay $0x1  }
0x710: {  	v0 =	vadd.f32 v40, v60  }
0x711: {  	v61 =	vadd.f32 v63, v29  }
0x712: {  	v0 =	vmul.f32 $4.999999890e-03, v0  }
0x713: {  	v1 =	vadd.f32 v62, v61  }
0x714: {  	v0 =	vadd.f32 v0, v11  }
0x715: {  	v1 =	vadd.f32 v26, v1;
	v2 =	vpop (erf)  }
0x716: {  	v0 =	vsub.f32 $0.0e+00, v0;
	v3 =	vpop (erf)  }
0x717: {  	v4 =	vld.idx.msk [tilespmem:v41+s3+$0x0], $0xffff;
	v1 =	vadd.f32 v51, v1;
	v3 =	vadd.f32 $1.000000000e+00, v3  }
0x718: {  	v0 =	vmul.f32 $1.442695020e+00, v0  }
0x719: {  	v63 =	vld.idx.msk [tilespmem:v36+s3+$0x0], $0xffff;
	v1 =	vadd.f32 v46, v1;
	(erf) = vrcp.f32 v3  }
0x71a: {  	(erf) = vpow2.f32 v0  }
0x71b: {  	v12 =	vld.idx.msk [tilespmem:v31+s3+$0x0], $0xffff;
	v10 =	vadd.f32 v42, v1  }
0x71c: {  	v4 =	vadd.f32 v4, v5  }
0x71d: {  	v0 =	vadd.f32 v38, v10  }
0x71e: {  	v3 =	vadd.f32 v63, v4  }
0x71f: {  	v0 =	vmul.f32 $4.999999890e-03, v0  }
0x720: {  	v1 =	vadd.f32 v12, v3  }
0x721: {  	v0 =	vadd.f32 v0, v11  }
0x722: {  	v1 =	vadd.f32 v52, v1;
	v15 =	vpop (erf)  }
0x723: {  	v0 =	vsub.f32 $0.0e+00, v0;
	v23 =	vpop (erf)  }
0x724: {  	v26 =	vld.idx.msk [tilespmem:v37+s3+$0x0], $0xffff;
	v1 =	vadd.f32 v39, v1;
	v4 =	vadd.f32 $1.000000000e+00, v23  }
0x725: {  	v0 =	vmul.f32 $1.442695020e+00, v0  }
0x726: {  	v27 =	vld.idx.msk [tilespmem:v32+s3+$0x0], $0xffff;
	v1 =	vadd.f32 v33, v1;
	(erf) = vrcp.f32 v4  }
0x727: {  	(erf) = vpow2.f32 v0  }
0x728: {  	v29 =	vld.idx.msk [tilespmem:v24+s3+$0x0], $0xffff;
	v28 =	vadd.f32 v16, v1  }
0x729: {  	v5 =	vadd.f32 v26, v6  }
0x72a: {  	v31 =	vld.idx.msk [tilespmem:v21+s3+$0x0], $0xffff;
	v0 =	vadd.f32 v19, v28  }
0x72b: {  	v4 =	vadd.f32 v27, v5  }
0x72c: {  	v0 =	vmul.f32 $4.999999890e-03, v0  }
0x72d: {  	v1 =	vadd.f32 v29, v4  }
0x72e: {  	v0 =	vadd.f32 v0, v11  }
0x72f: {  	v36 =	vld.idx.msk [tilespmem:v30+s3+$0x0], $0xffff;
	v1 =	vadd.f32 v31, v1;
	v32 =	vpop (erf)  }
0x730: {  	v7 =	vld.idx.msk [tilespmem:v7+s3+$0x0], $0xffff;
	v0 =	vsub.f32 $0.0e+00, v0;
	v33 =	vpop (erf)  }
0x731: {  	v37 =	vld.idx.msk [tilespmem:v22+s3+$0x0], $0xffff;
	v1 =	vadd.f32 v35, v1;
	v5 =	vadd.f32 $1.000000000e+00, v33  }
0x732: {  	v40 =	vld [tilespmem:$0x1F9E0];
	v0 =	vmul.f32 $1.442695020e+00, v0  }
0x733: {  	v42 =	vld [tilespmem:$0x1F990];
	v1 =	vadd.f32 v25, v1;
	(erf) = vrcp.f32 v5  }
0x734: {  	v44 =	vld [tilespmem:$0x1F970];
	(erf) = vpow2.f32 v0  }
0x735: {  	v39 =	vld.idx.msk [tilespmem:v17+s3+$0x0], $0xffff;
	v38 =	vadd.f32 v20, v1  }
0x736: {  	v41 =	vld.idx.msk [tilespmem:v8+s3+$0x0], $0xffff;
	v6 =	vadd.f32 v36, v9  }
0x737: {  	v10 =	vld [tilespmem:$0x1F960];
	v0 =	vadd.f32 v40, v38  }
0x738: {  	v50 =	vld [tilespmem:$0x1F9C0];
	v5 =	vadd.f32 v37, v6  }
0x739: {  	v47 =	vld.idx.msk [tilespmem:v18+s3+$0x0], $0xffff;
	v0 =	vmul.f32 $4.999999890e-03, v0  }
0x73a: {  	v49 =	vld [tilespmem:$0x1F9D0];
	v1 =	vadd.f32 v39, v5  }
0x73b: {  	v5 =	vld.idx.msk [tilespmem:v42+s3+$0x0], $0xffff;
	v0 =	vadd.f32 v0, v11  }
0x73c: {  	v51 =	vld [tilespmem:$0x1F9B0];
	v1 =	vadd.f32 v7, v1;
	v43 =	vpop (erf)  }
0x73d: {  	v8 =	vld.idx.msk [tilespmem:v44+s3+$0x0], $0xffff;
	v0 =	vsub.f32 $0.0e+00, v0;
	v45 =	vpop (erf)  }
0x73e: {  	v46 =	vld.idx.msk [tilespmem:v34+s3+$0x0], $0xffff;
	v1 =	vadd.f32 v41, v1;
	v9 =	vadd.f32 $1.000000000e+00, v45  }
0x73f: {  	v10 =	vld.idx.msk [tilespmem:v10+s3+$0x0], $0xffff;
	v0 =	vmul.f32 $1.442695020e+00, v0  }
0x740: {  	v52 =	vld [tilespmem:$0x1F9A0];
	v1 =	vadd.f32 v5, v1;
	(erf) = vrcp.f32 v9  }
0x741: {  	v54 =	vld [tilespmem:$0x1F980];
	(erf) = vpow2.f32 v0  }
0x742: {  	v48 =	vadd.f32 v8, v1;
	v1 =	vld.idx.msk [tilespmem:v49+s3+$0x0], $0xffff  }
0x743: {  	v6 =	vadd.f32 v46, v14  }
0x744: {  	v8 =	vld.idx.msk [tilespmem:v50+s3+$0x0], $0xffff;
	v0 =	vadd.f32 v10, v48  }
0x745: {  	v5 =	vadd.f32 v47, v6  }
0x746: {  	v6 =	vld.idx.msk [tilespmem:v51+s3+$0x0], $0xffff;
	v0 =	vmul.f32 $4.999999890e-03, v0  }
0x747: {  	v1 =	vadd.f32 v1, v5  }
0x748: {  	v5 =	vld.idx.msk [tilespmem:v52+s3+$0x0], $0xffff;
	v0 =	vadd.f32 v0, v11  }
0x749: {  	v1 =	vadd.f32 v8, v1;
	v53 =	vpop (erf)  }
0x74a: {  	v9 =	vld.idx.msk [tilespmem:v54+s3+$0x0], $0xffff;
	v0 =	vsub.f32 $0.0e+00, v0;
	v55 =	vpop (erf)  }
0x74b: {  	v1 =	vadd.f32 v6, v1;
	v56 =	vadd.f32 $1.000000000e+00, v55  }
0x74c: {  	v57 =	vld.idx.msk [tilespmem:v13+s3+$0x0], $0xffff;
	v0 =	vmul.f32 $1.442695020e+00, v0  }
0x74d: {  	v1 =	vadd.f32 v5, v1;
	(erf) = vrcp.f32 v56  }
0x74e: {  	(erf) = vpow2.f32 v0  }
0x74f: {  	v58 =	vadd.f32 v9, v1;
	_ =	sdelay $0x1  }
0x750: {  	v0 =	vadd.f32 v57, v58;
	_ =	sdelay $0x1  }
0x751: {  	v0 =	vmul.f32 $4.999999890e-03, v0;
	_ =	sdelay $0x1  }
0x752: {  	v0 =	vadd.f32 v0, v11  }
0x753: {  	v59 =	vpop (erf)  }
0x754: {  	v0 =	vsub.f32 $0.0e+00, v0;
	v60 =	vpop (erf)  }
0x755: {  	v5 =	vadd.f32 $1.000000000e+00, v60  }
0x756: {  	v0 =	vmul.f32 $1.442695020e+00, v0  }
0x757: {  	(erf) = vrcp.f32 v5  }
0x758: {  	(erf) = vpow2.f32 v0;
	_ =	sdelay $0x7  }
0x759: {  	v61 =	vpop (erf)  }
0x75a: {  	v62 =	vpop (erf)  }
0x75b: {  	v5 =	vadd.f32 $1.000000000e+00, v62;
	_ =	sdelay $0x1  }
0x75c: {  	(erf) = vrcp.f32 v5;
	_ =	sdelay $0x2  }
0x75d: {  	[tilespmem:$0xCD80] =	vst v2  }
0x75e: {  	[tilespmem:$0xCD90] =	vst v15  }
0x75f: {  	[tilespmem:$0xCDA0] =	vst v32  }
0x760: {  	[tilespmem:$0xCDB0] =	vst v43  }
0x761: {  	[tilespmem:$0xCDC0] =	vst v53  }
0x762: {  	s23 =	sadd.s32 $0x1, s23;
	[tilespmem:$0xCDD0] =	vst v59  }
0x763: {  	p0 =	sne.s32 s23, s12;
	[tilespmem:$0xCDE0] =	vst v61;
	v63 =	vpop (erf)  }
.Ltmp4:
0x764: {  	[tilespmem:$0xCDF0] =	vst v63;
	(pc) =	sbr.rel @p0 .LBB2_1-.Ltmp4, $4  }
0x765: {  	[hbm4b:s11+s3] =	stream.linear.scatter [tilespmem:s22], [sflag:$0x3], $0x200, $0x38;
	[tilespmem:$0xDF40] =	vst v63  }
0x766: {  	_ =	swait.ge [sflag:s16], $0x200  }
0x767: {  	[sflag:s16] =	ssyncset.done $0x0  }
0x768: {  	[sflag:s16] =	ssyncadd.s32 $0xFFFFFE00  }
0x769: {  	_ =	sfence.sel $0x180000  }
0x76a: {  	[bflag:$0x0] =	sbarrier.arrive $0xFFFF  }
0x76b: {  	p0 =	sne.s32 s1, $0x0;
	_ =	strace $0x90000047  }
0x76c: {  	s0 =	sadd.s32 @!p0 $0x100000, s0;
	[bflag:$0x2] =	sbarrier.arrive $0xFFFF  }
0x76d: {  	[sflag:s0] =	ssyncadd.tile.s32 @!p0 $0x1;
	_ =	shalt  }
.Lfunc_end2:
_tile_overlayer_lowered:
.L_overlay_start_2:
0x76e: {  	(tag) =	ssettag $0x2  }
0x76f: {  	s0 =	rddreg [dreg:$0x0];
	s2 =	stileid.u32  }
0x770: {  	s1 =	rddreg [dreg:$0x1];
	p0 =	sne.s32 s2, $0x0  }
0x771: {  	s3 =	rddreg [dreg:$0x2];
	[bflag:$0x3] =	sbarrier.arrive $0xFFFF;
	s2 =	simm.s32 @!p0 $0x1C03  }
0x772: {  	[timem:s3], [sflag:s2] =	dma.local @!p0 [hbm:s0], s1  }
0x773: {  	s0 =	simm.s32 @!p0 $0x3  }
0x774: {  	_ =	swait.ge @!p0 [sflag:s0], s1  }
0x775: {  	s1 =	ssub.s32 @!p0 $0x0, s1;
	[sflag:s0] =	ssyncset.done @!p0 $0x0  }
0x776: {  	[sflag:s0] =	ssyncadd.s32 @!p0 s1  }
0x777: {  	[bflag:$0x3] =	sbarrier.arrive $0xFFFF  }
0x778: {  	_ =	shalt  }

</sc_bundles>
